<compile_context>
chip_gen: v7x
topology: tpu7x:2x2x1
jax: 0.10.2.dev20260603
libtpu: 0.0.44.dev20260713+nightly
codegen_flags: <defaults>
</compile_context>

<pallas_src>
import functools
import jax
import jax.numpy as jnp
from jax import lax
from jax.experimental import pallas as pl
from jax.experimental.pallas import tpu as pltpu
from jax.experimental.pallas import tpu_sc as plsc

B, S, T, NG, E, N, R, D, NB = 512, 8, 8, 2000, 4000, 10000, 100, 128, 8
NGP = 2048
EP = 4096
HROWS = T * NGP
EROWS = T * EP
NC, NS = 2, 16
NW = NC * NS
HALF = HROWS // NC


_CH = 128


def _gather_pipe(tasks, bufs, gsems, wsems):
  n = len(tasks)
  gd = [None, None]
  wd = [None, None]
  for i, (tab, idx, _, _) in enumerate(tasks):
    p = i & 1
    if i >= 2:
      wd[p].wait()
    gd[p] = pltpu.async_copy(tab.at[idx], bufs[p], gsems[p])
    if i >= 1:
      _, _, out_prev, off_prev = tasks[i - 1]
      gd[1 - p].wait()
      wd[1 - p] = pltpu.async_copy(
          bufs[1 - p], out_prev.at[pl.ds(off_prev, _CH)], wsems[1 - p])
  p = (n - 1) & 1
  _, _, out_last, off_last = tasks[n - 1]
  gd[p].wait()
  wd[p] = pltpu.async_copy(
      bufs[p], out_last.at[pl.ds(off_last, _CH)], wsems[p])
  if n >= 2:
    wd[1 - p].wait()
  wd[p].wait()


def _sc_gather(table, idx):
  m = idx.shape[0]
  n = m // (NW * _CH)
  mesh = plsc.VectorSubcoreMesh(core_axis_name="c", subcore_axis_name="s")

  @functools.partial(
      pl.kernel, mesh=mesh,
      out_type=jax.ShapeDtypeStruct((m, D), jnp.float32),
      scratch_types=[
          pltpu.VMEM((n * _CH,), jnp.int32),
          pltpu.VMEM((_CH, D), jnp.float32),
          pltpu.VMEM((_CH, D), jnp.float32),
          pltpu.SemaphoreType.DMA,
          pltpu.SemaphoreType.DMA,
          pltpu.SemaphoreType.DMA,
          pltpu.SemaphoreType.DMA,
      ],
  )
  def k(table_hbm, idx_hbm, out_hbm, idx_all, buf0, buf1, g0, g1, w0, w1):
    wid = lax.axis_index("s") * NC + lax.axis_index("c")
    base = wid * (n * _CH)
    pltpu.sync_copy(idx_hbm.at[pl.ds(base, n * _CH)], idx_all)
    tasks = [(table_hbm, idx_all.at[pl.ds(i * _CH, _CH)], out_hbm,
              base + i * _CH) for i in range(n)]
    _gather_pipe(tasks, (buf0, buf1), (g0, g1), (w0, w1))

  return k(table, idx)


def _sc_gather_init(ent_table, glob_table, big_idx):
  mrows = HROWS + 2 * B * S
  nh = HROWS // (NW * _CH)
  nt = nh + 2
  mesh = plsc.VectorSubcoreMesh(core_axis_name="c", subcore_axis_name="s")

  @functools.partial(
      pl.kernel, mesh=mesh,
      out_type=jax.ShapeDtypeStruct((mrows, D), jnp.float32),
      scratch_types=[
          pltpu.VMEM((nt * _CH,), jnp.int32),
          pltpu.VMEM((_CH, D), jnp.float32),
          pltpu.VMEM((_CH, D), jnp.float32),
          pltpu.SemaphoreType.DMA,
          pltpu.SemaphoreType.DMA,
          pltpu.SemaphoreType.DMA,
          pltpu.SemaphoreType.DMA,
      ],
  )
  def k(ent_h, glob_h, idx_h, out_h, idx_all, buf0, buf1, g0, g1, w0, w1):
    wid = lax.axis_index("s") * NC + lax.axis_index("c")
    hbase = wid * (nh * _CH)
    ebase = HROWS + wid * _CH
    gbase = HROWS + B * S + wid * _CH
    pltpu.sync_copy(idx_h.at[pl.ds(hbase, nh * _CH)],
                    idx_all.at[pl.ds(0, nh * _CH)])
    pltpu.sync_copy(idx_h.at[pl.ds(ebase, _CH)],
                    idx_all.at[pl.ds(nh * _CH, _CH)])
    pltpu.sync_copy(idx_h.at[pl.ds(gbase, _CH)],
                    idx_all.at[pl.ds((nh + 1) * _CH, _CH)])
    tasks = [(ent_h, idx_all.at[pl.ds(i * _CH, _CH)], out_h,
              hbase + i * _CH) for i in range(nh)]
    tasks.append((ent_h, idx_all.at[pl.ds(nh * _CH, _CH)], out_h, ebase))
    tasks.append((glob_h, idx_all.at[pl.ds((nh + 1) * _CH, _CH)], out_h,
                  gbase))
    _gather_pipe(tasks, (buf0, buf1), (g0, g1), (w0, w1))

  return k(ent_table, glob_table, big_idx)


def _sc_scatter_add(vals, dst_local, width):
  slots_sc = EROWS // NC
  slots_w = slots_sc // NS
  ch = 128
  n_chunks = slots_w // ch
  out_rows_w = HALF // NS
  mesh = plsc.VectorSubcoreMesh(core_axis_name="c", subcore_axis_name="s")
  zeros = jnp.zeros((out_rows_w, width), jnp.float32)

  @functools.partial(
      pl.kernel, mesh=mesh,
      out_type=jax.ShapeDtypeStruct((HROWS, width), jnp.float32),
      scratch_types=[
          pltpu.VMEM((n_chunks, ch), jnp.int32),
          pltpu.VMEM((ch, width), jnp.float32),
          pltpu.VMEM((ch, width), jnp.float32),
          pltpu.VMEM_SHARED((HALF, width), jnp.float32),
          pltpu.SemaphoreType.DMA,
          pltpu.SemaphoreType.DMA,
          pltpu.SemaphoreType.DMA,
          pltpu.SemaphoreType.DMA,
      ],
  )
  def k(vals_hbm, dstl_hbm, zeros_hbm, out_hbm, idx_m, buf0, buf1, acc_sh,
        l0, l1, s0, s1):
    cid = lax.axis_index("c")
    sid = lax.axis_index("s")
    pltpu.sync_copy(zeros_hbm, acc_sh.at[pl.ds(sid * out_rows_w, out_rows_w)])
    crow = cid * (slots_sc // ch) + sid * (slots_w // ch)
    pltpu.sync_copy(dstl_hbm.at[pl.ds(crow, n_chunks)], idx_m)
    plsc.subcore_barrier()

    bufs = (buf0, buf1)
    lsems = (l0, l1)
    ssems = (s0, s1)
    ld = [None, None]
    sd = [None, None]
    for i in range(n_chunks):
      p = i & 1
      if i >= 2:
        sd[p].wait()
      ld[p] = pltpu.async_copy(
          vals_hbm.at[pl.ds((crow + i) * ch, ch)], bufs[p], lsems[p])
      if i >= 1:
        ld[1 - p].wait()
        sd[1 - p] = pltpu.async_copy(
            bufs[1 - p], acc_sh.at[idx_m.at[i - 1]], ssems[1 - p], add=True)
    p = (n_chunks - 1) & 1
    ld[p].wait()
    sd[p] = pltpu.async_copy(
        bufs[p], acc_sh.at[idx_m.at[n_chunks - 1]], ssems[p], add=True)
    if n_chunks >= 2:
      sd[1 - p].wait()
    sd[p].wait()

    plsc.subcore_barrier()
    pltpu.sync_copy(
        acc_sh.at[pl.ds(sid * out_rows_w, out_rows_w)],
        out_hbm.at[pl.ds(cid * HALF + sid * out_rows_w, out_rows_w)])

  return k(vals, dst_local.reshape(EROWS // ch, ch), zeros)


_BLKE = 4096
_BLKH = 2048
_BLKB = 64


def _msg_body(hs_ref, typ_ref, compx_ref, vcat_ref, out_ref):
  typ = typ_ref[:, :]
  onehot = (typ == lax.broadcasted_iota(jnp.int32, (_BLKE, 128), 1)
            ).astype(jnp.bfloat16)
  cfull = jnp.dot(onehot, compx_ref[:, :],
                  preferred_element_type=jnp.float32)
  hsv = jnp.dot(hs_ref[:, :].astype(jnp.bfloat16), vcat_ref[:, :],
                preferred_element_type=jnp.float32)
  prod = hsv * cfull
  acc = prod[:, 0:D]
  for b in range(1, NB):
    acc = acc + prod[:, b * D:(b + 1) * D]
  out_ref[:, :] = acc


def _tc_messages(hs, typ2, comp_pad, vcat):
  grid = (EROWS // _BLKE,)
  return pl.pallas_call(
      _msg_body,
      grid=grid,
      in_specs=[
          pl.BlockSpec((_BLKE, D), lambda i: (i, 0)),
          pl.BlockSpec((_BLKE, 1), lambda i: (i, 0)),
          pl.BlockSpec((128, NB * D), lambda i: (0, 0)),
          pl.BlockSpec((D, NB * D), lambda i: (0, 0)),
      ],
      out_specs=pl.BlockSpec((_BLKE, D), lambda i: (i, 0)),
      out_shape=jax.ShapeDtypeStruct((EROWS, D), jnp.float32),
  )(hs, typ2, comp_pad, vcat)


def _deg_body(dst_ref, out_ref):
  j = pl.program_id(1)
  nodes = j * 512 + lax.broadcasted_iota(jnp.int32, (512, 1), 0)
  acc = jnp.zeros((512, 1), jnp.float32)
  for ec in range(EP // 512):
    chunk = dst_ref[0, ec, :].reshape(1, 512)
    acc = acc + jnp.sum((nodes == chunk).astype(jnp.float32),
                        axis=1, keepdims=True)
  out_ref[:, :] = acc


def _tc_degrees(dst3):
  return pl.pallas_call(
      _deg_body,
      grid=(T, NGP // 512),
      in_specs=[pl.BlockSpec((1, EP // 512, 512), lambda t, j: (t, 0, 0))],
      out_specs=pl.BlockSpec((512, 1), lambda t, j: (t * (NGP // 512) + j, 0)),
      out_shape=jax.ShapeDtypeStruct((HROWS, 1), jnp.float32),
  )(dst3)


def _update_body(agg_ref, deg_ref, h_ref, w_ref, out_ref):
  r = 1.0 / jnp.maximum(deg_ref[:, :], 1.0)
  hw = jnp.dot(h_ref[:, :], w_ref[:, :], preferred_element_type=jnp.float32)
  out_ref[:, :] = jnp.maximum(agg_ref[:, :] * r + hw, 0.0)


def _tc_update(agg, deg2, h, wself):
  grid = (HROWS // _BLKH,)
  return pl.pallas_call(
      _update_body,
      grid=grid,
      in_specs=[
          pl.BlockSpec((_BLKH, D), lambda i: (i, 0)),
          pl.BlockSpec((_BLKH, 1), lambda i: (i, 0)),
          pl.BlockSpec((_BLKH, D), lambda i: (i, 0)),
          pl.BlockSpec((D, D), lambda i: (0, 0)),
      ],
      out_specs=pl.BlockSpec((_BLKH, D), lambda i: (i, 0)),
      out_shape=jax.ShapeDtypeStruct((HROWS, D), jnp.float32),
  )(agg, deg2, h, wself)


def _assemble_body(rgcn_ref, ent_ref, glob_ref, rel_ref, len_ref, out_ref):
  rows = _BLKB * S
  pos = lax.broadcasted_iota(jnp.int32, (rows, 1), 0) % S
  m = (pos < len_ref[:, :]).astype(jnp.float32)
  mean_rel = jnp.sum(rel_ref[:, :], axis=0, keepdims=True) * (1.0 / R)
  out_ref[:, 0 * D:1 * D] = rgcn_ref[:, :] * m
  out_ref[:, 1 * D:2 * D] = ent_ref[:, :] * m
  out_ref[:, 2 * D:3 * D] = jnp.broadcast_to(mean_rel, (rows, D)) * m
  out_ref[:, 3 * D:4 * D] = glob_ref[:, :] * m


def _tc_assemble(rgcn_e, ent_e, glob_e, rel_pad, len2):
  grid = (B // _BLKB,)
  rows = _BLKB * S
  return pl.pallas_call(
      _assemble_body,
      grid=grid,
      in_specs=[
          pl.BlockSpec((rows, D), lambda i: (i, 0)),
          pl.BlockSpec((rows, D), lambda i: (i, 0)),
          pl.BlockSpec((rows, D), lambda i: (i, 0)),
          pl.BlockSpec((128, D), lambda i: (0, 0)),
          pl.BlockSpec((rows, 1), lambda i: (i, 0)),
      ],
      out_specs=pl.BlockSpec((rows, 4 * D), lambda i: (i, 0)),
      out_shape=jax.ShapeDtypeStruct((B * S, 4 * D), jnp.float32),
  )(rgcn_e, ent_e, glob_e, rel_pad, len2)


def kernel(entity_ids, hist_t, hist_len, entity_pos, node_ids, edge_src,
           edge_dst, edge_type, entity_embeds, rel_embeds, global_emb,
           V1, comp1, Wself1, V2, comp2, Wself2):
  i32 = jnp.int32
  tvec = jnp.arange(T, dtype=i32)

  node_pad = jnp.zeros((T, NGP), i32).at[:, :NG].set(node_ids.astype(i32))
  node_flat = node_pad.reshape(HROWS)

  pad_cols = jnp.full((T, EP - E), NGP - 1, i32)
  src_g = jnp.concatenate([edge_src.astype(i32), pad_cols], axis=1)
  src_flat = (src_g + tvec[:, None] * NGP).reshape(EROWS)
  dst_g = jnp.concatenate([edge_dst.astype(i32), pad_cols], axis=1)
  dst_local = (dst_g + (tvec[:, None] % (T // NC)) * NGP).reshape(EROWS)
  typ = jnp.concatenate(
      [edge_type.astype(i32), jnp.full((T, EP - E), R, i32)], axis=1)
  typ2 = typ.reshape(EROWS, 1)

  def _compx(comp):
    cp = jnp.zeros((128, NB), jnp.float32).at[:R].set(comp)
    return jnp.repeat(cp, D, axis=1).astype(jnp.bfloat16)

  comp1_pad = _compx(comp1)
  comp2_pad = _compx(comp2)
  vcat1 = V1.transpose(1, 0, 2).reshape(D, NB * D).astype(jnp.bfloat16)
  vcat2 = V2.transpose(1, 0, 2).reshape(D, NB * D).astype(jnp.bfloat16)
  rel_pad = jnp.zeros((128, D), jnp.float32).at[:R].set(rel_embeds)

  dst3 = dst_g.reshape(T, EP // 512, 512)

  hist_t32 = hist_t.astype(i32)
  rgcn_idx = (hist_t32 * NGP + entity_pos.astype(i32)).reshape(B * S)
  glob_idx = hist_t32.reshape(B * S)
  ent_idx = jnp.repeat(entity_ids.astype(i32), S)
  len2 = jnp.repeat(hist_len.astype(i32), S).reshape(B * S, 1)

  deg2 = _tc_degrees(dst3)

  big_idx = jnp.concatenate([node_flat, ent_idx, glob_idx])
  big = _sc_gather_init(entity_embeds, global_emb, big_idx)
  h = big[:HROWS]
  ent_e = big[HROWS:HROWS + B * S]
  glob_e = big[HROWS + B * S:]

  for comp_pad, vcat, wself in ((comp1_pad, vcat1, Wself1),
                                (comp2_pad, vcat2, Wself2)):
    hs = _sc_gather(h, src_flat)
    msg = _tc_messages(hs, typ2, comp_pad, vcat)
    agg = _sc_scatter_add(msg, dst_local, D)
    h = _tc_update(agg, deg2, h, wself)

  rgcn_e = _sc_gather(h, rgcn_idx)
  seq = _tc_assemble(rgcn_e, ent_e, glob_e, rel_pad, len2)
  return seq.reshape(B, S, 4 * D), hist_len

# --- scband reference (transcript-rebuilt; emitter-appended) ---
"""Pipeline reference for scband-history-aggregator-18339510354773 (READ-ONLY COPY).

The authoritative reference and input builder live on the scoring server;
editing this copy changes nothing except your own understanding.
"""

import jax, jax.numpy as jnp
import numpy as np

B, S, T, NG, E, N, R, D, NB = 512, 8, 8, 2000, 4000, 10000, 100, 128, 8


def _rgcn_layer(h, V, comp, Wself, edge_src, edge_dst, edge_type):
    # h: [T, NG, D] node features for each graph snapshot
    Tn, n, d = h.shape
    hs = jnp.take_along_axis(h, jnp.broadcast_to(edge_src[:, :, None], edge_src.shape + (d,)), axis=1)  # [T, E, D]
    c = comp[edge_type]  # [T, E, NB] basis coefficients per edge (basis-decomposed RGCN)
    msg = jnp.zeros(hs.shape, h.dtype)
    for b in range(V.shape[0]):
        msg = msg + c[..., b:b + 1] * jnp.einsum('ted,do->teo', hs, V[b])
    agg = jax.vmap(lambda m, dd: jax.ops.segment_sum(m, dd, num_segments=n))(msg, edge_dst)
    deg = jax.vmap(lambda dd: jax.ops.segment_sum(jnp.ones(dd.shape, h.dtype), dd, num_segments=n))(edge_dst)
    agg = agg / jnp.clip(deg, 1.0)[..., None]
    return jax.nn.relu(agg + jnp.einsum('tnd,do->tno', h, Wself))


def setup_inputs(seed: int = 0) -> dict:
    key = jax.random.key(seed)
    ks = [jax.random.fold_in(key, i) for i in range(20)]
    inp = {
        'entity_ids': jax.random.randint(ks[0], (B,), 0, N),
        'hist_t': jax.random.randint(ks[1], (B, S), 0, T),
        'hist_len': jax.random.randint(ks[2], (B,), 0, S + 1),
        'entity_pos': jax.random.randint(ks[3], (B, S), 0, NG),
        'node_ids': jax.random.randint(ks[4], (T, NG), 0, N),
        'edge_src': jax.random.randint(ks[5], (T, E), 0, NG),
        'edge_dst': jax.random.randint(ks[6], (T, E), 0, NG),
        'edge_type': jax.random.randint(ks[7], (T, E), 0, R),
        'entity_embeds': jax.random.normal(ks[8], (N, D), jnp.float32),
        'rel_embeds': jax.random.normal(ks[9], (R, D), jnp.float32),
        'global_emb': jax.random.normal(ks[10], (T, D), jnp.float32),
        'V1': jax.random.normal(ks[11], (NB, D, D), jnp.float32) / np.sqrt(D),
        'comp1': jax.random.normal(ks[12], (R, NB), jnp.float32) / np.sqrt(NB),
        'Wself1': jax.random.normal(ks[13], (D, D), jnp.float32) / np.sqrt(D),
        'V2': jax.random.normal(ks[14], (NB, D, D), jnp.float32) / np.sqrt(D),
        'comp2': jax.random.normal(ks[15], (R, NB), jnp.float32) / np.sqrt(NB),
        'Wself2': jax.random.normal(ks[16], (D, D), jnp.float32) / np.sqrt(D),
    }
    return inp


def reference(entity_ids, hist_t, hist_len, entity_pos, node_ids, edge_src, edge_dst, edge_type,
              entity_embeds, rel_embeds, global_emb, V1, comp1, Wself1, V2, comp2, Wself2):
    # node features gathered from entity table (with torch.no_grad() in original -> stop_gradient)
    h = jax.lax.stop_gradient(entity_embeds)[node_ids]  # [T, NG, D]
    # 2-layer basis-decomposed UndirectedRGCN over each timestep snapshot
    h = _rgcn_layer(h, V1, comp1, Wself1, edge_src, edge_dst, edge_type)
    h = _rgcn_layer(h, V2, comp2, Wself2, edge_src, edge_dst, edge_type)
    # per (entity, history step): pull entity's RGCN embedding from graph at time hist_t
    rgcn_e = h[hist_t, entity_pos]  # [B, S, D]
    ent_e = jnp.broadcast_to(entity_embeds[entity_ids][:, None, :], rgcn_e.shape)
    mean_rel = jnp.broadcast_to(jnp.mean(rel_embeds, axis=0)[None, None, :], rgcn_e.shape)
    glob = global_emb[hist_t]  # [B, S, D]
    combined = jnp.concatenate([rgcn_e, ent_e, mean_rel, glob], axis=-1)  # [B, S, 4D]
    mask = (jnp.arange(S)[None, :] < hist_len[:, None])[:, :, None].astype(combined.dtype)
    seq_tensor = combined * mask  # padded ragged sequence (pack_padded_sequence equivalent)
    return (seq_tensor, hist_len)

if __name__ == "__main__":
    import jax
    _d = setup_inputs()
    print(jax.jit(kernel)(*tuple(_d.values())))

</pallas_src>

<mosaic_0001>
#map = affine_map<(d0, d1) -> (0, 0)>
#map1 = affine_map<(d0, d1) -> (0)>
module attributes {stable_mosaic.version = 14 : i64} {
  func.func @k(%arg0: i32, %arg1: i32, %arg2: memref<10000x128xf32, #tpu.memory_space<hbm>>, %arg3: memref<8x128xf32, #tpu.memory_space<hbm>>, %arg4: memref<24576xi32, #tpu.memory_space<hbm>>, %arg5: memref<24576x128xf32, #tpu.memory_space<hbm>>, %arg6: memref<768xi32, #tpu.memory_space<vmem>>, %arg7: memref<128x128xf32, #tpu.memory_space<vmem>>, %arg8: memref<128x128xf32, #tpu.memory_space<vmem>>, %arg9: memref<!tpu.dma_semaphore, #tpu.memory_space<semaphore_mem>>, %arg10: memref<!tpu.dma_semaphore, #tpu.memory_space<semaphore_mem>>, %arg11: memref<!tpu.dma_semaphore, #tpu.memory_space<semaphore_mem>>, %arg12: memref<!tpu.dma_semaphore, #tpu.memory_space<semaphore_mem>>) attributes {dimension_semantics = [#tpu.dimension_semantics<core_parallel>, #tpu.dimension_semantics<subcore_parallel>], iteration_bounds = array<i64: 2, 16>, scalar_prefetch = 0 : i64, scratch_operands = 7 : i64, tpu.core_type = #tpu.core_type<sc_vector_subcore>, window_params = [{transform_indices = #map}, {transform_indices = #map}, {transform_indices = #map1}, {transform_indices = #map}]} {
    %mul3A = arith.constant 2 : i32
    %mul3A_0 = arith.muli %arg1, %mul3A : i32
    %add3A = arith.addi %mul3A_0, %arg0 : i32
    %mul3A_1 = arith.constant 512 : i32
    %mul3A_2 = arith.muli %add3A, %mul3A_1 : i32
    %mul3A_3 = arith.constant 128 : i32
    %mul3A_4 = arith.muli %add3A, %mul3A_3 : i32
    %add3A_5 = arith.constant 16384 : i32
    %add3A_6 = arith.addi %add3A_5, %mul3A_4 : i32
    %mul3A_7 = arith.constant 128 : i32
    %mul3A_8 = arith.muli %add3A, %mul3A_7 : i32
    %add3A_9 = arith.constant 20480 : i32
    %add3A_10 = arith.addi %add3A_9, %mul3A_8 : i32
    "tpu.region"() ({
      %run_scoped3A = tpu.sem_alloc : memref<!tpu.dma_semaphore, #tpu.memory_space<semaphore_mem>>
      %dma_start3A_125 = arith.constant 0 : i32
      %dma_start3A_126 = tpu.memref_slice %arg6[%dma_start3A_125] : memref<768xi32, #tpu.memory_space<vmem>> -> memref<512xi32, #tpu.memory_space<vmem>>
      %dma_start3A_127 = tpu.memref_slice %arg4[%mul3A_2] : memref<24576xi32, #tpu.memory_space<hbm>> -> memref<512xi32, #tpu.memory_space<hbm>>
      %dma_start3A_128 = arith.constant 0 : i32
      %dma_start3A_129 = tpu.memref_slice %arg6[%dma_start3A_128] : memref<768xi32, #tpu.memory_space<vmem>> -> memref<512xi32, #tpu.memory_space<vmem>>
      %dma_start3A_130 = tpu.memref_slice %arg4[%mul3A_2] : memref<24576xi32, #tpu.memory_space<hbm>> -> memref<512xi32, #tpu.memory_space<hbm>>
      tpu.enqueue_dma source(%dma_start3A_130 : memref<512xi32, #tpu.memory_space<hbm>>) target(%dma_start3A_129 : memref<512xi32, #tpu.memory_space<vmem>>) target_semaphore(%run_scoped3A : memref<!tpu.dma_semaphore, #tpu.memory_space<semaphore_mem>>)
      %dma_wait3A_131 = arith.constant 0 : i32
      %dma_wait3A_132 = tpu.memref_slice %arg6[%dma_wait3A_131] : memref<768xi32, #tpu.memory_space<vmem>> -> memref<512xi32, #tpu.memory_space<vmem>>
      %dma_wait3A_133 = tpu.memref_slice %arg4[%mul3A_2] : memref<24576xi32, #tpu.memory_space<hbm>> -> memref<512xi32, #tpu.memory_space<hbm>>
      %dma_wait3A_134 = arith.constant 0 : i32
      %dma_wait3A_135 = tpu.memref_slice %arg6[%dma_wait3A_134] : memref<768xi32, #tpu.memory_space<vmem>> -> memref<512xi32, #tpu.memory_space<vmem>>
      %dma_wait3A_136 = tpu.memref_slice %arg4[%mul3A_2] : memref<24576xi32, #tpu.memory_space<hbm>> -> memref<512xi32, #tpu.memory_space<hbm>>
      tpu.wait_dma2 semaphore(%run_scoped3A : memref<!tpu.dma_semaphore, #tpu.memory_space<semaphore_mem>>) src(%dma_wait3A_136 : memref<512xi32, #tpu.memory_space<hbm>>) dst(%dma_wait3A_135 : memref<512xi32, #tpu.memory_space<vmem>>)
      tpu.yield
    }) : () -> ()
    "tpu.region"() ({
      %run_scoped3A = tpu.sem_alloc : memref<!tpu.dma_semaphore, #tpu.memory_space<semaphore_mem>>
      %dma_start3A_125 = arith.constant 512 : i32
      %dma_start3A_126 = tpu.memref_slice %arg6[%dma_start3A_125] : memref<768xi32, #tpu.memory_space<vmem>> -> memref<128xi32, #tpu.memory_space<vmem>>
      %dma_start3A_127 = tpu.memref_slice %arg4[%add3A_6] : memref<24576xi32, #tpu.memory_space<hbm>> -> memref<128xi32, #tpu.memory_space<hbm>>
      %dma_start3A_128 = arith.constant 512 : i32
      %dma_start3A_129 = tpu.memref_slice %arg6[%dma_start3A_128] : memref<768xi32, #tpu.memory_space<vmem>> -> memref<128xi32, #tpu.memory_space<vmem>>
      %dma_start3A_130 = tpu.memref_slice %arg4[%add3A_6] : memref<24576xi32, #tpu.memory_space<hbm>> -> memref<128xi32, #tpu.memory_space<hbm>>
      tpu.enqueue_dma source(%dma_start3A_130 : memref<128xi32, #tpu.memory_space<hbm>>) target(%dma_start3A_129 : memref<128xi32, #tpu.memory_space<vmem>>) target_semaphore(%run_scoped3A : memref<!tpu.dma_semaphore, #tpu.memory_space<semaphore_mem>>)
      %dma_wait3A_131 = arith.constant 512 : i32
      %dma_wait3A_132 = tpu.memref_slice %arg6[%dma_wait3A_131] : memref<768xi32, #tpu.memory_space<vmem>> -> memref<128xi32, #tpu.memory_space<vmem>>
      %dma_wait3A_133 = tpu.memref_slice %arg4[%add3A_6] : memref<24576xi32, #tpu.memory_space<hbm>> -> memref<128xi32, #tpu.memory_space<hbm>>
      %dma_wait3A_134 = arith.constant 512 : i32
      %dma_wait3A_135 = tpu.memref_slice %arg6[%dma_wait3A_134] : memref<768xi32, #tpu.memory_space<vmem>> -> memref<128xi32, #tpu.memory_space<vmem>>
      %dma_wait3A_136 = tpu.memref_slice %arg4[%add3A_6] : memref<24576xi32, #tpu.memory_space<hbm>> -> memref<128xi32, #tpu.memory_space<hbm>>
      tpu.wait_dma2 semaphore(%run_scoped3A : memref<!tpu.dma_semaphore, #tpu.memory_space<semaphore_mem>>) src(%dma_wait3A_136 : memref<128xi32, #tpu.memory_space<hbm>>) dst(%dma_wait3A_135 : memref<128xi32, #tpu.memory_space<vmem>>)
      tpu.yield
    }) : () -> ()
    "tpu.region"() ({
      %run_scoped3A = tpu.sem_alloc : memref<!tpu.dma_semaphore, #tpu.memory_space<semaphore_mem>>
      %dma_start3A_125 = arith.constant 640 : i32
      %dma_start3A_126 = tpu.memref_slice %arg6[%dma_start3A_125] : memref<768xi32, #tpu.memory_space<vmem>> -> memref<128xi32, #tpu.memory_space<vmem>>
      %dma_start3A_127 = tpu.memref_slice %arg4[%add3A_10] : memref<24576xi32, #tpu.memory_space<hbm>> -> memref<128xi32, #tpu.memory_space<hbm>>
      %dma_start3A_128 = arith.constant 640 : i32
      %dma_start3A_129 = tpu.memref_slice %arg6[%dma_start3A_128] : memref<768xi32, #tpu.memory_space<vmem>> -> memref<128xi32, #tpu.memory_space<vmem>>
      %dma_start3A_130 = tpu.memref_slice %arg4[%add3A_10] : memref<24576xi32, #tpu.memory_space<hbm>> -> memref<128xi32, #tpu.memory_space<hbm>>
      tpu.enqueue_dma source(%dma_start3A_130 : memref<128xi32, #tpu.memory_space<hbm>>) target(%dma_start3A_129 : memref<128xi32, #tpu.memory_space<vmem>>) target_semaphore(%run_scoped3A : memref<!tpu.dma_semaphore, #tpu.memory_space<semaphore_mem>>)
      %dma_wait3A_131 = arith.constant 640 : i32
      %dma_wait3A_132 = tpu.memref_slice %arg6[%dma_wait3A_131] : memref<768xi32, #tpu.memory_space<vmem>> -> memref<128xi32, #tpu.memory_space<vmem>>
      %dma_wait3A_133 = tpu.memref_slice %arg4[%add3A_10] : memref<24576xi32, #tpu.memory_space<hbm>> -> memref<128xi32, #tpu.memory_space<hbm>>
      %dma_wait3A_134 = arith.constant 640 : i32
      %dma_wait3A_135 = tpu.memref_slice %arg6[%dma_wait3A_134] : memref<768xi32, #tpu.memory_space<vmem>> -> memref<128xi32, #tpu.memory_space<vmem>>
      %dma_wait3A_136 = tpu.memref_slice %arg4[%add3A_10] : memref<24576xi32, #tpu.memory_space<hbm>> -> memref<128xi32, #tpu.memory_space<hbm>>
      tpu.wait_dma2 semaphore(%run_scoped3A : memref<!tpu.dma_semaphore, #tpu.memory_space<semaphore_mem>>) src(%dma_wait3A_136 : memref<128xi32, #tpu.memory_space<hbm>>) dst(%dma_wait3A_135 : memref<128xi32, #tpu.memory_space<vmem>>)
      tpu.yield
    }) : () -> ()
    %add3A_11 = arith.constant 0 : i32
    %add3A_12 = arith.addi %mul3A_2, %add3A_11 : i32
    %add3A_13 = arith.constant 128 : i32
    %add3A_14 = arith.addi %mul3A_2, %add3A_13 : i32
    %add3A_15 = arith.constant 256 : i32
    %add3A_16 = arith.addi %mul3A_2, %add3A_15 : i32
    %add3A_17 = arith.constant 384 : i32
    %add3A_18 = arith.addi %mul3A_2, %add3A_17 : i32
    %dma_start3A = arith.constant 0 : i32
    %dma_start3A_19 = tpu.memref_slice %arg6[%dma_start3A] : memref<768xi32, #tpu.memory_space<vmem>> -> memref<128xi32, #tpu.memory_space<vmem>>
    %dma_start3A_20 = arith.constant 0 : i32
    %dma_start3A_21 = arith.constant 0 : i32
    %dma_start3A_22 = tpu.memref_slice %arg2[%dma_start3A_20, %dma_start3A_21] : memref<10000x128xf32, #tpu.memory_space<hbm>> -> memref<10000x128xf32, #tpu.memory_space<hbm>>
    tpu.enqueue_indirect_dma source(%dma_start3A_22 : memref<10000x128xf32, #tpu.memory_space<hbm>>) target(%arg7 : memref<128x128xf32, #tpu.memory_space<vmem>>) offsets(%dma_start3A_19 : memref<128xi32, #tpu.memory_space<vmem>>) semaphore(%arg9 : memref<!tpu.dma_semaphore, #tpu.memory_space<semaphore_mem>>)
    %dma_start3A_23 = arith.constant 128 : i32
    %dma_start3A_24 = tpu.memref_slice %arg6[%dma_start3A_23] : memref<768xi32, #tpu.memory_space<vmem>> -> memref<128xi32, #tpu.memory_space<vmem>>
    %dma_start3A_25 = arith.constant 0 : i32
    %dma_start3A_26 = arith.constant 0 : i32
    %dma_start3A_27 = tpu.memref_slice %arg2[%dma_start3A_25, %dma_start3A_26] : memref<10000x128xf32, #tpu.memory_space<hbm>> -> memref<10000x128xf32, #tpu.memory_space<hbm>>
    tpu.enqueue_indirect_dma source(%dma_start3A_27 : memref<10000x128xf32, #tpu.memory_space<hbm>>) target(%arg8 : memref<128x128xf32, #tpu.memory_space<vmem>>) offsets(%dma_start3A_24 : memref<128xi32, #tpu.memory_space<vmem>>) semaphore(%arg10 : memref<!tpu.dma_semaphore, #tpu.memory_space<semaphore_mem>>)
    %dma_wait3A = arith.constant 0 : i32
    %dma_wait3A_28 = tpu.memref_slice %arg6[%dma_wait3A] : memref<768xi32, #tpu.memory_space<vmem>> -> memref<128xi32, #tpu.memory_space<vmem>>
    %dma_wait3A_29 = arith.constant 0 : i32
    %dma_wait3A_30 = arith.constant 0 : i32
    %dma_wait3A_31 = tpu.memref_slice %arg2[%dma_wait3A_29, %dma_wait3A_30] : memref<10000x128xf32, #tpu.memory_space<hbm>> -> memref<10000x128xf32, #tpu.memory_space<hbm>>
    tpu.wait_indirect_dma semaphore(%arg9 : memref<!tpu.dma_semaphore, #tpu.memory_space<semaphore_mem>>) src(%dma_wait3A_31 : memref<10000x128xf32, #tpu.memory_space<hbm>>) dst(%arg7 : memref<128x128xf32, #tpu.memory_space<vmem>>)
    %dma_start3A_32 = arith.constant 0 : i32
    %dma_start3A_33 = tpu.memref_slice %arg5[%add3A_12, %dma_start3A_32] : memref<24576x128xf32, #tpu.memory_space<hbm>> -> memref<128x128xf32, #tpu.memory_space<hbm>>
    %dma_start3A_34 = arith.constant 0 : i32
    %dma_start3A_35 = tpu.memref_slice %arg5[%add3A_12, %dma_start3A_34] : memref<24576x128xf32, #tpu.memory_space<hbm>> -> memref<128x128xf32, #tpu.memory_space<hbm>>
    tpu.enqueue_dma source(%arg7 : memref<128x128xf32, #tpu.memory_space<vmem>>) target(%dma_start3A_35 : memref<128x128xf32, #tpu.memory_space<hbm>>) target_semaphore(%arg11 : memref<!tpu.dma_semaphore, #tpu.memory_space<semaphore_mem>>)
    %dma_wait3A_36 = arith.constant 0 : i32
    %dma_wait3A_37 = tpu.memref_slice %arg5[%add3A_12, %dma_wait3A_36] : memref<24576x128xf32, #tpu.memory_space<hbm>> -> memref<128x128xf32, #tpu.memory_space<hbm>>
    %dma_wait3A_38 = arith.constant 0 : i32
    %dma_wait3A_39 = tpu.memref_slice %arg5[%add3A_12, %dma_wait3A_38] : memref<24576x128xf32, #tpu.memory_space<hbm>> -> memref<128x128xf32, #tpu.memory_space<hbm>>
    tpu.wait_dma2 semaphore(%arg11 : memref<!tpu.dma_semaphore, #tpu.memory_space<semaphore_mem>>) src(%arg7 : memref<128x128xf32, #tpu.memory_space<vmem>>) dst(%dma_wait3A_39 : memref<128x128xf32, #tpu.memory_space<hbm>>)
    %dma_start3A_40 = arith.constant 256 : i32
    %dma_start3A_41 = tpu.memref_slice %arg6[%dma_start3A_40] : memref<768xi32, #tpu.memory_space<vmem>> -> memref<128xi32, #tpu.memory_space<vmem>>
    %dma_start3A_42 = arith.constant 0 : i32
    %dma_start3A_43 = arith.constant 0 : i32
    %dma_start3A_44 = tpu.memref_slice %arg2[%dma_start3A_42, %dma_start3A_43] : memref<10000x128xf32, #tpu.memory_space<hbm>> -> memref<10000x128xf32, #tpu.memory_space<hbm>>
    tpu.enqueue_indirect_dma source(%dma_start3A_44 : memref<10000x128xf32, #tpu.memory_space<hbm>>) target(%arg7 : memref<128x128xf32, #tpu.memory_space<vmem>>) offsets(%dma_start3A_41 : memref<128xi32, #tpu.memory_space<vmem>>) semaphore(%arg9 : memref<!tpu.dma_semaphore, #tpu.memory_space<semaphore_mem>>)
    %dma_wait3A_45 = arith.constant 128 : i32
    %dma_wait3A_46 = tpu.memref_slice %arg6[%dma_wait3A_45] : memref<768xi32, #tpu.memory_space<vmem>> -> memref<128xi32, #tpu.memory_space<vmem>>
    %dma_wait3A_47 = arith.constant 0 : i32
    %dma_wait3A_48 = arith.constant 0 : i32
    %dma_wait3A_49 = tpu.memref_slice %arg2[%dma_wait3A_47, %dma_wait3A_48] : memref<10000x128xf32, #tpu.memory_space<hbm>> -> memref<10000x128xf32, #tpu.memory_space<hbm>>
    tpu.wait_indirect_dma semaphore(%arg10 : memref<!tpu.dma_semaphore, #tpu.memory_space<semaphore_mem>>) src(%dma_wait3A_49 : memref<10000x128xf32, #tpu.memory_space<hbm>>) dst(%arg8 : memref<128x128xf32, #tpu.memory_space<vmem>>)
    %dma_start3A_50 = arith.constant 0 : i32
    %dma_start3A_51 = tpu.memref_slice %arg5[%add3A_14, %dma_start3A_50] : memref<24576x128xf32, #tpu.memory_space<hbm>> -> memref<128x128xf32, #tpu.memory_space<hbm>>
    %dma_start3A_52 = arith.constant 0 : i32
    %dma_start3A_53 = tpu.memref_slice %arg5[%add3A_14, %dma_start3A_52] : memref<24576x128xf32, #tpu.memory_space<hbm>> -> memref<128x128xf32, #tpu.memory_space<hbm>>
    tpu.enqueue_dma source(%arg8 : memref<128x128xf32, #tpu.memory_space<vmem>>) target(%dma_start3A_53 : memref<128x128xf32, #tpu.memory_space<hbm>>) target_semaphore(%arg12 : memref<!tpu.dma_semaphore, #tpu.memory_space<semaphore_mem>>)
    %dma_wait3A_54 = arith.constant 0 : i32
    %dma_wait3A_55 = tpu.memref_slice %arg5[%add3A_14, %dma_wait3A_54] : memref<24576x128xf32, #tpu.memory_space<hbm>> -> memref<128x128xf32, #tpu.memory_space<hbm>>
    %dma_wait3A_56 = arith.constant 0 : i32
    %dma_wait3A_57 = tpu.memref_slice %arg5[%add3A_14, %dma_wait3A_56] : memref<24576x128xf32, #tpu.memory_space<hbm>> -> memref<128x128xf32, #tpu.memory_space<hbm>>
    tpu.wait_dma2 semaphore(%arg12 : memref<!tpu.dma_semaphore, #tpu.memory_space<semaphore_mem>>) src(%arg8 : memref<128x128xf32, #tpu.memory_space<vmem>>) dst(%dma_wait3A_57 : memref<128x128xf32, #tpu.memory_space<hbm>>)
    %dma_start3A_58 = arith.constant 384 : i32
    %dma_start3A_59 = tpu.memref_slice %arg6[%dma_start3A_58] : memref<768xi32, #tpu.memory_space<vmem>> -> memref<128xi32, #tpu.memory_space<vmem>>
    %dma_start3A_60 = arith.constant 0 : i32
    %dma_start3A_61 = arith.constant 0 : i32
    %dma_start3A_62 = tpu.memref_slice %arg2[%dma_start3A_60, %dma_start3A_61] : memref<10000x128xf32, #tpu.memory_space<hbm>> -> memref<10000x128xf32, #tpu.memory_space<hbm>>
    tpu.enqueue_indirect_dma source(%dma_start3A_62 : memref<10000x128xf32, #tpu.memory_space<hbm>>) target(%arg8 : memref<128x128xf32, #tpu.memory_space<vmem>>) offsets(%dma_start3A_59 : memref<128xi32, #tpu.memory_space<vmem>>) semaphore(%arg10 : memref<!tpu.dma_semaphore, #tpu.memory_space<semaphore_mem>>)
    %dma_wait3A_63 = arith.constant 256 : i32
    %dma_wait3A_64 = tpu.memref_slice %arg6[%dma_wait3A_63] : memref<768xi32, #tpu.memory_space<vmem>> -> memref<128xi32, #tpu.memory_space<vmem>>
    %dma_wait3A_65 = arith.constant 0 : i32
    %dma_wait3A_66 = arith.constant 0 : i32
    %dma_wait3A_67 = tpu.memref_slice %arg2[%dma_wait3A_65, %dma_wait3A_66] : memref<10000x128xf32, #tpu.memory_space<hbm>> -> memref<10000x128xf32, #tpu.memory_space<hbm>>
    tpu.wait_indirect_dma semaphore(%arg9 : memref<!tpu.dma_semaphore, #tpu.memory_space<semaphore_mem>>) src(%dma_wait3A_67 : memref<10000x128xf32, #tpu.memory_space<hbm>>) dst(%arg7 : memref<128x128xf32, #tpu.memory_space<vmem>>)
    %dma_start3A_68 = arith.constant 0 : i32
    %dma_start3A_69 = tpu.memref_slice %arg5[%add3A_16, %dma_start3A_68] : memref<24576x128xf32, #tpu.memory_space<hbm>> -> memref<128x128xf32, #tpu.memory_space<hbm>>
    %dma_start3A_70 = arith.constant 0 : i32
    %dma_start3A_71 = tpu.memref_slice %arg5[%add3A_16, %dma_start3A_70] : memref<24576x128xf32, #tpu.memory_space<hbm>> -> memref<128x128xf32, #tpu.memory_space<hbm>>
    tpu.enqueue_dma source(%arg7 : memref<128x128xf32, #tpu.memory_space<vmem>>) target(%dma_start3A_71 : memref<128x128xf32, #tpu.memory_space<hbm>>) target_semaphore(%arg11 : memref<!tpu.dma_semaphore, #tpu.memory_space<semaphore_mem>>)
    %dma_wait3A_72 = arith.constant 0 : i32
    %dma_wait3A_73 = tpu.memref_slice %arg5[%add3A_16, %dma_wait3A_72] : memref<24576x128xf32, #tpu.memory_space<hbm>> -> memref<128x128xf32, #tpu.memory_space<hbm>>
    %dma_wait3A_74 = arith.constant 0 : i32
    %dma_wait3A_75 = tpu.memref_slice %arg5[%add3A_16, %dma_wait3A_74] : memref<24576x128xf32, #tpu.memory_space<hbm>> -> memref<128x128xf32, #tpu.memory_space<hbm>>
    tpu.wait_dma2 semaphore(%arg11 : memref<!tpu.dma_semaphore, #tpu.memory_space<semaphore_mem>>) src(%arg7 : memref<128x128xf32, #tpu.memory_space<vmem>>) dst(%dma_wait3A_75 : memref<128x128xf32, #tpu.memory_space<hbm>>)
    %dma_start3A_76 = arith.constant 512 : i32
    %dma_start3A_77 = tpu.memref_slice %arg6[%dma_start3A_76] : memref<768xi32, #tpu.memory_space<vmem>> -> memref<128xi32, #tpu.memory_space<vmem>>
    %dma_start3A_78 = arith.constant 0 : i32
    %dma_start3A_79 = arith.constant 0 : i32
    %dma_start3A_80 = tpu.memref_slice %arg2[%dma_start3A_78, %dma_start3A_79] : memref<10000x128xf32, #tpu.memory_space<hbm>> -> memref<10000x128xf32, #tpu.memory_space<hbm>>
    tpu.enqueue_indirect_dma source(%dma_start3A_80 : memref<10000x128xf32, #tpu.memory_space<hbm>>) target(%arg7 : memref<128x128xf32, #tpu.memory_space<vmem>>) offsets(%dma_start3A_77 : memref<128xi32, #tpu.memory_space<vmem>>) semaphore(%arg9 : memref<!tpu.dma_semaphore, #tpu.memory_space<semaphore_mem>>)
    %dma_wait3A_81 = arith.constant 384 : i32
    %dma_wait3A_82 = tpu.memref_slice %arg6[%dma_wait3A_81] : memref<768xi32, #tpu.memory_space<vmem>> -> memref<128xi32, #tpu.memory_space<vmem>>
    %dma_wait3A_83 = arith.constant 0 : i32
    %dma_wait3A_84 = arith.constant 0 : i32
    %dma_wait3A_85 = tpu.memref_slice %arg2[%dma_wait3A_83, %dma_wait3A_84] : memref<10000x128xf32, #tpu.memory_space<hbm>> -> memref<10000x128xf32, #tpu.memory_space<hbm>>
    tpu.wait_indirect_dma semaphore(%arg10 : memref<!tpu.dma_semaphore, #tpu.memory_space<semaphore_mem>>) src(%dma_wait3A_85 : memref<10000x128xf32, #tpu.memory_space<hbm>>) dst(%arg8 : memref<128x128xf32, #tpu.memory_space<vmem>>)
    %dma_start3A_86 = arith.constant 0 : i32
    %dma_start3A_87 = tpu.memref_slice %arg5[%add3A_18, %dma_start3A_86] : memref<24576x128xf32, #tpu.memory_space<hbm>> -> memref<128x128xf32, #tpu.memory_space<hbm>>
    %dma_start3A_88 = arith.constant 0 : i32
    %dma_start3A_89 = tpu.memref_slice %arg5[%add3A_18, %dma_start3A_88] : memref<24576x128xf32, #tpu.memory_space<hbm>> -> memref<128x128xf32, #tpu.memory_space<hbm>>
    tpu.enqueue_dma source(%arg8 : memref<128x128xf32, #tpu.memory_space<vmem>>) target(%dma_start3A_89 : memref<128x128xf32, #tpu.memory_space<hbm>>) target_semaphore(%arg12 : memref<!tpu.dma_semaphore, #tpu.memory_space<semaphore_mem>>)
    %dma_wait3A_90 = arith.constant 0 : i32
    %dma_wait3A_91 = tpu.memref_slice %arg5[%add3A_18, %dma_wait3A_90] : memref<24576x128xf32, #tpu.memory_space<hbm>> -> memref<128x128xf32, #tpu.memory_space<hbm>>
    %dma_wait3A_92 = arith.constant 0 : i32
    %dma_wait3A_93 = tpu.memref_slice %arg5[%add3A_18, %dma_wait3A_92] : memref<24576x128xf32, #tpu.memory_space<hbm>> -> memref<128x128xf32, #tpu.memory_space<hbm>>
    tpu.wait_dma2 semaphore(%arg12 : memref<!tpu.dma_semaphore, #tpu.memory_space<semaphore_mem>>) src(%arg8 : memref<128x128xf32, #tpu.memory_space<vmem>>) dst(%dma_wait3A_93 : memref<128x128xf32, #tpu.memory_space<hbm>>)
    %dma_start3A_94 = arith.constant 640 : i32
    %dma_start3A_95 = tpu.memref_slice %arg6[%dma_start3A_94] : memref<768xi32, #tpu.memory_space<vmem>> -> memref<128xi32, #tpu.memory_space<vmem>>
    %dma_start3A_96 = arith.constant 0 : i32
    %dma_start3A_97 = arith.constant 0 : i32
    %dma_start3A_98 = tpu.memref_slice %arg3[%dma_start3A_96, %dma_start3A_97] : memref<8x128xf32, #tpu.memory_space<hbm>> -> memref<8x128xf32, #tpu.memory_space<hbm>>
    tpu.enqueue_indirect_dma source(%dma_start3A_98 : memref<8x128xf32, #tpu.memory_space<hbm>>) target(%arg8 : memref<128x128xf32, #tpu.memory_space<vmem>>) offsets(%dma_start3A_95 : memref<128xi32, #tpu.memory_space<vmem>>) semaphore(%arg10 : memref<!tpu.dma_semaphore, #tpu.memory_space<semaphore_mem>>)
    %dma_wait3A_99 = arith.constant 512 : i32
    %dma_wait3A_100 = tpu.memref_slice %arg6[%dma_wait3A_99] : memref<768xi32, #tpu.memory_space<vmem>> -> memref<128xi32, #tpu.memory_space<vmem>>
    %dma_wait3A_101 = arith.constant 0 : i32
    %dma_wait3A_102 = arith.constant 0 : i32
    %dma_wait3A_103 = tpu.memref_slice %arg2[%dma_wait3A_101, %dma_wait3A_102] : memref<10000x128xf32, #tpu.memory_space<hbm>> -> memref<10000x128xf32, #tpu.memory_space<hbm>>
    tpu.wait_indirect_dma semaphore(%arg9 : memref<!tpu.dma_semaphore, #tpu.memory_space<semaphore_mem>>) src(%dma_wait3A_103 : memref<10000x128xf32, #tpu.memory_space<hbm>>) dst(%arg7 : memref<128x128xf32, #tpu.memory_space<vmem>>)
    %dma_start3A_104 = arith.constant 0 : i32
    %dma_start3A_105 = tpu.memref_slice %arg5[%add3A_6, %dma_start3A_104] : memref<24576x128xf32, #tpu.memory_space<hbm>> -> memref<128x128xf32, #tpu.memory_space<hbm>>
    %dma_start3A_106 = arith.constant 0 : i32
    %dma_start3A_107 = tpu.memref_slice %arg5[%add3A_6, %dma_start3A_106] : memref<24576x128xf32, #tpu.memory_space<hbm>> -> memref<128x128xf32, #tpu.memory_space<hbm>>
    tpu.enqueue_dma source(%arg7 : memref<128x128xf32, #tpu.memory_space<vmem>>) target(%dma_start3A_107 : memref<128x128xf32, #tpu.memory_space<hbm>>) target_semaphore(%arg11 : memref<!tpu.dma_semaphore, #tpu.memory_space<semaphore_mem>>)
    %dma_wait3A_108 = arith.constant 640 : i32
    %dma_wait3A_109 = tpu.memref_slice %arg6[%dma_wait3A_108] : memref<768xi32, #tpu.memory_space<vmem>> -> memref<128xi32, #tpu.memory_space<vmem>>
    %dma_wait3A_110 = arith.constant 0 : i32
    %dma_wait3A_111 = arith.constant 0 : i32
    %dma_wait3A_112 = tpu.memref_slice %arg3[%dma_wait3A_110, %dma_wait3A_111] : memref<8x128xf32, #tpu.memory_space<hbm>> -> memref<8x128xf32, #tpu.memory_space<hbm>>
    tpu.wait_indirect_dma semaphore(%arg10 : memref<!tpu.dma_semaphore, #tpu.memory_space<semaphore_mem>>) src(%dma_wait3A_112 : memref<8x128xf32, #tpu.memory_space<hbm>>) dst(%arg8 : memref<128x128xf32, #tpu.memory_space<vmem>>)
    %dma_start3A_113 = arith.constant 0 : i32
    %dma_start3A_114 = tpu.memref_slice %arg5[%add3A_10, %dma_start3A_113] : memref<24576x128xf32, #tpu.memory_space<hbm>> -> memref<128x128xf32, #tpu.memory_space<hbm>>
    %dma_start3A_115 = arith.constant 0 : i32
    %dma_start3A_116 = tpu.memref_slice %arg5[%add3A_10, %dma_start3A_115] : memref<24576x128xf32, #tpu.memory_space<hbm>> -> memref<128x128xf32, #tpu.memory_space<hbm>>
    tpu.enqueue_dma source(%arg8 : memref<128x128xf32, #tpu.memory_space<vmem>>) target(%dma_start3A_116 : memref<128x128xf32, #tpu.memory_space<hbm>>) target_semaphore(%arg12 : memref<!tpu.dma_semaphore, #tpu.memory_space<semaphore_mem>>)
    %dma_wait3A_117 = arith.constant 0 : i32
    %dma_wait3A_118 = tpu.memref_slice %arg5[%add3A_6, %dma_wait3A_117] : memref<24576x128xf32, #tpu.memory_space<hbm>> -> memref<128x128xf32, #tpu.memory_space<hbm>>
    %dma_wait3A_119 = arith.constant 0 : i32
    %dma_wait3A_120 = tpu.memref_slice %arg5[%add3A_6, %dma_wait3A_119] : memref<24576x128xf32, #tpu.memory_space<hbm>> -> memref<128x128xf32, #tpu.memory_space<hbm>>
    tpu.wait_dma2 semaphore(%arg11 : memref<!tpu.dma_semaphore, #tpu.memory_space<semaphore_mem>>) src(%arg7 : memref<128x128xf32, #tpu.memory_space<vmem>>) dst(%dma_wait3A_120 : memref<128x128xf32, #tpu.memory_space<hbm>>)
    %dma_wait3A_121 = arith.constant 0 : i32
    %dma_wait3A_122 = tpu.memref_slice %arg5[%add3A_10, %dma_wait3A_121] : memref<24576x128xf32, #tpu.memory_space<hbm>> -> memref<128x128xf32, #tpu.memory_space<hbm>>
    %dma_wait3A_123 = arith.constant 0 : i32
    %dma_wait3A_124 = tpu.memref_slice %arg5[%add3A_10, %dma_wait3A_123] : memref<24576x128xf32, #tpu.memory_space<hbm>> -> memref<128x128xf32, #tpu.memory_space<hbm>>
    tpu.wait_dma2 semaphore(%arg12 : memref<!tpu.dma_semaphore, #tpu.memory_space<semaphore_mem>>) src(%arg8 : memref<128x128xf32, #tpu.memory_space<vmem>>) dst(%dma_wait3A_124 : memref<128x128xf32, #tpu.memory_space<hbm>>)
    return
  }
}

#map = affine_map<(d0, d1) -> (0, 0)>
#map1 = affine_map<(d0, d1) -> (0)>
module attributes {stable_mosaic.version = 14 : i64} {
  func.func @k(%arg0: i32, %arg1: i32, %arg2: memref<16384x128xf32, #tpu.memory_space<hbm>>, %arg3: memref<32768xi32, #tpu.memory_space<hbm>>, %arg4: memref<32768x128xf32, #tpu.memory_space<hbm>>, %arg5: memref<1024xi32, #tpu.memory_space<vmem>>, %arg6: memref<128x128xf32, #tpu.memory_space<vmem>>, %arg7: memref<128x128xf32, #tpu.memory_space<vmem>>, %arg8: memref<!tpu.dma_semaphore, #tpu.memory_space<semaphore_mem>>, %arg9: memref<!tpu.dma_semaphore, #tpu.memory_space<semaphore_mem>>, %arg10: memref<!tpu.dma_semaphore, #tpu.memory_space<semaphore_mem>>, %arg11: memref<!tpu.dma_semaphore, #tpu.memory_space<semaphore_mem>>) attributes {dimension_semantics = [#tpu.dimension_semantics<core_parallel>, #tpu.dimension_semantics<subcore_parallel>], iteration_bounds = array<i64: 2, 16>, scalar_prefetch = 0 : i64, scratch_operands = 7 : i64, tpu.core_type = #tpu.core_type<sc_vector_subcore>, window_params = [{transform_indices = #map}, {transform_indices = #map1}, {transform_indices = #map}]} {
    %mul3A = arith.constant 2 : i32
    %mul3A_0 = arith.muli %arg1, %mul3A : i32
    %add3A = arith.addi %mul3A_0, %arg0 : i32
    %mul3A_1 = arith.constant 1024 : i32
    %mul3A_2 = arith.muli %add3A, %mul3A_1 : i32
    "tpu.region"() ({
      %run_scoped3A = tpu.sem_alloc : memref<!tpu.dma_semaphore, #tpu.memory_space<semaphore_mem>>
      %dma_start3A_161 = tpu.memref_slice %arg3[%mul3A_2] : memref<32768xi32, #tpu.memory_space<hbm>> -> memref<1024xi32, #tpu.memory_space<hbm>>
      %dma_start3A_162 = tpu.memref_slice %arg3[%mul3A_2] : memref<32768xi32, #tpu.memory_space<hbm>> -> memref<1024xi32, #tpu.memory_space<hbm>>
      tpu.enqueue_dma source(%dma_start3A_162 : memref<1024xi32, #tpu.memory_space<hbm>>) target(%arg5 : memref<1024xi32, #tpu.memory_space<vmem>>) target_semaphore(%run_scoped3A : memref<!tpu.dma_semaphore, #tpu.memory_space<semaphore_mem>>)
      %dma_wait3A_163 = tpu.memref_slice %arg3[%mul3A_2] : memref<32768xi32, #tpu.memory_space<hbm>> -> memref<1024xi32, #tpu.memory_space<hbm>>
      %dma_wait3A_164 = tpu.memref_slice %arg3[%mul3A_2] : memref<32768xi32, #tpu.memory_space<hbm>> -> memref<1024xi32, #tpu.memory_space<hbm>>
      tpu.wait_dma2 semaphore(%run_scoped3A : memref<!tpu.dma_semaphore, #tpu.memory_space<semaphore_mem>>) src(%dma_wait3A_164 : memref<1024xi32, #tpu.memory_space<hbm>>) dst(%arg5 : memref<1024xi32, #tpu.memory_space<vmem>>)
      tpu.yield
    }) : () -> ()
    %add3A_3 = arith.constant 0 : i32
    %add3A_4 = arith.addi %mul3A_2, %add3A_3 : i32
    %add3A_5 = arith.constant 128 : i32
    %add3A_6 = arith.addi %mul3A_2, %add3A_5 : i32
    %add3A_7 = arith.constant 256 : i32
    %add3A_8 = arith.addi %mul3A_2, %add3A_7 : i32
    %add3A_9 = arith.constant 384 : i32
    %add3A_10 = arith.addi %mul3A_2, %add3A_9 : i32
    %add3A_11 = arith.constant 512 : i32
    %add3A_12 = arith.addi %mul3A_2, %add3A_11 : i32
    %add3A_13 = arith.constant 640 : i32
    %add3A_14 = arith.addi %mul3A_2, %add3A_13 : i32
    %add3A_15 = arith.constant 768 : i32
    %add3A_16 = arith.addi %mul3A_2, %add3A_15 : i32
    %add3A_17 = arith.constant 896 : i32
    %add3A_18 = arith.addi %mul3A_2, %add3A_17 : i32
    %dma_start3A = arith.constant 0 : i32
    %dma_start3A_19 = tpu.memref_slice %arg5[%dma_start3A] : memref<1024xi32, #tpu.memory_space<vmem>> -> memref<128xi32, #tpu.memory_space<vmem>>
    %dma_start3A_20 = arith.constant 0 : i32
    %dma_start3A_21 = arith.constant 0 : i32
    %dma_start3A_22 = tpu.memref_slice %arg2[%dma_start3A_20, %dma_start3A_21] : memref<16384x128xf32, #tpu.memory_space<hbm>> -> memref<16384x128xf32, #tpu.memory_space<hbm>>
    tpu.enqueue_indirect_dma source(%dma_start3A_22 : memref<16384x128xf32, #tpu.memory_space<hbm>>) target(%arg6 : memref<128x128xf32, #tpu.memory_space<vmem>>) offsets(%dma_start3A_19 : memref<128xi32, #tpu.memory_space<vmem>>) semaphore(%arg8 : memref<!tpu.dma_semaphore, #tpu.memory_space<semaphore_mem>>)
    %dma_start3A_23 = arith.constant 128 : i32
    %dma_start3A_24 = tpu.memref_slice %arg5[%dma_start3A_23] : memref<1024xi32, #tpu.memory_space<vmem>> -> memref<128xi32, #tpu.memory_space<vmem>>
    %dma_start3A_25 = arith.constant 0 : i32
    %dma_start3A_26 = arith.constant 0 : i32
    %dma_start3A_27 = tpu.memref_slice %arg2[%dma_start3A_25, %dma_start3A_26] : memref<16384x128xf32, #tpu.memory_space<hbm>> -> memref<16384x128xf32, #tpu.memory_space<hbm>>
    tpu.enqueue_indirect_dma source(%dma_start3A_27 : memref<16384x128xf32, #tpu.memory_space<hbm>>) target(%arg7 : memref<128x128xf32, #tpu.memory_space<vmem>>) offsets(%dma_start3A_24 : memref<128xi32, #tpu.memory_space<vmem>>) semaphore(%arg9 : memref<!tpu.dma_semaphore, #tpu.memory_space<semaphore_mem>>)
    %dma_wait3A = arith.constant 0 : i32
    %dma_wait3A_28 = tpu.memref_slice %arg5[%dma_wait3A] : memref<1024xi32, #tpu.memory_space<vmem>> -> memref<128xi32, #tpu.memory_space<vmem>>
    %dma_wait3A_29 = arith.constant 0 : i32
    %dma_wait3A_30 = arith.constant 0 : i32
    %dma_wait3A_31 = tpu.memref_slice %arg2[%dma_wait3A_29, %dma_wait3A_30] : memref<16384x128xf32, #tpu.memory_space<hbm>> -> memref<16384x128xf32, #tpu.memory_space<hbm>>
    tpu.wait_indirect_dma semaphore(%arg8 : memref<!tpu.dma_semaphore, #tpu.memory_space<semaphore_mem>>) src(%dma_wait3A_31 : memref<16384x128xf32, #tpu.memory_space<hbm>>) dst(%arg6 : memref<128x128xf32, #tpu.memory_space<vmem>>)
    %dma_start3A_32 = arith.constant 0 : i32
    %dma_start3A_33 = tpu.memref_slice %arg4[%add3A_4, %dma_start3A_32] : memref<32768x128xf32, #tpu.memory_space<hbm>> -> memref<128x128xf32, #tpu.memory_space<hbm>>
    %dma_start3A_34 = arith.constant 0 : i32
    %dma_start3A_35 = tpu.memref_slice %arg4[%add3A_4, %dma_start3A_34] : memref<32768x128xf32, #tpu.memory_space<hbm>> -> memref<128x128xf32, #tpu.memory_space<hbm>>
    tpu.enqueue_dma source(%arg6 : memref<128x128xf32, #tpu.memory_space<vmem>>) target(%dma_start3A_35 : memref<128x128xf32, #tpu.memory_space<hbm>>) target_semaphore(%arg10 : memref<!tpu.dma_semaphore, #tpu.memory_space<semaphore_mem>>)
    %dma_wait3A_36 = arith.constant 0 : i32
    %dma_wait3A_37 = tpu.memref_slice %arg4[%add3A_4, %dma_wait3A_36] : memref<32768x128xf32, #tpu.memory_space<hbm>> -> memref<128x128xf32, #tpu.memory_space<hbm>>
    %dma_wait3A_38 = arith.constant 0 : i32
    %dma_wait3A_39 = tpu.memref_slice %arg4[%add3A_4, %dma_wait3A_38] : memref<32768x128xf32, #tpu.memory_space<hbm>> -> memref<128x128xf32, #tpu.memory_space<hbm>>
    tpu.wait_dma2 semaphore(%arg10 : memref<!tpu.dma_semaphore, #tpu.memory_space<semaphore_mem>>) src(%arg6 : memref<128x128xf32, #tpu.memory_space<vmem>>) dst(%dma_wait3A_39 : memref<128x128xf32, #tpu.memory_space<hbm>>)
    %dma_start3A_40 = arith.constant 256 : i32
    %dma_start3A_41 = tpu.memref_slice %arg5[%dma_start3A_40] : memref<1024xi32, #tpu.memory_space<vmem>> -> memref<128xi32, #tpu.memory_space<vmem>>
    %dma_start3A_42 = arith.constant 0 : i32
    %dma_start3A_43 = arith.constant 0 : i32
    %dma_start3A_44 = tpu.memref_slice %arg2[%dma_start3A_42, %dma_start3A_43] : memref<16384x128xf32, #tpu.memory_space<hbm>> -> memref<16384x128xf32, #tpu.memory_space<hbm>>
    tpu.enqueue_indirect_dma source(%dma_start3A_44 : memref<16384x128xf32, #tpu.memory_space<hbm>>) target(%arg6 : memref<128x128xf32, #tpu.memory_space<vmem>>) offsets(%dma_start3A_41 : memref<128xi32, #tpu.memory_space<vmem>>) semaphore(%arg8 : memref<!tpu.dma_semaphore, #tpu.memory_space<semaphore_mem>>)
    %dma_wait3A_45 = arith.constant 128 : i32
    %dma_wait3A_46 = tpu.memref_slice %arg5[%dma_wait3A_45] : memref<1024xi32, #tpu.memory_space<vmem>> -> memref<128xi32, #tpu.memory_space<vmem>>
    %dma_wait3A_47 = arith.constant 0 : i32
    %dma_wait3A_48 = arith.constant 0 : i32
    %dma_wait3A_49 = tpu.memref_slice %arg2[%dma_wait3A_47, %dma_wait3A_48] : memref<16384x128xf32, #tpu.memory_space<hbm>> -> memref<16384x128xf32, #tpu.memory_space<hbm>>
    tpu.wait_indirect_dma semaphore(%arg9 : memref<!tpu.dma_semaphore, #tpu.memory_space<semaphore_mem>>) src(%dma_wait3A_49 : memref<16384x128xf32, #tpu.memory_space<hbm>>) dst(%arg7 : memref<128x128xf32, #tpu.memory_space<vmem>>)
    %dma_start3A_50 = arith.constant 0 : i32
    %dma_start3A_51 = tpu.memref_slice %arg4[%add3A_6, %dma_start3A_50] : memref<32768x128xf32, #tpu.memory_space<hbm>> -> memref<128x128xf32, #tpu.memory_space<hbm>>
    %dma_start3A_52 = arith.constant 0 : i32
    %dma_start3A_53 = tpu.memref_slice %arg4[%add3A_6, %dma_start3A_52] : memref<32768x128xf32, #tpu.memory_space<hbm>> -> memref<128x128xf32, #tpu.memory_space<hbm>>
    tpu.enqueue_dma source(%arg7 : memref<128x128xf32, #tpu.memory_space<vmem>>) target(%dma_start3A_53 : memref<128x128xf32, #tpu.memory_space<hbm>>) target_semaphore(%arg11 : memref<!tpu.dma_semaphore, #tpu.memory_space<semaphore_mem>>)
    %dma_wait3A_54 = arith.constant 0 : i32
    %dma_wait3A_55 = tpu.memref_slice %arg4[%add3A_6, %dma_wait3A_54] : memref<32768x128xf32, #tpu.memory_space<hbm>> -> memref<128x128xf32, #tpu.memory_space<hbm>>
    %dma_wait3A_56 = arith.constant 0 : i32
    %dma_wait3A_57 = tpu.memref_slice %arg4[%add3A_6, %dma_wait3A_56] : memref<32768x128xf32, #tpu.memory_space<hbm>> -> memref<128x128xf32, #tpu.memory_space<hbm>>
    tpu.wait_dma2 semaphore(%arg11 : memref<!tpu.dma_semaphore, #tpu.memory_space<semaphore_mem>>) src(%arg7 : memref<128x128xf32, #tpu.memory_space<vmem>>) dst(%dma_wait3A_57 : memref<128x128xf32, #tpu.memory_space<hbm>>)
    %dma_start3A_58 = arith.constant 384 : i32
    %dma_start3A_59 = tpu.memref_slice %arg5[%dma_start3A_58] : memref<1024xi32, #tpu.memory_space<vmem>> -> memref<128xi32, #tpu.memory_space<vmem>>
    %dma_start3A_60 = arith.constant 0 : i32
    %dma_start3A_61 = arith.constant 0 : i32
    %dma_start3A_62 = tpu.memref_slice %arg2[%dma_start3A_60, %dma_start3A_61] : memref<16384x128xf32, #tpu.memory_space<hbm>> -> memref<16384x128xf32, #tpu.memory_space<hbm>>
    tpu.enqueue_indirect_dma source(%dma_start3A_62 : memref<16384x128xf32, #tpu.memory_space<hbm>>) target(%arg7 : memref<128x128xf32, #tpu.memory_space<vmem>>) offsets(%dma_start3A_59 : memref<128xi32, #tpu.memory_space<vmem>>) semaphore(%arg9 : memref<!tpu.dma_semaphore, #tpu.memory_space<semaphore_mem>>)
    %dma_wait3A_63 = arith.constant 256 : i32
    %dma_wait3A_64 = tpu.memref_slice %arg5[%dma_wait3A_63] : memref<1024xi32, #tpu.memory_space<vmem>> -> memref<128xi32, #tpu.memory_space<vmem>>
    %dma_wait3A_65 = arith.constant 0 : i32
    %dma_wait3A_66 = arith.constant 0 : i32
    %dma_wait3A_67 = tpu.memref_slice %arg2[%dma_wait3A_65, %dma_wait3A_66] : memref<16384x128xf32, #tpu.memory_space<hbm>> -> memref<16384x128xf32, #tpu.memory_space<hbm>>
    tpu.wait_indirect_dma semaphore(%arg8 : memref<!tpu.dma_semaphore, #tpu.memory_space<semaphore_mem>>) src(%dma_wait3A_67 : memref<16384x128xf32, #tpu.memory_space<hbm>>) dst(%arg6 : memref<128x128xf32, #tpu.memory_space<vmem>>)
    %dma_start3A_68 = arith.constant 0 : i32
    %dma_start3A_69 = tpu.memref_slice %arg4[%add3A_8, %dma_start3A_68] : memref<32768x128xf32, #tpu.memory_space<hbm>> -> memref<128x128xf32, #tpu.memory_space<hbm>>
    %dma_start3A_70 = arith.constant 0 : i32
    %dma_start3A_71 = tpu.memref_slice %arg4[%add3A_8, %dma_start3A_70] : memref<32768x128xf32, #tpu.memory_space<hbm>> -> memref<128x128xf32, #tpu.memory_space<hbm>>
    tpu.enqueue_dma source(%arg6 : memref<128x128xf32, #tpu.memory_space<vmem>>) target(%dma_start3A_71 : memref<128x128xf32, #tpu.memory_space<hbm>>) target_semaphore(%arg10 : memref<!tpu.dma_semaphore, #tpu.memory_space<semaphore_mem>>)
    %dma_wait3A_72 = arith.constant 0 : i32
    %dma_wait3A_73 = tpu.memref_slice %arg4[%add3A_8, %dma_wait3A_72] : memref<32768x128xf32, #tpu.memory_space<hbm>> -> memref<128x128xf32, #tpu.memory_space<hbm>>
    %dma_wait3A_74 = arith.constant 0 : i32
    %dma_wait3A_75 = tpu.memref_slice %arg4[%add3A_8, %dma_wait3A_74] : memref<32768x128xf32, #tpu.memory_space<hbm>> -> memref<128x128xf32, #tpu.memory_space<hbm>>
    tpu.wait_dma2 semaphore(%arg10 : memref<!tpu.dma_semaphore, #tpu.memory_space<semaphore_mem>>) src(%arg6 : memref<128x128xf32, #tpu.memory_space<vmem>>) dst(%dma_wait3A_75 : memref<128x128xf32, #tpu.memory_space<hbm>>)
    %dma_start3A_76 = arith.constant 512 : i32
    %dma_start3A_77 = tpu.memref_slice %arg5[%dma_start3A_76] : memref<1024xi32, #tpu.memory_space<vmem>> -> memref<128xi32, #tpu.memory_space<vmem>>
    %dma_start3A_78 = arith.constant 0 : i32
    %dma_start3A_79 = arith.constant 0 : i32
    %dma_start3A_80 = tpu.memref_slice %arg2[%dma_start3A_78, %dma_start3A_79] : memref<16384x128xf32, #tpu.memory_space<hbm>> -> memref<16384x128xf32, #tpu.memory_space<hbm>>
    tpu.enqueue_indirect_dma source(%dma_start3A_80 : memref<16384x128xf32, #tpu.memory_space<hbm>>) target(%arg6 : memref<128x128xf32, #tpu.memory_space<vmem>>) offsets(%dma_start3A_77 : memref<128xi32, #tpu.memory_space<vmem>>) semaphore(%arg8 : memref<!tpu.dma_semaphore, #tpu.memory_space<semaphore_mem>>)
    %dma_wait3A_81 = arith.constant 384 : i32
    %dma_wait3A_82 = tpu.memref_slice %arg5[%dma_wait3A_81] : memref<1024xi32, #tpu.memory_space<vmem>> -> memref<128xi32, #tpu.memory_space<vmem>>
    %dma_wait3A_83 = arith.constant 0 : i32
    %dma_wait3A_84 = arith.constant 0 : i32
    %dma_wait3A_85 = tpu.memref_slice %arg2[%dma_wait3A_83, %dma_wait3A_84] : memref<16384x128xf32, #tpu.memory_space<hbm>> -> memref<16384x128xf32, #tpu.memory_space<hbm>>
    tpu.wait_indirect_dma semaphore(%arg9 : memref<!tpu.dma_semaphore, #tpu.memory_space<semaphore_mem>>) src(%dma_wait3A_85 : memref<16384x128xf32, #tpu.memory_space<hbm>>) dst(%arg7 : memref<128x128xf32, #tpu.memory_space<vmem>>)
    %dma_start3A_86 = arith.constant 0 : i32
    %dma_start3A_87 = tpu.memref_slice %arg4[%add3A_10, %dma_start3A_86] : memref<32768x128xf32, #tpu.memory_space<hbm>> -> memref<128x128xf32, #tpu.memory_space<hbm>>
    %dma_start3A_88 = arith.constant 0 : i32
    %dma_start3A_89 = tpu.memref_slice %arg4[%add3A_10, %dma_start3A_88] : memref<32768x128xf32, #tpu.memory_space<hbm>> -> memref<128x128xf32, #tpu.memory_space<hbm>>
    tpu.enqueue_dma source(%arg7 : memref<128x128xf32, #tpu.memory_space<vmem>>) target(%dma_start3A_89 : memref<128x128xf32, #tpu.memory_space<hbm>>) target_semaphore(%arg11 : memref<!tpu.dma_semaphore, #tpu.memory_space<semaphore_mem>>)
    %dma_wait3A_90 = arith.constant 0 : i32
    %dma_wait3A_91 = tpu.memref_slice %arg4[%add3A_10, %dma_wait3A_90] : memref<32768x128xf32, #tpu.memory_space<hbm>> -> memref<128x128xf32, #tpu.memory_space<hbm>>
    %dma_wait3A_92 = arith.constant 0 : i32
    %dma_wait3A_93 = tpu.memref_slice %arg4[%add3A_10, %dma_wait3A_92] : memref<32768x128xf32, #tpu.memory_space<hbm>> -> memref<128x128xf32, #tpu.memory_space<hbm>>
    tpu.wait_dma2 semaphore(%arg11 : memref<!tpu.dma_semaphore, #tpu.memory_space<semaphore_mem>>) src(%arg7 : memref<128x128xf32, #tpu.memory_space<vmem>>) dst(%dma_wait3A_93 : memref<128x128xf32, #tpu.memory_space<hbm>>)
    %dma_start3A_94 = arith.constant 640 : i32
    %dma_start3A_95 = tpu.memref_slice %arg5[%dma_start3A_94] : memref<1024xi32, #tpu.memory_space<vmem>> -> memref<128xi32, #tpu.memory_space<vmem>>
    %dma_start3A_96 = arith.constant 0 : i32
    %dma_start3A_97 = arith.constant 0 : i32
    %dma_start3A_98 = tpu.memref_slice %arg2[%dma_start3A_96, %dma_start3A_97] : memref<16384x128xf32, #tpu.memory_space<hbm>> -> memref<16384x128xf32, #tpu.memory_space<hbm>>
    tpu.enqueue_indirect_dma source(%dma_start3A_98 : memref<16384x128xf32, #tpu.memory_space<hbm>>) target(%arg7 : memref<128x128xf32, #tpu.memory_space<vmem>>) offsets(%dma_start3A_95 : memref<128xi32, #tpu.memory_space<vmem>>) semaphore(%arg9 : memref<!tpu.dma_semaphore, #tpu.memory_space<semaphore_mem>>)
    %dma_wait3A_99 = arith.constant 512 : i32
    %dma_wait3A_100 = tpu.memref_slice %arg5[%dma_wait3A_99] : memref<1024xi32, #tpu.memory_space<vmem>> -> memref<128xi32, #tpu.memory_space<vmem>>
    %dma_wait3A_101 = arith.constant 0 : i32
    %dma_wait3A_102 = arith.constant 0 : i32
    %dma_wait3A_103 = tpu.memref_slice %arg2[%dma_wait3A_101, %dma_wait3A_102] : memref<16384x128xf32, #tpu.memory_space<hbm>> -> memref<16384x128xf32, #tpu.memory_space<hbm>>
    tpu.wait_indirect_dma semaphore(%arg8 : memref<!tpu.dma_semaphore, #tpu.memory_space<semaphore_mem>>) src(%dma_wait3A_103 : memref<16384x128xf32, #tpu.memory_space<hbm>>) dst(%arg6 : memref<128x128xf32, #tpu.memory_space<vmem>>)
    %dma_start3A_104 = arith.constant 0 : i32
    %dma_start3A_105 = tpu.memref_slice %arg4[%add3A_12, %dma_start3A_104] : memref<32768x128xf32, #tpu.memory_space<hbm>> -> memref<128x128xf32, #tpu.memory_space<hbm>>
    %dma_start3A_106 = arith.constant 0 : i32
    %dma_start3A_107 = tpu.memref_slice %arg4[%add3A_12, %dma_start3A_106] : memref<32768x128xf32, #tpu.memory_space<hbm>> -> memref<128x128xf32, #tpu.memory_space<hbm>>
    tpu.enqueue_dma source(%arg6 : memref<128x128xf32, #tpu.memory_space<vmem>>) target(%dma_start3A_107 : memref<128x128xf32, #tpu.memory_space<hbm>>) target_semaphore(%arg10 : memref<!tpu.dma_semaphore, #tpu.memory_space<semaphore_mem>>)
    %dma_wait3A_108 = arith.constant 0 : i32
    %dma_wait3A_109 = tpu.memref_slice %arg4[%add3A_12, %dma_wait3A_108] : memref<32768x128xf32, #tpu.memory_space<hbm>> -> memref<128x128xf32, #tpu.memory_space<hbm>>
    %dma_wait3A_110 = arith.constant 0 : i32
    %dma_wait3A_111 = tpu.memref_slice %arg4[%add3A_12, %dma_wait3A_110] : memref<32768x128xf32, #tpu.memory_space<hbm>> -> memref<128x128xf32, #tpu.memory_space<hbm>>
    tpu.wait_dma2 semaphore(%arg10 : memref<!tpu.dma_semaphore, #tpu.memory_space<semaphore_mem>>) src(%arg6 : memref<128x128xf32, #tpu.memory_space<vmem>>) dst(%dma_wait3A_111 : memref<128x128xf32, #tpu.memory_space<hbm>>)
    %dma_start3A_112 = arith.constant 768 : i32
    %dma_start3A_113 = tpu.memref_slice %arg5[%dma_start3A_112] : memref<1024xi32, #tpu.memory_space<vmem>> -> memref<128xi32, #tpu.memory_space<vmem>>
    %dma_start3A_114 = arith.constant 0 : i32
    %dma_start3A_115 = arith.constant 0 : i32
    %dma_start3A_116 = tpu.memref_slice %arg2[%dma_start3A_114, %dma_start3A_115] : memref<16384x128xf32, #tpu.memory_space<hbm>> -> memref<16384x128xf32, #tpu.memory_space<hbm>>
    tpu.enqueue_indirect_dma source(%dma_start3A_116 : memref<16384x128xf32, #tpu.memory_space<hbm>>) target(%arg6 : memref<128x128xf32, #tpu.memory_space<vmem>>) offsets(%dma_start3A_113 : memref<128xi32, #tpu.memory_space<vmem>>) semaphore(%arg8 : memref<!tpu.dma_semaphore, #tpu.memory_space<semaphore_mem>>)
    %dma_wait3A_117 = arith.constant 640 : i32
    %dma_wait3A_118 = tpu.memref_slice %arg5[%dma_wait3A_117] : memref<1024xi32, #tpu.memory_space<vmem>> -> memref<128xi32, #tpu.memory_space<vmem>>
    %dma_wait3A_119 = arith.constant 0 : i32
    %dma_wait3A_120 = arith.constant 0 : i32
    %dma_wait3A_121 = tpu.memref_slice %arg2[%dma_wait3A_119, %dma_wait3A_120] : memref<16384x128xf32, #tpu.memory_space<hbm>> -> memref<16384x128xf32, #tpu.memory_space<hbm>>
    tpu.wait_indirect_dma semaphore(%arg9 : memref<!tpu.dma_semaphore, #tpu.memory_space<semaphore_mem>>) src(%dma_wait3A_121 : memref<16384x128xf32, #tpu.memory_space<hbm>>) dst(%arg7 : memref<128x128xf32, #tpu.memory_space<vmem>>)
    %dma_start3A_122 = arith.constant 0 : i32
    %dma_start3A_123 = tpu.memref_slice %arg4[%add3A_14, %dma_start3A_122] : memref<32768x128xf32, #tpu.memory_space<hbm>> -> memref<128x128xf32, #tpu.memory_space<hbm>>
    %dma_start3A_124 = arith.constant 0 : i32
    %dma_start3A_125 = tpu.memref_slice %arg4[%add3A_14, %dma_start3A_124] : memref<32768x128xf32, #tpu.memory_space<hbm>> -> memref<128x128xf32, #tpu.memory_space<hbm>>
    tpu.enqueue_dma source(%arg7 : memref<128x128xf32, #tpu.memory_space<vmem>>) target(%dma_start3A_125 : memref<128x128xf32, #tpu.memory_space<hbm>>) target_semaphore(%arg11 : memref<!tpu.dma_semaphore, #tpu.memory_space<semaphore_mem>>)
    %dma_wait3A_126 = arith.constant 0 : i32
    %dma_wait3A_127 = tpu.memref_slice %arg4[%add3A_14, %dma_wait3A_126] : memref<32768x128xf32, #tpu.memory_space<hbm>> -> memref<128x128xf32, #tpu.memory_space<hbm>>
    %dma_wait3A_128 = arith.constant 0 : i32
    %dma_wait3A_129 = tpu.memref_slice %arg4[%add3A_14, %dma_wait3A_128] : memref<32768x128xf32, #tpu.memory_space<hbm>> -> memref<128x128xf32, #tpu.memory_space<hbm>>
    tpu.wait_dma2 semaphore(%arg11 : memref<!tpu.dma_semaphore, #tpu.memory_space<semaphore_mem>>) src(%arg7 : memref<128x128xf32, #tpu.memory_space<vmem>>) dst(%dma_wait3A_129 : memref<128x128xf32, #tpu.memory_space<hbm>>)
    %dma_start3A_130 = arith.constant 896 : i32
    %dma_start3A_131 = tpu.memref_slice %arg5[%dma_start3A_130] : memref<1024xi32, #tpu.memory_space<vmem>> -> memref<128xi32, #tpu.memory_space<vmem>>
    %dma_start3A_132 = arith.constant 0 : i32
    %dma_start3A_133 = arith.constant 0 : i32
    %dma_start3A_134 = tpu.memref_slice %arg2[%dma_start3A_132, %dma_start3A_133] : memref<16384x128xf32, #tpu.memory_space<hbm>> -> memref<16384x128xf32, #tpu.memory_space<hbm>>
    tpu.enqueue_indirect_dma source(%dma_start3A_134 : memref<16384x128xf32, #tpu.memory_space<hbm>>) target(%arg7 : memref<128x128xf32, #tpu.memory_space<vmem>>) offsets(%dma_start3A_131 : memref<128xi32, #tpu.memory_space<vmem>>) semaphore(%arg9 : memref<!tpu.dma_semaphore, #tpu.memory_space<semaphore_mem>>)
    %dma_wait3A_135 = arith.constant 768 : i32
    %dma_wait3A_136 = tpu.memref_slice %arg5[%dma_wait3A_135] : memref<1024xi32, #tpu.memory_space<vmem>> -> memref<128xi32, #tpu.memory_space<vmem>>
    %dma_wait3A_137 = arith.constant 0 : i32
    %dma_wait3A_138 = arith.constant 0 : i32
    %dma_wait3A_139 = tpu.memref_slice %arg2[%dma_wait3A_137, %dma_wait3A_138] : memref<16384x128xf32, #tpu.memory_space<hbm>> -> memref<16384x128xf32, #tpu.memory_space<hbm>>
    tpu.wait_indirect_dma semaphore(%arg8 : memref<!tpu.dma_semaphore, #tpu.memory_space<semaphore_mem>>) src(%dma_wait3A_139 : memref<16384x128xf32, #tpu.memory_space<hbm>>) dst(%arg6 : memref<128x128xf32, #tpu.memory_space<vmem>>)
    %dma_start3A_140 = arith.constant 0 : i32
    %dma_start3A_141 = tpu.memref_slice %arg4[%add3A_16, %dma_start3A_140] : memref<32768x128xf32, #tpu.memory_space<hbm>> -> memref<128x128xf32, #tpu.memory_space<hbm>>
    %dma_start3A_142 = arith.constant 0 : i32
    %dma_start3A_143 = tpu.memref_slice %arg4[%add3A_16, %dma_start3A_142] : memref<32768x128xf32, #tpu.memory_space<hbm>> -> memref<128x128xf32, #tpu.memory_space<hbm>>
    tpu.enqueue_dma source(%arg6 : memref<128x128xf32, #tpu.memory_space<vmem>>) target(%dma_start3A_143 : memref<128x128xf32, #tpu.memory_space<hbm>>) target_semaphore(%arg10 : memref<!tpu.dma_semaphore, #tpu.memory_space<semaphore_mem>>)
    %dma_wait3A_144 = arith.constant 896 : i32
    %dma_wait3A_145 = tpu.memref_slice %arg5[%dma_wait3A_144] : memref<1024xi32, #tpu.memory_space<vmem>> -> memref<128xi32, #tpu.memory_space<vmem>>
    %dma_wait3A_146 = arith.constant 0 : i32
    %dma_wait3A_147 = arith.constant 0 : i32
    %dma_wait3A_148 = tpu.memref_slice %arg2[%dma_wait3A_146, %dma_wait3A_147] : memref<16384x128xf32, #tpu.memory_space<hbm>> -> memref<16384x128xf32, #tpu.memory_space<hbm>>
    tpu.wait_indirect_dma semaphore(%arg9 : memref<!tpu.dma_semaphore, #tpu.memory_space<semaphore_mem>>) src(%dma_wait3A_148 : memref<16384x128xf32, #tpu.memory_space<hbm>>) dst(%arg7 : memref<128x128xf32, #tpu.memory_space<vmem>>)
    %dma_start3A_149 = arith.constant 0 : i32
    %dma_start3A_150 = tpu.memref_slice %arg4[%add3A_18, %dma_start3A_149] : memref<32768x128xf32, #tpu.memory_space<hbm>> -> memref<128x128xf32, #tpu.memory_space<hbm>>
    %dma_start3A_151 = arith.constant 0 : i32
    %dma_start3A_152 = tpu.memref_slice %arg4[%add3A_18, %dma_start3A_151] : memref<32768x128xf32, #tpu.memory_space<hbm>> -> memref<128x128xf32, #tpu.memory_space<hbm>>
    tpu.enqueue_dma source(%arg7 : memref<128x128xf32, #tpu.memory_space<vmem>>) target(%dma_start3A_152 : memref<128x128xf32, #tpu.memory_space<hbm>>) target_semaphore(%arg11 : memref<!tpu.dma_semaphore, #tpu.memory_space<semaphore_mem>>)
    %dma_wait3A_153 = arith.constant 0 : i32
    %dma_wait3A_154 = tpu.memref_slice %arg4[%add3A_16, %dma_wait3A_153] : memref<32768x128xf32, #tpu.memory_space<hbm>> -> memref<128x128xf32, #tpu.memory_space<hbm>>
    %dma_wait3A_155 = arith.constant 0 : i32
    %dma_wait3A_156 = tpu.memref_slice %arg4[%add3A_16, %dma_wait3A_155] : memref<32768x128xf32, #tpu.memory_space<hbm>> -> memref<128x128xf32, #tpu.memory_space<hbm>>
    tpu.wait_dma2 semaphore(%arg10 : memref<!tpu.dma_semaphore, #tpu.memory_space<semaphore_mem>>) src(%arg6 : memref<128x128xf32, #tpu.memory_space<vmem>>) dst(%dma_wait3A_156 : memref<128x128xf32, #tpu.memory_space<hbm>>)
    %dma_wait3A_157 = arith.constant 0 : i32
    %dma_wait3A_158 = tpu.memref_slice %arg4[%add3A_18, %dma_wait3A_157] : memref<32768x128xf32, #tpu.memory_space<hbm>> -> memref<128x128xf32, #tpu.memory_space<hbm>>
    %dma_wait3A_159 = arith.constant 0 : i32
    %dma_wait3A_160 = tpu.memref_slice %arg4[%add3A_18, %dma_wait3A_159] : memref<32768x128xf32, #tpu.memory_space<hbm>> -> memref<128x128xf32, #tpu.memory_space<hbm>>
    tpu.wait_dma2 semaphore(%arg11 : memref<!tpu.dma_semaphore, #tpu.memory_space<semaphore_mem>>) src(%arg7 : memref<128x128xf32, #tpu.memory_space<vmem>>) dst(%dma_wait3A_160 : memref<128x128xf32, #tpu.memory_space<hbm>>)
    return
  }
}

#map = affine_map<(d0, d1) -> (0, 0)>
module attributes {stable_mosaic.version = 14 : i64} {
  func.func @k(%arg0: i32, %arg1: i32, %arg2: memref<32768x128xf32, #tpu.memory_space<hbm>>, %arg3: memref<256x128xi32, #tpu.memory_space<hbm>>, %arg4: memref<512x128xf32, #tpu.memory_space<hbm>>, %arg5: memref<16384x128xf32, #tpu.memory_space<hbm>>, %arg6: memref<8x128xi32, #tpu.memory_space<vmem>>, %arg7: memref<128x128xf32, #tpu.memory_space<vmem>>, %arg8: memref<128x128xf32, #tpu.memory_space<vmem>>, %arg9: memref<8192x128xf32, #tpu.memory_space<vmem_shared>>, %arg10: memref<!tpu.dma_semaphore, #tpu.memory_space<semaphore_mem>>, %arg11: memref<!tpu.dma_semaphore, #tpu.memory_space<semaphore_mem>>, %arg12: memref<!tpu.dma_semaphore, #tpu.memory_space<semaphore_mem>>, %arg13: memref<!tpu.dma_semaphore, #tpu.memory_space<semaphore_mem>>) attributes {dimension_semantics = [#tpu.dimension_semantics<core_parallel>, #tpu.dimension_semantics<subcore_parallel>], iteration_bounds = array<i64: 2, 16>, scalar_prefetch = 0 : i64, scratch_operands = 8 : i64, tpu.core_type = #tpu.core_type<sc_vector_subcore>, window_params = [{transform_indices = #map}, {transform_indices = #map}, {transform_indices = #map}, {transform_indices = #map}]} {
    %mul3A = arith.constant 512 : i32
    %mul3A_0 = arith.muli %arg1, %mul3A : i32
    "tpu.region"() ({
      %run_scoped3A = tpu.sem_alloc : memref<!tpu.dma_semaphore, #tpu.memory_space<semaphore_mem>>
      %dma_start3A_219 = arith.constant 0 : i32
      %dma_start3A_220 = tpu.memref_slice %arg9[%mul3A_0, %dma_start3A_219] : memref<8192x128xf32, #tpu.memory_space<vmem_shared>> -> memref<512x128xf32, #tpu.memory_space<vmem_shared>>
      tpu.enqueue_dma source(%arg4 : memref<512x128xf32, #tpu.memory_space<hbm>>) target(%dma_start3A_220 : memref<512x128xf32, #tpu.memory_space<vmem_shared>>) target_semaphore(%run_scoped3A : memref<!tpu.dma_semaphore, #tpu.memory_space<semaphore_mem>>)
      %dma_wait3A_221 = arith.constant 0 : i32
      %dma_wait3A_222 = tpu.memref_slice %arg9[%mul3A_0, %dma_wait3A_221] : memref<8192x128xf32, #tpu.memory_space<vmem_shared>> -> memref<512x128xf32, #tpu.memory_space<vmem_shared>>
      tpu.wait_dma2 semaphore(%run_scoped3A : memref<!tpu.dma_semaphore, #tpu.memory_space<semaphore_mem>>) src(%arg4 : memref<512x128xf32, #tpu.memory_space<hbm>>) dst(%dma_wait3A_222 : memref<512x128xf32, #tpu.memory_space<vmem_shared>>)
      tpu.yield
    }) : () -> ()
    %mul3A_1 = arith.constant 128 : i32
    %mul3A_2 = arith.muli %arg0, %mul3A_1 : i32
    %mul3A_3 = arith.constant 8 : i32
    %mul3A_4 = arith.muli %arg1, %mul3A_3 : i32
    %add3A = arith.addi %mul3A_2, %mul3A_4 : i32
    "tpu.region"() ({
      %run_scoped3A = tpu.sem_alloc : memref<!tpu.dma_semaphore, #tpu.memory_space<semaphore_mem>>
      %dma_start3A_219 = arith.constant 0 : i32
      %dma_start3A_220 = tpu.memref_slice %arg3[%add3A, %dma_start3A_219] : memref<256x128xi32, #tpu.memory_space<hbm>> -> memref<8x128xi32, #tpu.memory_space<hbm>>
      %dma_start3A_221 = arith.constant 0 : i32
      %dma_start3A_222 = tpu.memref_slice %arg3[%add3A, %dma_start3A_221] : memref<256x128xi32, #tpu.memory_space<hbm>> -> memref<8x128xi32, #tpu.memory_space<hbm>>
      tpu.enqueue_dma source(%dma_start3A_222 : memref<8x128xi32, #tpu.memory_space<hbm>>) target(%arg6 : memref<8x128xi32, #tpu.memory_space<vmem>>) target_semaphore(%run_scoped3A : memref<!tpu.dma_semaphore, #tpu.memory_space<semaphore_mem>>)
      %dma_wait3A_223 = arith.constant 0 : i32
      %dma_wait3A_224 = tpu.memref_slice %arg3[%add3A, %dma_wait3A_223] : memref<256x128xi32, #tpu.memory_space<hbm>> -> memref<8x128xi32, #tpu.memory_space<hbm>>
      %dma_wait3A_225 = arith.constant 0 : i32
      %dma_wait3A_226 = tpu.memref_slice %arg3[%add3A, %dma_wait3A_225] : memref<256x128xi32, #tpu.memory_space<hbm>> -> memref<8x128xi32, #tpu.memory_space<hbm>>
      tpu.wait_dma2 semaphore(%run_scoped3A : memref<!tpu.dma_semaphore, #tpu.memory_space<semaphore_mem>>) src(%dma_wait3A_226 : memref<8x128xi32, #tpu.memory_space<hbm>>) dst(%arg6 : memref<8x128xi32, #tpu.memory_space<vmem>>)
      tpu.yield
    }) : () -> ()
    %barrier3A = arith.constant 0 : index
    tpu.barrier barrier_id(%barrier3A)
    %add3A_5 = arith.constant 0 : i32
    %add3A_6 = arith.addi %add3A, %add3A_5 : i32
    %mul3A_7 = arith.constant 128 : i32
    %mul3A_8 = arith.muli %add3A_6, %mul3A_7 : i32
    %dma_start3A = arith.constant 0 : i32
    %dma_start3A_9 = tpu.memref_slice %arg2[%mul3A_8, %dma_start3A] : memref<32768x128xf32, #tpu.memory_space<hbm>> -> memref<128x128xf32, #tpu.memory_space<hbm>>
    %dma_start3A_10 = arith.constant 0 : i32
    %dma_start3A_11 = tpu.memref_slice %arg2[%mul3A_8, %dma_start3A_10] : memref<32768x128xf32, #tpu.memory_space<hbm>> -> memref<128x128xf32, #tpu.memory_space<hbm>>
    tpu.enqueue_dma source(%dma_start3A_11 : memref<128x128xf32, #tpu.memory_space<hbm>>) target(%arg7 : memref<128x128xf32, #tpu.memory_space<vmem>>) target_semaphore(%arg10 : memref<!tpu.dma_semaphore, #tpu.memory_space<semaphore_mem>>)
    %add3A_12 = arith.constant 1 : i32
    %add3A_13 = arith.addi %add3A, %add3A_12 : i32
    %mul3A_14 = arith.constant 128 : i32
    %mul3A_15 = arith.muli %add3A_13, %mul3A_14 : i32
    %dma_start3A_16 = arith.constant 0 : i32
    %dma_start3A_17 = tpu.memref_slice %arg2[%mul3A_15, %dma_start3A_16] : memref<32768x128xf32, #tpu.memory_space<hbm>> -> memref<128x128xf32, #tpu.memory_space<hbm>>
    %dma_start3A_18 = arith.constant 0 : i32
    %dma_start3A_19 = tpu.memref_slice %arg2[%mul3A_15, %dma_start3A_18] : memref<32768x128xf32, #tpu.memory_space<hbm>> -> memref<128x128xf32, #tpu.memory_space<hbm>>
    tpu.enqueue_dma source(%dma_start3A_19 : memref<128x128xf32, #tpu.memory_space<hbm>>) target(%arg8 : memref<128x128xf32, #tpu.memory_space<vmem>>) target_semaphore(%arg11 : memref<!tpu.dma_semaphore, #tpu.memory_space<semaphore_mem>>)
    %dma_wait3A = arith.constant 0 : i32
    %dma_wait3A_20 = tpu.memref_slice %arg2[%mul3A_8, %dma_wait3A] : memref<32768x128xf32, #tpu.memory_space<hbm>> -> memref<128x128xf32, #tpu.memory_space<hbm>>
    %dma_wait3A_21 = arith.constant 0 : i32
    %dma_wait3A_22 = tpu.memref_slice %arg2[%mul3A_8, %dma_wait3A_21] : memref<32768x128xf32, #tpu.memory_space<hbm>> -> memref<128x128xf32, #tpu.memory_space<hbm>>
    tpu.wait_dma2 semaphore(%arg10 : memref<!tpu.dma_semaphore, #tpu.memory_space<semaphore_mem>>) src(%dma_wait3A_22 : memref<128x128xf32, #tpu.memory_space<hbm>>) dst(%arg7 : memref<128x128xf32, #tpu.memory_space<vmem>>)
    %dma_start3A_23 = arith.constant 0 : i32
    %dma_start3A_24 = arith.constant 0 : i32
    %dma_start3A_25 = tpu.memref_slice %arg6[%dma_start3A_23, %dma_start3A_24] : memref<8x128xi32, #tpu.memory_space<vmem>> -> memref<1x128xi32, #tpu.memory_space<vmem>>
    %dma_start3A_26 = tpu.memref_squeeze %dma_start3A_25 : memref<1x128xi32, #tpu.memory_space<vmem>> -> memref<128xi32, #tpu.memory_space<vmem>>
    %dma_start3A_27 = arith.constant 0 : i32
    %dma_start3A_28 = arith.constant 0 : i32
    %dma_start3A_29 = tpu.memref_slice %arg9[%dma_start3A_27, %dma_start3A_28] : memref<8192x128xf32, #tpu.memory_space<vmem_shared>> -> memref<8192x128xf32, #tpu.memory_space<vmem_shared>>
    tpu.enqueue_indirect_dma source(%arg7 : memref<128x128xf32, #tpu.memory_space<vmem>>) target(%dma_start3A_29 : memref<8192x128xf32, #tpu.memory_space<vmem_shared>>) offsets(%dma_start3A_26 : memref<128xi32, #tpu.memory_space<vmem>>) semaphore(%arg12 : memref<!tpu.dma_semaphore, #tpu.memory_space<semaphore_mem>>) {add = true}
    %dma_wait3A_30 = arith.constant 0 : i32
    %dma_wait3A_31 = arith.constant 0 : i32
    %dma_wait3A_32 = tpu.memref_slice %arg6[%dma_wait3A_30, %dma_wait3A_31] : memref<8x128xi32, #tpu.memory_space<vmem>> -> memref<1x128xi32, #tpu.memory_space<vmem>>
    %dma_wait3A_33 = tpu.memref_squeeze %dma_wait3A_32 : memref<1x128xi32, #tpu.memory_space<vmem>> -> memref<128xi32, #tpu.memory_space<vmem>>
    %dma_wait3A_34 = arith.constant 0 : i32
    %dma_wait3A_35 = arith.constant 0 : i32
    %dma_wait3A_36 = tpu.memref_slice %arg9[%dma_wait3A_34, %dma_wait3A_35] : memref<8192x128xf32, #tpu.memory_space<vmem_shared>> -> memref<8192x128xf32, #tpu.memory_space<vmem_shared>>
    tpu.wait_indirect_dma semaphore(%arg12 : memref<!tpu.dma_semaphore, #tpu.memory_space<semaphore_mem>>) src(%arg7 : memref<128x128xf32, #tpu.memory_space<vmem>>) dst(%dma_wait3A_36 : memref<8192x128xf32, #tpu.memory_space<vmem_shared>>)
    %add3A_37 = arith.constant 2 : i32
    %add3A_38 = arith.addi %add3A, %add3A_37 : i32
    %mul3A_39 = arith.constant 128 : i32
    %mul3A_40 = arith.muli %add3A_38, %mul3A_39 : i32
    %dma_start3A_41 = arith.constant 0 : i32
    %dma_start3A_42 = tpu.memref_slice %arg2[%mul3A_40, %dma_start3A_41] : memref<32768x128xf32, #tpu.memory_space<hbm>> -> memref<128x128xf32, #tpu.memory_space<hbm>>
    %dma_start3A_43 = arith.constant 0 : i32
    %dma_start3A_44 = tpu.memref_slice %arg2[%mul3A_40, %dma_start3A_43] : memref<32768x128xf32, #tpu.memory_space<hbm>> -> memref<128x128xf32, #tpu.memory_space<hbm>>
    tpu.enqueue_dma source(%dma_start3A_44 : memref<128x128xf32, #tpu.memory_space<hbm>>) target(%arg7 : memref<128x128xf32, #tpu.memory_space<vmem>>) target_semaphore(%arg10 : memref<!tpu.dma_semaphore, #tpu.memory_space<semaphore_mem>>)
    %dma_wait3A_45 = arith.constant 0 : i32
    %dma_wait3A_46 = tpu.memref_slice %arg2[%mul3A_15, %dma_wait3A_45] : memref<32768x128xf32, #tpu.memory_space<hbm>> -> memref<128x128xf32, #tpu.memory_space<hbm>>
    %dma_wait3A_47 = arith.constant 0 : i32
    %dma_wait3A_48 = tpu.memref_slice %arg2[%mul3A_15, %dma_wait3A_47] : memref<32768x128xf32, #tpu.memory_space<hbm>> -> memref<128x128xf32, #tpu.memory_space<hbm>>
    tpu.wait_dma2 semaphore(%arg11 : memref<!tpu.dma_semaphore, #tpu.memory_space<semaphore_mem>>) src(%dma_wait3A_48 : memref<128x128xf32, #tpu.memory_space<hbm>>) dst(%arg8 : memref<128x128xf32, #tpu.memory_space<vmem>>)
    %dma_start3A_49 = arith.constant 1 : i32
    %dma_start3A_50 = arith.constant 0 : i32
    %dma_start3A_51 = tpu.memref_slice %arg6[%dma_start3A_49, %dma_start3A_50] : memref<8x128xi32, #tpu.memory_space<vmem>> -> memref<1x128xi32, #tpu.memory_space<vmem>>
    %dma_start3A_52 = tpu.memref_squeeze %dma_start3A_51 : memref<1x128xi32, #tpu.memory_space<vmem>> -> memref<128xi32, #tpu.memory_space<vmem>>
    %dma_start3A_53 = arith.constant 0 : i32
    %dma_start3A_54 = arith.constant 0 : i32
    %dma_start3A_55 = tpu.memref_slice %arg9[%dma_start3A_53, %dma_start3A_54] : memref<8192x128xf32, #tpu.memory_space<vmem_shared>> -> memref<8192x128xf32, #tpu.memory_space<vmem_shared>>
    tpu.enqueue_indirect_dma source(%arg8 : memref<128x128xf32, #tpu.memory_space<vmem>>) target(%dma_start3A_55 : memref<8192x128xf32, #tpu.memory_space<vmem_shared>>) offsets(%dma_start3A_52 : memref<128xi32, #tpu.memory_space<vmem>>) semaphore(%arg13 : memref<!tpu.dma_semaphore, #tpu.memory_space<semaphore_mem>>) {add = true}
    %dma_wait3A_56 = arith.constant 1 : i32
    %dma_wait3A_57 = arith.constant 0 : i32
    %dma_wait3A_58 = tpu.memref_slice %arg6[%dma_wait3A_56, %dma_wait3A_57] : memref<8x128xi32, #tpu.memory_space<vmem>> -> memref<1x128xi32, #tpu.memory_space<vmem>>
    %dma_wait3A_59 = tpu.memref_squeeze %dma_wait3A_58 : memref<1x128xi32, #tpu.memory_space<vmem>> -> memref<128xi32, #tpu.memory_space<vmem>>
    %dma_wait3A_60 = arith.constant 0 : i32
    %dma_wait3A_61 = arith.constant 0 : i32
    %dma_wait3A_62 = tpu.memref_slice %arg9[%dma_wait3A_60, %dma_wait3A_61] : memref<8192x128xf32, #tpu.memory_space<vmem_shared>> -> memref<8192x128xf32, #tpu.memory_space<vmem_shared>>
    tpu.wait_indirect_dma semaphore(%arg13 : memref<!tpu.dma_semaphore, #tpu.memory_space<semaphore_mem>>) src(%arg8 : memref<128x128xf32, #tpu.memory_space<vmem>>) dst(%dma_wait3A_62 : memref<8192x128xf32, #tpu.memory_space<vmem_shared>>)
    %add3A_63 = arith.constant 3 : i32
    %add3A_64 = arith.addi %add3A, %add3A_63 : i32
    %mul3A_65 = arith.constant 128 : i32
    %mul3A_66 = arith.muli %add3A_64, %mul3A_65 : i32
    %dma_start3A_67 = arith.constant 0 : i32
    %dma_start3A_68 = tpu.memref_slice %arg2[%mul3A_66, %dma_start3A_67] : memref<32768x128xf32, #tpu.memory_space<hbm>> -> memref<128x128xf32, #tpu.memory_space<hbm>>
    %dma_start3A_69 = arith.constant 0 : i32
    %dma_start3A_70 = tpu.memref_slice %arg2[%mul3A_66, %dma_start3A_69] : memref<32768x128xf32, #tpu.memory_space<hbm>> -> memref<128x128xf32, #tpu.memory_space<hbm>>
    tpu.enqueue_dma source(%dma_start3A_70 : memref<128x128xf32, #tpu.memory_space<hbm>>) target(%arg8 : memref<128x128xf32, #tpu.memory_space<vmem>>) target_semaphore(%arg11 : memref<!tpu.dma_semaphore, #tpu.memory_space<semaphore_mem>>)
    %dma_wait3A_71 = arith.constant 0 : i32
    %dma_wait3A_72 = tpu.memref_slice %arg2[%mul3A_40, %dma_wait3A_71] : memref<32768x128xf32, #tpu.memory_space<hbm>> -> memref<128x128xf32, #tpu.memory_space<hbm>>
    %dma_wait3A_73 = arith.constant 0 : i32
    %dma_wait3A_74 = tpu.memref_slice %arg2[%mul3A_40, %dma_wait3A_73] : memref<32768x128xf32, #tpu.memory_space<hbm>> -> memref<128x128xf32, #tpu.memory_space<hbm>>
    tpu.wait_dma2 semaphore(%arg10 : memref<!tpu.dma_semaphore, #tpu.memory_space<semaphore_mem>>) src(%dma_wait3A_74 : memref<128x128xf32, #tpu.memory_space<hbm>>) dst(%arg7 : memref<128x128xf32, #tpu.memory_space<vmem>>)
    %dma_start3A_75 = arith.constant 2 : i32
    %dma_start3A_76 = arith.constant 0 : i32
    %dma_start3A_77 = tpu.memref_slice %arg6[%dma_start3A_75, %dma_start3A_76] : memref<8x128xi32, #tpu.memory_space<vmem>> -> memref<1x128xi32, #tpu.memory_space<vmem>>
    %dma_start3A_78 = tpu.memref_squeeze %dma_start3A_77 : memref<1x128xi32, #tpu.memory_space<vmem>> -> memref<128xi32, #tpu.memory_space<vmem>>
    %dma_start3A_79 = arith.constant 0 : i32
    %dma_start3A_80 = arith.constant 0 : i32
    %dma_start3A_81 = tpu.memref_slice %arg9[%dma_start3A_79, %dma_start3A_80] : memref<8192x128xf32, #tpu.memory_space<vmem_shared>> -> memref<8192x128xf32, #tpu.memory_space<vmem_shared>>
    tpu.enqueue_indirect_dma source(%arg7 : memref<128x128xf32, #tpu.memory_space<vmem>>) target(%dma_start3A_81 : memref<8192x128xf32, #tpu.memory_space<vmem_shared>>) offsets(%dma_start3A_78 : memref<128xi32, #tpu.memory_space<vmem>>) semaphore(%arg12 : memref<!tpu.dma_semaphore, #tpu.memory_space<semaphore_mem>>) {add = true}
    %dma_wait3A_82 = arith.constant 2 : i32
    %dma_wait3A_83 = arith.constant 0 : i32
    %dma_wait3A_84 = tpu.memref_slice %arg6[%dma_wait3A_82, %dma_wait3A_83] : memref<8x128xi32, #tpu.memory_space<vmem>> -> memref<1x128xi32, #tpu.memory_space<vmem>>
    %dma_wait3A_85 = tpu.memref_squeeze %dma_wait3A_84 : memref<1x128xi32, #tpu.memory_space<vmem>> -> memref<128xi32, #tpu.memory_space<vmem>>
    %dma_wait3A_86 = arith.constant 0 : i32
    %dma_wait3A_87 = arith.constant 0 : i32
    %dma_wait3A_88 = tpu.memref_slice %arg9[%dma_wait3A_86, %dma_wait3A_87] : memref<8192x128xf32, #tpu.memory_space<vmem_shared>> -> memref<8192x128xf32, #tpu.memory_space<vmem_shared>>
    tpu.wait_indirect_dma semaphore(%arg12 : memref<!tpu.dma_semaphore, #tpu.memory_space<semaphore_mem>>) src(%arg7 : memref<128x128xf32, #tpu.memory_space<vmem>>) dst(%dma_wait3A_88 : memref<8192x128xf32, #tpu.memory_space<vmem_shared>>)
    %add3A_89 = arith.constant 4 : i32
    %add3A_90 = arith.addi %add3A, %add3A_89 : i32
    %mul3A_91 = arith.constant 128 : i32
    %mul3A_92 = arith.muli %add3A_90, %mul3A_91 : i32
    %dma_start3A_93 = arith.constant 0 : i32
    %dma_start3A_94 = tpu.memref_slice %arg2[%mul3A_92, %dma_start3A_93] : memref<32768x128xf32, #tpu.memory_space<hbm>> -> memref<128x128xf32, #tpu.memory_space<hbm>>
    %dma_start3A_95 = arith.constant 0 : i32
    %dma_start3A_96 = tpu.memref_slice %arg2[%mul3A_92, %dma_start3A_95] : memref<32768x128xf32, #tpu.memory_space<hbm>> -> memref<128x128xf32, #tpu.memory_space<hbm>>
    tpu.enqueue_dma source(%dma_start3A_96 : memref<128x128xf32, #tpu.memory_space<hbm>>) target(%arg7 : memref<128x128xf32, #tpu.memory_space<vmem>>) target_semaphore(%arg10 : memref<!tpu.dma_semaphore, #tpu.memory_space<semaphore_mem>>)
    %dma_wait3A_97 = arith.constant 0 : i32
    %dma_wait3A_98 = tpu.memref_slice %arg2[%mul3A_66, %dma_wait3A_97] : memref<32768x128xf32, #tpu.memory_space<hbm>> -> memref<128x128xf32, #tpu.memory_space<hbm>>
    %dma_wait3A_99 = arith.constant 0 : i32
    %dma_wait3A_100 = tpu.memref_slice %arg2[%mul3A_66, %dma_wait3A_99] : memref<32768x128xf32, #tpu.memory_space<hbm>> -> memref<128x128xf32, #tpu.memory_space<hbm>>
    tpu.wait_dma2 semaphore(%arg11 : memref<!tpu.dma_semaphore, #tpu.memory_space<semaphore_mem>>) src(%dma_wait3A_100 : memref<128x128xf32, #tpu.memory_space<hbm>>) dst(%arg8 : memref<128x128xf32, #tpu.memory_space<vmem>>)
    %dma_start3A_101 = arith.constant 3 : i32
    %dma_start3A_102 = arith.constant 0 : i32
    %dma_start3A_103 = tpu.memref_slice %arg6[%dma_start3A_101, %dma_start3A_102] : memref<8x128xi32, #tpu.memory_space<vmem>> -> memref<1x128xi32, #tpu.memory_space<vmem>>
    %dma_start3A_104 = tpu.memref_squeeze %dma_start3A_103 : memref<1x128xi32, #tpu.memory_space<vmem>> -> memref<128xi32, #tpu.memory_space<vmem>>
    %dma_start3A_105 = arith.constant 0 : i32
    %dma_start3A_106 = arith.constant 0 : i32
    %dma_start3A_107 = tpu.memref_slice %arg9[%dma_start3A_105, %dma_start3A_106] : memref<8192x128xf32, #tpu.memory_space<vmem_shared>> -> memref<8192x128xf32, #tpu.memory_space<vmem_shared>>
    tpu.enqueue_indirect_dma source(%arg8 : memref<128x128xf32, #tpu.memory_space<vmem>>) target(%dma_start3A_107 : memref<8192x128xf32, #tpu.memory_space<vmem_shared>>) offsets(%dma_start3A_104 : memref<128xi32, #tpu.memory_space<vmem>>) semaphore(%arg13 : memref<!tpu.dma_semaphore, #tpu.memory_space<semaphore_mem>>) {add = true}
    %dma_wait3A_108 = arith.constant 3 : i32
    %dma_wait3A_109 = arith.constant 0 : i32
    %dma_wait3A_110 = tpu.memref_slice %arg6[%dma_wait3A_108, %dma_wait3A_109] : memref<8x128xi32, #tpu.memory_space<vmem>> -> memref<1x128xi32, #tpu.memory_space<vmem>>
    %dma_wait3A_111 = tpu.memref_squeeze %dma_wait3A_110 : memref<1x128xi32, #tpu.memory_space<vmem>> -> memref<128xi32, #tpu.memory_space<vmem>>
    %dma_wait3A_112 = arith.constant 0 : i32
    %dma_wait3A_113 = arith.constant 0 : i32
    %dma_wait3A_114 = tpu.memref_slice %arg9[%dma_wait3A_112, %dma_wait3A_113] : memref<8192x128xf32, #tpu.memory_space<vmem_shared>> -> memref<8192x128xf32, #tpu.memory_space<vmem_shared>>
    tpu.wait_indirect_dma semaphore(%arg13 : memref<!tpu.dma_semaphore, #tpu.memory_space<semaphore_mem>>) src(%arg8 : memref<128x128xf32, #tpu.memory_space<vmem>>) dst(%dma_wait3A_114 : memref<8192x128xf32, #tpu.memory_space<vmem_shared>>)
    %add3A_115 = arith.constant 5 : i32
    %add3A_116 = arith.addi %add3A, %add3A_115 : i32
    %mul3A_117 = arith.constant 128 : i32
    %mul3A_118 = arith.muli %add3A_116, %mul3A_117 : i32
    %dma_start3A_119 = arith.constant 0 : i32
    %dma_start3A_120 = tpu.memref_slice %arg2[%mul3A_118, %dma_start3A_119] : memref<32768x128xf32, #tpu.memory_space<hbm>> -> memref<128x128xf32, #tpu.memory_space<hbm>>
    %dma_start3A_121 = arith.constant 0 : i32
    %dma_start3A_122 = tpu.memref_slice %arg2[%mul3A_118, %dma_start3A_121] : memref<32768x128xf32, #tpu.memory_space<hbm>> -> memref<128x128xf32, #tpu.memory_space<hbm>>
    tpu.enqueue_dma source(%dma_start3A_122 : memref<128x128xf32, #tpu.memory_space<hbm>>) target(%arg8 : memref<128x128xf32, #tpu.memory_space<vmem>>) target_semaphore(%arg11 : memref<!tpu.dma_semaphore, #tpu.memory_space<semaphore_mem>>)
    %dma_wait3A_123 = arith.constant 0 : i32
    %dma_wait3A_124 = tpu.memref_slice %arg2[%mul3A_92, %dma_wait3A_123] : memref<32768x128xf32, #tpu.memory_space<hbm>> -> memref<128x128xf32, #tpu.memory_space<hbm>>
    %dma_wait3A_125 = arith.constant 0 : i32
    %dma_wait3A_126 = tpu.memref_slice %arg2[%mul3A_92, %dma_wait3A_125] : memref<32768x128xf32, #tpu.memory_space<hbm>> -> memref<128x128xf32, #tpu.memory_space<hbm>>
    tpu.wait_dma2 semaphore(%arg10 : memref<!tpu.dma_semaphore, #tpu.memory_space<semaphore_mem>>) src(%dma_wait3A_126 : memref<128x128xf32, #tpu.memory_space<hbm>>) dst(%arg7 : memref<128x128xf32, #tpu.memory_space<vmem>>)
    %dma_start3A_127 = arith.constant 4 : i32
    %dma_start3A_128 = arith.constant 0 : i32
    %dma_start3A_129 = tpu.memref_slice %arg6[%dma_start3A_127, %dma_start3A_128] : memref<8x128xi32, #tpu.memory_space<vmem>> -> memref<1x128xi32, #tpu.memory_space<vmem>>
    %dma_start3A_130 = tpu.memref_squeeze %dma_start3A_129 : memref<1x128xi32, #tpu.memory_space<vmem>> -> memref<128xi32, #tpu.memory_space<vmem>>
    %dma_start3A_131 = arith.constant 0 : i32
    %dma_start3A_132 = arith.constant 0 : i32
    %dma_start3A_133 = tpu.memref_slice %arg9[%dma_start3A_131, %dma_start3A_132] : memref<8192x128xf32, #tpu.memory_space<vmem_shared>> -> memref<8192x128xf32, #tpu.memory_space<vmem_shared>>
    tpu.enqueue_indirect_dma source(%arg7 : memref<128x128xf32, #tpu.memory_space<vmem>>) target(%dma_start3A_133 : memref<8192x128xf32, #tpu.memory_space<vmem_shared>>) offsets(%dma_start3A_130 : memref<128xi32, #tpu.memory_space<vmem>>) semaphore(%arg12 : memref<!tpu.dma_semaphore, #tpu.memory_space<semaphore_mem>>) {add = true}
    %dma_wait3A_134 = arith.constant 4 : i32
    %dma_wait3A_135 = arith.constant 0 : i32
    %dma_wait3A_136 = tpu.memref_slice %arg6[%dma_wait3A_134, %dma_wait3A_135] : memref<8x128xi32, #tpu.memory_space<vmem>> -> memref<1x128xi32, #tpu.memory_space<vmem>>
    %dma_wait3A_137 = tpu.memref_squeeze %dma_wait3A_136 : memref<1x128xi32, #tpu.memory_space<vmem>> -> memref<128xi32, #tpu.memory_space<vmem>>
    %dma_wait3A_138 = arith.constant 0 : i32
    %dma_wait3A_139 = arith.constant 0 : i32
    %dma_wait3A_140 = tpu.memref_slice %arg9[%dma_wait3A_138, %dma_wait3A_139] : memref<8192x128xf32, #tpu.memory_space<vmem_shared>> -> memref<8192x128xf32, #tpu.memory_space<vmem_shared>>
    tpu.wait_indirect_dma semaphore(%arg12 : memref<!tpu.dma_semaphore, #tpu.memory_space<semaphore_mem>>) src(%arg7 : memref<128x128xf32, #tpu.memory_space<vmem>>) dst(%dma_wait3A_140 : memref<8192x128xf32, #tpu.memory_space<vmem_shared>>)
    %add3A_141 = arith.constant 6 : i32
    %add3A_142 = arith.addi %add3A, %add3A_141 : i32
    %mul3A_143 = arith.constant 128 : i32
    %mul3A_144 = arith.muli %add3A_142, %mul3A_143 : i32
    %dma_start3A_145 = arith.constant 0 : i32
    %dma_start3A_146 = tpu.memref_slice %arg2[%mul3A_144, %dma_start3A_145] : memref<32768x128xf32, #tpu.memory_space<hbm>> -> memref<128x128xf32, #tpu.memory_space<hbm>>
    %dma_start3A_147 = arith.constant 0 : i32
    %dma_start3A_148 = tpu.memref_slice %arg2[%mul3A_144, %dma_start3A_147] : memref<32768x128xf32, #tpu.memory_space<hbm>> -> memref<128x128xf32, #tpu.memory_space<hbm>>
    tpu.enqueue_dma source(%dma_start3A_148 : memref<128x128xf32, #tpu.memory_space<hbm>>) target(%arg7 : memref<128x128xf32, #tpu.memory_space<vmem>>) target_semaphore(%arg10 : memref<!tpu.dma_semaphore, #tpu.memory_space<semaphore_mem>>)
    %dma_wait3A_149 = arith.constant 0 : i32
    %dma_wait3A_150 = tpu.memref_slice %arg2[%mul3A_118, %dma_wait3A_149] : memref<32768x128xf32, #tpu.memory_space<hbm>> -> memref<128x128xf32, #tpu.memory_space<hbm>>
    %dma_wait3A_151 = arith.constant 0 : i32
    %dma_wait3A_152 = tpu.memref_slice %arg2[%mul3A_118, %dma_wait3A_151] : memref<32768x128xf32, #tpu.memory_space<hbm>> -> memref<128x128xf32, #tpu.memory_space<hbm>>
    tpu.wait_dma2 semaphore(%arg11 : memref<!tpu.dma_semaphore, #tpu.memory_space<semaphore_mem>>) src(%dma_wait3A_152 : memref<128x128xf32, #tpu.memory_space<hbm>>) dst(%arg8 : memref<128x128xf32, #tpu.memory_space<vmem>>)
    %dma_start3A_153 = arith.constant 5 : i32
    %dma_start3A_154 = arith.constant 0 : i32
    %dma_start3A_155 = tpu.memref_slice %arg6[%dma_start3A_153, %dma_start3A_154] : memref<8x128xi32, #tpu.memory_space<vmem>> -> memref<1x128xi32, #tpu.memory_space<vmem>>
    %dma_start3A_156 = tpu.memref_squeeze %dma_start3A_155 : memref<1x128xi32, #tpu.memory_space<vmem>> -> memref<128xi32, #tpu.memory_space<vmem>>
    %dma_start3A_157 = arith.constant 0 : i32
    %dma_start3A_158 = arith.constant 0 : i32
    %dma_start3A_159 = tpu.memref_slice %arg9[%dma_start3A_157, %dma_start3A_158] : memref<8192x128xf32, #tpu.memory_space<vmem_shared>> -> memref<8192x128xf32, #tpu.memory_space<vmem_shared>>
    tpu.enqueue_indirect_dma source(%arg8 : memref<128x128xf32, #tpu.memory_space<vmem>>) target(%dma_start3A_159 : memref<8192x128xf32, #tpu.memory_space<vmem_shared>>) offsets(%dma_start3A_156 : memref<128xi32, #tpu.memory_space<vmem>>) semaphore(%arg13 : memref<!tpu.dma_semaphore, #tpu.memory_space<semaphore_mem>>) {add = true}
    %dma_wait3A_160 = arith.constant 5 : i32
    %dma_wait3A_161 = arith.constant 0 : i32
    %dma_wait3A_162 = tpu.memref_slice %arg6[%dma_wait3A_160, %dma_wait3A_161] : memref<8x128xi32, #tpu.memory_space<vmem>> -> memref<1x128xi32, #tpu.memory_space<vmem>>
    %dma_wait3A_163 = tpu.memref_squeeze %dma_wait3A_162 : memref<1x128xi32, #tpu.memory_space<vmem>> -> memref<128xi32, #tpu.memory_space<vmem>>
    %dma_wait3A_164 = arith.constant 0 : i32
    %dma_wait3A_165 = arith.constant 0 : i32
    %dma_wait3A_166 = tpu.memref_slice %arg9[%dma_wait3A_164, %dma_wait3A_165] : memref<8192x128xf32, #tpu.memory_space<vmem_shared>> -> memref<8192x128xf32, #tpu.memory_space<vmem_shared>>
    tpu.wait_indirect_dma semaphore(%arg13 : memref<!tpu.dma_semaphore, #tpu.memory_space<semaphore_mem>>) src(%arg8 : memref<128x128xf32, #tpu.memory_space<vmem>>) dst(%dma_wait3A_166 : memref<8192x128xf32, #tpu.memory_space<vmem_shared>>)
    %add3A_167 = arith.constant 7 : i32
    %add3A_168 = arith.addi %add3A, %add3A_167 : i32
    %mul3A_169 = arith.constant 128 : i32
    %mul3A_170 = arith.muli %add3A_168, %mul3A_169 : i32
    %dma_start3A_171 = arith.constant 0 : i32
    %dma_start3A_172 = tpu.memref_slice %arg2[%mul3A_170, %dma_start3A_171] : memref<32768x128xf32, #tpu.memory_space<hbm>> -> memref<128x128xf32, #tpu.memory_space<hbm>>
    %dma_start3A_173 = arith.constant 0 : i32
    %dma_start3A_174 = tpu.memref_slice %arg2[%mul3A_170, %dma_start3A_173] : memref<32768x128xf32, #tpu.memory_space<hbm>> -> memref<128x128xf32, #tpu.memory_space<hbm>>
    tpu.enqueue_dma source(%dma_start3A_174 : memref<128x128xf32, #tpu.memory_space<hbm>>) target(%arg8 : memref<128x128xf32, #tpu.memory_space<vmem>>) target_semaphore(%arg11 : memref<!tpu.dma_semaphore, #tpu.memory_space<semaphore_mem>>)
    %dma_wait3A_175 = arith.constant 0 : i32
    %dma_wait3A_176 = tpu.memref_slice %arg2[%mul3A_144, %dma_wait3A_175] : memref<32768x128xf32, #tpu.memory_space<hbm>> -> memref<128x128xf32, #tpu.memory_space<hbm>>
    %dma_wait3A_177 = arith.constant 0 : i32
    %dma_wait3A_178 = tpu.memref_slice %arg2[%mul3A_144, %dma_wait3A_177] : memref<32768x128xf32, #tpu.memory_space<hbm>> -> memref<128x128xf32, #tpu.memory_space<hbm>>
    tpu.wait_dma2 semaphore(%arg10 : memref<!tpu.dma_semaphore, #tpu.memory_space<semaphore_mem>>) src(%dma_wait3A_178 : memref<128x128xf32, #tpu.memory_space<hbm>>) dst(%arg7 : memref<128x128xf32, #tpu.memory_space<vmem>>)
    %dma_start3A_179 = arith.constant 6 : i32
    %dma_start3A_180 = arith.constant 0 : i32
    %dma_start3A_181 = tpu.memref_slice %arg6[%dma_start3A_179, %dma_start3A_180] : memref<8x128xi32, #tpu.memory_space<vmem>> -> memref<1x128xi32, #tpu.memory_space<vmem>>
    %dma_start3A_182 = tpu.memref_squeeze %dma_start3A_181 : memref<1x128xi32, #tpu.memory_space<vmem>> -> memref<128xi32, #tpu.memory_space<vmem>>
    %dma_start3A_183 = arith.constant 0 : i32
    %dma_start3A_184 = arith.constant 0 : i32
    %dma_start3A_185 = tpu.memref_slice %arg9[%dma_start3A_183, %dma_start3A_184] : memref<8192x128xf32, #tpu.memory_space<vmem_shared>> -> memref<8192x128xf32, #tpu.memory_space<vmem_shared>>
    tpu.enqueue_indirect_dma source(%arg7 : memref<128x128xf32, #tpu.memory_space<vmem>>) target(%dma_start3A_185 : memref<8192x128xf32, #tpu.memory_space<vmem_shared>>) offsets(%dma_start3A_182 : memref<128xi32, #tpu.memory_space<vmem>>) semaphore(%arg12 : memref<!tpu.dma_semaphore, #tpu.memory_space<semaphore_mem>>) {add = true}
    %dma_wait3A_186 = arith.constant 0 : i32
    %dma_wait3A_187 = tpu.memref_slice %arg2[%mul3A_170, %dma_wait3A_186] : memref<32768x128xf32, #tpu.memory_space<hbm>> -> memref<128x128xf32, #tpu.memory_space<hbm>>
    %dma_wait3A_188 = arith.constant 0 : i32
    %dma_wait3A_189 = tpu.memref_slice %arg2[%mul3A_170, %dma_wait3A_188] : memref<32768x128xf32, #tpu.memory_space<hbm>> -> memref<128x128xf32, #tpu.memory_space<hbm>>
    tpu.wait_dma2 semaphore(%arg11 : memref<!tpu.dma_semaphore, #tpu.memory_space<semaphore_mem>>) src(%dma_wait3A_189 : memref<128x128xf32, #tpu.memory_space<hbm>>) dst(%arg8 : memref<128x128xf32, #tpu.memory_space<vmem>>)
    %dma_start3A_190 = arith.constant 7 : i32
    %dma_start3A_191 = arith.constant 0 : i32
    %dma_start3A_192 = tpu.memref_slice %arg6[%dma_start3A_190, %dma_start3A_191] : memref<8x128xi32, #tpu.memory_space<vmem>> -> memref<1x128xi32, #tpu.memory_space<vmem>>
    %dma_start3A_193 = tpu.memref_squeeze %dma_start3A_192 : memref<1x128xi32, #tpu.memory_space<vmem>> -> memref<128xi32, #tpu.memory_space<vmem>>
    %dma_start3A_194 = arith.constant 0 : i32
    %dma_start3A_195 = arith.constant 0 : i32
    %dma_start3A_196 = tpu.memref_slice %arg9[%dma_start3A_194, %dma_start3A_195] : memref<8192x128xf32, #tpu.memory_space<vmem_shared>> -> memref<8192x128xf32, #tpu.memory_space<vmem_shared>>
    tpu.enqueue_indirect_dma source(%arg8 : memref<128x128xf32, #tpu.memory_space<vmem>>) target(%dma_start3A_196 : memref<8192x128xf32, #tpu.memory_space<vmem_shared>>) offsets(%dma_start3A_193 : memref<128xi32, #tpu.memory_space<vmem>>) semaphore(%arg13 : memref<!tpu.dma_semaphore, #tpu.memory_space<semaphore_mem>>) {add = true}
    %dma_wait3A_197 = arith.constant 6 : i32
    %dma_wait3A_198 = arith.constant 0 : i32
    %dma_wait3A_199 = tpu.memref_slice %arg6[%dma_wait3A_197, %dma_wait3A_198] : memref<8x128xi32, #tpu.memory_space<vmem>> -> memref<1x128xi32, #tpu.memory_space<vmem>>
    %dma_wait3A_200 = tpu.memref_squeeze %dma_wait3A_199 : memref<1x128xi32, #tpu.memory_space<vmem>> -> memref<128xi32, #tpu.memory_space<vmem>>
    %dma_wait3A_201 = arith.constant 0 : i32
    %dma_wait3A_202 = arith.constant 0 : i32
    %dma_wait3A_203 = tpu.memref_slice %arg9[%dma_wait3A_201, %dma_wait3A_202] : memref<8192x128xf32, #tpu.memory_space<vmem_shared>> -> memref<8192x128xf32, #tpu.memory_space<vmem_shared>>
    tpu.wait_indirect_dma semaphore(%arg12 : memref<!tpu.dma_semaphore, #tpu.memory_space<semaphore_mem>>) src(%arg7 : memref<128x128xf32, #tpu.memory_space<vmem>>) dst(%dma_wait3A_203 : memref<8192x128xf32, #tpu.memory_space<vmem_shared>>)
    %dma_wait3A_204 = arith.constant 7 : i32
    %dma_wait3A_205 = arith.constant 0 : i32
    %dma_wait3A_206 = tpu.memref_slice %arg6[%dma_wait3A_204, %dma_wait3A_205] : memref<8x128xi32, #tpu.memory_space<vmem>> -> memref<1x128xi32, #tpu.memory_space<vmem>>
    %dma_wait3A_207 = tpu.memref_squeeze %dma_wait3A_206 : memref<1x128xi32, #tpu.memory_space<vmem>> -> memref<128xi32, #tpu.memory_space<vmem>>
    %dma_wait3A_208 = arith.constant 0 : i32
    %dma_wait3A_209 = arith.constant 0 : i32
    %dma_wait3A_210 = tpu.memref_slice %arg9[%dma_wait3A_208, %dma_wait3A_209] : memref<8192x128xf32, #tpu.memory_space<vmem_shared>> -> memref<8192x128xf32, #tpu.memory_space<vmem_shared>>
    tpu.wait_indirect_dma semaphore(%arg13 : memref<!tpu.dma_semaphore, #tpu.memory_space<semaphore_mem>>) src(%arg8 : memref<128x128xf32, #tpu.memory_space<vmem>>) dst(%dma_wait3A_210 : memref<8192x128xf32, #tpu.memory_space<vmem_shared>>)
    %barrier3A_211 = arith.constant 0 : index
    tpu.barrier barrier_id(%barrier3A_211)
    %mul3A_212 = arith.constant 512 : i32
    %mul3A_213 = arith.muli %arg1, %mul3A_212 : i32
    %mul3A_214 = arith.constant 8192 : i32
    %mul3A_215 = arith.muli %arg0, %mul3A_214 : i32
    %mul3A_216 = arith.constant 512 : i32
    %mul3A_217 = arith.muli %arg1, %mul3A_216 : i32
    %add3A_218 = arith.addi %mul3A_215, %mul3A_217 : i32
    "tpu.region"() ({
      %run_scoped3A = tpu.sem_alloc : memref<!tpu.dma_semaphore, #tpu.memory_space<semaphore_mem>>
      %dma_start3A_219 = arith.constant 0 : i32
      %dma_start3A_220 = tpu.memref_slice %arg5[%add3A_218, %dma_start3A_219] : memref<16384x128xf32, #tpu.memory_space<hbm>> -> memref<512x128xf32, #tpu.memory_space<hbm>>
      %dma_start3A_221 = arith.constant 0 : i32
      %dma_start3A_222 = tpu.memref_slice %arg9[%mul3A_213, %dma_start3A_221] : memref<8192x128xf32, #tpu.memory_space<vmem_shared>> -> memref<512x128xf32, #tpu.memory_space<vmem_shared>>
      tpu.enqueue_dma source(%dma_start3A_222 : memref<512x128xf32, #tpu.memory_space<vmem_shared>>) target(%dma_start3A_220 : memref<512x128xf32, #tpu.memory_space<hbm>>) target_semaphore(%run_scoped3A : memref<!tpu.dma_semaphore, #tpu.memory_space<semaphore_mem>>)
      %dma_wait3A_223 = arith.constant 0 : i32
      %dma_wait3A_224 = tpu.memref_slice %arg5[%add3A_218, %dma_wait3A_223] : memref<16384x128xf32, #tpu.memory_space<hbm>> -> memref<512x128xf32, #tpu.memory_space<hbm>>
      %dma_wait3A_225 = arith.constant 0 : i32
      %dma_wait3A_226 = tpu.memref_slice %arg9[%mul3A_213, %dma_wait3A_225] : memref<8192x128xf32, #tpu.memory_space<vmem_shared>> -> memref<512x128xf32, #tpu.memory_space<vmem_shared>>
      tpu.wait_dma2 semaphore(%run_scoped3A : memref<!tpu.dma_semaphore, #tpu.memory_space<semaphore_mem>>) src(%dma_wait3A_226 : memref<512x128xf32, #tpu.memory_space<vmem_shared>>) dst(%dma_wait3A_224 : memref<512x128xf32, #tpu.memory_space<hbm>>)
      tpu.yield
    }) : () -> ()
    return
  }
}

#map = affine_map<(d0, d1) -> (0, 0)>
#map1 = affine_map<(d0, d1) -> (0)>
module attributes {stable_mosaic.version = 14 : i64} {
  func.func @k(%arg0: i32, %arg1: i32, %arg2: memref<16384x128xf32, #tpu.memory_space<hbm>>, %arg3: memref<32768xi32, #tpu.memory_space<hbm>>, %arg4: memref<32768x128xf32, #tpu.memory_space<hbm>>, %arg5: memref<1024xi32, #tpu.memory_space<vmem>>, %arg6: memref<128x128xf32, #tpu.memory_space<vmem>>, %arg7: memref<128x128xf32, #tpu.memory_space<vmem>>, %arg8: memref<!tpu.dma_semaphore, #tpu.memory_space<semaphore_mem>>, %arg9: memref<!tpu.dma_semaphore, #tpu.memory_space<semaphore_mem>>, %arg10: memref<!tpu.dma_semaphore, #tpu.memory_space<semaphore_mem>>, %arg11: memref<!tpu.dma_semaphore, #tpu.memory_space<semaphore_mem>>) attributes {dimension_semantics = [#tpu.dimension_semantics<core_parallel>, #tpu.dimension_semantics<subcore_parallel>], iteration_bounds = array<i64: 2, 16>, scalar_prefetch = 0 : i64, scratch_operands = 7 : i64, tpu.core_type = #tpu.core_type<sc_vector_subcore>, window_params = [{transform_indices = #map}, {transform_indices = #map1}, {transform_indices = #map}]} {
    %mul3A = arith.constant 2 : i32
    %mul3A_0 = arith.muli %arg1, %mul3A : i32
    %add3A = arith.addi %mul3A_0, %arg0 : i32
    %mul3A_1 = arith.constant 1024 : i32
    %mul3A_2 = arith.muli %add3A, %mul3A_1 : i32
    "tpu.region"() ({
      %run_scoped3A = tpu.sem_alloc : memref<!tpu.dma_semaphore, #tpu.memory_space<semaphore_mem>>
      %dma_start3A_161 = tpu.memref_slice %arg3[%mul3A_2] : memref<32768xi32, #tpu.memory_space<hbm>> -> memref<1024xi32, #tpu.memory_space<hbm>>
      %dma_start3A_162 = tpu.memref_slice %arg3[%mul3A_2] : memref<32768xi32, #tpu.memory_space<hbm>> -> memref<1024xi32, #tpu.memory_space<hbm>>
      tpu.enqueue_dma source(%dma_start3A_162 : memref<1024xi32, #tpu.memory_space<hbm>>) target(%arg5 : memref<1024xi32, #tpu.memory_space<vmem>>) target_semaphore(%run_scoped3A : memref<!tpu.dma_semaphore, #tpu.memory_space<semaphore_mem>>)
      %dma_wait3A_163 = tpu.memref_slice %arg3[%mul3A_2] : memref<32768xi32, #tpu.memory_space<hbm>> -> memref<1024xi32, #tpu.memory_space<hbm>>
      %dma_wait3A_164 = tpu.memref_slice %arg3[%mul3A_2] : memref<32768xi32, #tpu.memory_space<hbm>> -> memref<1024xi32, #tpu.memory_space<hbm>>
      tpu.wait_dma2 semaphore(%run_scoped3A : memref<!tpu.dma_semaphore, #tpu.memory_space<semaphore_mem>>) src(%dma_wait3A_164 : memref<1024xi32, #tpu.memory_space<hbm>>) dst(%arg5 : memref<1024xi32, #tpu.memory_space<vmem>>)
      tpu.yield
    }) : () -> ()
    %add3A_3 = arith.constant 0 : i32
    %add3A_4 = arith.addi %mul3A_2, %add3A_3 : i32
    %add3A_5 = arith.constant 128 : i32
    %add3A_6 = arith.addi %mul3A_2, %add3A_5 : i32
    %add3A_7 = arith.constant 256 : i32
    %add3A_8 = arith.addi %mul3A_2, %add3A_7 : i32
    %add3A_9 = arith.constant 384 : i32
    %add3A_10 = arith.addi %mul3A_2, %add3A_9 : i32
    %add3A_11 = arith.constant 512 : i32
    %add3A_12 = arith.addi %mul3A_2, %add3A_11 : i32
    %add3A_13 = arith.constant 640 : i32
    %add3A_14 = arith.addi %mul3A_2, %add3A_13 : i32
    %add3A_15 = arith.constant 768 : i32
    %add3A_16 = arith.addi %mul3A_2, %add3A_15 : i32
    %add3A_17 = arith.constant 896 : i32
    %add3A_18 = arith.addi %mul3A_2, %add3A_17 : i32
    %dma_start3A = arith.constant 0 : i32
    %dma_start3A_19 = tpu.memref_slice %arg5[%dma_start3A] : memref<1024xi32, #tpu.memory_space<vmem>> -> memref<128xi32, #tpu.memory_space<vmem>>
    %dma_start3A_20 = arith.constant 0 : i32
    %dma_start3A_21 = arith.constant 0 : i32
    %dma_start3A_22 = tpu.memref_slice %arg2[%dma_start3A_20, %dma_start3A_21] : memref<16384x128xf32, #tpu.memory_space<hbm>> -> memref<16384x128xf32, #tpu.memory_space<hbm>>
    tpu.enqueue_indirect_dma source(%dma_start3A_22 : memref<16384x128xf32, #tpu.memory_space<hbm>>) target(%arg6 : memref<128x128xf32, #tpu.memory_space<vmem>>) offsets(%dma_start3A_19 : memref<128xi32, #tpu.memory_space<vmem>>) semaphore(%arg8 : memref<!tpu.dma_semaphore, #tpu.memory_space<semaphore_mem>>)
    %dma_start3A_23 = arith.constant 128 : i32
    %dma_start3A_24 = tpu.memref_slice %arg5[%dma_start3A_23] : memref<1024xi32, #tpu.memory_space<vmem>> -> memref<128xi32, #tpu.memory_space<vmem>>
    %dma_start3A_25 = arith.constant 0 : i32
    %dma_start3A_26 = arith.constant 0 : i32
    %dma_start3A_27 = tpu.memref_slice %arg2[%dma_start3A_25, %dma_start3A_26] : memref<16384x128xf32, #tpu.memory_space<hbm>> -> memref<16384x128xf32, #tpu.memory_space<hbm>>
    tpu.enqueue_indirect_dma source(%dma_start3A_27 : memref<16384x128xf32, #tpu.memory_space<hbm>>) target(%arg7 : memref<128x128xf32, #tpu.memory_space<vmem>>) offsets(%dma_start3A_24 : memref<128xi32, #tpu.memory_space<vmem>>) semaphore(%arg9 : memref<!tpu.dma_semaphore, #tpu.memory_space<semaphore_mem>>)
    %dma_wait3A = arith.constant 0 : i32
    %dma_wait3A_28 = tpu.memref_slice %arg5[%dma_wait3A] : memref<1024xi32, #tpu.memory_space<vmem>> -> memref<128xi32, #tpu.memory_space<vmem>>
    %dma_wait3A_29 = arith.constant 0 : i32
    %dma_wait3A_30 = arith.constant 0 : i32
    %dma_wait3A_31 = tpu.memref_slice %arg2[%dma_wait3A_29, %dma_wait3A_30] : memref<16384x128xf32, #tpu.memory_space<hbm>> -> memref<16384x128xf32, #tpu.memory_space<hbm>>
    tpu.wait_indirect_dma semaphore(%arg8 : memref<!tpu.dma_semaphore, #tpu.memory_space<semaphore_mem>>) src(%dma_wait3A_31 : memref<16384x128xf32, #tpu.memory_space<hbm>>) dst(%arg6 : memref<128x128xf32, #tpu.memory_space<vmem>>)
    %dma_start3A_32 = arith.constant 0 : i32
    %dma_start3A_33 = tpu.memref_slice %arg4[%add3A_4, %dma_start3A_32] : memref<32768x128xf32, #tpu.memory_space<hbm>> -> memref<128x128xf32, #tpu.memory_space<hbm>>
    %dma_start3A_34 = arith.constant 0 : i32
    %dma_start3A_35 = tpu.memref_slice %arg4[%add3A_4, %dma_start3A_34] : memref<32768x128xf32, #tpu.memory_space<hbm>> -> memref<128x128xf32, #tpu.memory_space<hbm>>
    tpu.enqueue_dma source(%arg6 : memref<128x128xf32, #tpu.memory_space<vmem>>) target(%dma_start3A_35 : memref<128x128xf32, #tpu.memory_space<hbm>>) target_semaphore(%arg10 : memref<!tpu.dma_semaphore, #tpu.memory_space<semaphore_mem>>)
    %dma_wait3A_36 = arith.constant 0 : i32
    %dma_wait3A_37 = tpu.memref_slice %arg4[%add3A_4, %dma_wait3A_36] : memref<32768x128xf32, #tpu.memory_space<hbm>> -> memref<128x128xf32, #tpu.memory_space<hbm>>
    %dma_wait3A_38 = arith.constant 0 : i32
    %dma_wait3A_39 = tpu.memref_slice %arg4[%add3A_4, %dma_wait3A_38] : memref<32768x128xf32, #tpu.memory_space<hbm>> -> memref<128x128xf32, #tpu.memory_space<hbm>>
    tpu.wait_dma2 semaphore(%arg10 : memref<!tpu.dma_semaphore, #tpu.memory_space<semaphore_mem>>) src(%arg6 : memref<128x128xf32, #tpu.memory_space<vmem>>) dst(%dma_wait3A_39 : memref<128x128xf32, #tpu.memory_space<hbm>>)
    %dma_start3A_40 = arith.constant 256 : i32
    %dma_start3A_41 = tpu.memref_slice %arg5[%dma_start3A_40] : memref<1024xi32, #tpu.memory_space<vmem>> -> memref<128xi32, #tpu.memory_space<vmem>>
    %dma_start3A_42 = arith.constant 0 : i32
    %dma_start3A_43 = arith.constant 0 : i32
    %dma_start3A_44 = tpu.memref_slice %arg2[%dma_start3A_42, %dma_start3A_43] : memref<16384x128xf32, #tpu.memory_space<hbm>> -> memref<16384x128xf32, #tpu.memory_space<hbm>>
    tpu.enqueue_indirect_dma source(%dma_start3A_44 : memref<16384x128xf32, #tpu.memory_space<hbm>>) target(%arg6 : memref<128x128xf32, #tpu.memory_space<vmem>>) offsets(%dma_start3A_41 : memref<128xi32, #tpu.memory_space<vmem>>) semaphore(%arg8 : memref<!tpu.dma_semaphore, #tpu.memory_space<semaphore_mem>>)
    %dma_wait3A_45 = arith.constant 128 : i32
    %dma_wait3A_46 = tpu.memref_slice %arg5[%dma_wait3A_45] : memref<1024xi32, #tpu.memory_space<vmem>> -> memref<128xi32, #tpu.memory_space<vmem>>
    %dma_wait3A_47 = arith.constant 0 : i32
    %dma_wait3A_48 = arith.constant 0 : i32
    %dma_wait3A_49 = tpu.memref_slice %arg2[%dma_wait3A_47, %dma_wait3A_48] : memref<16384x128xf32, #tpu.memory_space<hbm>> -> memref<16384x128xf32, #tpu.memory_space<hbm>>
    tpu.wait_indirect_dma semaphore(%arg9 : memref<!tpu.dma_semaphore, #tpu.memory_space<semaphore_mem>>) src(%dma_wait3A_49 : memref<16384x128xf32, #tpu.memory_space<hbm>>) dst(%arg7 : memref<128x128xf32, #tpu.memory_space<vmem>>)
    %dma_start3A_50 = arith.constant 0 : i32
    %dma_start3A_51 = tpu.memref_slice %arg4[%add3A_6, %dma_start3A_50] : memref<32768x128xf32, #tpu.memory_space<hbm>> -> memref<128x128xf32, #tpu.memory_space<hbm>>
    %dma_start3A_52 = arith.constant 0 : i32
    %dma_start3A_53 = tpu.memref_slice %arg4[%add3A_6, %dma_start3A_52] : memref<32768x128xf32, #tpu.memory_space<hbm>> -> memref<128x128xf32, #tpu.memory_space<hbm>>
    tpu.enqueue_dma source(%arg7 : memref<128x128xf32, #tpu.memory_space<vmem>>) target(%dma_start3A_53 : memref<128x128xf32, #tpu.memory_space<hbm>>) target_semaphore(%arg11 : memref<!tpu.dma_semaphore, #tpu.memory_space<semaphore_mem>>)
    %dma_wait3A_54 = arith.constant 0 : i32
    %dma_wait3A_55 = tpu.memref_slice %arg4[%add3A_6, %dma_wait3A_54] : memref<32768x128xf32, #tpu.memory_space<hbm>> -> memref<128x128xf32, #tpu.memory_space<hbm>>
    %dma_wait3A_56 = arith.constant 0 : i32
    %dma_wait3A_57 = tpu.memref_slice %arg4[%add3A_6, %dma_wait3A_56] : memref<32768x128xf32, #tpu.memory_space<hbm>> -> memref<128x128xf32, #tpu.memory_space<hbm>>
    tpu.wait_dma2 semaphore(%arg11 : memref<!tpu.dma_semaphore, #tpu.memory_space<semaphore_mem>>) src(%arg7 : memref<128x128xf32, #tpu.memory_space<vmem>>) dst(%dma_wait3A_57 : memref<128x128xf32, #tpu.memory_space<hbm>>)
    %dma_start3A_58 = arith.constant 384 : i32
    %dma_start3A_59 = tpu.memref_slice %arg5[%dma_start3A_58] : memref<1024xi32, #tpu.memory_space<vmem>> -> memref<128xi32, #tpu.memory_space<vmem>>
    %dma_start3A_60 = arith.constant 0 : i32
    %dma_start3A_61 = arith.constant 0 : i32
    %dma_start3A_62 = tpu.memref_slice %arg2[%dma_start3A_60, %dma_start3A_61] : memref<16384x128xf32, #tpu.memory_space<hbm>> -> memref<16384x128xf32, #tpu.memory_space<hbm>>
    tpu.enqueue_indirect_dma source(%dma_start3A_62 : memref<16384x128xf32, #tpu.memory_space<hbm>>) target(%arg7 : memref<128x128xf32, #tpu.memory_space<vmem>>) offsets(%dma_start3A_59 : memref<128xi32, #tpu.memory_space<vmem>>) semaphore(%arg9 : memref<!tpu.dma_semaphore, #tpu.memory_space<semaphore_mem>>)
    %dma_wait3A_63 = arith.constant 256 : i32
    %dma_wait3A_64 = tpu.memref_slice %arg5[%dma_wait3A_63] : memref<1024xi32, #tpu.memory_space<vmem>> -> memref<128xi32, #tpu.memory_space<vmem>>
    %dma_wait3A_65 = arith.constant 0 : i32
    %dma_wait3A_66 = arith.constant 0 : i32
    %dma_wait3A_67 = tpu.memref_slice %arg2[%dma_wait3A_65, %dma_wait3A_66] : memref<16384x128xf32, #tpu.memory_space<hbm>> -> memref<16384x128xf32, #tpu.memory_space<hbm>>
    tpu.wait_indirect_dma semaphore(%arg8 : memref<!tpu.dma_semaphore, #tpu.memory_space<semaphore_mem>>) src(%dma_wait3A_67 : memref<16384x128xf32, #tpu.memory_space<hbm>>) dst(%arg6 : memref<128x128xf32, #tpu.memory_space<vmem>>)
    %dma_start3A_68 = arith.constant 0 : i32
    %dma_start3A_69 = tpu.memref_slice %arg4[%add3A_8, %dma_start3A_68] : memref<32768x128xf32, #tpu.memory_space<hbm>> -> memref<128x128xf32, #tpu.memory_space<hbm>>
    %dma_start3A_70 = arith.constant 0 : i32
    %dma_start3A_71 = tpu.memref_slice %arg4[%add3A_8, %dma_start3A_70] : memref<32768x128xf32, #tpu.memory_space<hbm>> -> memref<128x128xf32, #tpu.memory_space<hbm>>
    tpu.enqueue_dma source(%arg6 : memref<128x128xf32, #tpu.memory_space<vmem>>) target(%dma_start3A_71 : memref<128x128xf32, #tpu.memory_space<hbm>>) target_semaphore(%arg10 : memref<!tpu.dma_semaphore, #tpu.memory_space<semaphore_mem>>)
    %dma_wait3A_72 = arith.constant 0 : i32
    %dma_wait3A_73 = tpu.memref_slice %arg4[%add3A_8, %dma_wait3A_72] : memref<32768x128xf32, #tpu.memory_space<hbm>> -> memref<128x128xf32, #tpu.memory_space<hbm>>
    %dma_wait3A_74 = arith.constant 0 : i32
    %dma_wait3A_75 = tpu.memref_slice %arg4[%add3A_8, %dma_wait3A_74] : memref<32768x128xf32, #tpu.memory_space<hbm>> -> memref<128x128xf32, #tpu.memory_space<hbm>>
    tpu.wait_dma2 semaphore(%arg10 : memref<!tpu.dma_semaphore, #tpu.memory_space<semaphore_mem>>) src(%arg6 : memref<128x128xf32, #tpu.memory_space<vmem>>) dst(%dma_wait3A_75 : memref<128x128xf32, #tpu.memory_space<hbm>>)
    %dma_start3A_76 = arith.constant 512 : i32
    %dma_start3A_77 = tpu.memref_slice %arg5[%dma_start3A_76] : memref<1024xi32, #tpu.memory_space<vmem>> -> memref<128xi32, #tpu.memory_space<vmem>>
    %dma_start3A_78 = arith.constant 0 : i32
    %dma_start3A_79 = arith.constant 0 : i32
    %dma_start3A_80 = tpu.memref_slice %arg2[%dma_start3A_78, %dma_start3A_79] : memref<16384x128xf32, #tpu.memory_space<hbm>> -> memref<16384x128xf32, #tpu.memory_space<hbm>>
    tpu.enqueue_indirect_dma source(%dma_start3A_80 : memref<16384x128xf32, #tpu.memory_space<hbm>>) target(%arg6 : memref<128x128xf32, #tpu.memory_space<vmem>>) offsets(%dma_start3A_77 : memref<128xi32, #tpu.memory_space<vmem>>) semaphore(%arg8 : memref<!tpu.dma_semaphore, #tpu.memory_space<semaphore_mem>>)
    %dma_wait3A_81 = arith.constant 384 : i32
    %dma_wait3A_82 = tpu.memref_slice %arg5[%dma_wait3A_81] : memref<1024xi32, #tpu.memory_space<vmem>> -> memref<128xi32, #tpu.memory_space<vmem>>
    %dma_wait3A_83 = arith.constant 0 : i32
    %dma_wait3A_84 = arith.constant 0 : i32
    %dma_wait3A_85 = tpu.memref_slice %arg2[%dma_wait3A_83, %dma_wait3A_84] : memref<16384x128xf32, #tpu.memory_space<hbm>> -> memref<16384x128xf32, #tpu.memory_space<hbm>>
    tpu.wait_indirect_dma semaphore(%arg9 : memref<!tpu.dma_semaphore, #tpu.memory_space<semaphore_mem>>) src(%dma_wait3A_85 : memref<16384x128xf32, #tpu.memory_space<hbm>>) dst(%arg7 : memref<128x128xf32, #tpu.memory_space<vmem>>)
    %dma_start3A_86 = arith.constant 0 : i32
    %dma_start3A_87 = tpu.memref_slice %arg4[%add3A_10, %dma_start3A_86] : memref<32768x128xf32, #tpu.memory_space<hbm>> -> memref<128x128xf32, #tpu.memory_space<hbm>>
    %dma_start3A_88 = arith.constant 0 : i32
    %dma_start3A_89 = tpu.memref_slice %arg4[%add3A_10, %dma_start3A_88] : memref<32768x128xf32, #tpu.memory_space<hbm>> -> memref<128x128xf32, #tpu.memory_space<hbm>>
    tpu.enqueue_dma source(%arg7 : memref<128x128xf32, #tpu.memory_space<vmem>>) target(%dma_start3A_89 : memref<128x128xf32, #tpu.memory_space<hbm>>) target_semaphore(%arg11 : memref<!tpu.dma_semaphore, #tpu.memory_space<semaphore_mem>>)
    %dma_wait3A_90 = arith.constant 0 : i32
    %dma_wait3A_91 = tpu.memref_slice %arg4[%add3A_10, %dma_wait3A_90] : memref<32768x128xf32, #tpu.memory_space<hbm>> -> memref<128x128xf32, #tpu.memory_space<hbm>>
    %dma_wait3A_92 = arith.constant 0 : i32
    %dma_wait3A_93 = tpu.memref_slice %arg4[%add3A_10, %dma_wait3A_92] : memref<32768x128xf32, #tpu.memory_space<hbm>> -> memref<128x128xf32, #tpu.memory_space<hbm>>
    tpu.wait_dma2 semaphore(%arg11 : memref<!tpu.dma_semaphore, #tpu.memory_space<semaphore_mem>>) src(%arg7 : memref<128x128xf32, #tpu.memory_space<vmem>>) dst(%dma_wait3A_93 : memref<128x128xf32, #tpu.memory_space<hbm>>)
    %dma_start3A_94 = arith.constant 640 : i32
    %dma_start3A_95 = tpu.memref_slice %arg5[%dma_start3A_94] : memref<1024xi32, #tpu.memory_space<vmem>> -> memref<128xi32, #tpu.memory_space<vmem>>
    %dma_start3A_96 = arith.constant 0 : i32
    %dma_start3A_97 = arith.constant 0 : i32
    %dma_start3A_98 = tpu.memref_slice %arg2[%dma_start3A_96, %dma_start3A_97] : memref<16384x128xf32, #tpu.memory_space<hbm>> -> memref<16384x128xf32, #tpu.memory_space<hbm>>
    tpu.enqueue_indirect_dma source(%dma_start3A_98 : memref<16384x128xf32, #tpu.memory_space<hbm>>) target(%arg7 : memref<128x128xf32, #tpu.memory_space<vmem>>) offsets(%dma_start3A_95 : memref<128xi32, #tpu.memory_space<vmem>>) semaphore(%arg9 : memref<!tpu.dma_semaphore, #tpu.memory_space<semaphore_mem>>)
    %dma_wait3A_99 = arith.constant 512 : i32
    %dma_wait3A_100 = tpu.memref_slice %arg5[%dma_wait3A_99] : memref<1024xi32, #tpu.memory_space<vmem>> -> memref<128xi32, #tpu.memory_space<vmem>>
    %dma_wait3A_101 = arith.constant 0 : i32
    %dma_wait3A_102 = arith.constant 0 : i32
    %dma_wait3A_103 = tpu.memref_slice %arg2[%dma_wait3A_101, %dma_wait3A_102] : memref<16384x128xf32, #tpu.memory_space<hbm>> -> memref<16384x128xf32, #tpu.memory_space<hbm>>
    tpu.wait_indirect_dma semaphore(%arg8 : memref<!tpu.dma_semaphore, #tpu.memory_space<semaphore_mem>>) src(%dma_wait3A_103 : memref<16384x128xf32, #tpu.memory_space<hbm>>) dst(%arg6 : memref<128x128xf32, #tpu.memory_space<vmem>>)
    %dma_start3A_104 = arith.constant 0 : i32
    %dma_start3A_105 = tpu.memref_slice %arg4[%add3A_12, %dma_start3A_104] : memref<32768x128xf32, #tpu.memory_space<hbm>> -> memref<128x128xf32, #tpu.memory_space<hbm>>
    %dma_start3A_106 = arith.constant 0 : i32
    %dma_start3A_107 = tpu.memref_slice %arg4[%add3A_12, %dma_start3A_106] : memref<32768x128xf32, #tpu.memory_space<hbm>> -> memref<128x128xf32, #tpu.memory_space<hbm>>
    tpu.enqueue_dma source(%arg6 : memref<128x128xf32, #tpu.memory_space<vmem>>) target(%dma_start3A_107 : memref<128x128xf32, #tpu.memory_space<hbm>>) target_semaphore(%arg10 : memref<!tpu.dma_semaphore, #tpu.memory_space<semaphore_mem>>)
    %dma_wait3A_108 = arith.constant 0 : i32
    %dma_wait3A_109 = tpu.memref_slice %arg4[%add3A_12, %dma_wait3A_108] : memref<32768x128xf32, #tpu.memory_space<hbm>> -> memref<128x128xf32, #tpu.memory_space<hbm>>
    %dma_wait3A_110 = arith.constant 0 : i32
    %dma_wait3A_111 = tpu.memref_slice %arg4[%add3A_12, %dma_wait3A_110] : memref<32768x128xf32, #tpu.memory_space<hbm>> -> memref<128x128xf32, #tpu.memory_space<hbm>>
    tpu.wait_dma2 semaphore(%arg10 : memref<!tpu.dma_semaphore, #tpu.memory_space<semaphore_mem>>) src(%arg6 : memref<128x128xf32, #tpu.memory_space<vmem>>) dst(%dma_wait3A_111 : memref<128x128xf32, #tpu.memory_space<hbm>>)
    %dma_start3A_112 = arith.constant 768 : i32
    %dma_start3A_113 = tpu.memref_slice %arg5[%dma_start3A_112] : memref<1024xi32, #tpu.memory_space<vmem>> -> memref<128xi32, #tpu.memory_space<vmem>>
    %dma_start3A_114 = arith.constant 0 : i32
    %dma_start3A_115 = arith.constant 0 : i32
    %dma_start3A_116 = tpu.memref_slice %arg2[%dma_start3A_114, %dma_start3A_115] : memref<16384x128xf32, #tpu.memory_space<hbm>> -> memref<16384x128xf32, #tpu.memory_space<hbm>>
    tpu.enqueue_indirect_dma source(%dma_start3A_116 : memref<16384x128xf32, #tpu.memory_space<hbm>>) target(%arg6 : memref<128x128xf32, #tpu.memory_space<vmem>>) offsets(%dma_start3A_113 : memref<128xi32, #tpu.memory_space<vmem>>) semaphore(%arg8 : memref<!tpu.dma_semaphore, #tpu.memory_space<semaphore_mem>>)
    %dma_wait3A_117 = arith.constant 640 : i32
    %dma_wait3A_118 = tpu.memref_slice %arg5[%dma_wait3A_117] : memref<1024xi32, #tpu.memory_space<vmem>> -> memref<128xi32, #tpu.memory_space<vmem>>
    %dma_wait3A_119 = arith.constant 0 : i32
    %dma_wait3A_120 = arith.constant 0 : i32
    %dma_wait3A_121 = tpu.memref_slice %arg2[%dma_wait3A_119, %dma_wait3A_120] : memref<16384x128xf32, #tpu.memory_space<hbm>> -> memref<16384x128xf32, #tpu.memory_space<hbm>>
    tpu.wait_indirect_dma semaphore(%arg9 : memref<!tpu.dma_semaphore, #tpu.memory_space<semaphore_mem>>) src(%dma_wait3A_121 : memref<16384x128xf32, #tpu.memory_space<hbm>>) dst(%arg7 : memref<128x128xf32, #tpu.memory_space<vmem>>)
    %dma_start3A_122 = arith.constant 0 : i32
    %dma_start3A_123 = tpu.memref_slice %arg4[%add3A_14, %dma_start3A_122] : memref<32768x128xf32, #tpu.memory_space<hbm>> -> memref<128x128xf32, #tpu.memory_space<hbm>>
    %dma_start3A_124 = arith.constant 0 : i32
    %dma_start3A_125 = tpu.memref_slice %arg4[%add3A_14, %dma_start3A_124] : memref<32768x128xf32, #tpu.memory_space<hbm>> -> memref<128x128xf32, #tpu.memory_space<hbm>>
    tpu.enqueue_dma source(%arg7 : memref<128x128xf32, #tpu.memory_space<vmem>>) target(%dma_start3A_125 : memref<128x128xf32, #tpu.memory_space<hbm>>) target_semaphore(%arg11 : memref<!tpu.dma_semaphore, #tpu.memory_space<semaphore_mem>>)
    %dma_wait3A_126 = arith.constant 0 : i32
    %dma_wait3A_127 = tpu.memref_slice %arg4[%add3A_14, %dma_wait3A_126] : memref<32768x128xf32, #tpu.memory_space<hbm>> -> memref<128x128xf32, #tpu.memory_space<hbm>>
    %dma_wait3A_128 = arith.constant 0 : i32
    %dma_wait3A_129 = tpu.memref_slice %arg4[%add3A_14, %dma_wait3A_128] : memref<32768x128xf32, #tpu.memory_space<hbm>> -> memref<128x128xf32, #tpu.memory_space<hbm>>
    tpu.wait_dma2 semaphore(%arg11 : memref<!tpu.dma_semaphore, #tpu.memory_space<semaphore_mem>>) src(%arg7 : memref<128x128xf32, #tpu.memory_space<vmem>>) dst(%dma_wait3A_129 : memref<128x128xf32, #tpu.memory_space<hbm>>)
    %dma_start3A_130 = arith.constant 896 : i32
    %dma_start3A_131 = tpu.memref_slice %arg5[%dma_start3A_130] : memref<1024xi32, #tpu.memory_space<vmem>> -> memref<128xi32, #tpu.memory_space<vmem>>
    %dma_start3A_132 = arith.constant 0 : i32
    %dma_start3A_133 = arith.constant 0 : i32
    %dma_start3A_134 = tpu.memref_slice %arg2[%dma_start3A_132, %dma_start3A_133] : memref<16384x128xf32, #tpu.memory_space<hbm>> -> memref<16384x128xf32, #tpu.memory_space<hbm>>
    tpu.enqueue_indirect_dma source(%dma_start3A_134 : memref<16384x128xf32, #tpu.memory_space<hbm>>) target(%arg7 : memref<128x128xf32, #tpu.memory_space<vmem>>) offsets(%dma_start3A_131 : memref<128xi32, #tpu.memory_space<vmem>>) semaphore(%arg9 : memref<!tpu.dma_semaphore, #tpu.memory_space<semaphore_mem>>)
    %dma_wait3A_135 = arith.constant 768 : i32
    %dma_wait3A_136 = tpu.memref_slice %arg5[%dma_wait3A_135] : memref<1024xi32, #tpu.memory_space<vmem>> -> memref<128xi32, #tpu.memory_space<vmem>>
    %dma_wait3A_137 = arith.constant 0 : i32
    %dma_wait3A_138 = arith.constant 0 : i32
    %dma_wait3A_139 = tpu.memref_slice %arg2[%dma_wait3A_137, %dma_wait3A_138] : memref<16384x128xf32, #tpu.memory_space<hbm>> -> memref<16384x128xf32, #tpu.memory_space<hbm>>
    tpu.wait_indirect_dma semaphore(%arg8 : memref<!tpu.dma_semaphore, #tpu.memory_space<semaphore_mem>>) src(%dma_wait3A_139 : memref<16384x128xf32, #tpu.memory_space<hbm>>) dst(%arg6 : memref<128x128xf32, #tpu.memory_space<vmem>>)
    %dma_start3A_140 = arith.constant 0 : i32
    %dma_start3A_141 = tpu.memref_slice %arg4[%add3A_16, %dma_start3A_140] : memref<32768x128xf32, #tpu.memory_space<hbm>> -> memref<128x128xf32, #tpu.memory_space<hbm>>
    %dma_start3A_142 = arith.constant 0 : i32
    %dma_start3A_143 = tpu.memref_slice %arg4[%add3A_16, %dma_start3A_142] : memref<32768x128xf32, #tpu.memory_space<hbm>> -> memref<128x128xf32, #tpu.memory_space<hbm>>
    tpu.enqueue_dma source(%arg6 : memref<128x128xf32, #tpu.memory_space<vmem>>) target(%dma_start3A_143 : memref<128x128xf32, #tpu.memory_space<hbm>>) target_semaphore(%arg10 : memref<!tpu.dma_semaphore, #tpu.memory_space<semaphore_mem>>)
    %dma_wait3A_144 = arith.constant 896 : i32
    %dma_wait3A_145 = tpu.memref_slice %arg5[%dma_wait3A_144] : memref<1024xi32, #tpu.memory_space<vmem>> -> memref<128xi32, #tpu.memory_space<vmem>>
    %dma_wait3A_146 = arith.constant 0 : i32
    %dma_wait3A_147 = arith.constant 0 : i32
    %dma_wait3A_148 = tpu.memref_slice %arg2[%dma_wait3A_146, %dma_wait3A_147] : memref<16384x128xf32, #tpu.memory_space<hbm>> -> memref<16384x128xf32, #tpu.memory_space<hbm>>
    tpu.wait_indirect_dma semaphore(%arg9 : memref<!tpu.dma_semaphore, #tpu.memory_space<semaphore_mem>>) src(%dma_wait3A_148 : memref<16384x128xf32, #tpu.memory_space<hbm>>) dst(%arg7 : memref<128x128xf32, #tpu.memory_space<vmem>>)
    %dma_start3A_149 = arith.constant 0 : i32
    %dma_start3A_150 = tpu.memref_slice %arg4[%add3A_18, %dma_start3A_149] : memref<32768x128xf32, #tpu.memory_space<hbm>> -> memref<128x128xf32, #tpu.memory_space<hbm>>
    %dma_start3A_151 = arith.constant 0 : i32
    %dma_start3A_152 = tpu.memref_slice %arg4[%add3A_18, %dma_start3A_151] : memref<32768x128xf32, #tpu.memory_space<hbm>> -> memref<128x128xf32, #tpu.memory_space<hbm>>
    tpu.enqueue_dma source(%arg7 : memref<128x128xf32, #tpu.memory_space<vmem>>) target(%dma_start3A_152 : memref<128x128xf32, #tpu.memory_space<hbm>>) target_semaphore(%arg11 : memref<!tpu.dma_semaphore, #tpu.memory_space<semaphore_mem>>)
    %dma_wait3A_153 = arith.constant 0 : i32
    %dma_wait3A_154 = tpu.memref_slice %arg4[%add3A_16, %dma_wait3A_153] : memref<32768x128xf32, #tpu.memory_space<hbm>> -> memref<128x128xf32, #tpu.memory_space<hbm>>
    %dma_wait3A_155 = arith.constant 0 : i32
    %dma_wait3A_156 = tpu.memref_slice %arg4[%add3A_16, %dma_wait3A_155] : memref<32768x128xf32, #tpu.memory_space<hbm>> -> memref<128x128xf32, #tpu.memory_space<hbm>>
    tpu.wait_dma2 semaphore(%arg10 : memref<!tpu.dma_semaphore, #tpu.memory_space<semaphore_mem>>) src(%arg6 : memref<128x128xf32, #tpu.memory_space<vmem>>) dst(%dma_wait3A_156 : memref<128x128xf32, #tpu.memory_space<hbm>>)
    %dma_wait3A_157 = arith.constant 0 : i32
    %dma_wait3A_158 = tpu.memref_slice %arg4[%add3A_18, %dma_wait3A_157] : memref<32768x128xf32, #tpu.memory_space<hbm>> -> memref<128x128xf32, #tpu.memory_space<hbm>>
    %dma_wait3A_159 = arith.constant 0 : i32
    %dma_wait3A_160 = tpu.memref_slice %arg4[%add3A_18, %dma_wait3A_159] : memref<32768x128xf32, #tpu.memory_space<hbm>> -> memref<128x128xf32, #tpu.memory_space<hbm>>
    tpu.wait_dma2 semaphore(%arg11 : memref<!tpu.dma_semaphore, #tpu.memory_space<semaphore_mem>>) src(%arg7 : memref<128x128xf32, #tpu.memory_space<vmem>>) dst(%dma_wait3A_160 : memref<128x128xf32, #tpu.memory_space<hbm>>)
    return
  }
}

#map = affine_map<(d0, d1) -> (0, 0)>
module attributes {stable_mosaic.version = 14 : i64} {
  func.func @k(%arg0: i32, %arg1: i32, %arg2: memref<32768x128xf32, #tpu.memory_space<hbm>>, %arg3: memref<256x128xi32, #tpu.memory_space<hbm>>, %arg4: memref<512x128xf32, #tpu.memory_space<hbm>>, %arg5: memref<16384x128xf32, #tpu.memory_space<hbm>>, %arg6: memref<8x128xi32, #tpu.memory_space<vmem>>, %arg7: memref<128x128xf32, #tpu.memory_space<vmem>>, %arg8: memref<128x128xf32, #tpu.memory_space<vmem>>, %arg9: memref<8192x128xf32, #tpu.memory_space<vmem_shared>>, %arg10: memref<!tpu.dma_semaphore, #tpu.memory_space<semaphore_mem>>, %arg11: memref<!tpu.dma_semaphore, #tpu.memory_space<semaphore_mem>>, %arg12: memref<!tpu.dma_semaphore, #tpu.memory_space<semaphore_mem>>, %arg13: memref<!tpu.dma_semaphore, #tpu.memory_space<semaphore_mem>>) attributes {dimension_semantics = [#tpu.dimension_semantics<core_parallel>, #tpu.dimension_semantics<subcore_parallel>], iteration_bounds = array<i64: 2, 16>, scalar_prefetch = 0 : i64, scratch_operands = 8 : i64, tpu.core_type = #tpu.core_type<sc_vector_subcore>, window_params = [{transform_indices = #map}, {transform_indices = #map}, {transform_indices = #map}, {transform_indices = #map}]} {
    %mul3A = arith.constant 512 : i32
    %mul3A_0 = arith.muli %arg1, %mul3A : i32
    "tpu.region"() ({
      %run_scoped3A = tpu.sem_alloc : memref<!tpu.dma_semaphore, #tpu.memory_space<semaphore_mem>>
      %dma_start3A_219 = arith.constant 0 : i32
      %dma_start3A_220 = tpu.memref_slice %arg9[%mul3A_0, %dma_start3A_219] : memref<8192x128xf32, #tpu.memory_space<vmem_shared>> -> memref<512x128xf32, #tpu.memory_space<vmem_shared>>
      tpu.enqueue_dma source(%arg4 : memref<512x128xf32, #tpu.memory_space<hbm>>) target(%dma_start3A_220 : memref<512x128xf32, #tpu.memory_space<vmem_shared>>) target_semaphore(%run_scoped3A : memref<!tpu.dma_semaphore, #tpu.memory_space<semaphore_mem>>)
      %dma_wait3A_221 = arith.constant 0 : i32
      %dma_wait3A_222 = tpu.memref_slice %arg9[%mul3A_0, %dma_wait3A_221] : memref<8192x128xf32, #tpu.memory_space<vmem_shared>> -> memref<512x128xf32, #tpu.memory_space<vmem_shared>>
      tpu.wait_dma2 semaphore(%run_scoped3A : memref<!tpu.dma_semaphore, #tpu.memory_space<semaphore_mem>>) src(%arg4 : memref<512x128xf32, #tpu.memory_space<hbm>>) dst(%dma_wait3A_222 : memref<512x128xf32, #tpu.memory_space<vmem_shared>>)
      tpu.yield
    }) : () -> ()
    %mul3A_1 = arith.constant 128 : i32
    %mul3A_2 = arith.muli %arg0, %mul3A_1 : i32
    %mul3A_3 = arith.constant 8 : i32
    %mul3A_4 = arith.muli %arg1, %mul3A_3 : i32
    %add3A = arith.addi %mul3A_2, %mul3A_4 : i32
    "tpu.region"() ({
      %run_scoped3A = tpu.sem_alloc : memref<!tpu.dma_semaphore, #tpu.memory_space<semaphore_mem>>
      %dma_start3A_219 = arith.constant 0 : i32
      %dma_start3A_220 = tpu.memref_slice %arg3[%add3A, %dma_start3A_219] : memref<256x128xi32, #tpu.memory_space<hbm>> -> memref<8x128xi32, #tpu.memory_space<hbm>>
      %dma_start3A_221 = arith.constant 0 : i32
      %dma_start3A_222 = tpu.memref_slice %arg3[%add3A, %dma_start3A_221] : memref<256x128xi32, #tpu.memory_space<hbm>> -> memref<8x128xi32, #tpu.memory_space<hbm>>
      tpu.enqueue_dma source(%dma_start3A_222 : memref<8x128xi32, #tpu.memory_space<hbm>>) target(%arg6 : memref<8x128xi32, #tpu.memory_space<vmem>>) target_semaphore(%run_scoped3A : memref<!tpu.dma_semaphore, #tpu.memory_space<semaphore_mem>>)
      %dma_wait3A_223 = arith.constant 0 : i32
      %dma_wait3A_224 = tpu.memref_slice %arg3[%add3A, %dma_wait3A_223] : memref<256x128xi32, #tpu.memory_space<hbm>> -> memref<8x128xi32, #tpu.memory_space<hbm>>
      %dma_wait3A_225 = arith.constant 0 : i32
      %dma_wait3A_226 = tpu.memref_slice %arg3[%add3A, %dma_wait3A_225] : memref<256x128xi32, #tpu.memory_space<hbm>> -> memref<8x128xi32, #tpu.memory_space<hbm>>
      tpu.wait_dma2 semaphore(%run_scoped3A : memref<!tpu.dma_semaphore, #tpu.memory_space<semaphore_mem>>) src(%dma_wait3A_226 : memref<8x128xi32, #tpu.memory_space<hbm>>) dst(%arg6 : memref<8x128xi32, #tpu.memory_space<vmem>>)
      tpu.yield
    }) : () -> ()
    %barrier3A = arith.constant 0 : index
    tpu.barrier barrier_id(%barrier3A)
    %add3A_5 = arith.constant 0 : i32
    %add3A_6 = arith.addi %add3A, %add3A_5 : i32
    %mul3A_7 = arith.constant 128 : i32
    %mul3A_8 = arith.muli %add3A_6, %mul3A_7 : i32
    %dma_start3A = arith.constant 0 : i32
    %dma_start3A_9 = tpu.memref_slice %arg2[%mul3A_8, %dma_start3A] : memref<32768x128xf32, #tpu.memory_space<hbm>> -> memref<128x128xf32, #tpu.memory_space<hbm>>
    %dma_start3A_10 = arith.constant 0 : i32
    %dma_start3A_11 = tpu.memref_slice %arg2[%mul3A_8, %dma_start3A_10] : memref<32768x128xf32, #tpu.memory_space<hbm>> -> memref<128x128xf32, #tpu.memory_space<hbm>>
    tpu.enqueue_dma source(%dma_start3A_11 : memref<128x128xf32, #tpu.memory_space<hbm>>) target(%arg7 : memref<128x128xf32, #tpu.memory_space<vmem>>) target_semaphore(%arg10 : memref<!tpu.dma_semaphore, #tpu.memory_space<semaphore_mem>>)
    %add3A_12 = arith.constant 1 : i32
    %add3A_13 = arith.addi %add3A, %add3A_12 : i32
    %mul3A_14 = arith.constant 128 : i32
    %mul3A_15 = arith.muli %add3A_13, %mul3A_14 : i32
    %dma_start3A_16 = arith.constant 0 : i32
    %dma_start3A_17 = tpu.memref_slice %arg2[%mul3A_15, %dma_start3A_16] : memref<32768x128xf32, #tpu.memory_space<hbm>> -> memref<128x128xf32, #tpu.memory_space<hbm>>
    %dma_start3A_18 = arith.constant 0 : i32
    %dma_start3A_19 = tpu.memref_slice %arg2[%mul3A_15, %dma_start3A_18] : memref<32768x128xf32, #tpu.memory_space<hbm>> -> memref<128x128xf32, #tpu.memory_space<hbm>>
    tpu.enqueue_dma source(%dma_start3A_19 : memref<128x128xf32, #tpu.memory_space<hbm>>) target(%arg8 : memref<128x128xf32, #tpu.memory_space<vmem>>) target_semaphore(%arg11 : memref<!tpu.dma_semaphore, #tpu.memory_space<semaphore_mem>>)
    %dma_wait3A = arith.constant 0 : i32
    %dma_wait3A_20 = tpu.memref_slice %arg2[%mul3A_8, %dma_wait3A] : memref<32768x128xf32, #tpu.memory_space<hbm>> -> memref<128x128xf32, #tpu.memory_space<hbm>>
    %dma_wait3A_21 = arith.constant 0 : i32
    %dma_wait3A_22 = tpu.memref_slice %arg2[%mul3A_8, %dma_wait3A_21] : memref<32768x128xf32, #tpu.memory_space<hbm>> -> memref<128x128xf32, #tpu.memory_space<hbm>>
    tpu.wait_dma2 semaphore(%arg10 : memref<!tpu.dma_semaphore, #tpu.memory_space<semaphore_mem>>) src(%dma_wait3A_22 : memref<128x128xf32, #tpu.memory_space<hbm>>) dst(%arg7 : memref<128x128xf32, #tpu.memory_space<vmem>>)
    %dma_start3A_23 = arith.constant 0 : i32
    %dma_start3A_24 = arith.constant 0 : i32
    %dma_start3A_25 = tpu.memref_slice %arg6[%dma_start3A_23, %dma_start3A_24] : memref<8x128xi32, #tpu.memory_space<vmem>> -> memref<1x128xi32, #tpu.memory_space<vmem>>
    %dma_start3A_26 = tpu.memref_squeeze %dma_start3A_25 : memref<1x128xi32, #tpu.memory_space<vmem>> -> memref<128xi32, #tpu.memory_space<vmem>>
    %dma_start3A_27 = arith.constant 0 : i32
    %dma_start3A_28 = arith.constant 0 : i32
    %dma_start3A_29 = tpu.memref_slice %arg9[%dma_start3A_27, %dma_start3A_28] : memref<8192x128xf32, #tpu.memory_space<vmem_shared>> -> memref<8192x128xf32, #tpu.memory_space<vmem_shared>>
    tpu.enqueue_indirect_dma source(%arg7 : memref<128x128xf32, #tpu.memory_space<vmem>>) target(%dma_start3A_29 : memref<8192x128xf32, #tpu.memory_space<vmem_shared>>) offsets(%dma_start3A_26 : memref<128xi32, #tpu.memory_space<vmem>>) semaphore(%arg12 : memref<!tpu.dma_semaphore, #tpu.memory_space<semaphore_mem>>) {add = true}
    %dma_wait3A_30 = arith.constant 0 : i32
    %dma_wait3A_31 = arith.constant 0 : i32
    %dma_wait3A_32 = tpu.memref_slice %arg6[%dma_wait3A_30, %dma_wait3A_31] : memref<8x128xi32, #tpu.memory_space<vmem>> -> memref<1x128xi32, #tpu.memory_space<vmem>>
    %dma_wait3A_33 = tpu.memref_squeeze %dma_wait3A_32 : memref<1x128xi32, #tpu.memory_space<vmem>> -> memref<128xi32, #tpu.memory_space<vmem>>
    %dma_wait3A_34 = arith.constant 0 : i32
    %dma_wait3A_35 = arith.constant 0 : i32
    %dma_wait3A_36 = tpu.memref_slice %arg9[%dma_wait3A_34, %dma_wait3A_35] : memref<8192x128xf32, #tpu.memory_space<vmem_shared>> -> memref<8192x128xf32, #tpu.memory_space<vmem_shared>>
    tpu.wait_indirect_dma semaphore(%arg12 : memref<!tpu.dma_semaphore, #tpu.memory_space<semaphore_mem>>) src(%arg7 : memref<128x128xf32, #tpu.memory_space<vmem>>) dst(%dma_wait3A_36 : memref<8192x128xf32, #tpu.memory_space<vmem_shared>>)
    %add3A_37 = arith.constant 2 : i32
    %add3A_38 = arith.addi %add3A, %add3A_37 : i32
    %mul3A_39 = arith.constant 128 : i32
    %mul3A_40 = arith.muli %add3A_38, %mul3A_39 : i32
    %dma_start3A_41 = arith.constant 0 : i32
    %dma_start3A_42 = tpu.memref_slice %arg2[%mul3A_40, %dma_start3A_41] : memref<32768x128xf32, #tpu.memory_space<hbm>> -> memref<128x128xf32, #tpu.memory_space<hbm>>
    %dma_start3A_43 = arith.constant 0 : i32
    %dma_start3A_44 = tpu.memref_slice %arg2[%mul3A_40, %dma_start3A_43] : memref<32768x128xf32, #tpu.memory_space<hbm>> -> memref<128x128xf32, #tpu.memory_space<hbm>>
    tpu.enqueue_dma source(%dma_start3A_44 : memref<128x128xf32, #tpu.memory_space<hbm>>) target(%arg7 : memref<128x128xf32, #tpu.memory_space<vmem>>) target_semaphore(%arg10 : memref<!tpu.dma_semaphore, #tpu.memory_space<semaphore_mem>>)
    %dma_wait3A_45 = arith.constant 0 : i32
    %dma_wait3A_46 = tpu.memref_slice %arg2[%mul3A_15, %dma_wait3A_45] : memref<32768x128xf32, #tpu.memory_space<hbm>> -> memref<128x128xf32, #tpu.memory_space<hbm>>
    %dma_wait3A_47 = arith.constant 0 : i32
    %dma_wait3A_48 = tpu.memref_slice %arg2[%mul3A_15, %dma_wait3A_47] : memref<32768x128xf32, #tpu.memory_space<hbm>> -> memref<128x128xf32, #tpu.memory_space<hbm>>
    tpu.wait_dma2 semaphore(%arg11 : memref<!tpu.dma_semaphore, #tpu.memory_space<semaphore_mem>>) src(%dma_wait3A_48 : memref<128x128xf32, #tpu.memory_space<hbm>>) dst(%arg8 : memref<128x128xf32, #tpu.memory_space<vmem>>)
    %dma_start3A_49 = arith.constant 1 : i32
    %dma_start3A_50 = arith.constant 0 : i32
    %dma_start3A_51 = tpu.memref_slice %arg6[%dma_start3A_49, %dma_start3A_50] : memref<8x128xi32, #tpu.memory_space<vmem>> -> memref<1x128xi32, #tpu.memory_space<vmem>>
    %dma_start3A_52 = tpu.memref_squeeze %dma_start3A_51 : memref<1x128xi32, #tpu.memory_space<vmem>> -> memref<128xi32, #tpu.memory_space<vmem>>
    %dma_start3A_53 = arith.constant 0 : i32
    %dma_start3A_54 = arith.constant 0 : i32
    %dma_start3A_55 = tpu.memref_slice %arg9[%dma_start3A_53, %dma_start3A_54] : memref<8192x128xf32, #tpu.memory_space<vmem_shared>> -> memref<8192x128xf32, #tpu.memory_space<vmem_shared>>
    tpu.enqueue_indirect_dma source(%arg8 : memref<128x128xf32, #tpu.memory_space<vmem>>) target(%dma_start3A_55 : memref<8192x128xf32, #tpu.memory_space<vmem_shared>>) offsets(%dma_start3A_52 : memref<128xi32, #tpu.memory_space<vmem>>) semaphore(%arg13 : memref<!tpu.dma_semaphore, #tpu.memory_space<semaphore_mem>>) {add = true}
    %dma_wait3A_56 = arith.constant 1 : i32
    %dma_wait3A_57 = arith.constant 0 : i32
    %dma_wait3A_58 = tpu.memref_slice %arg6[%dma_wait3A_56, %dma_wait3A_57] : memref<8x128xi32, #tpu.memory_space<vmem>> -> memref<1x128xi32, #tpu.memory_space<vmem>>
    %dma_wait3A_59 = tpu.memref_squeeze %dma_wait3A_58 : memref<1x128xi32, #tpu.memory_space<vmem>> -> memref<128xi32, #tpu.memory_space<vmem>>
    %dma_wait3A_60 = arith.constant 0 : i32
    %dma_wait3A_61 = arith.constant 0 : i32
    %dma_wait3A_62 = tpu.memref_slice %arg9[%dma_wait3A_60, %dma_wait3A_61] : memref<8192x128xf32, #tpu.memory_space<vmem_shared>> -> memref<8192x128xf32, #tpu.memory_space<vmem_shared>>
    tpu.wait_indirect_dma semaphore(%arg13 : memref<!tpu.dma_semaphore, #tpu.memory_space<semaphore_mem>>) src(%arg8 : memref<128x128xf32, #tpu.memory_space<vmem>>) dst(%dma_wait3A_62 : memref<8192x128xf32, #tpu.memory_space<vmem_shared>>)
    %add3A_63 = arith.constant 3 : i32
    %add3A_64 = arith.addi %add3A, %add3A_63 : i32
    %mul3A_65 = arith.constant 128 : i32
    %mul3A_66 = arith.muli %add3A_64, %mul3A_65 : i32
    %dma_start3A_67 = arith.constant 0 : i32
    %dma_start3A_68 = tpu.memref_slice %arg2[%mul3A_66, %dma_start3A_67] : memref<32768x128xf32, #tpu.memory_space<hbm>> -> memref<128x128xf32, #tpu.memory_space<hbm>>
    %dma_start3A_69 = arith.constant 0 : i32
    %dma_start3A_70 = tpu.memref_slice %arg2[%mul3A_66, %dma_start3A_69] : memref<32768x128xf32, #tpu.memory_space<hbm>> -> memref<128x128xf32, #tpu.memory_space<hbm>>
    tpu.enqueue_dma source(%dma_start3A_70 : memref<128x128xf32, #tpu.memory_space<hbm>>) target(%arg8 : memref<128x128xf32, #tpu.memory_space<vmem>>) target_semaphore(%arg11 : memref<!tpu.dma_semaphore, #tpu.memory_space<semaphore_mem>>)
    %dma_wait3A_71 = arith.constant 0 : i32
    %dma_wait3A_72 = tpu.memref_slice %arg2[%mul3A_40, %dma_wait3A_71] : memref<32768x128xf32, #tpu.memory_space<hbm>> -> memref<128x128xf32, #tpu.memory_space<hbm>>
    %dma_wait3A_73 = arith.constant 0 : i32
    %dma_wait3A_74 = tpu.memref_slice %arg2[%mul3A_40, %dma_wait3A_73] : memref<32768x128xf32, #tpu.memory_space<hbm>> -> memref<128x128xf32, #tpu.memory_space<hbm>>
    tpu.wait_dma2 semaphore(%arg10 : memref<!tpu.dma_semaphore, #tpu.memory_space<semaphore_mem>>) src(%dma_wait3A_74 : memref<128x128xf32, #tpu.memory_space<hbm>>) dst(%arg7 : memref<128x128xf32, #tpu.memory_space<vmem>>)
    %dma_start3A_75 = arith.constant 2 : i32
    %dma_start3A_76 = arith.constant 0 : i32
    %dma_start3A_77 = tpu.memref_slice %arg6[%dma_start3A_75, %dma_start3A_76] : memref<8x128xi32, #tpu.memory_space<vmem>> -> memref<1x128xi32, #tpu.memory_space<vmem>>
    %dma_start3A_78 = tpu.memref_squeeze %dma_start3A_77 : memref<1x128xi32, #tpu.memory_space<vmem>> -> memref<128xi32, #tpu.memory_space<vmem>>
    %dma_start3A_79 = arith.constant 0 : i32
    %dma_start3A_80 = arith.constant 0 : i32
    %dma_start3A_81 = tpu.memref_slice %arg9[%dma_start3A_79, %dma_start3A_80] : memref<8192x128xf32, #tpu.memory_space<vmem_shared>> -> memref<8192x128xf32, #tpu.memory_space<vmem_shared>>
    tpu.enqueue_indirect_dma source(%arg7 : memref<128x128xf32, #tpu.memory_space<vmem>>) target(%dma_start3A_81 : memref<8192x128xf32, #tpu.memory_space<vmem_shared>>) offsets(%dma_start3A_78 : memref<128xi32, #tpu.memory_space<vmem>>) semaphore(%arg12 : memref<!tpu.dma_semaphore, #tpu.memory_space<semaphore_mem>>) {add = true}
    %dma_wait3A_82 = arith.constant 2 : i32
    %dma_wait3A_83 = arith.constant 0 : i32
    %dma_wait3A_84 = tpu.memref_slice %arg6[%dma_wait3A_82, %dma_wait3A_83] : memref<8x128xi32, #tpu.memory_space<vmem>> -> memref<1x128xi32, #tpu.memory_space<vmem>>
    %dma_wait3A_85 = tpu.memref_squeeze %dma_wait3A_84 : memref<1x128xi32, #tpu.memory_space<vmem>> -> memref<128xi32, #tpu.memory_space<vmem>>
    %dma_wait3A_86 = arith.constant 0 : i32
    %dma_wait3A_87 = arith.constant 0 : i32
    %dma_wait3A_88 = tpu.memref_slice %arg9[%dma_wait3A_86, %dma_wait3A_87] : memref<8192x128xf32, #tpu.memory_space<vmem_shared>> -> memref<8192x128xf32, #tpu.memory_space<vmem_shared>>
    tpu.wait_indirect_dma semaphore(%arg12 : memref<!tpu.dma_semaphore, #tpu.memory_space<semaphore_mem>>) src(%arg7 : memref<128x128xf32, #tpu.memory_space<vmem>>) dst(%dma_wait3A_88 : memref<8192x128xf32, #tpu.memory_space<vmem_shared>>)
    %add3A_89 = arith.constant 4 : i32
    %add3A_90 = arith.addi %add3A, %add3A_89 : i32
    %mul3A_91 = arith.constant 128 : i32
    %mul3A_92 = arith.muli %add3A_90, %mul3A_91 : i32
    %dma_start3A_93 = arith.constant 0 : i32
    %dma_start3A_94 = tpu.memref_slice %arg2[%mul3A_92, %dma_start3A_93] : memref<32768x128xf32, #tpu.memory_space<hbm>> -> memref<128x128xf32, #tpu.memory_space<hbm>>
    %dma_start3A_95 = arith.constant 0 : i32
    %dma_start3A_96 = tpu.memref_slice %arg2[%mul3A_92, %dma_start3A_95] : memref<32768x128xf32, #tpu.memory_space<hbm>> -> memref<128x128xf32, #tpu.memory_space<hbm>>
    tpu.enqueue_dma source(%dma_start3A_96 : memref<128x128xf32, #tpu.memory_space<hbm>>) target(%arg7 : memref<128x128xf32, #tpu.memory_space<vmem>>) target_semaphore(%arg10 : memref<!tpu.dma_semaphore, #tpu.memory_space<semaphore_mem>>)
    %dma_wait3A_97 = arith.constant 0 : i32
    %dma_wait3A_98 = tpu.memref_slice %arg2[%mul3A_66, %dma_wait3A_97] : memref<32768x128xf32, #tpu.memory_space<hbm>> -> memref<128x128xf32, #tpu.memory_space<hbm>>
    %dma_wait3A_99 = arith.constant 0 : i32
    %dma_wait3A_100 = tpu.memref_slice %arg2[%mul3A_66, %dma_wait3A_99] : memref<32768x128xf32, #tpu.memory_space<hbm>> -> memref<128x128xf32, #tpu.memory_space<hbm>>
    tpu.wait_dma2 semaphore(%arg11 : memref<!tpu.dma_semaphore, #tpu.memory_space<semaphore_mem>>) src(%dma_wait3A_100 : memref<128x128xf32, #tpu.memory_space<hbm>>) dst(%arg8 : memref<128x128xf32, #tpu.memory_space<vmem>>)
    %dma_start3A_101 = arith.constant 3 : i32
    %dma_start3A_102 = arith.constant 0 : i32
    %dma_start3A_103 = tpu.memref_slice %arg6[%dma_start3A_101, %dma_start3A_102] : memref<8x128xi32, #tpu.memory_space<vmem>> -> memref<1x128xi32, #tpu.memory_space<vmem>>
    %dma_start3A_104 = tpu.memref_squeeze %dma_start3A_103 : memref<1x128xi32, #tpu.memory_space<vmem>> -> memref<128xi32, #tpu.memory_space<vmem>>
    %dma_start3A_105 = arith.constant 0 : i32
    %dma_start3A_106 = arith.constant 0 : i32
    %dma_start3A_107 = tpu.memref_slice %arg9[%dma_start3A_105, %dma_start3A_106] : memref<8192x128xf32, #tpu.memory_space<vmem_shared>> -> memref<8192x128xf32, #tpu.memory_space<vmem_shared>>
    tpu.enqueue_indirect_dma source(%arg8 : memref<128x128xf32, #tpu.memory_space<vmem>>) target(%dma_start3A_107 : memref<8192x128xf32, #tpu.memory_space<vmem_shared>>) offsets(%dma_start3A_104 : memref<128xi32, #tpu.memory_space<vmem>>) semaphore(%arg13 : memref<!tpu.dma_semaphore, #tpu.memory_space<semaphore_mem>>) {add = true}
    %dma_wait3A_108 = arith.constant 3 : i32
    %dma_wait3A_109 = arith.constant 0 : i32
    %dma_wait3A_110 = tpu.memref_slice %arg6[%dma_wait3A_108, %dma_wait3A_109] : memref<8x128xi32, #tpu.memory_space<vmem>> -> memref<1x128xi32, #tpu.memory_space<vmem>>
    %dma_wait3A_111 = tpu.memref_squeeze %dma_wait3A_110 : memref<1x128xi32, #tpu.memory_space<vmem>> -> memref<128xi32, #tpu.memory_space<vmem>>
    %dma_wait3A_112 = arith.constant 0 : i32
    %dma_wait3A_113 = arith.constant 0 : i32
    %dma_wait3A_114 = tpu.memref_slice %arg9[%dma_wait3A_112, %dma_wait3A_113] : memref<8192x128xf32, #tpu.memory_space<vmem_shared>> -> memref<8192x128xf32, #tpu.memory_space<vmem_shared>>
    tpu.wait_indirect_dma semaphore(%arg13 : memref<!tpu.dma_semaphore, #tpu.memory_space<semaphore_mem>>) src(%arg8 : memref<128x128xf32, #tpu.memory_space<vmem>>) dst(%dma_wait3A_114 : memref<8192x128xf32, #tpu.memory_space<vmem_shared>>)
    %add3A_115 = arith.constant 5 : i32
    %add3A_116 = arith.addi %add3A, %add3A_115 : i32
    %mul3A_117 = arith.constant 128 : i32
    %mul3A_118 = arith.muli %add3A_116, %mul3A_117 : i32
    %dma_start3A_119 = arith.constant 0 : i32
    %dma_start3A_120 = tpu.memref_slice %arg2[%mul3A_118, %dma_start3A_119] : memref<32768x128xf32, #tpu.memory_space<hbm>> -> memref<128x128xf32, #tpu.memory_space<hbm>>
    %dma_start3A_121 = arith.constant 0 : i32
    %dma_start3A_122 = tpu.memref_slice %arg2[%mul3A_118, %dma_start3A_121] : memref<32768x128xf32, #tpu.memory_space<hbm>> -> memref<128x128xf32, #tpu.memory_space<hbm>>
    tpu.enqueue_dma source(%dma_start3A_122 : memref<128x128xf32, #tpu.memory_space<hbm>>) target(%arg8 : memref<128x128xf32, #tpu.memory_space<vmem>>) target_semaphore(%arg11 : memref<!tpu.dma_semaphore, #tpu.memory_space<semaphore_mem>>)
    %dma_wait3A_123 = arith.constant 0 : i32
    %dma_wait3A_124 = tpu.memref_slice %arg2[%mul3A_92, %dma_wait3A_123] : memref<32768x128xf32, #tpu.memory_space<hbm>> -> memref<128x128xf32, #tpu.memory_space<hbm>>
    %dma_wait3A_125 = arith.constant 0 : i32
    %dma_wait3A_126 = tpu.memref_slice %arg2[%mul3A_92, %dma_wait3A_125] : memref<32768x128xf32, #tpu.memory_space<hbm>> -> memref<128x128xf32, #tpu.memory_space<hbm>>
    tpu.wait_dma2 semaphore(%arg10 : memref<!tpu.dma_semaphore, #tpu.memory_space<semaphore_mem>>) src(%dma_wait3A_126 : memref<128x128xf32, #tpu.memory_space<hbm>>) dst(%arg7 : memref<128x128xf32, #tpu.memory_space<vmem>>)
    %dma_start3A_127 = arith.constant 4 : i32
    %dma_start3A_128 = arith.constant 0 : i32
    %dma_start3A_129 = tpu.memref_slice %arg6[%dma_start3A_127, %dma_start3A_128] : memref<8x128xi32, #tpu.memory_space<vmem>> -> memref<1x128xi32, #tpu.memory_space<vmem>>
    %dma_start3A_130 = tpu.memref_squeeze %dma_start3A_129 : memref<1x128xi32, #tpu.memory_space<vmem>> -> memref<128xi32, #tpu.memory_space<vmem>>
    %dma_start3A_131 = arith.constant 0 : i32
    %dma_start3A_132 = arith.constant 0 : i32
    %dma_start3A_133 = tpu.memref_slice %arg9[%dma_start3A_131, %dma_start3A_132] : memref<8192x128xf32, #tpu.memory_space<vmem_shared>> -> memref<8192x128xf32, #tpu.memory_space<vmem_shared>>
    tpu.enqueue_indirect_dma source(%arg7 : memref<128x128xf32, #tpu.memory_space<vmem>>) target(%dma_start3A_133 : memref<8192x128xf32, #tpu.memory_space<vmem_shared>>) offsets(%dma_start3A_130 : memref<128xi32, #tpu.memory_space<vmem>>) semaphore(%arg12 : memref<!tpu.dma_semaphore, #tpu.memory_space<semaphore_mem>>) {add = true}
    %dma_wait3A_134 = arith.constant 4 : i32
    %dma_wait3A_135 = arith.constant 0 : i32
    %dma_wait3A_136 = tpu.memref_slice %arg6[%dma_wait3A_134, %dma_wait3A_135] : memref<8x128xi32, #tpu.memory_space<vmem>> -> memref<1x128xi32, #tpu.memory_space<vmem>>
    %dma_wait3A_137 = tpu.memref_squeeze %dma_wait3A_136 : memref<1x128xi32, #tpu.memory_space<vmem>> -> memref<128xi32, #tpu.memory_space<vmem>>
    %dma_wait3A_138 = arith.constant 0 : i32
    %dma_wait3A_139 = arith.constant 0 : i32
    %dma_wait3A_140 = tpu.memref_slice %arg9[%dma_wait3A_138, %dma_wait3A_139] : memref<8192x128xf32, #tpu.memory_space<vmem_shared>> -> memref<8192x128xf32, #tpu.memory_space<vmem_shared>>
    tpu.wait_indirect_dma semaphore(%arg12 : memref<!tpu.dma_semaphore, #tpu.memory_space<semaphore_mem>>) src(%arg7 : memref<128x128xf32, #tpu.memory_space<vmem>>) dst(%dma_wait3A_140 : memref<8192x128xf32, #tpu.memory_space<vmem_shared>>)
    %add3A_141 = arith.constant 6 : i32
    %add3A_142 = arith.addi %add3A, %add3A_141 : i32
    %mul3A_143 = arith.constant 128 : i32
    %mul3A_144 = arith.muli %add3A_142, %mul3A_143 : i32
    %dma_start3A_145 = arith.constant 0 : i32
    %dma_start3A_146 = tpu.memref_slice %arg2[%mul3A_144, %dma_start3A_145] : memref<32768x128xf32, #tpu.memory_space<hbm>> -> memref<128x128xf32, #tpu.memory_space<hbm>>
    %dma_start3A_147 = arith.constant 0 : i32
    %dma_start3A_148 = tpu.memref_slice %arg2[%mul3A_144, %dma_start3A_147] : memref<32768x128xf32, #tpu.memory_space<hbm>> -> memref<128x128xf32, #tpu.memory_space<hbm>>
    tpu.enqueue_dma source(%dma_start3A_148 : memref<128x128xf32, #tpu.memory_space<hbm>>) target(%arg7 : memref<128x128xf32, #tpu.memory_space<vmem>>) target_semaphore(%arg10 : memref<!tpu.dma_semaphore, #tpu.memory_space<semaphore_mem>>)
    %dma_wait3A_149 = arith.constant 0 : i32
    %dma_wait3A_150 = tpu.memref_slice %arg2[%mul3A_118, %dma_wait3A_149] : memref<32768x128xf32, #tpu.memory_space<hbm>> -> memref<128x128xf32, #tpu.memory_space<hbm>>
    %dma_wait3A_151 = arith.constant 0 : i32
    %dma_wait3A_152 = tpu.memref_slice %arg2[%mul3A_118, %dma_wait3A_151] : memref<32768x128xf32, #tpu.memory_space<hbm>> -> memref<128x128xf32, #tpu.memory_space<hbm>>
    tpu.wait_dma2 semaphore(%arg11 : memref<!tpu.dma_semaphore, #tpu.memory_space<semaphore_mem>>) src(%dma_wait3A_152 : memref<128x128xf32, #tpu.memory_space<hbm>>) dst(%arg8 : memref<128x128xf32, #tpu.memory_space<vmem>>)
    %dma_start3A_153 = arith.constant 5 : i32
    %dma_start3A_154 = arith.constant 0 : i32
    %dma_start3A_155 = tpu.memref_slice %arg6[%dma_start3A_153, %dma_start3A_154] : memref<8x128xi32, #tpu.memory_space<vmem>> -> memref<1x128xi32, #tpu.memory_space<vmem>>
    %dma_start3A_156 = tpu.memref_squeeze %dma_start3A_155 : memref<1x128xi32, #tpu.memory_space<vmem>> -> memref<128xi32, #tpu.memory_space<vmem>>
    %dma_start3A_157 = arith.constant 0 : i32
    %dma_start3A_158 = arith.constant 0 : i32
    %dma_start3A_159 = tpu.memref_slice %arg9[%dma_start3A_157, %dma_start3A_158] : memref<8192x128xf32, #tpu.memory_space<vmem_shared>> -> memref<8192x128xf32, #tpu.memory_space<vmem_shared>>
    tpu.enqueue_indirect_dma source(%arg8 : memref<128x128xf32, #tpu.memory_space<vmem>>) target(%dma_start3A_159 : memref<8192x128xf32, #tpu.memory_space<vmem_shared>>) offsets(%dma_start3A_156 : memref<128xi32, #tpu.memory_space<vmem>>) semaphore(%arg13 : memref<!tpu.dma_semaphore, #tpu.memory_space<semaphore_mem>>) {add = true}
    %dma_wait3A_160 = arith.constant 5 : i32
    %dma_wait3A_161 = arith.constant 0 : i32
    %dma_wait3A_162 = tpu.memref_slice %arg6[%dma_wait3A_160, %dma_wait3A_161] : memref<8x128xi32, #tpu.memory_space<vmem>> -> memref<1x128xi32, #tpu.memory_space<vmem>>
    %dma_wait3A_163 = tpu.memref_squeeze %dma_wait3A_162 : memref<1x128xi32, #tpu.memory_space<vmem>> -> memref<128xi32, #tpu.memory_space<vmem>>
    %dma_wait3A_164 = arith.constant 0 : i32
    %dma_wait3A_165 = arith.constant 0 : i32
    %dma_wait3A_166 = tpu.memref_slice %arg9[%dma_wait3A_164, %dma_wait3A_165] : memref<8192x128xf32, #tpu.memory_space<vmem_shared>> -> memref<8192x128xf32, #tpu.memory_space<vmem_shared>>
    tpu.wait_indirect_dma semaphore(%arg13 : memref<!tpu.dma_semaphore, #tpu.memory_space<semaphore_mem>>) src(%arg8 : memref<128x128xf32, #tpu.memory_space<vmem>>) dst(%dma_wait3A_166 : memref<8192x128xf32, #tpu.memory_space<vmem_shared>>)
    %add3A_167 = arith.constant 7 : i32
    %add3A_168 = arith.addi %add3A, %add3A_167 : i32
    %mul3A_169 = arith.constant 128 : i32
    %mul3A_170 = arith.muli %add3A_168, %mul3A_169 : i32
    %dma_start3A_171 = arith.constant 0 : i32
    %dma_start3A_172 = tpu.memref_slice %arg2[%mul3A_170, %dma_start3A_171] : memref<32768x128xf32, #tpu.memory_space<hbm>> -> memref<128x128xf32, #tpu.memory_space<hbm>>
    %dma_start3A_173 = arith.constant 0 : i32
    %dma_start3A_174 = tpu.memref_slice %arg2[%mul3A_170, %dma_start3A_173] : memref<32768x128xf32, #tpu.memory_space<hbm>> -> memref<128x128xf32, #tpu.memory_space<hbm>>
    tpu.enqueue_dma source(%dma_start3A_174 : memref<128x128xf32, #tpu.memory_space<hbm>>) target(%arg8 : memref<128x128xf32, #tpu.memory_space<vmem>>) target_semaphore(%arg11 : memref<!tpu.dma_semaphore, #tpu.memory_space<semaphore_mem>>)
    %dma_wait3A_175 = arith.constant 0 : i32
    %dma_wait3A_176 = tpu.memref_slice %arg2[%mul3A_144, %dma_wait3A_175] : memref<32768x128xf32, #tpu.memory_space<hbm>> -> memref<128x128xf32, #tpu.memory_space<hbm>>
    %dma_wait3A_177 = arith.constant 0 : i32
    %dma_wait3A_178 = tpu.memref_slice %arg2[%mul3A_144, %dma_wait3A_177] : memref<32768x128xf32, #tpu.memory_space<hbm>> -> memref<128x128xf32, #tpu.memory_space<hbm>>
    tpu.wait_dma2 semaphore(%arg10 : memref<!tpu.dma_semaphore, #tpu.memory_space<semaphore_mem>>) src(%dma_wait3A_178 : memref<128x128xf32, #tpu.memory_space<hbm>>) dst(%arg7 : memref<128x128xf32, #tpu.memory_space<vmem>>)
    %dma_start3A_179 = arith.constant 6 : i32
    %dma_start3A_180 = arith.constant 0 : i32
    %dma_start3A_181 = tpu.memref_slice %arg6[%dma_start3A_179, %dma_start3A_180] : memref<8x128xi32, #tpu.memory_space<vmem>> -> memref<1x128xi32, #tpu.memory_space<vmem>>
    %dma_start3A_182 = tpu.memref_squeeze %dma_start3A_181 : memref<1x128xi32, #tpu.memory_space<vmem>> -> memref<128xi32, #tpu.memory_space<vmem>>
    %dma_start3A_183 = arith.constant 0 : i32
    %dma_start3A_184 = arith.constant 0 : i32
    %dma_start3A_185 = tpu.memref_slice %arg9[%dma_start3A_183, %dma_start3A_184] : memref<8192x128xf32, #tpu.memory_space<vmem_shared>> -> memref<8192x128xf32, #tpu.memory_space<vmem_shared>>
    tpu.enqueue_indirect_dma source(%arg7 : memref<128x128xf32, #tpu.memory_space<vmem>>) target(%dma_start3A_185 : memref<8192x128xf32, #tpu.memory_space<vmem_shared>>) offsets(%dma_start3A_182 : memref<128xi32, #tpu.memory_space<vmem>>) semaphore(%arg12 : memref<!tpu.dma_semaphore, #tpu.memory_space<semaphore_mem>>) {add = true}
    %dma_wait3A_186 = arith.constant 0 : i32
    %dma_wait3A_187 = tpu.memref_slice %arg2[%mul3A_170, %dma_wait3A_186] : memref<32768x128xf32, #tpu.memory_space<hbm>> -> memref<128x128xf32, #tpu.memory_space<hbm>>
    %dma_wait3A_188 = arith.constant 0 : i32
    %dma_wait3A_189 = tpu.memref_slice %arg2[%mul3A_170, %dma_wait3A_188] : memref<32768x128xf32, #tpu.memory_space<hbm>> -> memref<128x128xf32, #tpu.memory_space<hbm>>
    tpu.wait_dma2 semaphore(%arg11 : memref<!tpu.dma_semaphore, #tpu.memory_space<semaphore_mem>>) src(%dma_wait3A_189 : memref<128x128xf32, #tpu.memory_space<hbm>>) dst(%arg8 : memref<128x128xf32, #tpu.memory_space<vmem>>)
    %dma_start3A_190 = arith.constant 7 : i32
    %dma_start3A_191 = arith.constant 0 : i32
    %dma_start3A_192 = tpu.memref_slice %arg6[%dma_start3A_190, %dma_start3A_191] : memref<8x128xi32, #tpu.memory_space<vmem>> -> memref<1x128xi32, #tpu.memory_space<vmem>>
    %dma_start3A_193 = tpu.memref_squeeze %dma_start3A_192 : memref<1x128xi32, #tpu.memory_space<vmem>> -> memref<128xi32, #tpu.memory_space<vmem>>
    %dma_start3A_194 = arith.constant 0 : i32
    %dma_start3A_195 = arith.constant 0 : i32
    %dma_start3A_196 = tpu.memref_slice %arg9[%dma_start3A_194, %dma_start3A_195] : memref<8192x128xf32, #tpu.memory_space<vmem_shared>> -> memref<8192x128xf32, #tpu.memory_space<vmem_shared>>
    tpu.enqueue_indirect_dma source(%arg8 : memref<128x128xf32, #tpu.memory_space<vmem>>) target(%dma_start3A_196 : memref<8192x128xf32, #tpu.memory_space<vmem_shared>>) offsets(%dma_start3A_193 : memref<128xi32, #tpu.memory_space<vmem>>) semaphore(%arg13 : memref<!tpu.dma_semaphore, #tpu.memory_space<semaphore_mem>>) {add = true}
    %dma_wait3A_197 = arith.constant 6 : i32
    %dma_wait3A_198 = arith.constant 0 : i32
    %dma_wait3A_199 = tpu.memref_slice %arg6[%dma_wait3A_197, %dma_wait3A_198] : memref<8x128xi32, #tpu.memory_space<vmem>> -> memref<1x128xi32, #tpu.memory_space<vmem>>
    %dma_wait3A_200 = tpu.memref_squeeze %dma_wait3A_199 : memref<1x128xi32, #tpu.memory_space<vmem>> -> memref<128xi32, #tpu.memory_space<vmem>>
    %dma_wait3A_201 = arith.constant 0 : i32
    %dma_wait3A_202 = arith.constant 0 : i32
    %dma_wait3A_203 = tpu.memref_slice %arg9[%dma_wait3A_201, %dma_wait3A_202] : memref<8192x128xf32, #tpu.memory_space<vmem_shared>> -> memref<8192x128xf32, #tpu.memory_space<vmem_shared>>
    tpu.wait_indirect_dma semaphore(%arg12 : memref<!tpu.dma_semaphore, #tpu.memory_space<semaphore_mem>>) src(%arg7 : memref<128x128xf32, #tpu.memory_space<vmem>>) dst(%dma_wait3A_203 : memref<8192x128xf32, #tpu.memory_space<vmem_shared>>)
    %dma_wait3A_204 = arith.constant 7 : i32
    %dma_wait3A_205 = arith.constant 0 : i32
    %dma_wait3A_206 = tpu.memref_slice %arg6[%dma_wait3A_204, %dma_wait3A_205] : memref<8x128xi32, #tpu.memory_space<vmem>> -> memref<1x128xi32, #tpu.memory_space<vmem>>
    %dma_wait3A_207 = tpu.memref_squeeze %dma_wait3A_206 : memref<1x128xi32, #tpu.memory_space<vmem>> -> memref<128xi32, #tpu.memory_space<vmem>>
    %dma_wait3A_208 = arith.constant 0 : i32
    %dma_wait3A_209 = arith.constant 0 : i32
    %dma_wait3A_210 = tpu.memref_slice %arg9[%dma_wait3A_208, %dma_wait3A_209] : memref<8192x128xf32, #tpu.memory_space<vmem_shared>> -> memref<8192x128xf32, #tpu.memory_space<vmem_shared>>
    tpu.wait_indirect_dma semaphore(%arg13 : memref<!tpu.dma_semaphore, #tpu.memory_space<semaphore_mem>>) src(%arg8 : memref<128x128xf32, #tpu.memory_space<vmem>>) dst(%dma_wait3A_210 : memref<8192x128xf32, #tpu.memory_space<vmem_shared>>)
    %barrier3A_211 = arith.constant 0 : index
    tpu.barrier barrier_id(%barrier3A_211)
    %mul3A_212 = arith.constant 512 : i32
    %mul3A_213 = arith.muli %arg1, %mul3A_212 : i32
    %mul3A_214 = arith.constant 8192 : i32
    %mul3A_215 = arith.muli %arg0, %mul3A_214 : i32
    %mul3A_216 = arith.constant 512 : i32
    %mul3A_217 = arith.muli %arg1, %mul3A_216 : i32
    %add3A_218 = arith.addi %mul3A_215, %mul3A_217 : i32
    "tpu.region"() ({
      %run_scoped3A = tpu.sem_alloc : memref<!tpu.dma_semaphore, #tpu.memory_space<semaphore_mem>>
      %dma_start3A_219 = arith.constant 0 : i32
      %dma_start3A_220 = tpu.memref_slice %arg5[%add3A_218, %dma_start3A_219] : memref<16384x128xf32, #tpu.memory_space<hbm>> -> memref<512x128xf32, #tpu.memory_space<hbm>>
      %dma_start3A_221 = arith.constant 0 : i32
      %dma_start3A_222 = tpu.memref_slice %arg9[%mul3A_213, %dma_start3A_221] : memref<8192x128xf32, #tpu.memory_space<vmem_shared>> -> memref<512x128xf32, #tpu.memory_space<vmem_shared>>
      tpu.enqueue_dma source(%dma_start3A_222 : memref<512x128xf32, #tpu.memory_space<vmem_shared>>) target(%dma_start3A_220 : memref<512x128xf32, #tpu.memory_space<hbm>>) target_semaphore(%run_scoped3A : memref<!tpu.dma_semaphore, #tpu.memory_space<semaphore_mem>>)
      %dma_wait3A_223 = arith.constant 0 : i32
      %dma_wait3A_224 = tpu.memref_slice %arg5[%add3A_218, %dma_wait3A_223] : memref<16384x128xf32, #tpu.memory_space<hbm>> -> memref<512x128xf32, #tpu.memory_space<hbm>>
      %dma_wait3A_225 = arith.constant 0 : i32
      %dma_wait3A_226 = tpu.memref_slice %arg9[%mul3A_213, %dma_wait3A_225] : memref<8192x128xf32, #tpu.memory_space<vmem_shared>> -> memref<512x128xf32, #tpu.memory_space<vmem_shared>>
      tpu.wait_dma2 semaphore(%run_scoped3A : memref<!tpu.dma_semaphore, #tpu.memory_space<semaphore_mem>>) src(%dma_wait3A_226 : memref<512x128xf32, #tpu.memory_space<vmem_shared>>) dst(%dma_wait3A_224 : memref<512x128xf32, #tpu.memory_space<hbm>>)
      tpu.yield
    }) : () -> ()
    return
  }
}

#map = affine_map<(d0, d1) -> (0, 0)>
#map1 = affine_map<(d0, d1) -> (0)>
module attributes {stable_mosaic.version = 14 : i64} {
  func.func @k(%arg0: i32, %arg1: i32, %arg2: memref<16384x128xf32, #tpu.memory_space<hbm>>, %arg3: memref<4096xi32, #tpu.memory_space<hbm>>, %arg4: memref<4096x128xf32, #tpu.memory_space<hbm>>, %arg5: memref<128xi32, #tpu.memory_space<vmem>>, %arg6: memref<128x128xf32, #tpu.memory_space<vmem>>, %arg7: memref<128x128xf32, #tpu.memory_space<vmem>>, %arg8: memref<!tpu.dma_semaphore, #tpu.memory_space<semaphore_mem>>, %arg9: memref<!tpu.dma_semaphore, #tpu.memory_space<semaphore_mem>>, %arg10: memref<!tpu.dma_semaphore, #tpu.memory_space<semaphore_mem>>, %arg11: memref<!tpu.dma_semaphore, #tpu.memory_space<semaphore_mem>>) attributes {dimension_semantics = [#tpu.dimension_semantics<core_parallel>, #tpu.dimension_semantics<subcore_parallel>], iteration_bounds = array<i64: 2, 16>, scalar_prefetch = 0 : i64, scratch_operands = 7 : i64, tpu.core_type = #tpu.core_type<sc_vector_subcore>, window_params = [{transform_indices = #map}, {transform_indices = #map1}, {transform_indices = #map}]} {
    %mul3A = arith.constant 2 : i32
    %mul3A_0 = arith.muli %arg1, %mul3A : i32
    %add3A = arith.addi %mul3A_0, %arg0 : i32
    %mul3A_1 = arith.constant 128 : i32
    %mul3A_2 = arith.muli %add3A, %mul3A_1 : i32
    "tpu.region"() ({
      %run_scoped3A = tpu.sem_alloc : memref<!tpu.dma_semaphore, #tpu.memory_space<semaphore_mem>>
      %dma_start3A_21 = tpu.memref_slice %arg3[%mul3A_2] : memref<4096xi32, #tpu.memory_space<hbm>> -> memref<128xi32, #tpu.memory_space<hbm>>
      %dma_start3A_22 = tpu.memref_slice %arg3[%mul3A_2] : memref<4096xi32, #tpu.memory_space<hbm>> -> memref<128xi32, #tpu.memory_space<hbm>>
      tpu.enqueue_dma source(%dma_start3A_22 : memref<128xi32, #tpu.memory_space<hbm>>) target(%arg5 : memref<128xi32, #tpu.memory_space<vmem>>) target_semaphore(%run_scoped3A : memref<!tpu.dma_semaphore, #tpu.memory_space<semaphore_mem>>)
      %dma_wait3A_23 = tpu.memref_slice %arg3[%mul3A_2] : memref<4096xi32, #tpu.memory_space<hbm>> -> memref<128xi32, #tpu.memory_space<hbm>>
      %dma_wait3A_24 = tpu.memref_slice %arg3[%mul3A_2] : memref<4096xi32, #tpu.memory_space<hbm>> -> memref<128xi32, #tpu.memory_space<hbm>>
      tpu.wait_dma2 semaphore(%run_scoped3A : memref<!tpu.dma_semaphore, #tpu.memory_space<semaphore_mem>>) src(%dma_wait3A_24 : memref<128xi32, #tpu.memory_space<hbm>>) dst(%arg5 : memref<128xi32, #tpu.memory_space<vmem>>)
      tpu.yield
    }) : () -> ()
    %add3A_3 = arith.constant 0 : i32
    %add3A_4 = arith.addi %mul3A_2, %add3A_3 : i32
    %dma_start3A = arith.constant 0 : i32
    %dma_start3A_5 = tpu.memref_slice %arg5[%dma_start3A] : memref<128xi32, #tpu.memory_space<vmem>> -> memref<128xi32, #tpu.memory_space<vmem>>
    %dma_start3A_6 = arith.constant 0 : i32
    %dma_start3A_7 = arith.constant 0 : i32
    %dma_start3A_8 = tpu.memref_slice %arg2[%dma_start3A_6, %dma_start3A_7] : memref<16384x128xf32, #tpu.memory_space<hbm>> -> memref<16384x128xf32, #tpu.memory_space<hbm>>
    tpu.enqueue_indirect_dma source(%dma_start3A_8 : memref<16384x128xf32, #tpu.memory_space<hbm>>) target(%arg6 : memref<128x128xf32, #tpu.memory_space<vmem>>) offsets(%dma_start3A_5 : memref<128xi32, #tpu.memory_space<vmem>>) semaphore(%arg8 : memref<!tpu.dma_semaphore, #tpu.memory_space<semaphore_mem>>)
    %dma_wait3A = arith.constant 0 : i32
    %dma_wait3A_9 = tpu.memref_slice %arg5[%dma_wait3A] : memref<128xi32, #tpu.memory_space<vmem>> -> memref<128xi32, #tpu.memory_space<vmem>>
    %dma_wait3A_10 = arith.constant 0 : i32
    %dma_wait3A_11 = arith.constant 0 : i32
    %dma_wait3A_12 = tpu.memref_slice %arg2[%dma_wait3A_10, %dma_wait3A_11] : memref<16384x128xf32, #tpu.memory_space<hbm>> -> memref<16384x128xf32, #tpu.memory_space<hbm>>
    tpu.wait_indirect_dma semaphore(%arg8 : memref<!tpu.dma_semaphore, #tpu.memory_space<semaphore_mem>>) src(%dma_wait3A_12 : memref<16384x128xf32, #tpu.memory_space<hbm>>) dst(%arg6 : memref<128x128xf32, #tpu.memory_space<vmem>>)
    %dma_start3A_13 = arith.constant 0 : i32
    %dma_start3A_14 = tpu.memref_slice %arg4[%add3A_4, %dma_start3A_13] : memref<4096x128xf32, #tpu.memory_space<hbm>> -> memref<128x128xf32, #tpu.memory_space<hbm>>
    %dma_start3A_15 = arith.constant 0 : i32
    %dma_start3A_16 = tpu.memref_slice %arg4[%add3A_4, %dma_start3A_15] : memref<4096x128xf32, #tpu.memory_space<hbm>> -> memref<128x128xf32, #tpu.memory_space<hbm>>
    tpu.enqueue_dma source(%arg6 : memref<128x128xf32, #tpu.memory_space<vmem>>) target(%dma_start3A_16 : memref<128x128xf32, #tpu.memory_space<hbm>>) target_semaphore(%arg10 : memref<!tpu.dma_semaphore, #tpu.memory_space<semaphore_mem>>)
    %dma_wait3A_17 = arith.constant 0 : i32
    %dma_wait3A_18 = tpu.memref_slice %arg4[%add3A_4, %dma_wait3A_17] : memref<4096x128xf32, #tpu.memory_space<hbm>> -> memref<128x128xf32, #tpu.memory_space<hbm>>
    %dma_wait3A_19 = arith.constant 0 : i32
    %dma_wait3A_20 = tpu.memref_slice %arg4[%add3A_4, %dma_wait3A_19] : memref<4096x128xf32, #tpu.memory_space<hbm>> -> memref<128x128xf32, #tpu.memory_space<hbm>>
    tpu.wait_dma2 semaphore(%arg10 : memref<!tpu.dma_semaphore, #tpu.memory_space<semaphore_mem>>) src(%arg6 : memref<128x128xf32, #tpu.memory_space<vmem>>) dst(%dma_wait3A_20 : memref<128x128xf32, #tpu.memory_space<hbm>>)
    return
  }
}

module attributes {stable_mosaic.version = 14 : i64} {
  func.func @_msg_body(%arg0: i32, %arg1: memref<4096x128xf32, #tpu.memory_space<vmem>>, %arg2: memref<4096x1xi32, #tpu.memory_space<vmem>>, %arg3: memref<128x1024xbf16, #tpu.memory_space<vmem>>, %arg4: memref<128x1024xbf16, #tpu.memory_space<vmem>>, %arg5: memref<4096x128xf32, #tpu.memory_space<vmem>>) attributes {dimension_semantics = [#tpu.dimension_semantics<arbitrary>], iteration_bounds = array<i64: 8>, scalar_prefetch = 0 : i64, scratch_operands = 0 : i64, tpu.core_type = #tpu.core_type<tc>, window_params = [{transform_indices = @transform_0, window_bounds = array<i64: 4096, 128>}, {transform_indices = @transform_1, window_bounds = array<i64: 4096, 1>}, {pipeline_mode = #tpu.pipeline_mode<synchronous>, transform_indices = @transform_2, window_bounds = array<i64: 128, 1024>}, {pipeline_mode = #tpu.pipeline_mode<synchronous>, transform_indices = @transform_3, window_bounds = array<i64: 128, 1024>}, {transform_indices = @transform_4, window_bounds = array<i64: 4096, 128>}]} {
    %get3A = arith.constant 0 : index
    %get3A_0 = arith.constant 0 : index
    %get3A_1 = vector.load %arg2[%get3A, %get3A_0] : memref<4096x1xi32, #tpu.memory_space<vmem>>, vector<4096x1xi32>
    %iota3A = tpu.iota {dimensions = array<i32: 1>} : vector<4096x128xi32>
    %eq3A = vector.broadcast %get3A_1 : vector<4096x1xi32> to vector<4096x128xi32>
    %eq3A_2 = arith.cmpi eq, %eq3A, %iota3A : vector<4096x128xi32>
    %convert_element_type3A = arith.extui %eq3A_2 : vector<4096x128xi1> to vector<4096x128xi32>
    %convert_element_type3A_3 = arith.sitofp %convert_element_type3A : vector<4096x128xi32> to vector<4096x128xf32>
    %convert_element_type3A_4 = arith.truncf %convert_element_type3A_3 : vector<4096x128xf32> to vector<4096x128xbf16>
    %get3A_5 = arith.constant 0 : index
    %get3A_6 = arith.constant 0 : index
    %get3A_7 = vector.load %arg3[%get3A_5, %get3A_6] : memref<128x1024xbf16, #tpu.memory_space<vmem>>, vector<128x1024xbf16>
    %dot_general3A = arith.constant dense<0.000000e+00> : vector<4096x1024xf32>
    %dot_general3A_8 = tpu.matmul %convert_element_type3A_4, %get3A_7, %dot_general3A {dimension_numbers = #tpu.dot_dimension_numbers<[1], [0], [0], [1], [0, 0, 1, 1], [], []>, transpose_lhs_hint = false} : vector<4096x128xbf16>, vector<128x1024xbf16>, vector<4096x1024xf32> -> vector<4096x1024xf32>
    %get3A_9 = arith.constant 0 : index
    %get3A_10 = arith.constant 0 : index
    %get3A_11 = vector.load %arg1[%get3A_9, %get3A_10] : memref<4096x128xf32, #tpu.memory_space<vmem>>, vector<4096x128xf32>
    %convert_element_type3A_12 = arith.truncf %get3A_11 : vector<4096x128xf32> to vector<4096x128xbf16>
    %get3A_13 = arith.constant 0 : index
    %get3A_14 = arith.constant 0 : index
    %get3A_15 = vector.load %arg4[%get3A_13, %get3A_14] : memref<128x1024xbf16, #tpu.memory_space<vmem>>, vector<128x1024xbf16>
    %dot_general3A_16 = arith.constant dense<0.000000e+00> : vector<4096x1024xf32>
    %dot_general3A_17 = tpu.matmul %convert_element_type3A_12, %get3A_15, %dot_general3A_16 {dimension_numbers = #tpu.dot_dimension_numbers<[1], [0], [0], [1], [0, 0, 1, 1], [], []>, transpose_lhs_hint = false} : vector<4096x128xbf16>, vector<128x1024xbf16>, vector<4096x1024xf32> -> vector<4096x1024xf32>
    %mul3A = arith.mulf %dot_general3A_17, %dot_general3A_8 : vector<4096x1024xf32>
    %slice3A = vector.extract_strided_slice %mul3A {offsets = [0, 0], sizes = [4096, 128], strides = [1, 1]} : vector<4096x1024xf32> to vector<4096x128xf32>
    %slice3A_18 = vector.extract_strided_slice %mul3A {offsets = [0, 128], sizes = [4096, 128], strides = [1, 1]} : vector<4096x1024xf32> to vector<4096x128xf32>
    %add3A = arith.addf %slice3A, %slice3A_18 : vector<4096x128xf32>
    %slice3A_19 = vector.extract_strided_slice %mul3A {offsets = [0, 256], sizes = [4096, 128], strides = [1, 1]} : vector<4096x1024xf32> to vector<4096x128xf32>
    %add3A_20 = arith.addf %add3A, %slice3A_19 : vector<4096x128xf32>
    %slice3A_21 = vector.extract_strided_slice %mul3A {offsets = [0, 384], sizes = [4096, 128], strides = [1, 1]} : vector<4096x1024xf32> to vector<4096x128xf32>
    %add3A_22 = arith.addf %add3A_20, %slice3A_21 : vector<4096x128xf32>
    %slice3A_23 = vector.extract_strided_slice %mul3A {offsets = [0, 512], sizes = [4096, 128], strides = [1, 1]} : vector<4096x1024xf32> to vector<4096x128xf32>
    %add3A_24 = arith.addf %add3A_22, %slice3A_23 : vector<4096x128xf32>
    %slice3A_25 = vector.extract_strided_slice %mul3A {offsets = [0, 640], sizes = [4096, 128], strides = [1, 1]} : vector<4096x1024xf32> to vector<4096x128xf32>
    %add3A_26 = arith.addf %add3A_24, %slice3A_25 : vector<4096x128xf32>
    %slice3A_27 = vector.extract_strided_slice %mul3A {offsets = [0, 768], sizes = [4096, 128], strides = [1, 1]} : vector<4096x1024xf32> to vector<4096x128xf32>
    %add3A_28 = arith.addf %add3A_26, %slice3A_27 : vector<4096x128xf32>
    %slice3A_29 = vector.extract_strided_slice %mul3A {offsets = [0, 896], sizes = [4096, 128], strides = [1, 1]} : vector<4096x1024xf32> to vector<4096x128xf32>
    %add3A_30 = arith.addf %add3A_28, %slice3A_29 : vector<4096x128xf32>
    %swap3A = arith.constant 0 : index
    %swap3A_31 = arith.constant 0 : index
    %swap3A_32 = vector.load %arg5[%swap3A, %swap3A_31] : memref<4096x128xf32, #tpu.memory_space<vmem>>, vector<4096x128xf32>
    tpu.vector_store %arg5[%swap3A, %swap3A_31], %add3A_30 {strides = array<i32>} : memref<4096x128xf32, #tpu.memory_space<vmem>>, vector<4096x128xf32>,
    return
  }
  func.func @transform_0(%arg0: i32) -> (i32, i32) {
    %c0_i32 = arith.constant 0 : i32
    %c0_i32_0 = arith.constant 0 : i32
    return %arg0, %c0_i32 : i32, i32
  }
  func.func @transform_1(%arg0: i32) -> (i32, i32) {
    %c0_i32 = arith.constant 0 : i32
    %c0_i32_0 = arith.constant 0 : i32
    return %arg0, %c0_i32 : i32, i32
  }
  func.func @transform_2(%arg0: i32) -> (i32, i32) {
    %c0_i32 = arith.constant 0 : i32
    %c0_i32_0 = arith.constant 0 : i32
    %c0_i32_1 = arith.constant 0 : i32
    return %c0_i32, %c0_i32_0 : i32, i32
  }
  func.func @transform_3(%arg0: i32) -> (i32, i32) {
    %c0_i32 = arith.constant 0 : i32
    %c0_i32_0 = arith.constant 0 : i32
    %c0_i32_1 = arith.constant 0 : i32
    return %c0_i32, %c0_i32_0 : i32, i32
  }
  func.func @transform_4(%arg0: i32) -> (i32, i32) {
    %c0_i32 = arith.constant 0 : i32
    %c0_i32_0 = arith.constant 0 : i32
    return %arg0, %c0_i32 : i32, i32
  }
}

module attributes {stable_mosaic.version = 14 : i64} {
  func.func @_deg_body(%arg0: i32, %arg1: i32, %arg2: memref<1x8x512xi32, #tpu.memory_space<vmem>>, %arg3: memref<512x1xf32, #tpu.memory_space<vmem>>) attributes {dimension_semantics = [#tpu.dimension_semantics<arbitrary>, #tpu.dimension_semantics<arbitrary>], iteration_bounds = array<i64: 8, 4>, scalar_prefetch = 0 : i64, scratch_operands = 0 : i64, tpu.core_type = #tpu.core_type<tc>, window_params = [{transform_indices = @transform_0, window_bounds = array<i64: 1, 8, 512>}, {transform_indices = @transform_1, window_bounds = array<i64: 512, 1>}]} {
    %mul3A = arith.constant 512 : i32
    %mul3A_0 = arith.muli %arg1, %mul3A : i32
    %iota3A = tpu.iota {dimensions = array<i32: 0>} : vector<512x1xi32>
    %add3A = vector.broadcast %mul3A_0 : i32 to vector<512x1xi32>
    %add3A_1 = arith.addi %add3A, %iota3A : vector<512x1xi32>
    %broadcast_in_dim3A = arith.constant 0.000000e+00 : f32
    %broadcast_in_dim3A_2 = vector.broadcast %broadcast_in_dim3A : f32 to vector<512x1xf32>
    %get3A = arith.constant 0 : index
    %get3A_3 = arith.constant 0 : index
    %get3A_4 = arith.constant 0 : index
    %get3A_5 = vector.load %arg2[%get3A, %get3A_3, %get3A_4] : memref<1x8x512xi32, #tpu.memory_space<vmem>>, vector<1x1x512xi32>
    %get3A_6 = vector.shape_cast %get3A_5 : vector<1x1x512xi32> to vector<512xi32>
    %reshape3A = vector.shape_cast %get3A_6 : vector<512xi32> to vector<1x512xi32>
    %eq3A = vector.broadcast %add3A_1 : vector<512x1xi32> to vector<512x512xi32>
    %eq3A_7 = vector.broadcast %reshape3A : vector<1x512xi32> to vector<512x512xi32>
    %eq3A_8 = arith.cmpi eq, %eq3A, %eq3A_7 : vector<512x512xi32>
    %convert_element_type3A = arith.extui %eq3A_8 : vector<512x512xi1> to vector<512x512xi32>
    %convert_element_type3A_9 = arith.sitofp %convert_element_type3A : vector<512x512xi32> to vector<512x512xf32>
    %reduce_sum3A = arith.constant dense<0.000000e+00> : vector<512xf32>
    %reduce_sum3A_10 = vector.multi_reduction <add>, %convert_element_type3A_9, %reduce_sum3A [1] : vector<512x512xf32> to vector<512xf32>
    %broadcast_in_dim3A_11 = vector.shape_cast %reduce_sum3A_10 : vector<512xf32> to vector<512x1xf32>
    %add3A_12 = arith.addf %broadcast_in_dim3A_2, %broadcast_in_dim3A_11 : vector<512x1xf32>
    %get3A_13 = arith.constant 0 : index
    %get3A_14 = arith.constant 1 : index
    %get3A_15 = arith.constant 0 : index
    %get3A_16 = vector.load %arg2[%get3A_13, %get3A_14, %get3A_15] : memref<1x8x512xi32, #tpu.memory_space<vmem>>, vector<1x1x512xi32>
    %get3A_17 = vector.shape_cast %get3A_16 : vector<1x1x512xi32> to vector<512xi32>
    %reshape3A_18 = vector.shape_cast %get3A_17 : vector<512xi32> to vector<1x512xi32>
    %eq3A_19 = vector.broadcast %add3A_1 : vector<512x1xi32> to vector<512x512xi32>
    %eq3A_20 = vector.broadcast %reshape3A_18 : vector<1x512xi32> to vector<512x512xi32>
    %eq3A_21 = arith.cmpi eq, %eq3A_19, %eq3A_20 : vector<512x512xi32>
    %convert_element_type3A_22 = arith.extui %eq3A_21 : vector<512x512xi1> to vector<512x512xi32>
    %convert_element_type3A_23 = arith.sitofp %convert_element_type3A_22 : vector<512x512xi32> to vector<512x512xf32>
    %reduce_sum3A_24 = arith.constant dense<0.000000e+00> : vector<512xf32>
    %reduce_sum3A_25 = vector.multi_reduction <add>, %convert_element_type3A_23, %reduce_sum3A_24 [1] : vector<512x512xf32> to vector<512xf32>
    %broadcast_in_dim3A_26 = vector.shape_cast %reduce_sum3A_25 : vector<512xf32> to vector<512x1xf32>
    %add3A_27 = arith.addf %add3A_12, %broadcast_in_dim3A_26 : vector<512x1xf32>
    %get3A_28 = arith.constant 0 : index
    %get3A_29 = arith.constant 2 : index
    %get3A_30 = arith.constant 0 : index
    %get3A_31 = vector.load %arg2[%get3A_28, %get3A_29, %get3A_30] : memref<1x8x512xi32, #tpu.memory_space<vmem>>, vector<1x1x512xi32>
    %get3A_32 = vector.shape_cast %get3A_31 : vector<1x1x512xi32> to vector<512xi32>
    %reshape3A_33 = vector.shape_cast %get3A_32 : vector<512xi32> to vector<1x512xi32>
    %eq3A_34 = vector.broadcast %add3A_1 : vector<512x1xi32> to vector<512x512xi32>
    %eq3A_35 = vector.broadcast %reshape3A_33 : vector<1x512xi32> to vector<512x512xi32>
    %eq3A_36 = arith.cmpi eq, %eq3A_34, %eq3A_35 : vector<512x512xi32>
    %convert_element_type3A_37 = arith.extui %eq3A_36 : vector<512x512xi1> to vector<512x512xi32>
    %convert_element_type3A_38 = arith.sitofp %convert_element_type3A_37 : vector<512x512xi32> to vector<512x512xf32>
    %reduce_sum3A_39 = arith.constant dense<0.000000e+00> : vector<512xf32>
    %reduce_sum3A_40 = vector.multi_reduction <add>, %convert_element_type3A_38, %reduce_sum3A_39 [1] : vector<512x512xf32> to vector<512xf32>
    %broadcast_in_dim3A_41 = vector.shape_cast %reduce_sum3A_40 : vector<512xf32> to vector<512x1xf32>
    %add3A_42 = arith.addf %add3A_27, %broadcast_in_dim3A_41 : vector<512x1xf32>
    %get3A_43 = arith.constant 0 : index
    %get3A_44 = arith.constant 3 : index
    %get3A_45 = arith.constant 0 : index
    %get3A_46 = vector.load %arg2[%get3A_43, %get3A_44, %get3A_45] : memref<1x8x512xi32, #tpu.memory_space<vmem>>, vector<1x1x512xi32>
    %get3A_47 = vector.shape_cast %get3A_46 : vector<1x1x512xi32> to vector<512xi32>
    %reshape3A_48 = vector.shape_cast %get3A_47 : vector<512xi32> to vector<1x512xi32>
    %eq3A_49 = vector.broadcast %add3A_1 : vector<512x1xi32> to vector<512x512xi32>
    %eq3A_50 = vector.broadcast %reshape3A_48 : vector<1x512xi32> to vector<512x512xi32>
    %eq3A_51 = arith.cmpi eq, %eq3A_49, %eq3A_50 : vector<512x512xi32>
    %convert_element_type3A_52 = arith.extui %eq3A_51 : vector<512x512xi1> to vector<512x512xi32>
    %convert_element_type3A_53 = arith.sitofp %convert_element_type3A_52 : vector<512x512xi32> to vector<512x512xf32>
    %reduce_sum3A_54 = arith.constant dense<0.000000e+00> : vector<512xf32>
    %reduce_sum3A_55 = vector.multi_reduction <add>, %convert_element_type3A_53, %reduce_sum3A_54 [1] : vector<512x512xf32> to vector<512xf32>
    %broadcast_in_dim3A_56 = vector.shape_cast %reduce_sum3A_55 : vector<512xf32> to vector<512x1xf32>
    %add3A_57 = arith.addf %add3A_42, %broadcast_in_dim3A_56 : vector<512x1xf32>
    %get3A_58 = arith.constant 0 : index
    %get3A_59 = arith.constant 4 : index
    %get3A_60 = arith.constant 0 : index
    %get3A_61 = vector.load %arg2[%get3A_58, %get3A_59, %get3A_60] : memref<1x8x512xi32, #tpu.memory_space<vmem>>, vector<1x1x512xi32>
    %get3A_62 = vector.shape_cast %get3A_61 : vector<1x1x512xi32> to vector<512xi32>
    %reshape3A_63 = vector.shape_cast %get3A_62 : vector<512xi32> to vector<1x512xi32>
    %eq3A_64 = vector.broadcast %add3A_1 : vector<512x1xi32> to vector<512x512xi32>
    %eq3A_65 = vector.broadcast %reshape3A_63 : vector<1x512xi32> to vector<512x512xi32>
    %eq3A_66 = arith.cmpi eq, %eq3A_64, %eq3A_65 : vector<512x512xi32>
    %convert_element_type3A_67 = arith.extui %eq3A_66 : vector<512x512xi1> to vector<512x512xi32>
    %convert_element_type3A_68 = arith.sitofp %convert_element_type3A_67 : vector<512x512xi32> to vector<512x512xf32>
    %reduce_sum3A_69 = arith.constant dense<0.000000e+00> : vector<512xf32>
    %reduce_sum3A_70 = vector.multi_reduction <add>, %convert_element_type3A_68, %reduce_sum3A_69 [1] : vector<512x512xf32> to vector<512xf32>
    %broadcast_in_dim3A_71 = vector.shape_cast %reduce_sum3A_70 : vector<512xf32> to vector<512x1xf32>
    %add3A_72 = arith.addf %add3A_57, %broadcast_in_dim3A_71 : vector<512x1xf32>
    %get3A_73 = arith.constant 0 : index
    %get3A_74 = arith.constant 5 : index
    %get3A_75 = arith.constant 0 : index
    %get3A_76 = vector.load %arg2[%get3A_73, %get3A_74, %get3A_75] : memref<1x8x512xi32, #tpu.memory_space<vmem>>, vector<1x1x512xi32>
    %get3A_77 = vector.shape_cast %get3A_76 : vector<1x1x512xi32> to vector<512xi32>
    %reshape3A_78 = vector.shape_cast %get3A_77 : vector<512xi32> to vector<1x512xi32>
    %eq3A_79 = vector.broadcast %add3A_1 : vector<512x1xi32> to vector<512x512xi32>
    %eq3A_80 = vector.broadcast %reshape3A_78 : vector<1x512xi32> to vector<512x512xi32>
    %eq3A_81 = arith.cmpi eq, %eq3A_79, %eq3A_80 : vector<512x512xi32>
    %convert_element_type3A_82 = arith.extui %eq3A_81 : vector<512x512xi1> to vector<512x512xi32>
    %convert_element_type3A_83 = arith.sitofp %convert_element_type3A_82 : vector<512x512xi32> to vector<512x512xf32>
    %reduce_sum3A_84 = arith.constant dense<0.000000e+00> : vector<512xf32>
    %reduce_sum3A_85 = vector.multi_reduction <add>, %convert_element_type3A_83, %reduce_sum3A_84 [1] : vector<512x512xf32> to vector<512xf32>
    %broadcast_in_dim3A_86 = vector.shape_cast %reduce_sum3A_85 : vector<512xf32> to vector<512x1xf32>
    %add3A_87 = arith.addf %add3A_72, %broadcast_in_dim3A_86 : vector<512x1xf32>
    %get3A_88 = arith.constant 0 : index
    %get3A_89 = arith.constant 6 : index
    %get3A_90 = arith.constant 0 : index
    %get3A_91 = vector.load %arg2[%get3A_88, %get3A_89, %get3A_90] : memref<1x8x512xi32, #tpu.memory_space<vmem>>, vector<1x1x512xi32>
    %get3A_92 = vector.shape_cast %get3A_91 : vector<1x1x512xi32> to vector<512xi32>
    %reshape3A_93 = vector.shape_cast %get3A_92 : vector<512xi32> to vector<1x512xi32>
    %eq3A_94 = vector.broadcast %add3A_1 : vector<512x1xi32> to vector<512x512xi32>
    %eq3A_95 = vector.broadcast %reshape3A_93 : vector<1x512xi32> to vector<512x512xi32>
    %eq3A_96 = arith.cmpi eq, %eq3A_94, %eq3A_95 : vector<512x512xi32>
    %convert_element_type3A_97 = arith.extui %eq3A_96 : vector<512x512xi1> to vector<512x512xi32>
    %convert_element_type3A_98 = arith.sitofp %convert_element_type3A_97 : vector<512x512xi32> to vector<512x512xf32>
    %reduce_sum3A_99 = arith.constant dense<0.000000e+00> : vector<512xf32>
    %reduce_sum3A_100 = vector.multi_reduction <add>, %convert_element_type3A_98, %reduce_sum3A_99 [1] : vector<512x512xf32> to vector<512xf32>
    %broadcast_in_dim3A_101 = vector.shape_cast %reduce_sum3A_100 : vector<512xf32> to vector<512x1xf32>
    %add3A_102 = arith.addf %add3A_87, %broadcast_in_dim3A_101 : vector<512x1xf32>
    %get3A_103 = arith.constant 0 : index
    %get3A_104 = arith.constant 7 : index
    %get3A_105 = arith.constant 0 : index
    %get3A_106 = vector.load %arg2[%get3A_103, %get3A_104, %get3A_105] : memref<1x8x512xi32, #tpu.memory_space<vmem>>, vector<1x1x512xi32>
    %get3A_107 = vector.shape_cast %get3A_106 : vector<1x1x512xi32> to vector<512xi32>
    %reshape3A_108 = vector.shape_cast %get3A_107 : vector<512xi32> to vector<1x512xi32>
    %eq3A_109 = vector.broadcast %add3A_1 : vector<512x1xi32> to vector<512x512xi32>
    %eq3A_110 = vector.broadcast %reshape3A_108 : vector<1x512xi32> to vector<512x512xi32>
    %eq3A_111 = arith.cmpi eq, %eq3A_109, %eq3A_110 : vector<512x512xi32>
    %convert_element_type3A_112 = arith.extui %eq3A_111 : vector<512x512xi1> to vector<512x512xi32>
    %convert_element_type3A_113 = arith.sitofp %convert_element_type3A_112 : vector<512x512xi32> to vector<512x512xf32>
    %reduce_sum3A_114 = arith.constant dense<0.000000e+00> : vector<512xf32>
    %reduce_sum3A_115 = vector.multi_reduction <add>, %convert_element_type3A_113, %reduce_sum3A_114 [1] : vector<512x512xf32> to vector<512xf32>
    %broadcast_in_dim3A_116 = vector.shape_cast %reduce_sum3A_115 : vector<512xf32> to vector<512x1xf32>
    %add3A_117 = arith.addf %add3A_102, %broadcast_in_dim3A_116 : vector<512x1xf32>
    %swap3A = arith.constant 0 : index
    %swap3A_118 = arith.constant 0 : index
    %swap3A_119 = vector.load %arg3[%swap3A, %swap3A_118] : memref<512x1xf32, #tpu.memory_space<vmem>>, vector<512x1xf32>
    tpu.vector_store %arg3[%swap3A, %swap3A_118], %add3A_117 {strides = array<i32>} : memref<512x1xf32, #tpu.memory_space<vmem>>, vector<512x1xf32>,
    return
  }
  func.func @transform_0(%arg0: i32, %arg1: i32) -> (i32, i32, i32) {
    %c0_i32 = arith.constant 0 : i32
    %c0_i32_0 = arith.constant 0 : i32
    %c0_i32_1 = arith.constant 0 : i32
    return %arg0, %c0_i32, %c0_i32_0 : i32, i32, i32
  }
  func.func @transform_1(%arg0: i32, %arg1: i32) -> (i32, i32) {
    %mul3A = arith.constant 4 : i32
    %mul3A_0 = arith.muli %arg0, %mul3A : i32
    %add3A = arith.addi %mul3A_0, %arg1 : i32
    %c0_i32 = arith.constant 0 : i32
    %c0_i32_1 = arith.constant 0 : i32
    return %add3A, %c0_i32 : i32, i32
  }
}

module attributes {stable_mosaic.version = 14 : i64} {
  func.func @_update_body(%arg0: i32, %arg1: memref<2048x128xf32, #tpu.memory_space<vmem>>, %arg2: memref<2048x1xf32, #tpu.memory_space<vmem>>, %arg3: memref<2048x128xf32, #tpu.memory_space<vmem>>, %arg4: memref<128x128xf32, #tpu.memory_space<vmem>>, %arg5: memref<2048x128xf32, #tpu.memory_space<vmem>>) attributes {dimension_semantics = [#tpu.dimension_semantics<arbitrary>], iteration_bounds = array<i64: 8>, scalar_prefetch = 0 : i64, scratch_operands = 0 : i64, tpu.core_type = #tpu.core_type<tc>, window_params = [{transform_indices = @transform_0, window_bounds = array<i64: 2048, 128>}, {transform_indices = @transform_1, window_bounds = array<i64: 2048, 1>}, {transform_indices = @transform_2, window_bounds = array<i64: 2048, 128>}, {pipeline_mode = #tpu.pipeline_mode<synchronous>, transform_indices = @transform_3, window_bounds = array<i64: 128, 128>}, {transform_indices = @transform_4, window_bounds = array<i64: 2048, 128>}]} {
    %get3A = arith.constant 0 : index
    %get3A_0 = arith.constant 0 : index
    %get3A_1 = vector.load %arg2[%get3A, %get3A_0] : memref<2048x1xf32, #tpu.memory_space<vmem>>, vector<2048x1xf32>
    %max3A = arith.constant 1.000000e+00 : f32
    %max3A_2 = vector.broadcast %max3A : f32 to vector<2048x1xf32>
    %max3A_3 = arith.maximumf %get3A_1, %max3A_2 : vector<2048x1xf32>
    %div3A = arith.constant 1.000000e+00 : f32
    %div3A_4 = vector.broadcast %div3A : f32 to vector<2048x1xf32>
    %div3A_5 = arith.divf %div3A_4, %max3A_3 : vector<2048x1xf32>
    %get3A_6 = arith.constant 0 : index
    %get3A_7 = arith.constant 0 : index
    %get3A_8 = vector.load %arg3[%get3A_6, %get3A_7] : memref<2048x128xf32, #tpu.memory_space<vmem>>, vector<2048x128xf32>
    %get3A_9 = arith.constant 0 : index
    %get3A_10 = arith.constant 0 : index
    %get3A_11 = vector.load %arg4[%get3A_9, %get3A_10] : memref<128x128xf32, #tpu.memory_space<vmem>>, vector<128x128xf32>
    %dot_general3A = arith.constant dense<0.000000e+00> : vector<2048x128xf32>
    %dot_general3A_12 = tpu.matmul %get3A_8, %get3A_11, %dot_general3A {dimension_numbers = #tpu.dot_dimension_numbers<[1], [0], [0], [1], [0, 0, 1, 1], [], []>, transpose_lhs_hint = false} : vector<2048x128xf32>, vector<128x128xf32>, vector<2048x128xf32> -> vector<2048x128xf32>
    %get3A_13 = arith.constant 0 : index
    %get3A_14 = arith.constant 0 : index
    %get3A_15 = vector.load %arg1[%get3A_13, %get3A_14] : memref<2048x128xf32, #tpu.memory_space<vmem>>, vector<2048x128xf32>
    %mul3A = vector.broadcast %div3A_5 : vector<2048x1xf32> to vector<2048x128xf32>
    %mul3A_16 = arith.mulf %get3A_15, %mul3A : vector<2048x128xf32>
    %add3A = arith.addf %mul3A_16, %dot_general3A_12 : vector<2048x128xf32>
    %max3A_17 = arith.constant 0.000000e+00 : f32
    %max3A_18 = vector.broadcast %max3A_17 : f32 to vector<2048x128xf32>
    %max3A_19 = arith.maximumf %add3A, %max3A_18 : vector<2048x128xf32>
    %swap3A = arith.constant 0 : index
    %swap3A_20 = arith.constant 0 : index
    %swap3A_21 = vector.load %arg5[%swap3A, %swap3A_20] : memref<2048x128xf32, #tpu.memory_space<vmem>>, vector<2048x128xf32>
    tpu.vector_store %arg5[%swap3A, %swap3A_20], %max3A_19 {strides = array<i32>} : memref<2048x128xf32, #tpu.memory_space<vmem>>, vector<2048x128xf32>,
    return
  }
  func.func @transform_0(%arg0: i32) -> (i32, i32) {
    %c0_i32 = arith.constant 0 : i32
    %c0_i32_0 = arith.constant 0 : i32
    return %arg0, %c0_i32 : i32, i32
  }
  func.func @transform_1(%arg0: i32) -> (i32, i32) {
    %c0_i32 = arith.constant 0 : i32
    %c0_i32_0 = arith.constant 0 : i32
    return %arg0, %c0_i32 : i32, i32
  }
  func.func @transform_2(%arg0: i32) -> (i32, i32) {
    %c0_i32 = arith.constant 0 : i32
    %c0_i32_0 = arith.constant 0 : i32
    return %arg0, %c0_i32 : i32, i32
  }
  func.func @transform_3(%arg0: i32) -> (i32, i32) {
    %c0_i32 = arith.constant 0 : i32
    %c0_i32_0 = arith.constant 0 : i32
    %c0_i32_1 = arith.constant 0 : i32
    return %c0_i32, %c0_i32_0 : i32, i32
  }
  func.func @transform_4(%arg0: i32) -> (i32, i32) {
    %c0_i32 = arith.constant 0 : i32
    %c0_i32_0 = arith.constant 0 : i32
    return %arg0, %c0_i32 : i32, i32
  }
}

module attributes {stable_mosaic.version = 14 : i64} {
  func.func @_assemble_body(%arg0: i32, %arg1: memref<512x128xf32, #tpu.memory_space<vmem>>, %arg2: memref<512x128xf32, #tpu.memory_space<vmem>>, %arg3: memref<512x128xf32, #tpu.memory_space<vmem>>, %arg4: memref<128x128xf32, #tpu.memory_space<vmem>>, %arg5: memref<512x1xi32, #tpu.memory_space<vmem>>, %arg6: memref<512x512xf32, #tpu.memory_space<vmem>>) attributes {dimension_semantics = [#tpu.dimension_semantics<arbitrary>], iteration_bounds = array<i64: 8>, scalar_prefetch = 0 : i64, scratch_operands = 0 : i64, tpu.core_type = #tpu.core_type<tc>, window_params = [{transform_indices = @transform_0, window_bounds = array<i64: 512, 128>}, {transform_indices = @transform_1, window_bounds = array<i64: 512, 128>}, {transform_indices = @transform_2, window_bounds = array<i64: 512, 128>}, {pipeline_mode = #tpu.pipeline_mode<synchronous>, transform_indices = @transform_3, window_bounds = array<i64: 128, 128>}, {transform_indices = @transform_4, window_bounds = array<i64: 512, 1>}, {transform_indices = @transform_5, window_bounds = array<i64: 512, 512>}]} {
    %iota3A = tpu.iota {dimensions = array<i32: 0>} : vector<512x1xi32>
    %jit3A = arith.constant 8 : i32
    %eq3A = arith.constant 0 : i32
    %eq3A_0 = arith.cmpi eq, %jit3A, %eq3A : i32
    %jit3A_1 = arith.constant 1 : i32
    %select_n3A = arith.select %eq3A_0, %jit3A_1, %jit3A : i32
    %rem3A = vector.broadcast %select_n3A : i32 to vector<512x1xi32>
    %rem3A_2 = arith.remsi %iota3A, %rem3A : vector<512x1xi32>
    %ne3A = arith.constant 0 : i32
    %ne3A_3 = vector.broadcast %ne3A : i32 to vector<512x1xi32>
    %ne3A_4 = arith.cmpi ne, %rem3A_2, %ne3A_3 : vector<512x1xi32>
    %lt3A = arith.constant 0 : i32
    %lt3A_5 = vector.broadcast %lt3A : i32 to vector<512x1xi32>
    %lt3A_6 = arith.cmpi slt, %rem3A_2, %lt3A_5 : vector<512x1xi32>
    %lt3A_7 = arith.constant 0 : i32
    %lt3A_8 = arith.cmpi slt, %select_n3A, %lt3A_7 : i32
    %ne3A_9 = vector.broadcast %lt3A_8 : i1 to vector<512x1xi1>
    %ne3A_10 = vector.broadcast %ne3A_9 : vector<512x1xi1> to vector<512x1xi1>
    %ne3A_11 = arith.xori %lt3A_6, %ne3A_10 : vector<512x1xi1>
    %and3A = arith.andi %ne3A_11, %ne3A_4 : vector<512x1xi1>
    %add3A = vector.broadcast %select_n3A : i32 to vector<512x1xi32>
    %add3A_12 = arith.addi %rem3A_2, %add3A : vector<512x1xi32>
    %select_n3A_13 = arith.select %and3A, %add3A_12, %rem3A_2 : vector<512x1xi1>, vector<512x1xi32>
    %get3A = arith.constant 0 : index
    %get3A_14 = arith.constant 0 : index
    %get3A_15 = vector.load %arg5[%get3A, %get3A_14] : memref<512x1xi32, #tpu.memory_space<vmem>>, vector<512x1xi32>
    %lt3A_16 = arith.cmpi slt, %select_n3A_13, %get3A_15 : vector<512x1xi32>
    %convert_element_type3A = arith.extui %lt3A_16 : vector<512x1xi1> to vector<512x1xi32>
    %convert_element_type3A_17 = arith.sitofp %convert_element_type3A : vector<512x1xi32> to vector<512x1xf32>
    %get3A_18 = arith.constant 0 : index
    %get3A_19 = arith.constant 0 : index
    %get3A_20 = vector.load %arg4[%get3A_18, %get3A_19] : memref<128x128xf32, #tpu.memory_space<vmem>>, vector<128x128xf32>
    %reduce_sum3A = arith.constant dense<0.000000e+00> : vector<128xf32>
    %reduce_sum3A_21 = vector.multi_reduction <add>, %get3A_20, %reduce_sum3A [0] : vector<128x128xf32> to vector<128xf32>
    %broadcast_in_dim3A = vector.shape_cast %reduce_sum3A_21 : vector<128xf32> to vector<1x128xf32>
    %mul3A = arith.constant 0.00999999977 : f32
    %mul3A_22 = vector.broadcast %mul3A : f32 to vector<1x128xf32>
    %mul3A_23 = arith.mulf %broadcast_in_dim3A, %mul3A_22 : vector<1x128xf32>
    %get3A_24 = arith.constant 0 : index
    %get3A_25 = arith.constant 0 : index
    %get3A_26 = vector.load %arg1[%get3A_24, %get3A_25] : memref<512x128xf32, #tpu.memory_space<vmem>>, vector<512x128xf32>
    %mul3A_27 = vector.broadcast %convert_element_type3A_17 : vector<512x1xf32> to vector<512x128xf32>
    %mul3A_28 = arith.mulf %get3A_26, %mul3A_27 : vector<512x128xf32>
    %swap3A = arith.constant 0 : index
    %swap3A_29 = arith.constant 0 : index
    %swap3A_30 = vector.load %arg6[%swap3A, %swap3A_29] : memref<512x512xf32, #tpu.memory_space<vmem>>, vector<512x128xf32>
    tpu.vector_store %arg6[%swap3A, %swap3A_29], %mul3A_28 {strides = array<i32>} : memref<512x512xf32, #tpu.memory_space<vmem>>, vector<512x128xf32>,
    %get3A_31 = arith.constant 0 : index
    %get3A_32 = arith.constant 0 : index
    %get3A_33 = vector.load %arg2[%get3A_31, %get3A_32] : memref<512x128xf32, #tpu.memory_space<vmem>>, vector<512x128xf32>
    %mul3A_34 = vector.broadcast %convert_element_type3A_17 : vector<512x1xf32> to vector<512x128xf32>
    %mul3A_35 = arith.mulf %get3A_33, %mul3A_34 : vector<512x128xf32>
    %swap3A_36 = arith.constant 0 : index
    %swap3A_37 = arith.constant 128 : index
    %swap3A_38 = vector.load %arg6[%swap3A_36, %swap3A_37] : memref<512x512xf32, #tpu.memory_space<vmem>>, vector<512x128xf32>
    tpu.vector_store %arg6[%swap3A_36, %swap3A_37], %mul3A_35 {strides = array<i32>} : memref<512x512xf32, #tpu.memory_space<vmem>>, vector<512x128xf32>,
    %broadcast_in_dim3A_39 = vector.shape_cast %mul3A_23 : vector<1x128xf32> to vector<1x128xf32>
    %broadcast_in_dim3A_40 = vector.broadcast %broadcast_in_dim3A_39 : vector<1x128xf32> to vector<512x128xf32>
    %mul3A_41 = vector.broadcast %convert_element_type3A_17 : vector<512x1xf32> to vector<512x128xf32>
    %mul3A_42 = arith.mulf %broadcast_in_dim3A_40, %mul3A_41 : vector<512x128xf32>
    %swap3A_43 = arith.constant 0 : index
    %swap3A_44 = arith.constant 256 : index
    %swap3A_45 = vector.load %arg6[%swap3A_43, %swap3A_44] : memref<512x512xf32, #tpu.memory_space<vmem>>, vector<512x128xf32>
    tpu.vector_store %arg6[%swap3A_43, %swap3A_44], %mul3A_42 {strides = array<i32>} : memref<512x512xf32, #tpu.memory_space<vmem>>, vector<512x128xf32>,
    %get3A_46 = arith.constant 0 : index
    %get3A_47 = arith.constant 0 : index
    %get3A_48 = vector.load %arg3[%get3A_46, %get3A_47] : memref<512x128xf32, #tpu.memory_space<vmem>>, vector<512x128xf32>
    %mul3A_49 = vector.broadcast %convert_element_type3A_17 : vector<512x1xf32> to vector<512x128xf32>
    %mul3A_50 = arith.mulf %get3A_48, %mul3A_49 : vector<512x128xf32>
    %swap3A_51 = arith.constant 0 : index
    %swap3A_52 = arith.constant 384 : index
    %swap3A_53 = vector.load %arg6[%swap3A_51, %swap3A_52] : memref<512x512xf32, #tpu.memory_space<vmem>>, vector<512x128xf32>
    tpu.vector_store %arg6[%swap3A_51, %swap3A_52], %mul3A_50 {strides = array<i32>} : memref<512x512xf32, #tpu.memory_space<vmem>>, vector<512x128xf32>,
    return
  }
  func.func @transform_0(%arg0: i32) -> (i32, i32) {
    %c0_i32 = arith.constant 0 : i32
    %c0_i32_0 = arith.constant 0 : i32
    return %arg0, %c0_i32 : i32, i32
  }
  func.func @transform_1(%arg0: i32) -> (i32, i32) {
    %c0_i32 = arith.constant 0 : i32
    %c0_i32_0 = arith.constant 0 : i32
    return %arg0, %c0_i32 : i32, i32
  }
  func.func @transform_2(%arg0: i32) -> (i32, i32) {
    %c0_i32 = arith.constant 0 : i32
    %c0_i32_0 = arith.constant 0 : i32
    return %arg0, %c0_i32 : i32, i32
  }
  func.func @transform_3(%arg0: i32) -> (i32, i32) {
    %c0_i32 = arith.constant 0 : i32
    %c0_i32_0 = arith.constant 0 : i32
    %c0_i32_1 = arith.constant 0 : i32
    return %c0_i32, %c0_i32_0 : i32, i32
  }
  func.func @transform_4(%arg0: i32) -> (i32, i32) {
    %c0_i32 = arith.constant 0 : i32
    %c0_i32_0 = arith.constant 0 : i32
    return %arg0, %c0_i32 : i32, i32
  }
  func.func @transform_5(%arg0: i32) -> (i32, i32) {
    %c0_i32 = arith.constant 0 : i32
    %c0_i32_0 = arith.constant 0 : i32
    return %arg0, %c0_i32 : i32, i32
  }
}

</mosaic_0001>

<sc_bundles>
// kernel: kernel.14.cloned.1.call-start
scs
__scs_entry_jumppad:
0x0: {  	(pc) =	sbr.rel $0x88, $3  }
0x1: {  	(tag) =	ssettag $0x0;
	lr =	simm.s32 $0x1  }
0x2: {  	[smem:$0x3F90] =	sst lr;
	_ =	strace $0xD0000000  }
0x3: {  	_ = 	snop  }
0x4: {  	_ = 	snop  }
0x5: {  	_ = 	snop  }
0x6: {  	_ = 	snop  }
0x7: {  	_ = 	snop  }
__scs_overlays_trampoline_lowered:
0x8: {  	[smem:$0x3F9F] =	sst s0  }
0x9: {  	[smem:$0x3FA0] =	sst s1  }
0xa: {  	[smem:$0x3FA1] =	sst s2  }
0xb: {  	[smem:$0x3FA2] =	sst s3  }
0xc: {  	[smem:$0x3FA3] =	sst s4  }
0xd: {  	[smem:$0x3FA4] =	sst s5  }
0xe: {  	[smem:$0x3FA5] =	sst s6  }
0xf: {  	[smem:$0x3FA6] =	sst s7  }
0x10: {  	[smem:$0x3FA7] =	sst s8  }
0x11: {  	[smem:$0x3FA8] =	sst s9;
	s0 =	simm.s32 @!p0 $0x0  }
0x12: {  	s1 =	sld [smem:$0x3F8E];
	s0 =	simm.s32 @p0 $0x1  }
0x13: {  	[smem:$0x3FA9] =	sst s0;
	s0 =	simm.s32 @!p1 $0x0  }
0x14: {  	s2 =	sld [smem:$0x3F8D];
	s0 =	simm.s32 @p1 $0x1  }
0x15: {  	[smem:$0x3FAA] =	sst s0;
	s0 =	simm.s32 @!p2 $0x0  }
0x16: {  	s3 =	sld [smem:$0x3FDB];
	s0 =	simm.s32 @p2 $0x1  }
0x17: {  	s4 =	simm.s32 $0x1BF5;
	[smem:$0x3FAC] =	sst s0  }
0x18: {  	s0 =	sld [smem:$0x3F8F];
	_ =	swait.ge [sflag:s4], $0x0  }
0x19: {  	s7 =	sld [smem:$0x3F90]  }
0x1a: {  	s8 =	sadd.s32 $0xFFFFE003, lr  }
0x1b: {  	s9 =	sadd.s32 $0xFFFFFEF7, lr;
	s5 =	simm.s32 $0xFFFFFFFF;
	p2 =	slt.u32 s8, $0xFFFFF086  }
0x1c: {  	p1 =	slt.u32 s9, $0xF7A;
	s5 =	simm.s32 @!p2 $0x0  }
0x1d: {  	s5 =	simm.s32 @p1 $0x1;
	p0 =	seq.s32 s7, s2  }
0x1e: {  	s7 =	smul.u32 @!p0 $0xF7A, s2;
	p2 =	seq.s32 @!p0 s5, $0x0  }
0x1f: {  	s9 =	smul.u32 $0xF7A, s1;
	s8 =	simm.s32 @!p0 $0x1BF5;
	p2 =	por !p2, p0  }
0x20: {  	[sflag:s8] =	ssyncset.s32 @!p0 $0xFFFFF086;
	s6 =	sadd.s32 @!p0 s3, s7;
	s7 =	simm.s32 @!p0 $0x108  }
0x21: {  	s3 =	sadd.s32 s3, s9;
	s6 =	sadd.s32 @!p0 $0x88, s6;
	s7 =	simm.s32 @p2 $0x1082  }
0x22: {  	[simem:s7], [sflag:s8] =	dma.local @!p0 [hbm:s6], $0xF7A  }
0x23: {  	s9 =	sor.u32 $0xD0000000, s2;
	s6 =	simm.s32 $0x108;
	_ =	swait.ge @!p0 [sflag:s8], $0x0  }
0x24: {  	s3 =	sadd.s32 $0x88, s3;
	s6 =	simm.s32 @!p1 $0x1082;
	[sflag:s4] =	ssyncset.s32 $0xFFFFF086  }
0x25: {  	[simem:s6], [sflag:s4] =	dma.local [hbm:s3], $0xF7A  }
0x26: {  	[smem:$0x3F90] =	sst s1;
	(tag) =	ssettag s2;
	_ =	strace s9  }
0x27: {  	s1 =	sld [smem:$0x3FA0]  }
0x28: {  	s2 =	sld [smem:$0x3FA1]  }
0x29: {  	s4 =	sld [smem:$0x3FA3]  }
0x2a: {  	p0 =	seq.s32 s5, $0x0;
	s5 =	sld [smem:$0x3FA4]  }
0x2b: {  	s6 =	sld [smem:$0x3FA5]  }
0x2c: {  	s7 =	sld [smem:$0x3FA6]  }
0x2d: {  	s3 =	simm.s32 $0x108;
	s8 =	sld [smem:$0x3FA7]  }
0x2e: {  	s3 =	simm.s32 @!p0 $0x1082;
	s9 =	sld [smem:$0x3FA8]  }
0x2f: {  	lr =	sadd.s32 s0, s3;
	s0 =	sld [smem:$0x3F9F]  }
0x30: {  	s3 =	sld [smem:$0x3FA2]  }
0x31: {  	[smem:$0x3FAB] =	sst s10  }
0x32: {  	s10 =	sld [smem:$0x3FA9];
	_ =	sdelay $0x3  }
0x33: {  	p0 =	seq.s32 s10, $0x1;
	s10 =	sld [smem:$0x3FAB];
	_ =	sdelay $0x3  }
0x34: {  	[smem:$0x3FAB] =	sst s10  }
0x35: {  	s10 =	sld [smem:$0x3FAA];
	_ =	sdelay $0x3  }
0x36: {  	p1 =	seq.s32 s10, $0x1;
	s10 =	sld [smem:$0x3FAB];
	_ =	sdelay $0x3  }
0x37: {  	[smem:$0x3FAB] =	sst s10  }
0x38: {  	s10 =	sld [smem:$0x3FAC]  }
0x39: {  	_ = 	snop;
	(pc) =	sbr.ind lr, $3  }
0x3a: {  	_ = 	snop  }
0x3b: {  	_ = 	snop  }
0x3c: {  	p2 =	seq.s32 s10, $0x1;
	s10 =	sld [smem:$0x3FAB]  }
0x3d: {  	_ =	shalt  }
0x3e: {  	_ =	shalt  }
0x3f: {  	_ =	shalt  }
0x40: {  	_ =	shalt  }
0x41: {  	_ =	shalt  }
0x42: {  	_ =	shalt  }
0x43: {  	_ =	shalt  }
0x44: {  	_ =	shalt  }
0x45: {  	_ =	shalt  }
0x46: {  	_ =	shalt  }
0x47: {  	_ =	shalt  }
0x48: {  	_ =	shalt  }
0x49: {  	_ =	shalt  }
0x4a: {  	_ =	shalt  }
0x4b: {  	_ =	shalt  }
0x4c: {  	_ =	shalt  }
0x4d: {  	_ =	shalt  }
0x4e: {  	_ =	shalt  }
0x4f: {  	_ =	shalt  }
0x50: {  	_ =	shalt  }
0x51: {  	_ =	shalt  }
0x52: {  	_ =	shalt  }
0x53: {  	_ =	shalt  }
0x54: {  	_ =	shalt  }
0x55: {  	_ =	shalt  }
0x56: {  	_ =	shalt  }
0x57: {  	_ =	shalt  }
0x58: {  	_ =	shalt  }
0x59: {  	_ =	shalt  }
0x5a: {  	_ =	shalt  }
0x5b: {  	_ =	shalt  }
0x5c: {  	_ =	shalt  }
0x5d: {  	_ =	shalt  }
0x5e: {  	_ =	shalt  }
0x5f: {  	_ =	shalt  }
0x60: {  	_ =	shalt  }
0x61: {  	_ =	shalt  }
0x62: {  	_ =	shalt  }
0x63: {  	_ =	shalt  }
0x64: {  	_ =	shalt  }
0x65: {  	_ =	shalt  }
0x66: {  	_ =	shalt  }
0x67: {  	_ =	shalt  }
0x68: {  	_ =	shalt  }
0x69: {  	_ =	shalt  }
0x6a: {  	_ =	shalt  }
0x6b: {  	_ =	shalt  }
0x6c: {  	_ =	shalt  }
0x6d: {  	_ =	shalt  }
0x6e: {  	_ =	shalt  }
0x6f: {  	_ =	shalt  }
0x70: {  	_ =	shalt  }
0x71: {  	_ =	shalt  }
0x72: {  	_ =	shalt  }
0x73: {  	_ =	shalt  }
0x74: {  	_ =	shalt  }
0x75: {  	_ =	shalt  }
0x76: {  	_ =	shalt  }
0x77: {  	_ =	shalt  }
0x78: {  	_ =	shalt  }
0x79: {  	_ =	shalt  }
0x7a: {  	_ =	shalt  }
0x7b: {  	_ =	shalt  }
0x7c: {  	_ =	shalt  }
0x7d: {  	_ =	shalt  }
0x7e: {  	_ =	shalt  }
0x7f: {  	_ =	shalt  }
0x80: {  	_ =	shalt  }
0x81: {  	_ =	shalt  }
0x82: {  	_ =	shalt  }
0x83: {  	_ =	shalt  }
0x84: {  	_ =	shalt  }
0x85: {  	_ =	shalt  }
0x86: {  	_ =	shalt  }
0x87: {  	_ =	shalt  }
.Lfunc_end0:
.L_simem_size_0:
called_computation_lowered:
.L_overlay_start_0:
0x88: {  	s2 =	sld [smem:$0x3FD9]  }
0x89: {  	s3 =	sld [smem:$0x3FFE];
	_ =	sdelay $0x1  }
0x8a: {  	s1 =	srdreg.scid  }
0x8b: {  	s0 =	sand.u32 $0x1, s1  }
0x8c: {  	s14 =	sshll.u32 s0, $0xA;
	s2 =	sadd.s32 s3, s2  }
0x8d: {  	s2 =	sadd.s32 s2, s14  }
0x8e: {  	[smem:$0x3FB7] =	sst s2  }
0x8f: {  	_ = 	snop  }
0x90: {  	s2 =	sld [smem:$0x3FD0];
	_ =	sdelay $0x1  }
0x91: {  	s15 =	sld [smem:$0x3FC1]  }
0x92: {  	s5 =	simm.s32 $0xA;
	s6 =	simm.s32 $0x10;
	s4 =	sld [smem:$0x3FBF]  }
0x93: {  	[smem:s6], [sflag:s5] =	dma.local [hbm:s2], $0x1  }
0x94: {  	_ =	swait.eq [sflag:s5], $0x1  }
0x95: {  	[sflag:s5] =	ssyncset.done $0x0  }
0x96: {  	[sflag:s5] =	ssyncadd.s32 $0xFFFFFFFF  }
0x97: {  	s16 =	sld [smem:$0x10];
	(tm) =	ssettm $0x1  }
0x98: {  	s17 =	sld [smem:$0x3FFB];
	_ =	sdelay $0x3  }
0x99: {  	_ =	strace s17  }
0x9a: {  	s5 =	sld [smem:$0x3FFC];
	_ =	sdelay $0x3  }
0x9b: {  	_ =	strace s5  }
0x9c: {  	s5 =	sld [smem:$0x3FFD];
	_ =	sdelay $0x3  }
0x9d: {  	_ =	strace s5  }
0x9e: {  	_ =	strace $0x8FFFFFFF  }
0x9f: {  	s18 =	sld [smem:$0x3FDB];
	_ =	sdelay $0x1  }
0xa0: {  	s19 =	simm.s32 $_scs_section_size  }
0xa1: {  	s7 =	simm.s32 $_size__tile_overlayer_lowered;
	s8 =	simm.s32 $_tile_overlayer_lowered  }
0xa2: {  	s22 =	simm.s32 $0x1BFF;
	s21 =	sshll.u32 s8, $0x1;
	s5 =	sadd.s32 s19, s18  }
0xa3: {  	s9 =	simm.s32 $0x0;
	s20 =	sshll.u32 s7, $0x1;
	s7 =	sadd.s32 s21, s5  }
0xa4: {  	[timem:s9], [sflag:s22] =	dma.local [hbm:s7], s20  }
0xa5: {  	_ =	swait.ge [sflag:s22], s20  }
0xa6: {  	s6 =	ssub.s32 $0x0, s20;
	[sflag:s22] =	ssyncset.done $0x0  }
0xa7: {  	[sflag:s22] =	ssyncadd.s32 s6;
	_ =	sdelay $0x1  }
0xa8: {  	s23 =	simm.s32 $0x1B8B  }
0xa9: {  	_ =	swait.ge [sflag:s23], $0x1  }
0xaa: {  	[sflag:s23] =	ssyncset.done $0x0  }
0xab: {  	s25 =	simm.s32 $0x1B8E;
	s24 =	sld [smem:$0x3FFE];
	[sflag:s23] =	ssyncadd.s32 $0xFFFFFFFF  }
0xac: {  	s26 =	simm.s32 $execute0_lowered;
	[smem:$0x3FD2] =	sst s25  }
0xad: {  	s7 =	sshll.u32 s26, $0x1;
	_ =	strace $0x80000046;
	[dreg:$0x1] =	wrdreg $0xFFFFFFFF  }
0xae: {  	s28 =	simm.s32 $_size_execute0_lowered;
	s5 =	sadd.s32 s5, s7;
	[dreg:$0x0] =	wrdreg $0x0  }
0xaf: {  	s7 =	sshll.u32 s28, $0x1;
	[dreg:$0x2] =	wrdreg s5  }
0xb0: {  	[dreg:$0x3] =	wrdreg s7  }
0xb1: {  	[dreg:$0x4] =	wrdreg $0xC0  }
0xb2: {  	_ =	task [dreg:s9], $0x5FFFF  }
0xb3: {  	[dreg:$0x1] =	wrdreg $0xFFFFFFFF  }
0xb4: {  	[dreg:$0x0] =	wrdreg $0x60  }
0xb5: {  	[dreg:$0x2] =	wrdreg s15  }
0xb6: {  	[dreg:$0x3] =	wrdreg s4  }
0xb7: {  	[dreg:$0x4] =	wrdreg s16  }
0xb8: {  	[dreg:$0x5] =	wrdreg s24  }
0xb9: {  	[dreg:$0x6] =	wrdreg $0x9  }
0xba: {  	_ =	task.clear_ibuf [dreg:s9], $0x7FFFF;
	_ =	strace $0x90000046  }
0xbb: {  	s29 =	simm.s32 $0x9;
	_ =	strace $0x80000048  }
0xbc: {  	_ =	swait.ge [sflag:s29], $0x1  }
0xbd: {  	[sflag:s29] =	ssyncadd.s32 $0xFFFFFFFF  }
0xbe: {  	_ =	strace $0x90000048  }
0xbf: {  	_ =	sfence  }
0xc0: {  	s30 =	sld [smem:$0x0];
	_ =	sdelay $0x2  }
0xc1: {  	s31 =	sshll.u32 s1, $0xD;
	s1 =	sshrl.u32 s1, $0x2  }
0xc2: {  	s3 =	sand.u32 $0x4000, s31;
	s1 =	sadd.s32 s1, s30  }
0xc3: {  	s0 =	sor.u32 s3, s0;
	s1 =	sshll.u32 s1, $0x11  }
0xc4: {  	s0 =	sor.u32 s1, s0  }
0xc5: {  	s0 =	sadd.s32 $0x8F2B, s0  }
0xc6: {  	[sflag:s0] =	ssyncadd.remote.s32 $0x1  }
0xc7: {  	_ =	sfence.sel $0xFFFF  }
0xc8: {  	[dreg:$0x0] =	wrdreg $0xFFFFFFFF;
	(pc) =	sbr.abs _section_cstart, $3  }
0xc9: {  	[dreg:$0x1] =	wrdreg $0xFFFFFFFF  }
0xca: {  	_ =	task.clear_ibuf [dreg:s9], $0x2FFFF;
	_ =	strace $0x9FFFFFFF  }
0xcb: {  	(tm) =	ssettm $0x7FFFFFFF  }
tec
execute0_lowered:
.L_overlay_start_1:
0x0: {  	(tag) =	ssettag $0x1  }
0x1: {  	s1 =	rddreg [dreg:$0x0]  }
0x2: {  	s3 =	rddreg [dreg:$0x1]  }
0x3: {  	s9 =	rddreg [dreg:$0x2]  }
0x4: {  	s5 =	srdreg.scid;
	s2 =	stileid.u32  }
0x5: {  	s15 =	rddreg [dreg:$0x3];
	s26 =	sand.u32 $0x1, s5;
	s29 =	sshll.u32 s2, $0x1  }
0x6: {  	s0 =	rddreg [dreg:$0x4];
	s4 =	simm.s32 $0x0;
	s16 =	sor.u32 s26, s29  }
0x7: {  	s6 =	simm.s32 $0x5;
	[smem:$0x7FF] =	sst s4;
	s5 =	sshll.u32 s16, $0x6  }
0x8: {  	_ =	strace $0x80000047;
	s10 =	sshll.u32 s16, $0x7;
	s5 =	sadd.s32 s9, s5  }
0x9: {  	[tilespmem:s4], [sflag:$0x5] =	stream.linear.gather [hbm4b:s5+s4], $0x200, $0x38;
	[tilespmem:$0x8300] =	vst v63  }
0xa: {  	s24 =	sor.u32 $0x4000, s10;
	_ =	swait.ge [sflag:s6], $0x200  }
0xb: {  	s7 =	sshrl.u32 s24, $0x3;
	[sflag:s6] =	ssyncset.done $0x0  }
0xc: {  	s8 =	simm.s32 $0x200;
	s7 =	sadd.s32 s9, s7;
	[sflag:s6] =	ssyncadd.s32 $0xFFFFFE00  }
0xd: {  	[tilespmem:s8], [sflag:$0x5] =	stream.linear.gather [hbm4b:s7+s4], $0x80, $0x38;
	[tilespmem:$0x8300] =	vst v63  }
0xe: {  	s25 =	sor.u32 $0x5000, s10;
	_ =	swait.ge [sflag:s6], $0x80  }
0xf: {  	s10 =	sshrl.u32 s25, $0x3;
	[sflag:s6] =	ssyncset.done $0x0  }
0x10: {  	s9 =	sadd.s32 s9, s10;
	s10 =	simm.s32 $0x280;
	[sflag:s6] =	ssyncadd.s32 $0xFFFFFF80  }
0x11: {  	[tilespmem:s10], [sflag:$0x5] =	stream.linear.gather [hbm4b:s9+s4], $0x80, $0x38;
	[tilespmem:$0x8300] =	vst v63  }
0x12: {  	_ =	swait.ge [sflag:s6], $0x80  }
0x13: {  	[sflag:s6] =	ssyncset.done $0x0  }
0x14: {  	s11 =	simm.s32 $0x80;
	s12 =	simm.s32 $0x300;
	[sflag:s6] =	ssyncadd.s32 $0xFFFFFF80  }
0x15: {  	[tilespmem:s12], [sflag:$0x1] =	stream.indirect.gather [hbm4b:s1+s11], $0x80, s4, s11, $0xb8;
	[tilespmem:$0x8300] =	vst v63  }
0x16: {  	s13 =	simm.s32 $0x4300;
	s14 =	simm.s32 $0x1  }
0x17: {  	[tilespmem:s13], [sflag:$0x2] =	stream.indirect.gather [hbm4b:s1+s11], $0x80, s11, s11, $0xb8;
	[tilespmem:$0x8300] =	vst v63  }
0x18: {  	_ =	swait.ge [sflag:s14], $0x4000  }
0x19: {  	s28 =	sadd.s32 $0x4200, s15;
	s30 =	sshll.u32 s16, $0xD;
	[sflag:s14] =	ssyncset.done $0x0  }
0x1a: {  	s16 =	simm.s32 $0x3;
	s15 =	sadd.s32 s28, s30;
	[sflag:s14] =	ssyncadd.s32 $0xFFFFC000  }
0x1b: {  	[hbm4b:s15+s4] =	stream.linear.scatter [tilespmem:s12], [sflag:$0x3], $0x4000, $0x38;
	[tilespmem:$0x8300] =	vst v63  }
0x1c: {  	_ =	swait.ge [sflag:s16], $0x4000  }
0x1d: {  	[sflag:s16] =	ssyncset.done $0x0  }
0x1e: {  	s17 =	simm.s32 $0x100;
	s18 =	simm.s32 $0x2;
	[sflag:s16] =	ssyncadd.s32 $0xFFFFC000  }
0x1f: {  	[tilespmem:s12], [sflag:$0x1] =	stream.indirect.gather [hbm4b:s1+s11], $0x80, s17, s11, $0xb8;
	[tilespmem:$0x8300] =	vst v63  }
0x20: {  	_ =	swait.ge [sflag:s18], $0x4000  }
0x21: {  	[sflag:s18] =	ssyncset.done $0x0  }
0x22: {  	s19 =	simm.s32 $0x4;
	s20 =	sadd.s32 $0x800, s15;
	[sflag:s18] =	ssyncadd.s32 $0xFFFFC000  }
0x23: {  	[hbm4b:s20+s4] =	stream.linear.scatter [tilespmem:s13], [sflag:$0x4], $0x4000, $0x38;
	[tilespmem:$0x8300] =	vst v63  }
0x24: {  	_ =	swait.ge [sflag:s19], $0x4000  }
0x25: {  	[sflag:s19] =	ssyncset.done $0x0  }
0x26: {  	s21 =	simm.s32 $0x180;
	[sflag:s19] =	ssyncadd.s32 $0xFFFFC000  }
0x27: {  	[tilespmem:s13], [sflag:$0x2] =	stream.indirect.gather [hbm4b:s1+s11], $0x80, s21, s11, $0xb8;
	[tilespmem:$0x8300] =	vst v63  }
0x28: {  	_ =	swait.ge [sflag:s14], $0x4000  }
0x29: {  	[sflag:s14] =	ssyncset.done $0x0  }
0x2a: {  	s22 =	sadd.s32 $0x1000, s15;
	[sflag:s14] =	ssyncadd.s32 $0xFFFFC000  }
0x2b: {  	[hbm4b:s22+s4] =	stream.linear.scatter [tilespmem:s12], [sflag:$0x3], $0x4000, $0x38;
	[tilespmem:$0x8300] =	vst v63  }
0x2c: {  	_ =	swait.ge [sflag:s16], $0x4000  }
0x2d: {  	[sflag:s16] =	ssyncset.done $0x0  }
0x2e: {  	[sflag:s16] =	ssyncadd.s32 $0xFFFFC000  }
0x2f: {  	[tilespmem:s12], [sflag:$0x1] =	stream.indirect.gather [hbm4b:s1+s11], $0x80, s8, s11, $0xb8;
	[tilespmem:$0x8300] =	vst v63  }
0x30: {  	_ =	swait.ge [sflag:s18], $0x4000  }
0x31: {  	[sflag:s18] =	ssyncset.done $0x0  }
0x32: {  	s23 =	sadd.s32 $0x1800, s15;
	[sflag:s18] =	ssyncadd.s32 $0xFFFFC000  }
0x33: {  	[hbm4b:s23+s4] =	stream.linear.scatter [tilespmem:s13], [sflag:$0x4], $0x4000, $0x38;
	[tilespmem:$0x8300] =	vst v63  }
0x34: {  	_ =	swait.ge [sflag:s19], $0x4000  }
0x35: {  	[sflag:s19] =	ssyncset.done $0x0  }
0x36: {  	[sflag:s19] =	ssyncadd.s32 $0xFFFFC000  }
0x37: {  	[tilespmem:s13], [sflag:$0x2] =	stream.indirect.gather [hbm4b:s3+s11], $0x80, s10, s11, $0xb8;
	[tilespmem:$0x8300] =	vst v63  }
0x38: {  	_ =	swait.ge [sflag:s14], $0x4000  }
0x39: {  	s26 =	ssub.s32 $0x2, s26;
	s24 =	sshll.u32 s24, $0x4;
	[sflag:s14] =	ssyncset.done $0x0  }
0x3a: {  	s31 =	sshrl.u32 s26, $0x1;
	s24 =	sadd.s32 s28, s24;
	[sflag:s14] =	ssyncadd.s32 $0xFFFFC000  }
0x3b: {  	[hbm4b:s24+s4] =	stream.linear.scatter [tilespmem:s12], [sflag:$0x3], $0x4000, $0x38;
	[tilespmem:$0x8300] =	vst v63  }
0x3c: {  	s26 =	ssub.s32 s26, s31;
	_ =	swait.ge [sflag:s18], $0x4000  }
0x3d: {  	s25 =	sshll.u32 s25, $0x4;
	s26 =	smax.u32 s26, $0x1;
	[sflag:s18] =	ssyncset.done $0x0  }
0x3e: {  	s25 =	sadd.s32 s28, s25;
	p0 =	sne.s32 s26, $0x1;
	[sflag:s18] =	ssyncadd.s32 $0xFFFFC000  }
0x3f: {  	[hbm4b:s25+s4] =	stream.linear.scatter [tilespmem:s13], [sflag:$0x4], $0x4000, $0x38;
	[tilespmem:$0x8300] =	vst v63  }
.Ltmp0:
0x40: {  	_ =	swait.ge [sflag:s16], $0x4000;
	(pc) =	sbr.rel @!p0 .LBB2_2-.Ltmp0, $4  }
0x41: {  	[sflag:s16] =	ssyncset.done $0x0  }
0x42: {  	[sflag:s16] =	ssyncadd.s32 $0xFFFFC000  }
0x43: {  	_ =	swait.ge [sflag:s19], $0x4000  }
0x44: {  	s26 =	sadd.s32 $0xFFFFFFFF, s26;
	[sflag:s19] =	ssyncset.done $0x0  }
.LBB2_1:
0x45: {  	p0 =	sne.s32 s26, $0x1;
	s26 =	sadd.s32 $0xFFFFFFFF, s26;
	[sflag:s19] =	ssyncadd.s32 $0xFFFFC000  }
0x46: {  	[tilespmem:s4], [sflag:$0x5] =	stream.linear.gather [hbm4b:s5+s4], $0x200, $0x38;
	[tilespmem:$0x8300] =	vst v63  }
0x47: {  	_ =	swait.ge [sflag:s6], $0x200  }
0x48: {  	[sflag:s6] =	ssyncset.done $0x0  }
0x49: {  	[sflag:s6] =	ssyncadd.s32 $0xFFFFFE00  }
0x4a: {  	[tilespmem:s8], [sflag:$0x5] =	stream.linear.gather [hbm4b:s7+s4], $0x80, $0x38;
	[tilespmem:$0x8300] =	vst v63  }
0x4b: {  	_ =	swait.ge [sflag:s6], $0x80  }
0x4c: {  	[sflag:s6] =	ssyncset.done $0x0  }
0x4d: {  	[sflag:s6] =	ssyncadd.s32 $0xFFFFFF80  }
0x4e: {  	[tilespmem:s10], [sflag:$0x5] =	stream.linear.gather [hbm4b:s9+s4], $0x80, $0x38;
	[tilespmem:$0x8300] =	vst v63  }
0x4f: {  	_ =	swait.ge [sflag:s6], $0x80  }
0x50: {  	[sflag:s6] =	ssyncset.done $0x0  }
0x51: {  	[sflag:s6] =	ssyncadd.s32 $0xFFFFFF80  }
0x52: {  	[tilespmem:s12], [sflag:$0x1] =	stream.indirect.gather [hbm4b:s1+s11], $0x80, s4, s11, $0xb8;
	[tilespmem:$0x8300] =	vst v63  }
0x53: {  	_ = 	snop  }
0x54: {  	[tilespmem:s13], [sflag:$0x2] =	stream.indirect.gather [hbm4b:s1+s11], $0x80, s11, s11, $0xb8;
	[tilespmem:$0x8300] =	vst v63  }
0x55: {  	_ =	swait.ge [sflag:s14], $0x4000  }
0x56: {  	[sflag:s14] =	ssyncset.done $0x0  }
0x57: {  	[sflag:s14] =	ssyncadd.s32 $0xFFFFC000  }
0x58: {  	[hbm4b:s15+s4] =	stream.linear.scatter [tilespmem:s12], [sflag:$0x3], $0x4000, $0x38;
	[tilespmem:$0x8300] =	vst v63  }
0x59: {  	_ =	swait.ge [sflag:s16], $0x4000  }
0x5a: {  	[sflag:s16] =	ssyncset.done $0x0  }
0x5b: {  	[sflag:s16] =	ssyncadd.s32 $0xFFFFC000  }
0x5c: {  	[tilespmem:s12], [sflag:$0x1] =	stream.indirect.gather [hbm4b:s1+s11], $0x80, s17, s11, $0xb8;
	[tilespmem:$0x8300] =	vst v63  }
0x5d: {  	_ =	swait.ge [sflag:s18], $0x4000  }
0x5e: {  	[sflag:s18] =	ssyncset.done $0x0  }
0x5f: {  	[sflag:s18] =	ssyncadd.s32 $0xFFFFC000  }
0x60: {  	[hbm4b:s20+s4] =	stream.linear.scatter [tilespmem:s13], [sflag:$0x4], $0x4000, $0x38;
	[tilespmem:$0x8300] =	vst v63  }
0x61: {  	_ =	swait.ge [sflag:s19], $0x4000  }
0x62: {  	[sflag:s19] =	ssyncset.done $0x0  }
0x63: {  	[sflag:s19] =	ssyncadd.s32 $0xFFFFC000  }
0x64: {  	[tilespmem:s13], [sflag:$0x2] =	stream.indirect.gather [hbm4b:s1+s11], $0x80, s21, s11, $0xb8;
	[tilespmem:$0x8300] =	vst v63  }
0x65: {  	_ =	swait.ge [sflag:s14], $0x4000  }
0x66: {  	[sflag:s14] =	ssyncset.done $0x0  }
0x67: {  	[sflag:s14] =	ssyncadd.s32 $0xFFFFC000  }
0x68: {  	[hbm4b:s22+s4] =	stream.linear.scatter [tilespmem:s12], [sflag:$0x3], $0x4000, $0x38;
	[tilespmem:$0x8300] =	vst v63  }
0x69: {  	_ =	swait.ge [sflag:s16], $0x4000  }
0x6a: {  	[sflag:s16] =	ssyncset.done $0x0  }
0x6b: {  	[sflag:s16] =	ssyncadd.s32 $0xFFFFC000  }
0x6c: {  	[tilespmem:s12], [sflag:$0x1] =	stream.indirect.gather [hbm4b:s1+s11], $0x80, s8, s11, $0xb8;
	[tilespmem:$0x8300] =	vst v63  }
0x6d: {  	_ =	swait.ge [sflag:s18], $0x4000  }
0x6e: {  	[sflag:s18] =	ssyncset.done $0x0  }
0x6f: {  	[sflag:s18] =	ssyncadd.s32 $0xFFFFC000  }
0x70: {  	[hbm4b:s23+s4] =	stream.linear.scatter [tilespmem:s13], [sflag:$0x4], $0x4000, $0x38;
	[tilespmem:$0x8300] =	vst v63  }
0x71: {  	_ =	swait.ge [sflag:s19], $0x4000  }
0x72: {  	[sflag:s19] =	ssyncset.done $0x0  }
0x73: {  	[sflag:s19] =	ssyncadd.s32 $0xFFFFC000  }
0x74: {  	[tilespmem:s13], [sflag:$0x2] =	stream.indirect.gather [hbm4b:s3+s11], $0x80, s10, s11, $0xb8;
	[tilespmem:$0x8300] =	vst v63  }
0x75: {  	_ =	swait.ge [sflag:s14], $0x4000  }
0x76: {  	[sflag:s14] =	ssyncset.done $0x0  }
0x77: {  	[sflag:s14] =	ssyncadd.s32 $0xFFFFC000  }
0x78: {  	[hbm4b:s24+s4] =	stream.linear.scatter [tilespmem:s12], [sflag:$0x3], $0x4000, $0x38;
	[tilespmem:$0x8300] =	vst v63  }
0x79: {  	_ =	swait.ge [sflag:s18], $0x4000  }
0x7a: {  	[sflag:s18] =	ssyncset.done $0x0  }
0x7b: {  	[sflag:s18] =	ssyncadd.s32 $0xFFFFC000  }
0x7c: {  	[hbm4b:s25+s4] =	stream.linear.scatter [tilespmem:s13], [sflag:$0x4], $0x4000, $0x38;
	[tilespmem:$0x8300] =	vst v63  }
.Ltmp1:
0x7d: {  	_ =	swait.ge [sflag:s16], $0x4000;
	(pc) =	sbr.rel @p0 .LBB2_1-.Ltmp1, $4  }
0x7e: {  	[sflag:s16] =	ssyncset.done $0x0  }
0x7f: {  	[sflag:s16] =	ssyncadd.s32 $0xFFFFC000  }
0x80: {  	_ =	swait.ge [sflag:s19], $0x4000  }
0x81: {  	[sflag:s19] =	ssyncset.done $0x0  }
.LBB2_2:
0x82: {  	[sflag:s19] =	ssyncadd.s32 $0xFFFFC000  }
0x83: {  	_ =	sfence.sel $0x180000  }
0x84: {  	[bflag:$0x0] =	sbarrier.arrive $0xFFFF  }
0x85: {  	p0 =	sne.s32 s2, $0x0;
	_ =	strace $0x90000047  }
0x86: {  	s0 =	sadd.s32 @!p0 $0x100000, s0;
	[bflag:$0x2] =	sbarrier.arrive $0xFFFF  }
0x87: {  	[sflag:s0] =	ssyncadd.tile.s32 @!p0 $0x1;
	_ =	shalt  }
.Lfunc_end2:
_tile_overlayer_lowered:
.L_overlay_start_2:
0x88: {  	(tag) =	ssettag $0x2  }
0x89: {  	s0 =	rddreg [dreg:$0x0];
	s2 =	stileid.u32  }
0x8a: {  	s1 =	rddreg [dreg:$0x1];
	p0 =	sne.s32 s2, $0x0  }
0x8b: {  	s3 =	rddreg [dreg:$0x2];
	[bflag:$0x3] =	sbarrier.arrive $0xFFFF;
	s2 =	simm.s32 @!p0 $0x1C05  }
0x8c: {  	[timem:s3], [sflag:s2] =	dma.local @!p0 [hbm:s0], s1  }
0x8d: {  	s0 =	simm.s32 @!p0 $0x5  }
0x8e: {  	_ =	swait.ge @!p0 [sflag:s0], s1  }
0x8f: {  	s1 =	ssub.s32 @!p0 $0x0, s1;
	[sflag:s0] =	ssyncset.done @!p0 $0x0  }
0x90: {  	[sflag:s0] =	ssyncadd.s32 @!p0 s1  }
0x91: {  	[bflag:$0x3] =	sbarrier.arrive $0xFFFF  }
0x92: {  	_ =	shalt  }

// kernel: kernel.17.cloned.1.call-start
scs
__scs_entry_jumppad:
0x0: {  	(pc) =	sbr.rel $0x88, $3  }
0x1: {  	(tag) =	ssettag $0x0;
	lr =	simm.s32 $0x1  }
0x2: {  	[smem:$0x3F90] =	sst lr;
	_ =	strace $0xD0000000  }
0x3: {  	_ = 	snop  }
0x4: {  	_ = 	snop  }
0x5: {  	_ = 	snop  }
0x6: {  	_ = 	snop  }
0x7: {  	_ = 	snop  }
__scs_overlays_trampoline_lowered:
0x8: {  	[smem:$0x3F9F] =	sst s0  }
0x9: {  	[smem:$0x3FA0] =	sst s1  }
0xa: {  	[smem:$0x3FA1] =	sst s2  }
0xb: {  	[smem:$0x3FA2] =	sst s3  }
0xc: {  	[smem:$0x3FA3] =	sst s4  }
0xd: {  	[smem:$0x3FA4] =	sst s5  }
0xe: {  	[smem:$0x3FA5] =	sst s6  }
0xf: {  	[smem:$0x3FA6] =	sst s7  }
0x10: {  	[smem:$0x3FA7] =	sst s8  }
0x11: {  	[smem:$0x3FA8] =	sst s9;
	s0 =	simm.s32 @!p0 $0x0  }
0x12: {  	s1 =	sld [smem:$0x3F8E];
	s0 =	simm.s32 @p0 $0x1  }
0x13: {  	[smem:$0x3FA9] =	sst s0;
	s0 =	simm.s32 @!p1 $0x0  }
0x14: {  	s2 =	sld [smem:$0x3F8D];
	s0 =	simm.s32 @p1 $0x1  }
0x15: {  	[smem:$0x3FAA] =	sst s0;
	s0 =	simm.s32 @!p2 $0x0  }
0x16: {  	s3 =	sld [smem:$0x3FDB];
	s0 =	simm.s32 @p2 $0x1  }
0x17: {  	s4 =	simm.s32 $0x1BF5;
	[smem:$0x3FAC] =	sst s0  }
0x18: {  	s0 =	sld [smem:$0x3F8F];
	_ =	swait.ge [sflag:s4], $0x0  }
0x19: {  	s7 =	sld [smem:$0x3F90]  }
0x1a: {  	s8 =	sadd.s32 $0xFFFFE003, lr  }
0x1b: {  	s9 =	sadd.s32 $0xFFFFFEF7, lr;
	s5 =	simm.s32 $0xFFFFFFFF;
	p2 =	slt.u32 s8, $0xFFFFF086  }
0x1c: {  	p1 =	slt.u32 s9, $0xF7A;
	s5 =	simm.s32 @!p2 $0x0  }
0x1d: {  	s5 =	simm.s32 @p1 $0x1;
	p0 =	seq.s32 s7, s2  }
0x1e: {  	s7 =	smul.u32 @!p0 $0xF7A, s2;
	p2 =	seq.s32 @!p0 s5, $0x0  }
0x1f: {  	s9 =	smul.u32 $0xF7A, s1;
	s8 =	simm.s32 @!p0 $0x1BF5;
	p2 =	por !p2, p0  }
0x20: {  	[sflag:s8] =	ssyncset.s32 @!p0 $0xFFFFF086;
	s6 =	sadd.s32 @!p0 s3, s7;
	s7 =	simm.s32 @!p0 $0x108  }
0x21: {  	s3 =	sadd.s32 s3, s9;
	s6 =	sadd.s32 @!p0 $0x88, s6;
	s7 =	simm.s32 @p2 $0x1082  }
0x22: {  	[simem:s7], [sflag:s8] =	dma.local @!p0 [hbm:s6], $0xF7A  }
0x23: {  	s9 =	sor.u32 $0xD0000000, s2;
	s6 =	simm.s32 $0x108;
	_ =	swait.ge @!p0 [sflag:s8], $0x0  }
0x24: {  	s3 =	sadd.s32 $0x88, s3;
	s6 =	simm.s32 @!p1 $0x1082;
	[sflag:s4] =	ssyncset.s32 $0xFFFFF086  }
0x25: {  	[simem:s6], [sflag:s4] =	dma.local [hbm:s3], $0xF7A  }
0x26: {  	[smem:$0x3F90] =	sst s1;
	(tag) =	ssettag s2;
	_ =	strace s9  }
0x27: {  	s1 =	sld [smem:$0x3FA0]  }
0x28: {  	s2 =	sld [smem:$0x3FA1]  }
0x29: {  	s4 =	sld [smem:$0x3FA3]  }
0x2a: {  	p0 =	seq.s32 s5, $0x0;
	s5 =	sld [smem:$0x3FA4]  }
0x2b: {  	s6 =	sld [smem:$0x3FA5]  }
0x2c: {  	s7 =	sld [smem:$0x3FA6]  }
0x2d: {  	s3 =	simm.s32 $0x108;
	s8 =	sld [smem:$0x3FA7]  }
0x2e: {  	s3 =	simm.s32 @!p0 $0x1082;
	s9 =	sld [smem:$0x3FA8]  }
0x2f: {  	lr =	sadd.s32 s0, s3;
	s0 =	sld [smem:$0x3F9F]  }
0x30: {  	s3 =	sld [smem:$0x3FA2]  }
0x31: {  	[smem:$0x3FAB] =	sst s10  }
0x32: {  	s10 =	sld [smem:$0x3FA9];
	_ =	sdelay $0x3  }
0x33: {  	p0 =	seq.s32 s10, $0x1;
	s10 =	sld [smem:$0x3FAB];
	_ =	sdelay $0x3  }
0x34: {  	[smem:$0x3FAB] =	sst s10  }
0x35: {  	s10 =	sld [smem:$0x3FAA];
	_ =	sdelay $0x3  }
0x36: {  	p1 =	seq.s32 s10, $0x1;
	s10 =	sld [smem:$0x3FAB];
	_ =	sdelay $0x3  }
0x37: {  	[smem:$0x3FAB] =	sst s10  }
0x38: {  	s10 =	sld [smem:$0x3FAC]  }
0x39: {  	_ = 	snop;
	(pc) =	sbr.ind lr, $3  }
0x3a: {  	_ = 	snop  }
0x3b: {  	_ = 	snop  }
0x3c: {  	p2 =	seq.s32 s10, $0x1;
	s10 =	sld [smem:$0x3FAB]  }
0x3d: {  	_ =	shalt  }
0x3e: {  	_ =	shalt  }
0x3f: {  	_ =	shalt  }
0x40: {  	_ =	shalt  }
0x41: {  	_ =	shalt  }
0x42: {  	_ =	shalt  }
0x43: {  	_ =	shalt  }
0x44: {  	_ =	shalt  }
0x45: {  	_ =	shalt  }
0x46: {  	_ =	shalt  }
0x47: {  	_ =	shalt  }
0x48: {  	_ =	shalt  }
0x49: {  	_ =	shalt  }
0x4a: {  	_ =	shalt  }
0x4b: {  	_ =	shalt  }
0x4c: {  	_ =	shalt  }
0x4d: {  	_ =	shalt  }
0x4e: {  	_ =	shalt  }
0x4f: {  	_ =	shalt  }
0x50: {  	_ =	shalt  }
0x51: {  	_ =	shalt  }
0x52: {  	_ =	shalt  }
0x53: {  	_ =	shalt  }
0x54: {  	_ =	shalt  }
0x55: {  	_ =	shalt  }
0x56: {  	_ =	shalt  }
0x57: {  	_ =	shalt  }
0x58: {  	_ =	shalt  }
0x59: {  	_ =	shalt  }
0x5a: {  	_ =	shalt  }
0x5b: {  	_ =	shalt  }
0x5c: {  	_ =	shalt  }
0x5d: {  	_ =	shalt  }
0x5e: {  	_ =	shalt  }
0x5f: {  	_ =	shalt  }
0x60: {  	_ =	shalt  }
0x61: {  	_ =	shalt  }
0x62: {  	_ =	shalt  }
0x63: {  	_ =	shalt  }
0x64: {  	_ =	shalt  }
0x65: {  	_ =	shalt  }
0x66: {  	_ =	shalt  }
0x67: {  	_ =	shalt  }
0x68: {  	_ =	shalt  }
0x69: {  	_ =	shalt  }
0x6a: {  	_ =	shalt  }
0x6b: {  	_ =	shalt  }
0x6c: {  	_ =	shalt  }
0x6d: {  	_ =	shalt  }
0x6e: {  	_ =	shalt  }
0x6f: {  	_ =	shalt  }
0x70: {  	_ =	shalt  }
0x71: {  	_ =	shalt  }
0x72: {  	_ =	shalt  }
0x73: {  	_ =	shalt  }
0x74: {  	_ =	shalt  }
0x75: {  	_ =	shalt  }
0x76: {  	_ =	shalt  }
0x77: {  	_ =	shalt  }
0x78: {  	_ =	shalt  }
0x79: {  	_ =	shalt  }
0x7a: {  	_ =	shalt  }
0x7b: {  	_ =	shalt  }
0x7c: {  	_ =	shalt  }
0x7d: {  	_ =	shalt  }
0x7e: {  	_ =	shalt  }
0x7f: {  	_ =	shalt  }
0x80: {  	_ =	shalt  }
0x81: {  	_ =	shalt  }
0x82: {  	_ =	shalt  }
0x83: {  	_ =	shalt  }
0x84: {  	_ =	shalt  }
0x85: {  	_ =	shalt  }
0x86: {  	_ =	shalt  }
0x87: {  	_ =	shalt  }
.Lfunc_end0:
.L_simem_size_0:
called_computation.1_lowered:
.L_overlay_start_0:
0x88: {  	s2 =	sld [smem:$0x3FD9]  }
0x89: {  	s3 =	sld [smem:$0x3FFE];
	_ =	sdelay $0x1  }
0x8a: {  	s1 =	srdreg.scid  }
0x8b: {  	s0 =	sand.u32 $0x1, s1  }
0x8c: {  	s14 =	sshll.u32 s0, $0xA;
	s2 =	sadd.s32 s3, s2  }
0x8d: {  	s2 =	sadd.s32 s2, s14  }
0x8e: {  	[smem:$0x3FB7] =	sst s2  }
0x8f: {  	_ = 	snop  }
0x90: {  	s2 =	sld [smem:$0x3FD0];
	_ =	sdelay $0x2  }
0x91: {  	s15 =	simm.s32 $0xA;
	s4 =	simm.s32 $0x10  }
0x92: {  	[smem:s4], [sflag:s15] =	dma.local [hbm:s2], $0x1  }
0x93: {  	_ =	swait.eq [sflag:s15], $0x1  }
0x94: {  	[sflag:s15] =	ssyncset.done $0x0  }
0x95: {  	[sflag:s15] =	ssyncadd.s32 $0xFFFFFFFF  }
0x96: {  	s16 =	sld [smem:$0x10];
	(tm) =	ssettm $0x1  }
0x97: {  	s17 =	sld [smem:$0x3FFB];
	_ =	sdelay $0x3  }
0x98: {  	_ =	strace s17  }
0x99: {  	s3 =	sld [smem:$0x3FFC];
	_ =	sdelay $0x3  }
0x9a: {  	_ =	strace s3  }
0x9b: {  	s3 =	sld [smem:$0x3FFD];
	_ =	sdelay $0x3  }
0x9c: {  	_ =	strace s3  }
0x9d: {  	_ =	strace $0x8FFFFFFF  }
0x9e: {  	s18 =	sld [smem:$0x3FDB];
	_ =	sdelay $0x1  }
0x9f: {  	s19 =	simm.s32 $_scs_section_size  }
0xa0: {  	s5 =	simm.s32 $_size__tile_overlayer_lowered;
	s6 =	simm.s32 $_tile_overlayer_lowered  }
0xa1: {  	s22 =	simm.s32 $0x1BFF;
	s21 =	sshll.u32 s6, $0x1;
	s3 =	sadd.s32 s19, s18  }
0xa2: {  	s7 =	simm.s32 $0x0;
	s20 =	sshll.u32 s5, $0x1;
	s5 =	sadd.s32 s21, s3  }
0xa3: {  	[timem:s7], [sflag:s22] =	dma.local [hbm:s5], s20  }
0xa4: {  	_ =	swait.ge [sflag:s22], s20  }
0xa5: {  	s4 =	ssub.s32 $0x0, s20;
	[sflag:s22] =	ssyncset.done $0x0  }
0xa6: {  	[sflag:s22] =	ssyncadd.s32 s4;
	_ =	sdelay $0x1  }
0xa7: {  	s23 =	simm.s32 $0x1B8B  }
0xa8: {  	_ =	swait.ge [sflag:s23], $0x1  }
0xa9: {  	[sflag:s23] =	ssyncset.done $0x0  }
0xaa: {  	s25 =	simm.s32 $0x1B8E;
	s24 =	sld [smem:$0x3FFE];
	[sflag:s23] =	ssyncadd.s32 $0xFFFFFFFF  }
0xab: {  	s26 =	simm.s32 $execute0_lowered;
	[smem:$0x3FD2] =	sst s25  }
0xac: {  	s5 =	sshll.u32 s26, $0x1;
	_ =	strace $0x80000049;
	[dreg:$0x1] =	wrdreg $0xFFFFFFFF  }
0xad: {  	s28 =	simm.s32 $_size_execute0_lowered;
	s3 =	sadd.s32 s3, s5;
	[dreg:$0x0] =	wrdreg $0x0  }
0xae: {  	s5 =	sshll.u32 s28, $0x1;
	[dreg:$0x2] =	wrdreg s3  }
0xaf: {  	[dreg:$0x3] =	wrdreg s5  }
0xb0: {  	[dreg:$0x4] =	wrdreg $0xC0  }
0xb1: {  	_ =	task [dreg:s7], $0x5FFFF  }
0xb2: {  	[dreg:$0x1] =	wrdreg $0xFFFFFFFF  }
0xb3: {  	[dreg:$0x0] =	wrdreg $0x60  }
0xb4: {  	[dreg:$0x2] =	wrdreg s16  }
0xb5: {  	[dreg:$0x3] =	wrdreg s24  }
0xb6: {  	[dreg:$0x4] =	wrdreg $0x9  }
0xb7: {  	_ =	task.clear_ibuf [dreg:s7], $0x5FFFF;
	_ =	strace $0x90000049  }
0xb8: {  	s29 =	simm.s32 $0x9;
	_ =	strace $0x8000004B  }
0xb9: {  	_ =	swait.ge [sflag:s29], $0x1  }
0xba: {  	[sflag:s29] =	ssyncadd.s32 $0xFFFFFFFF  }
0xbb: {  	_ =	strace $0x9000004B  }
0xbc: {  	_ =	sfence  }
0xbd: {  	s30 =	sld [smem:$0x0];
	_ =	sdelay $0x2  }
0xbe: {  	s31 =	sshll.u32 s1, $0xD;
	s1 =	sshrl.u32 s1, $0x2  }
0xbf: {  	s3 =	sand.u32 $0x4000, s31;
	s1 =	sadd.s32 s1, s30  }
0xc0: {  	s0 =	sor.u32 s3, s0;
	s1 =	sshll.u32 s1, $0x11  }
0xc1: {  	s0 =	sor.u32 s1, s0  }
0xc2: {  	s0 =	sadd.s32 $0x8F2B, s0  }
0xc3: {  	[sflag:s0] =	ssyncadd.remote.s32 $0x1  }
0xc4: {  	_ =	sfence.sel $0xFFFF  }
0xc5: {  	[dreg:$0x0] =	wrdreg $0xFFFFFFFF;
	(pc) =	sbr.abs _section_cstart, $3  }
0xc6: {  	[dreg:$0x1] =	wrdreg $0xFFFFFFFF  }
0xc7: {  	_ =	task.clear_ibuf [dreg:s7], $0x2FFFF;
	_ =	strace $0x9FFFFFFF  }
0xc8: {  	(tm) =	ssettm $0x7FFFFFFF  }
0xc9: {  	_ =	shalt  }
tec
execute0_lowered:
.L_overlay_start_1:
0x0: {  	(tag) =	ssettag $0x1  }
0x1: {  	s1 =	srdreg.scid  }
0x2: {  	s0 =	stileid.u32;
	s26 =	sand.u32 $0x1, s1  }
0x3: {  	s31 =	sshll.u32 s0, $0xB;
	s3 =	sshll.u32 s26, $0xA  }
0x4: {  	s2 =	rddreg [dreg:$0x0];
	s11 =	sor.u32 s3, s31  }
0x5: {  	s10 =	rddreg [dreg:$0x1];
	s3 =	simm.s32 $0x0;
	s4 =	sshrl.u32 s11, $0x3  }
0x6: {  	s5 =	simm.s32 $0x5;
	[smem:$0x7FF] =	sst s3;
	s4 =	sadd.s32 s4, s10  }
0x7: {  	s1 =	rddreg [dreg:$0x2];
	_ =	strace $0x8000004A;
	s4 =	sadd.s32 $0x64200, s4  }
0x8: {  	[tilespmem:s3], [sflag:$0x5] =	stream.linear.gather [hbm4b:s4+s3], $0x400, $0x38;
	[tilespmem:$0x8400] =	vst v63  }
0x9: {  	_ =	swait.ge [sflag:s5], $0x400  }
0xa: {  	[sflag:s5] =	ssyncset.done $0x0  }
0xb: {  	s6 =	simm.s32 $0x80;
	s7 =	simm.s32 $0x400;
	[sflag:s5] =	ssyncadd.s32 $0xFFFFFC00  }
0xc: {  	[tilespmem:s7], [sflag:$0x1] =	stream.indirect.gather [hbm4b:s2+s6], $0x80, s3, s6, $0xb8;
	[tilespmem:$0x8400] =	vst v63  }
0xd: {  	s8 =	simm.s32 $0x4400;
	s9 =	simm.s32 $0x1  }
0xe: {  	[tilespmem:s8], [sflag:$0x2] =	stream.indirect.gather [hbm4b:s2+s6], $0x80, s6, s6, $0xb8;
	[tilespmem:$0x8400] =	vst v63  }
0xf: {  	s11 =	sshll.u32 s11, $0x4;
	_ =	swait.ge [sflag:s9], $0x4000  }
0x10: {  	s28 =	sadd.s32 s11, s10;
	[sflag:s9] =	ssyncset.done $0x0  }
0x11: {  	s11 =	simm.s32 $0x3;
	s10 =	sadd.s32 $0x65200, s28;
	[sflag:s9] =	ssyncadd.s32 $0xFFFFC000  }
0x12: {  	[hbm4b:s10+s3] =	stream.linear.scatter [tilespmem:s7], [sflag:$0x3], $0x4000, $0x38;
	[tilespmem:$0x8400] =	vst v63  }
0x13: {  	_ =	swait.ge [sflag:s11], $0x4000  }
0x14: {  	[sflag:s11] =	ssyncset.done $0x0  }
0x15: {  	s12 =	simm.s32 $0x100;
	s13 =	simm.s32 $0x2;
	[sflag:s11] =	ssyncadd.s32 $0xFFFFC000  }
0x16: {  	[tilespmem:s7], [sflag:$0x1] =	stream.indirect.gather [hbm4b:s2+s6], $0x80, s12, s6, $0xb8;
	[tilespmem:$0x8400] =	vst v63  }
0x17: {  	_ =	swait.ge [sflag:s13], $0x4000  }
0x18: {  	[sflag:s13] =	ssyncset.done $0x0  }
0x19: {  	s14 =	simm.s32 $0x4;
	s15 =	sadd.s32 $0x65A00, s28;
	[sflag:s13] =	ssyncadd.s32 $0xFFFFC000  }
0x1a: {  	[hbm4b:s15+s3] =	stream.linear.scatter [tilespmem:s8], [sflag:$0x4], $0x4000, $0x38;
	[tilespmem:$0x8400] =	vst v63  }
0x1b: {  	_ =	swait.ge [sflag:s14], $0x4000  }
0x1c: {  	[sflag:s14] =	ssyncset.done $0x0  }
0x1d: {  	s16 =	simm.s32 $0x180;
	[sflag:s14] =	ssyncadd.s32 $0xFFFFC000  }
0x1e: {  	[tilespmem:s8], [sflag:$0x2] =	stream.indirect.gather [hbm4b:s2+s6], $0x80, s16, s6, $0xb8;
	[tilespmem:$0x8400] =	vst v63  }
0x1f: {  	_ =	swait.ge [sflag:s9], $0x4000  }
0x20: {  	[sflag:s9] =	ssyncset.done $0x0  }
0x21: {  	s17 =	sadd.s32 $0x66200, s28;
	[sflag:s9] =	ssyncadd.s32 $0xFFFFC000  }
0x22: {  	[hbm4b:s17+s3] =	stream.linear.scatter [tilespmem:s7], [sflag:$0x3], $0x4000, $0x38;
	[tilespmem:$0x8400] =	vst v63  }
0x23: {  	_ =	swait.ge [sflag:s11], $0x4000  }
0x24: {  	[sflag:s11] =	ssyncset.done $0x0  }
0x25: {  	s18 =	simm.s32 $0x200;
	[sflag:s11] =	ssyncadd.s32 $0xFFFFC000  }
0x26: {  	[tilespmem:s7], [sflag:$0x1] =	stream.indirect.gather [hbm4b:s2+s6], $0x80, s18, s6, $0xb8;
	[tilespmem:$0x8400] =	vst v63  }
0x27: {  	_ =	swait.ge [sflag:s13], $0x4000  }
0x28: {  	[sflag:s13] =	ssyncset.done $0x0  }
0x29: {  	s19 =	sadd.s32 $0x66A00, s28;
	[sflag:s13] =	ssyncadd.s32 $0xFFFFC000  }
0x2a: {  	[hbm4b:s19+s3] =	stream.linear.scatter [tilespmem:s8], [sflag:$0x4], $0x4000, $0x38;
	[tilespmem:$0x8400] =	vst v63  }
0x2b: {  	_ =	swait.ge [sflag:s14], $0x4000  }
0x2c: {  	[sflag:s14] =	ssyncset.done $0x0  }
0x2d: {  	s20 =	simm.s32 $0x280;
	[sflag:s14] =	ssyncadd.s32 $0xFFFFC000  }
0x2e: {  	[tilespmem:s8], [sflag:$0x2] =	stream.indirect.gather [hbm4b:s2+s6], $0x80, s20, s6, $0xb8;
	[tilespmem:$0x8400] =	vst v63  }
0x2f: {  	_ =	swait.ge [sflag:s9], $0x4000  }
0x30: {  	[sflag:s9] =	ssyncset.done $0x0  }
0x31: {  	s21 =	sadd.s32 $0x67200, s28;
	[sflag:s9] =	ssyncadd.s32 $0xFFFFC000  }
0x32: {  	[hbm4b:s21+s3] =	stream.linear.scatter [tilespmem:s7], [sflag:$0x3], $0x4000, $0x38;
	[tilespmem:$0x8400] =	vst v63  }
0x33: {  	_ =	swait.ge [sflag:s11], $0x4000  }
0x34: {  	[sflag:s11] =	ssyncset.done $0x0  }
0x35: {  	s22 =	simm.s32 $0x300;
	[sflag:s11] =	ssyncadd.s32 $0xFFFFC000  }
0x36: {  	[tilespmem:s7], [sflag:$0x1] =	stream.indirect.gather [hbm4b:s2+s6], $0x80, s22, s6, $0xb8;
	[tilespmem:$0x8400] =	vst v63  }
0x37: {  	_ =	swait.ge [sflag:s13], $0x4000  }
0x38: {  	[sflag:s13] =	ssyncset.done $0x0  }
0x39: {  	s23 =	sadd.s32 $0x67A00, s28;
	[sflag:s13] =	ssyncadd.s32 $0xFFFFC000  }
0x3a: {  	[hbm4b:s23+s3] =	stream.linear.scatter [tilespmem:s8], [sflag:$0x4], $0x4000, $0x38;
	[tilespmem:$0x8400] =	vst v63  }
0x3b: {  	_ =	swait.ge [sflag:s14], $0x4000  }
0x3c: {  	[sflag:s14] =	ssyncset.done $0x0  }
0x3d: {  	s24 =	simm.s32 $0x380;
	[sflag:s14] =	ssyncadd.s32 $0xFFFFC000  }
0x3e: {  	[tilespmem:s8], [sflag:$0x2] =	stream.indirect.gather [hbm4b:s2+s6], $0x80, s24, s6, $0xb8;
	[tilespmem:$0x8400] =	vst v63  }
0x3f: {  	_ =	swait.ge [sflag:s9], $0x4000  }
0x40: {  	s29 =	ssub.s32 $0x2, s26;
	s25 =	sadd.s32 $0x68200, s28;
	[sflag:s9] =	ssyncset.done $0x0  }
0x41: {  	s26 =	sadd.s32 $0x68A00, s28;
	s28 =	sshrl.u32 s29, $0x1;
	[sflag:s9] =	ssyncadd.s32 $0xFFFFC000  }
0x42: {  	[hbm4b:s25+s3] =	stream.linear.scatter [tilespmem:s7], [sflag:$0x3], $0x4000, $0x38;
	[tilespmem:$0x8400] =	vst v63  }
0x43: {  	s28 =	ssub.s32 s29, s28;
	_ =	swait.ge [sflag:s13], $0x4000  }
0x44: {  	s28 =	smax.u32 s28, $0x1;
	[sflag:s13] =	ssyncset.done $0x0  }
0x45: {  	p0 =	sne.s32 s28, $0x1;
	[sflag:s13] =	ssyncadd.s32 $0xFFFFC000  }
0x46: {  	[hbm4b:s26+s3] =	stream.linear.scatter [tilespmem:s8], [sflag:$0x4], $0x4000, $0x38;
	[tilespmem:$0x8400] =	vst v63  }
.Ltmp0:
0x47: {  	_ =	swait.ge [sflag:s11], $0x4000;
	(pc) =	sbr.rel @!p0 .LBB2_2-.Ltmp0, $4  }
0x48: {  	[sflag:s11] =	ssyncset.done $0x0  }
0x49: {  	[sflag:s11] =	ssyncadd.s32 $0xFFFFC000  }
0x4a: {  	_ =	swait.ge [sflag:s14], $0x4000  }
0x4b: {  	s28 =	sadd.s32 $0xFFFFFFFF, s28;
	[sflag:s14] =	ssyncset.done $0x0  }
.LBB2_1:
0x4c: {  	p0 =	sne.s32 s28, $0x1;
	s28 =	sadd.s32 $0xFFFFFFFF, s28;
	[sflag:s14] =	ssyncadd.s32 $0xFFFFC000  }
0x4d: {  	[tilespmem:s3], [sflag:$0x5] =	stream.linear.gather [hbm4b:s4+s3], $0x400, $0x38;
	[tilespmem:$0x8400] =	vst v63  }
0x4e: {  	_ =	swait.ge [sflag:s5], $0x400  }
0x4f: {  	[sflag:s5] =	ssyncset.done $0x0  }
0x50: {  	[sflag:s5] =	ssyncadd.s32 $0xFFFFFC00  }
0x51: {  	[tilespmem:s7], [sflag:$0x1] =	stream.indirect.gather [hbm4b:s2+s6], $0x80, s3, s6, $0xb8;
	[tilespmem:$0x8400] =	vst v63  }
0x52: {  	_ = 	snop  }
0x53: {  	[tilespmem:s8], [sflag:$0x2] =	stream.indirect.gather [hbm4b:s2+s6], $0x80, s6, s6, $0xb8;
	[tilespmem:$0x8400] =	vst v63  }
0x54: {  	_ =	swait.ge [sflag:s9], $0x4000  }
0x55: {  	[sflag:s9] =	ssyncset.done $0x0  }
0x56: {  	[sflag:s9] =	ssyncadd.s32 $0xFFFFC000  }
0x57: {  	[hbm4b:s10+s3] =	stream.linear.scatter [tilespmem:s7], [sflag:$0x3], $0x4000, $0x38;
	[tilespmem:$0x8400] =	vst v63  }
0x58: {  	_ =	swait.ge [sflag:s11], $0x4000  }
0x59: {  	[sflag:s11] =	ssyncset.done $0x0  }
0x5a: {  	[sflag:s11] =	ssyncadd.s32 $0xFFFFC000  }
0x5b: {  	[tilespmem:s7], [sflag:$0x1] =	stream.indirect.gather [hbm4b:s2+s6], $0x80, s12, s6, $0xb8;
	[tilespmem:$0x8400] =	vst v63  }
0x5c: {  	_ =	swait.ge [sflag:s13], $0x4000  }
0x5d: {  	[sflag:s13] =	ssyncset.done $0x0  }
0x5e: {  	[sflag:s13] =	ssyncadd.s32 $0xFFFFC000  }
0x5f: {  	[hbm4b:s15+s3] =	stream.linear.scatter [tilespmem:s8], [sflag:$0x4], $0x4000, $0x38;
	[tilespmem:$0x8400] =	vst v63  }
0x60: {  	_ =	swait.ge [sflag:s14], $0x4000  }
0x61: {  	[sflag:s14] =	ssyncset.done $0x0  }
0x62: {  	[sflag:s14] =	ssyncadd.s32 $0xFFFFC000  }
0x63: {  	[tilespmem:s8], [sflag:$0x2] =	stream.indirect.gather [hbm4b:s2+s6], $0x80, s16, s6, $0xb8;
	[tilespmem:$0x8400] =	vst v63  }
0x64: {  	_ =	swait.ge [sflag:s9], $0x4000  }
0x65: {  	[sflag:s9] =	ssyncset.done $0x0  }
0x66: {  	[sflag:s9] =	ssyncadd.s32 $0xFFFFC000  }
0x67: {  	[hbm4b:s17+s3] =	stream.linear.scatter [tilespmem:s7], [sflag:$0x3], $0x4000, $0x38;
	[tilespmem:$0x8400] =	vst v63  }
0x68: {  	_ =	swait.ge [sflag:s11], $0x4000  }
0x69: {  	[sflag:s11] =	ssyncset.done $0x0  }
0x6a: {  	[sflag:s11] =	ssyncadd.s32 $0xFFFFC000  }
0x6b: {  	[tilespmem:s7], [sflag:$0x1] =	stream.indirect.gather [hbm4b:s2+s6], $0x80, s18, s6, $0xb8;
	[tilespmem:$0x8400] =	vst v63  }
0x6c: {  	_ =	swait.ge [sflag:s13], $0x4000  }
0x6d: {  	[sflag:s13] =	ssyncset.done $0x0  }
0x6e: {  	[sflag:s13] =	ssyncadd.s32 $0xFFFFC000  }
0x6f: {  	[hbm4b:s19+s3] =	stream.linear.scatter [tilespmem:s8], [sflag:$0x4], $0x4000, $0x38;
	[tilespmem:$0x8400] =	vst v63  }
0x70: {  	_ =	swait.ge [sflag:s14], $0x4000  }
0x71: {  	[sflag:s14] =	ssyncset.done $0x0  }
0x72: {  	[sflag:s14] =	ssyncadd.s32 $0xFFFFC000  }
0x73: {  	[tilespmem:s8], [sflag:$0x2] =	stream.indirect.gather [hbm4b:s2+s6], $0x80, s20, s6, $0xb8;
	[tilespmem:$0x8400] =	vst v63  }
0x74: {  	_ =	swait.ge [sflag:s9], $0x4000  }
0x75: {  	[sflag:s9] =	ssyncset.done $0x0  }
0x76: {  	[sflag:s9] =	ssyncadd.s32 $0xFFFFC000  }
0x77: {  	[hbm4b:s21+s3] =	stream.linear.scatter [tilespmem:s7], [sflag:$0x3], $0x4000, $0x38;
	[tilespmem:$0x8400] =	vst v63  }
0x78: {  	_ =	swait.ge [sflag:s11], $0x4000  }
0x79: {  	[sflag:s11] =	ssyncset.done $0x0  }
0x7a: {  	[sflag:s11] =	ssyncadd.s32 $0xFFFFC000  }
0x7b: {  	[tilespmem:s7], [sflag:$0x1] =	stream.indirect.gather [hbm4b:s2+s6], $0x80, s22, s6, $0xb8;
	[tilespmem:$0x8400] =	vst v63  }
0x7c: {  	_ =	swait.ge [sflag:s13], $0x4000  }
0x7d: {  	[sflag:s13] =	ssyncset.done $0x0  }
0x7e: {  	[sflag:s13] =	ssyncadd.s32 $0xFFFFC000  }
0x7f: {  	[hbm4b:s23+s3] =	stream.linear.scatter [tilespmem:s8], [sflag:$0x4], $0x4000, $0x38;
	[tilespmem:$0x8400] =	vst v63  }
0x80: {  	_ =	swait.ge [sflag:s14], $0x4000  }
0x81: {  	[sflag:s14] =	ssyncset.done $0x0  }
0x82: {  	[sflag:s14] =	ssyncadd.s32 $0xFFFFC000  }
0x83: {  	[tilespmem:s8], [sflag:$0x2] =	stream.indirect.gather [hbm4b:s2+s6], $0x80, s24, s6, $0xb8;
	[tilespmem:$0x8400] =	vst v63  }
0x84: {  	_ =	swait.ge [sflag:s9], $0x4000  }
0x85: {  	[sflag:s9] =	ssyncset.done $0x0  }
0x86: {  	[sflag:s9] =	ssyncadd.s32 $0xFFFFC000  }
0x87: {  	[hbm4b:s25+s3] =	stream.linear.scatter [tilespmem:s7], [sflag:$0x3], $0x4000, $0x38;
	[tilespmem:$0x8400] =	vst v63  }
0x88: {  	_ =	swait.ge [sflag:s13], $0x4000  }
0x89: {  	[sflag:s13] =	ssyncset.done $0x0  }
0x8a: {  	[sflag:s13] =	ssyncadd.s32 $0xFFFFC000  }
0x8b: {  	[hbm4b:s26+s3] =	stream.linear.scatter [tilespmem:s8], [sflag:$0x4], $0x4000, $0x38;
	[tilespmem:$0x8400] =	vst v63  }
.Ltmp1:
0x8c: {  	_ =	swait.ge [sflag:s11], $0x4000;
	(pc) =	sbr.rel @p0 .LBB2_1-.Ltmp1, $4  }
0x8d: {  	[sflag:s11] =	ssyncset.done $0x0  }
0x8e: {  	[sflag:s11] =	ssyncadd.s32 $0xFFFFC000  }
0x8f: {  	_ =	swait.ge [sflag:s14], $0x4000  }
0x90: {  	[sflag:s14] =	ssyncset.done $0x0  }
.LBB2_2:
0x91: {  	[sflag:s14] =	ssyncadd.s32 $0xFFFFC000  }
0x92: {  	_ =	sfence.sel $0x180000  }
0x93: {  	[bflag:$0x0] =	sbarrier.arrive $0xFFFF  }
0x94: {  	p0 =	sne.s32 s0, $0x0;
	_ =	strace $0x9000004A  }
0x95: {  	s0 =	sadd.s32 @!p0 $0x100000, s1;
	[bflag:$0x2] =	sbarrier.arrive $0xFFFF  }
0x96: {  	[sflag:s0] =	ssyncadd.tile.s32 @!p0 $0x1;
	_ =	shalt  }
.Lfunc_end2:
_tile_overlayer_lowered:
.L_overlay_start_2:
0x97: {  	(tag) =	ssettag $0x2  }
0x98: {  	s0 =	rddreg [dreg:$0x0];
	s2 =	stileid.u32  }
0x99: {  	s1 =	rddreg [dreg:$0x1];
	p0 =	sne.s32 s2, $0x0  }
0x9a: {  	s3 =	rddreg [dreg:$0x2];
	[bflag:$0x3] =	sbarrier.arrive $0xFFFF;
	s2 =	simm.s32 @!p0 $0x1C05  }
0x9b: {  	[timem:s3], [sflag:s2] =	dma.local @!p0 [hbm:s0], s1  }
0x9c: {  	s0 =	simm.s32 @!p0 $0x5  }
0x9d: {  	_ =	swait.ge @!p0 [sflag:s0], s1  }
0x9e: {  	s1 =	ssub.s32 @!p0 $0x0, s1;
	[sflag:s0] =	ssyncset.done @!p0 $0x0  }
0x9f: {  	[sflag:s0] =	ssyncadd.s32 @!p0 s1  }
0xa0: {  	[bflag:$0x3] =	sbarrier.arrive $0xFFFF  }
0xa1: {  	_ =	shalt  }

// kernel: kernel.20.cloned.1.call-start
scs
__scs_entry_jumppad:
0x0: {  	(pc) =	sbr.rel $0x88, $3  }
0x1: {  	(tag) =	ssettag $0x0;
	lr =	simm.s32 $0x1  }
0x2: {  	[smem:$0x3F90] =	sst lr;
	_ =	strace $0xD0000000  }
0x3: {  	_ = 	snop  }
0x4: {  	_ = 	snop  }
0x5: {  	_ = 	snop  }
0x6: {  	_ = 	snop  }
0x7: {  	_ = 	snop  }
__scs_overlays_trampoline_lowered:
0x8: {  	[smem:$0x3F9F] =	sst s0  }
0x9: {  	[smem:$0x3FA0] =	sst s1  }
0xa: {  	[smem:$0x3FA1] =	sst s2  }
0xb: {  	[smem:$0x3FA2] =	sst s3  }
0xc: {  	[smem:$0x3FA3] =	sst s4  }
0xd: {  	[smem:$0x3FA4] =	sst s5  }
0xe: {  	[smem:$0x3FA5] =	sst s6  }
0xf: {  	[smem:$0x3FA6] =	sst s7  }
0x10: {  	[smem:$0x3FA7] =	sst s8  }
0x11: {  	[smem:$0x3FA8] =	sst s9;
	s0 =	simm.s32 @!p0 $0x0  }
0x12: {  	s1 =	sld [smem:$0x3F8E];
	s0 =	simm.s32 @p0 $0x1  }
0x13: {  	[smem:$0x3FA9] =	sst s0;
	s0 =	simm.s32 @!p1 $0x0  }
0x14: {  	s2 =	sld [smem:$0x3F8D];
	s0 =	simm.s32 @p1 $0x1  }
0x15: {  	[smem:$0x3FAA] =	sst s0;
	s0 =	simm.s32 @!p2 $0x0  }
0x16: {  	s3 =	sld [smem:$0x3FDB];
	s0 =	simm.s32 @p2 $0x1  }
0x17: {  	s4 =	simm.s32 $0x1BF5;
	[smem:$0x3FAC] =	sst s0  }
0x18: {  	s0 =	sld [smem:$0x3F8F];
	_ =	swait.ge [sflag:s4], $0x0  }
0x19: {  	s7 =	sld [smem:$0x3F90]  }
0x1a: {  	s8 =	sadd.s32 $0xFFFFE003, lr  }
0x1b: {  	s9 =	sadd.s32 $0xFFFFFEF7, lr;
	s5 =	simm.s32 $0xFFFFFFFF;
	p2 =	slt.u32 s8, $0xFFFFF086  }
0x1c: {  	p1 =	slt.u32 s9, $0xF7A;
	s5 =	simm.s32 @!p2 $0x0  }
0x1d: {  	s5 =	simm.s32 @p1 $0x1;
	p0 =	seq.s32 s7, s2  }
0x1e: {  	s7 =	smul.u32 @!p0 $0xF7A, s2;
	p2 =	seq.s32 @!p0 s5, $0x0  }
0x1f: {  	s9 =	smul.u32 $0xF7A, s1;
	s8 =	simm.s32 @!p0 $0x1BF5;
	p2 =	por !p2, p0  }
0x20: {  	[sflag:s8] =	ssyncset.s32 @!p0 $0xFFFFF086;
	s6 =	sadd.s32 @!p0 s3, s7;
	s7 =	simm.s32 @!p0 $0x108  }
0x21: {  	s3 =	sadd.s32 s3, s9;
	s6 =	sadd.s32 @!p0 $0x88, s6;
	s7 =	simm.s32 @p2 $0x1082  }
0x22: {  	[simem:s7], [sflag:s8] =	dma.local @!p0 [hbm:s6], $0xF7A  }
0x23: {  	s9 =	sor.u32 $0xD0000000, s2;
	s6 =	simm.s32 $0x108;
	_ =	swait.ge @!p0 [sflag:s8], $0x0  }
0x24: {  	s3 =	sadd.s32 $0x88, s3;
	s6 =	simm.s32 @!p1 $0x1082;
	[sflag:s4] =	ssyncset.s32 $0xFFFFF086  }
0x25: {  	[simem:s6], [sflag:s4] =	dma.local [hbm:s3], $0xF7A  }
0x26: {  	[smem:$0x3F90] =	sst s1;
	(tag) =	ssettag s2;
	_ =	strace s9  }
0x27: {  	s1 =	sld [smem:$0x3FA0]  }
0x28: {  	s2 =	sld [smem:$0x3FA1]  }
0x29: {  	s4 =	sld [smem:$0x3FA3]  }
0x2a: {  	p0 =	seq.s32 s5, $0x0;
	s5 =	sld [smem:$0x3FA4]  }
0x2b: {  	s6 =	sld [smem:$0x3FA5]  }
0x2c: {  	s7 =	sld [smem:$0x3FA6]  }
0x2d: {  	s3 =	simm.s32 $0x108;
	s8 =	sld [smem:$0x3FA7]  }
0x2e: {  	s3 =	simm.s32 @!p0 $0x1082;
	s9 =	sld [smem:$0x3FA8]  }
0x2f: {  	lr =	sadd.s32 s0, s3;
	s0 =	sld [smem:$0x3F9F]  }
0x30: {  	s3 =	sld [smem:$0x3FA2]  }
0x31: {  	[smem:$0x3FAB] =	sst s10  }
0x32: {  	s10 =	sld [smem:$0x3FA9];
	_ =	sdelay $0x3  }
0x33: {  	p0 =	seq.s32 s10, $0x1;
	s10 =	sld [smem:$0x3FAB];
	_ =	sdelay $0x3  }
0x34: {  	[smem:$0x3FAB] =	sst s10  }
0x35: {  	s10 =	sld [smem:$0x3FAA];
	_ =	sdelay $0x3  }
0x36: {  	p1 =	seq.s32 s10, $0x1;
	s10 =	sld [smem:$0x3FAB];
	_ =	sdelay $0x3  }
0x37: {  	[smem:$0x3FAB] =	sst s10  }
0x38: {  	s10 =	sld [smem:$0x3FAC]  }
0x39: {  	_ = 	snop;
	(pc) =	sbr.ind lr, $3  }
0x3a: {  	_ = 	snop  }
0x3b: {  	_ = 	snop  }
0x3c: {  	p2 =	seq.s32 s10, $0x1;
	s10 =	sld [smem:$0x3FAB]  }
0x3d: {  	_ =	shalt  }
0x3e: {  	_ =	shalt  }
0x3f: {  	_ =	shalt  }
0x40: {  	_ =	shalt  }
0x41: {  	_ =	shalt  }
0x42: {  	_ =	shalt  }
0x43: {  	_ =	shalt  }
0x44: {  	_ =	shalt  }
0x45: {  	_ =	shalt  }
0x46: {  	_ =	shalt  }
0x47: {  	_ =	shalt  }
0x48: {  	_ =	shalt  }
0x49: {  	_ =	shalt  }
0x4a: {  	_ =	shalt  }
0x4b: {  	_ =	shalt  }
0x4c: {  	_ =	shalt  }
0x4d: {  	_ =	shalt  }
0x4e: {  	_ =	shalt  }
0x4f: {  	_ =	shalt  }
0x50: {  	_ =	shalt  }
0x51: {  	_ =	shalt  }
0x52: {  	_ =	shalt  }
0x53: {  	_ =	shalt  }
0x54: {  	_ =	shalt  }
0x55: {  	_ =	shalt  }
0x56: {  	_ =	shalt  }
0x57: {  	_ =	shalt  }
0x58: {  	_ =	shalt  }
0x59: {  	_ =	shalt  }
0x5a: {  	_ =	shalt  }
0x5b: {  	_ =	shalt  }
0x5c: {  	_ =	shalt  }
0x5d: {  	_ =	shalt  }
0x5e: {  	_ =	shalt  }
0x5f: {  	_ =	shalt  }
0x60: {  	_ =	shalt  }
0x61: {  	_ =	shalt  }
0x62: {  	_ =	shalt  }
0x63: {  	_ =	shalt  }
0x64: {  	_ =	shalt  }
0x65: {  	_ =	shalt  }
0x66: {  	_ =	shalt  }
0x67: {  	_ =	shalt  }
0x68: {  	_ =	shalt  }
0x69: {  	_ =	shalt  }
0x6a: {  	_ =	shalt  }
0x6b: {  	_ =	shalt  }
0x6c: {  	_ =	shalt  }
0x6d: {  	_ =	shalt  }
0x6e: {  	_ =	shalt  }
0x6f: {  	_ =	shalt  }
0x70: {  	_ =	shalt  }
0x71: {  	_ =	shalt  }
0x72: {  	_ =	shalt  }
0x73: {  	_ =	shalt  }
0x74: {  	_ =	shalt  }
0x75: {  	_ =	shalt  }
0x76: {  	_ =	shalt  }
0x77: {  	_ =	shalt  }
0x78: {  	_ =	shalt  }
0x79: {  	_ =	shalt  }
0x7a: {  	_ =	shalt  }
0x7b: {  	_ =	shalt  }
0x7c: {  	_ =	shalt  }
0x7d: {  	_ =	shalt  }
0x7e: {  	_ =	shalt  }
0x7f: {  	_ =	shalt  }
0x80: {  	_ =	shalt  }
0x81: {  	_ =	shalt  }
0x82: {  	_ =	shalt  }
0x83: {  	_ =	shalt  }
0x84: {  	_ =	shalt  }
0x85: {  	_ =	shalt  }
0x86: {  	_ =	shalt  }
0x87: {  	_ =	shalt  }
.Lfunc_end0:
.L_simem_size_0:
called_computation.2_lowered:
.L_overlay_start_0:
0x88: {  	s2 =	sld [smem:$0x3FD9]  }
0x89: {  	s3 =	sld [smem:$0x3FFE];
	_ =	sdelay $0x1  }
0x8a: {  	s1 =	srdreg.scid  }
0x8b: {  	s0 =	sand.u32 $0x1, s1  }
0x8c: {  	s16 =	sshll.u32 s0, $0xA;
	s2 =	sadd.s32 s3, s2  }
0x8d: {  	s2 =	sadd.s32 s2, s16  }
0x8e: {  	[smem:$0x3FB7] =	sst s2  }
0x8f: {  	_ = 	snop  }
0x90: {  	(tm) =	ssettm $0x1  }
0x91: {  	s17 =	sld [smem:$0x3FFB];
	_ =	sdelay $0x3  }
0x92: {  	_ =	strace s17  }
0x93: {  	s2 =	sld [smem:$0x3FFC];
	_ =	sdelay $0x3  }
0x94: {  	_ =	strace s2  }
0x95: {  	s2 =	sld [smem:$0x3FFD];
	_ =	sdelay $0x3  }
0x96: {  	_ =	strace s2  }
0x97: {  	_ =	strace $0x8FFFFFFF  }
0x98: {  	s18 =	sld [smem:$0x3FDB];
	_ =	sdelay $0x1  }
0x99: {  	s19 =	simm.s32 $_scs_section_size  }
0x9a: {  	s4 =	simm.s32 $_size__tile_overlayer_lowered;
	s5 =	simm.s32 $_tile_overlayer_lowered  }
0x9b: {  	s22 =	simm.s32 $0x1BFF;
	s21 =	sshll.u32 s5, $0x1;
	s2 =	sadd.s32 s19, s18  }
0x9c: {  	s6 =	simm.s32 $0x0;
	s20 =	sshll.u32 s4, $0x1;
	s4 =	sadd.s32 s21, s2  }
0x9d: {  	[timem:s6], [sflag:s22] =	dma.local [hbm:s4], s20  }
0x9e: {  	_ =	swait.ge [sflag:s22], s20  }
0x9f: {  	s3 =	ssub.s32 $0x0, s20;
	[sflag:s22] =	ssyncset.done $0x0  }
0xa0: {  	[sflag:s22] =	ssyncadd.s32 s3;
	_ =	sdelay $0x1  }
0xa1: {  	s23 =	simm.s32 $0x1B8B  }
0xa2: {  	_ =	swait.ge [sflag:s23], $0x1  }
0xa3: {  	[sflag:s23] =	ssyncset.done $0x0  }
0xa4: {  	s25 =	simm.s32 $0x1B8E;
	s24 =	sld [smem:$0x3FFE];
	[sflag:s23] =	ssyncadd.s32 $0xFFFFFFFF  }
0xa5: {  	s26 =	simm.s32 $execute0_lowered;
	[smem:$0x3FD2] =	sst s25  }
0xa6: {  	s4 =	sshll.u32 s26, $0x1;
	_ =	strace $0x8000004C;
	[dreg:$0x1] =	wrdreg $0xFFFFFFFF  }
0xa7: {  	s28 =	simm.s32 $_size_execute0_lowered;
	s2 =	sadd.s32 s2, s4;
	[dreg:$0x0] =	wrdreg $0x0  }
0xa8: {  	s4 =	sshll.u32 s28, $0x1;
	[dreg:$0x2] =	wrdreg s2  }
0xa9: {  	[dreg:$0x3] =	wrdreg s4  }
0xaa: {  	[dreg:$0x4] =	wrdreg $0xC0  }
0xab: {  	_ =	task [dreg:s6], $0x5FFFF  }
0xac: {  	[dreg:$0x1] =	wrdreg $0xFFFFFFFF  }
0xad: {  	[dreg:$0x0] =	wrdreg $0x60  }
0xae: {  	[dreg:$0x2] =	wrdreg s24  }
0xaf: {  	[dreg:$0x3] =	wrdreg $0x84000  }
0xb0: {  	[dreg:$0x4] =	wrdreg $0x9  }
0xb1: {  	_ =	task.clear_ibuf [dreg:s6], $0x5FFFF;
	_ =	strace $0x9000004C  }
0xb2: {  	s29 =	simm.s32 $0x9;
	_ =	strace $0x8000004E  }
0xb3: {  	_ =	swait.ge [sflag:s29], $0x1  }
0xb4: {  	[sflag:s29] =	ssyncadd.s32 $0xFFFFFFFF  }
0xb5: {  	_ =	strace $0x9000004E  }
0xb6: {  	_ =	sfence  }
0xb7: {  	s30 =	sld [smem:$0x0];
	_ =	sdelay $0x2  }
0xb8: {  	s31 =	sshll.u32 s1, $0xD;
	s1 =	sshrl.u32 s1, $0x2  }
0xb9: {  	s3 =	sand.u32 $0x4000, s31;
	s1 =	sadd.s32 s1, s30  }
0xba: {  	s0 =	sor.u32 s3, s0;
	s1 =	sshll.u32 s1, $0x11  }
0xbb: {  	s0 =	sor.u32 s1, s0  }
0xbc: {  	s0 =	sadd.s32 $0x8F2B, s0  }
0xbd: {  	[sflag:s0] =	ssyncadd.remote.s32 $0x1  }
0xbe: {  	_ =	sfence.sel $0xFFFF  }
0xbf: {  	[dreg:$0x0] =	wrdreg $0xFFFFFFFF;
	(pc) =	sbr.abs _section_cstart, $3  }
0xc0: {  	[dreg:$0x1] =	wrdreg $0xFFFFFFFF  }
0xc1: {  	_ =	task.clear_ibuf [dreg:s6], $0x2FFFF;
	_ =	strace $0x9FFFFFFF  }
0xc2: {  	(tm) =	ssettm $0x7FFFFFFF  }
0xc3: {  	_ =	shalt  }
tec
execute0_lowered:
.L_overlay_start_1:
0x0: {  	(tag) =	ssettag $0x1  }
0x1: {  	s30 =	rddreg [dreg:$0x0]  }
0x2: {  	s1 =	rddreg [dreg:$0x1]  }
0x3: {  	s3 =	simm.s32 $0x0;
	s2 =	srdreg.scid;
	s0 =	stileid.u32  }
0x4: {  	[smem:$0x7FF] =	sst s3;
	s31 =	sand.u32 $0x1, s2;
	s4 =	sadd.s32 $0x166200, s30  }
0x5: {  	s23 =	sshll.u32 s0, $0x3;
	s6 =	sshll.u32 s0, $0x10;
	s25 =	sshll.u32 s0, $0x6  }
0x6: {  	_ =	strace $0x8000004D;
	s5 =	sshll.u32 s31, $0x7;
	[dreg:$0x3] =	wrdreg s4  }
0x7: {  	s24 =	sadd.s32 s6, s1;
	s4 =	simm.s32 $0x5;
	s7 =	rddreg [dreg:$0x3]  }
0x8: {  	s8 =	sor.u32 s23, s5;
	s5 =	sor.u32 $0x1C05, s25;
	s6 =	sshrl.u32 s24, $0x3  }
0x9: {  	[spmem:s6], [sflag:s5] =	dma.local [hbm:s7], $0x2000  }
0xa: {  	s26 =	sshll.u32 s8, $0x4;
	_ =	swait.ge [sflag:s4], $0x2000  }
0xb: {  	s7 =	sadd.s32 s26, s30;
	[sflag:s4] =	ssyncset.done $0x0  }
0xc: {  	s7 =	sadd.s32 $0xE5200, s7;
	[sflag:s4] =	ssyncadd.s32 $0xFFFFE000  }
0xd: {  	[tilespmem:s3], [sflag:$0x5] =	stream.linear.gather [hbm4b:s7+s3], $0x400, $0x38;
	[tilespmem:$0x18400] =	vst v63  }
0xe: {  	_ =	swait.ge [sflag:s4], $0x400  }
0xf: {  	s8 =	sshll.u32 s8, $0xB;
	[sflag:s4] =	ssyncset.done $0x0  }
0x10: {  	s26 =	sadd.s32 s8, s30;
	[sflag:s4] =	ssyncadd.s32 $0xFFFFFC00  }
0x11: {  	s9 =	simm.s32 $0x400;
	s8 =	sadd.s32 $0x65200, s26;
	[bflag:$0x0] =	sbarrier.arrive $0xFFFF  }
0x12: {  	[tilespmem:s9], [sflag:$0x1] =	stream.linear.gather [hbm4b:s8+s3], $0x4000, $0x38;
	[tilespmem:$0x18400] =	vst v63  }
0x13: {  	s11 =	simm.s32 $0x4400;
	s12 =	simm.s32 $0x1;
	s10 =	sadd.s32 $0x65A00, s26  }
0x14: {  	[tilespmem:s11], [sflag:$0x2] =	stream.linear.gather [hbm4b:s10+s3], $0x4000, $0x38;
	[tilespmem:$0x18400] =	vst v63  }
0x15: {  	_ =	swait.ge [sflag:s12], $0x4000  }
0x16: {  	[sflag:s12] =	ssyncset.done $0x0  }
0x17: {  	s13 =	simm.s32 $0x80;
	s14 =	simm.s32 $0x3;
	[sflag:s12] =	ssyncadd.s32 $0xFFFFC000  }
0x18: {  	[spmem:s1] =	stream.indirect.scatter.add.f32 [tilespmem:s9], [sflag:$0x3], $0x80, s3, s13, $0xb8;
	[tilespmem:$0x18400] =	vst v63  }
0x19: {  	_ =	swait.ge [sflag:s14], $0x4000  }
0x1a: {  	[sflag:s14] =	ssyncset.done $0x0  }
0x1b: {  	s16 =	simm.s32 $0x2;
	s15 =	sadd.s32 $0x66200, s26;
	[sflag:s14] =	ssyncadd.s32 $0xFFFFC000  }
0x1c: {  	[tilespmem:s9], [sflag:$0x1] =	stream.linear.gather [hbm4b:s15+s3], $0x4000, $0x38;
	[tilespmem:$0x18400] =	vst v63  }
0x1d: {  	_ =	swait.ge [sflag:s16], $0x4000  }
0x1e: {  	[sflag:s16] =	ssyncset.done $0x0  }
0x1f: {  	s17 =	simm.s32 $0x4;
	[sflag:s16] =	ssyncadd.s32 $0xFFFFC000  }
0x20: {  	[spmem:s1] =	stream.indirect.scatter.add.f32 [tilespmem:s11], [sflag:$0x4], $0x80, s13, s13, $0xb8;
	[tilespmem:$0x18400] =	vst v63  }
0x21: {  	_ =	swait.ge [sflag:s17], $0x4000  }
0x22: {  	[sflag:s17] =	ssyncset.done $0x0  }
0x23: {  	s18 =	sadd.s32 $0x66A00, s26;
	[sflag:s17] =	ssyncadd.s32 $0xFFFFC000  }
0x24: {  	[tilespmem:s11], [sflag:$0x2] =	stream.linear.gather [hbm4b:s18+s3], $0x4000, $0x38;
	[tilespmem:$0x18400] =	vst v63  }
0x25: {  	_ =	swait.ge [sflag:s12], $0x4000  }
0x26: {  	[sflag:s12] =	ssyncset.done $0x0  }
0x27: {  	s19 =	simm.s32 $0x100;
	[sflag:s12] =	ssyncadd.s32 $0xFFFFC000  }
0x28: {  	[spmem:s1] =	stream.indirect.scatter.add.f32 [tilespmem:s9], [sflag:$0x3], $0x80, s19, s13, $0xb8;
	[tilespmem:$0x18400] =	vst v63  }
0x29: {  	_ =	swait.ge [sflag:s14], $0x4000  }
0x2a: {  	[sflag:s14] =	ssyncset.done $0x0  }
0x2b: {  	s20 =	sadd.s32 $0x67200, s26;
	[sflag:s14] =	ssyncadd.s32 $0xFFFFC000  }
0x2c: {  	[tilespmem:s9], [sflag:$0x1] =	stream.linear.gather [hbm4b:s20+s3], $0x4000, $0x38;
	[tilespmem:$0x18400] =	vst v63  }
0x2d: {  	_ =	swait.ge [sflag:s16], $0x4000  }
0x2e: {  	[sflag:s16] =	ssyncset.done $0x0  }
0x2f: {  	s21 =	simm.s32 $0x180;
	[sflag:s16] =	ssyncadd.s32 $0xFFFFC000  }
0x30: {  	[spmem:s1] =	stream.indirect.scatter.add.f32 [tilespmem:s11], [sflag:$0x4], $0x80, s21, s13, $0xb8;
	[tilespmem:$0x18400] =	vst v63  }
0x31: {  	_ =	swait.ge [sflag:s17], $0x4000  }
0x32: {  	[sflag:s17] =	ssyncset.done $0x0  }
0x33: {  	s22 =	sadd.s32 $0x67A00, s26;
	[sflag:s17] =	ssyncadd.s32 $0xFFFFC000  }
0x34: {  	[tilespmem:s11], [sflag:$0x2] =	stream.linear.gather [hbm4b:s22+s3], $0x4000, $0x38;
	[tilespmem:$0x18400] =	vst v63  }
0x35: {  	_ =	swait.ge [sflag:s12], $0x4000  }
0x36: {  	[sflag:s12] =	ssyncset.done $0x0  }
0x37: {  	s23 =	simm.s32 $0x200;
	[sflag:s12] =	ssyncadd.s32 $0xFFFFC000  }
0x38: {  	[spmem:s1] =	stream.indirect.scatter.add.f32 [tilespmem:s9], [sflag:$0x3], $0x80, s23, s13, $0xb8;
	[tilespmem:$0x18400] =	vst v63  }
0x39: {  	_ =	swait.ge [sflag:s14], $0x4000  }
0x3a: {  	[sflag:s14] =	ssyncset.done $0x0  }
0x3b: {  	s24 =	sadd.s32 $0x68200, s26;
	[sflag:s14] =	ssyncadd.s32 $0xFFFFC000  }
0x3c: {  	[tilespmem:s9], [sflag:$0x1] =	stream.linear.gather [hbm4b:s24+s3], $0x4000, $0x38;
	[tilespmem:$0x18400] =	vst v63  }
0x3d: {  	_ =	swait.ge [sflag:s16], $0x4000  }
0x3e: {  	[sflag:s16] =	ssyncset.done $0x0  }
0x3f: {  	s25 =	simm.s32 $0x280;
	[sflag:s16] =	ssyncadd.s32 $0xFFFFC000  }
0x40: {  	[spmem:s1] =	stream.indirect.scatter.add.f32 [tilespmem:s11], [sflag:$0x4], $0x80, s25, s13, $0xb8;
	[tilespmem:$0x18400] =	vst v63  }
0x41: {  	_ =	swait.ge [sflag:s17], $0x4000  }
0x42: {  	[sflag:s17] =	ssyncset.done $0x0  }
0x43: {  	s26 =	sadd.s32 $0x68A00, s26;
	[sflag:s17] =	ssyncadd.s32 $0xFFFFC000  }
0x44: {  	[tilespmem:s11], [sflag:$0x2] =	stream.linear.gather [hbm4b:s26+s3], $0x4000, $0x38;
	[tilespmem:$0x18400] =	vst v63  }
0x45: {  	_ =	swait.ge [sflag:s12], $0x4000  }
0x46: {  	[sflag:s12] =	ssyncset.done $0x0  }
0x47: {  	s28 =	simm.s32 $0x300;
	[sflag:s12] =	ssyncadd.s32 $0xFFFFC000  }
0x48: {  	[spmem:s1] =	stream.indirect.scatter.add.f32 [tilespmem:s9], [sflag:$0x3], $0x80, s28, s13, $0xb8;
	[tilespmem:$0x18400] =	vst v63  }
0x49: {  	_ =	swait.ge [sflag:s16], $0x4000  }
0x4a: {  	s29 =	simm.s32 $0x380;
	s0 =	sshll.u32 s0, $0xD;
	[sflag:s16] =	ssyncset.done $0x0  }
0x4b: {  	s0 =	sadd.s32 s0, s30;
	s30 =	ssub.s32 $0x2, s31;
	[sflag:s16] =	ssyncadd.s32 $0xFFFFC000  }
0x4c: {  	[spmem:s1] =	stream.indirect.scatter.add.f32 [tilespmem:s11], [sflag:$0x4], $0x80, s29, s13, $0xb8;
	[tilespmem:$0x18400] =	vst v63  }
0x4d: {  	s2 =	sshrl.u32 s30, $0x1;
	_ =	swait.ge [sflag:s14], $0x4000  }
0x4e: {  	s2 =	ssub.s32 s30, s2;
	[sflag:s14] =	ssyncset.done $0x0  }
0x4f: {  	s2 =	smax.u32 s2, $0x1;
	[sflag:s14] =	ssyncadd.s32 $0xFFFFC000  }
0x50: {  	p0 =	sne.s32 s2, $0x1;
	_ =	swait.ge [sflag:s17], $0x4000  }
.Ltmp0:
0x51: {  	s31 =	sshll.u32 s31, $0x11;
	[sflag:s17] =	ssyncset.done $0x0;
	(pc) =	sbr.rel @!p0 .LBB2_2-.Ltmp0, $4  }
0x52: {  	s0 =	sadd.s32 s31, s0;
	[sflag:s17] =	ssyncadd.s32 $0xFFFFC000  }
0x53: {  	s30 =	sadd.s32 $0x168200, s0;
	[bflag:$0x0] =	sbarrier.arrive $0xFFFF  }
0x54: {  	[hbm:s30], [sflag:s5] =	dma.local [spmem:s6], $0x2000  }
0x55: {  	s31 =	sadd.s32 $0xFFFFFFFF, s2;
	_ =	swait.ge [sflag:s4], $0x2000  }
.LBB2_1:
0x56: {  	[sflag:s4] =	ssyncset.done $0x0  }
0x57: {  	s0 =	rddreg [dreg:$0x3];
	[sflag:s4] =	ssyncadd.s32 $0xFFFFE000  }
0x58: {  	[spmem:s6], [sflag:s5] =	dma.local [hbm:s0], $0x2000  }
0x59: {  	_ =	swait.ge [sflag:s4], $0x2000  }
0x5a: {  	[sflag:s4] =	ssyncset.done $0x0  }
0x5b: {  	[sflag:s4] =	ssyncadd.s32 $0xFFFFE000  }
0x5c: {  	[tilespmem:s3], [sflag:$0x5] =	stream.linear.gather [hbm4b:s7+s3], $0x400, $0x38;
	[tilespmem:$0x18400] =	vst v63  }
0x5d: {  	_ =	swait.ge [sflag:s4], $0x400  }
0x5e: {  	[sflag:s4] =	ssyncset.done $0x0  }
0x5f: {  	[sflag:s4] =	ssyncadd.s32 $0xFFFFFC00  }
0x60: {  	[bflag:$0x0] =	sbarrier.arrive $0xFFFF  }
0x61: {  	[tilespmem:s9], [sflag:$0x1] =	stream.linear.gather [hbm4b:s8+s3], $0x4000, $0x38;
	[tilespmem:$0x18400] =	vst v63  }
0x62: {  	_ = 	snop  }
0x63: {  	[tilespmem:s11], [sflag:$0x2] =	stream.linear.gather [hbm4b:s10+s3], $0x4000, $0x38;
	[tilespmem:$0x18400] =	vst v63  }
0x64: {  	_ =	swait.ge [sflag:s12], $0x4000  }
0x65: {  	[sflag:s12] =	ssyncset.done $0x0  }
0x66: {  	[sflag:s12] =	ssyncadd.s32 $0xFFFFC000  }
0x67: {  	[spmem:s1] =	stream.indirect.scatter.add.f32 [tilespmem:s9], [sflag:$0x3], $0x80, s3, s13, $0xb8;
	[tilespmem:$0x18400] =	vst v63  }
0x68: {  	_ =	swait.ge [sflag:s14], $0x4000  }
0x69: {  	[sflag:s14] =	ssyncset.done $0x0  }
0x6a: {  	[sflag:s14] =	ssyncadd.s32 $0xFFFFC000  }
0x6b: {  	[tilespmem:s9], [sflag:$0x1] =	stream.linear.gather [hbm4b:s15+s3], $0x4000, $0x38;
	[tilespmem:$0x18400] =	vst v63  }
0x6c: {  	_ =	swait.ge [sflag:s16], $0x4000  }
0x6d: {  	[sflag:s16] =	ssyncset.done $0x0  }
0x6e: {  	[sflag:s16] =	ssyncadd.s32 $0xFFFFC000  }
0x6f: {  	[spmem:s1] =	stream.indirect.scatter.add.f32 [tilespmem:s11], [sflag:$0x4], $0x80, s13, s13, $0xb8;
	[tilespmem:$0x18400] =	vst v63  }
0x70: {  	_ =	swait.ge [sflag:s17], $0x4000  }
0x71: {  	[sflag:s17] =	ssyncset.done $0x0  }
0x72: {  	[sflag:s17] =	ssyncadd.s32 $0xFFFFC000  }
0x73: {  	[tilespmem:s11], [sflag:$0x2] =	stream.linear.gather [hbm4b:s18+s3], $0x4000, $0x38;
	[tilespmem:$0x18400] =	vst v63  }
0x74: {  	_ =	swait.ge [sflag:s12], $0x4000  }
0x75: {  	[sflag:s12] =	ssyncset.done $0x0  }
0x76: {  	[sflag:s12] =	ssyncadd.s32 $0xFFFFC000  }
0x77: {  	[spmem:s1] =	stream.indirect.scatter.add.f32 [tilespmem:s9], [sflag:$0x3], $0x80, s19, s13, $0xb8;
	[tilespmem:$0x18400] =	vst v63  }
0x78: {  	_ =	swait.ge [sflag:s14], $0x4000  }
0x79: {  	[sflag:s14] =	ssyncset.done $0x0  }
0x7a: {  	[sflag:s14] =	ssyncadd.s32 $0xFFFFC000  }
0x7b: {  	[tilespmem:s9], [sflag:$0x1] =	stream.linear.gather [hbm4b:s20+s3], $0x4000, $0x38;
	[tilespmem:$0x18400] =	vst v63  }
0x7c: {  	_ =	swait.ge [sflag:s16], $0x4000  }
0x7d: {  	[sflag:s16] =	ssyncset.done $0x0  }
0x7e: {  	[sflag:s16] =	ssyncadd.s32 $0xFFFFC000  }
0x7f: {  	[spmem:s1] =	stream.indirect.scatter.add.f32 [tilespmem:s11], [sflag:$0x4], $0x80, s21, s13, $0xb8;
	[tilespmem:$0x18400] =	vst v63  }
0x80: {  	_ =	swait.ge [sflag:s17], $0x4000  }
0x81: {  	[sflag:s17] =	ssyncset.done $0x0  }
0x82: {  	[sflag:s17] =	ssyncadd.s32 $0xFFFFC000  }
0x83: {  	[tilespmem:s11], [sflag:$0x2] =	stream.linear.gather [hbm4b:s22+s3], $0x4000, $0x38;
	[tilespmem:$0x18400] =	vst v63  }
0x84: {  	_ =	swait.ge [sflag:s12], $0x4000  }
0x85: {  	[sflag:s12] =	ssyncset.done $0x0  }
0x86: {  	[sflag:s12] =	ssyncadd.s32 $0xFFFFC000  }
0x87: {  	[spmem:s1] =	stream.indirect.scatter.add.f32 [tilespmem:s9], [sflag:$0x3], $0x80, s23, s13, $0xb8;
	[tilespmem:$0x18400] =	vst v63  }
0x88: {  	_ =	swait.ge [sflag:s14], $0x4000  }
0x89: {  	[sflag:s14] =	ssyncset.done $0x0  }
0x8a: {  	[sflag:s14] =	ssyncadd.s32 $0xFFFFC000  }
0x8b: {  	[tilespmem:s9], [sflag:$0x1] =	stream.linear.gather [hbm4b:s24+s3], $0x4000, $0x38;
	[tilespmem:$0x18400] =	vst v63  }
0x8c: {  	_ =	swait.ge [sflag:s16], $0x4000  }
0x8d: {  	[sflag:s16] =	ssyncset.done $0x0  }
0x8e: {  	[sflag:s16] =	ssyncadd.s32 $0xFFFFC000  }
0x8f: {  	[spmem:s1] =	stream.indirect.scatter.add.f32 [tilespmem:s11], [sflag:$0x4], $0x80, s25, s13, $0xb8;
	[tilespmem:$0x18400] =	vst v63  }
0x90: {  	_ =	swait.ge [sflag:s17], $0x4000  }
0x91: {  	[sflag:s17] =	ssyncset.done $0x0  }
0x92: {  	[sflag:s17] =	ssyncadd.s32 $0xFFFFC000  }
0x93: {  	[tilespmem:s11], [sflag:$0x2] =	stream.linear.gather [hbm4b:s26+s3], $0x4000, $0x38;
	[tilespmem:$0x18400] =	vst v63  }
0x94: {  	_ =	swait.ge [sflag:s12], $0x4000  }
0x95: {  	[sflag:s12] =	ssyncset.done $0x0  }
0x96: {  	[sflag:s12] =	ssyncadd.s32 $0xFFFFC000  }
0x97: {  	[spmem:s1] =	stream.indirect.scatter.add.f32 [tilespmem:s9], [sflag:$0x3], $0x80, s28, s13, $0xb8;
	[tilespmem:$0x18400] =	vst v63  }
0x98: {  	_ =	swait.ge [sflag:s16], $0x4000  }
0x99: {  	[sflag:s16] =	ssyncset.done $0x0  }
0x9a: {  	[sflag:s16] =	ssyncadd.s32 $0xFFFFC000  }
0x9b: {  	[spmem:s1] =	stream.indirect.scatter.add.f32 [tilespmem:s11], [sflag:$0x4], $0x80, s29, s13, $0xb8;
	[tilespmem:$0x18400] =	vst v63  }
0x9c: {  	_ =	swait.ge [sflag:s14], $0x4000  }
0x9d: {  	[sflag:s14] =	ssyncset.done $0x0  }
0x9e: {  	[sflag:s14] =	ssyncadd.s32 $0xFFFFC000  }
0x9f: {  	p0 =	sne.s32 s31, $0x1;
	_ =	swait.ge [sflag:s17], $0x4000  }
.Ltmp1:
0xa0: {  	[sflag:s17] =	ssyncset.done $0x0;
	(pc) =	sbr.rel @p0 .LBB2_1-.Ltmp1, $4  }
0xa1: {  	[sflag:s17] =	ssyncadd.s32 $0xFFFFC000  }
0xa2: {  	[bflag:$0x0] =	sbarrier.arrive $0xFFFF  }
0xa3: {  	[hbm:s30], [sflag:s5] =	dma.local [spmem:s6], $0x2000  }
0xa4: {  	s31 =	sadd.s32 $0xFFFFFFFF, s31;
	_ =	swait.ge [sflag:s4], $0x2000  }
.LBB2_2:
0xa5: {  	[sflag:s4] =	ssyncset.done $0x0  }
0xa6: {  	[sflag:s4] =	ssyncadd.s32 $0xFFFFE000  }
0xa7: {  	_ =	sfence.sel $0x180000  }
0xa8: {  	[bflag:$0x0] =	sbarrier.arrive $0xFFFF  }
0xa9: {  	_ =	strace $0x9000004D  }
0xaa: {  	s0 =	stileid.u32;
	[bflag:$0x2] =	sbarrier.arrive $0xFFFF  }
0xab: {  	p0 =	sne.s32 s0, $0x0;
	s0 =	rddreg [dreg:$0x2]  }
0xac: {  	s0 =	sadd.s32 @!p0 $0x100000, s0  }
0xad: {  	[sflag:s0] =	ssyncadd.tile.s32 @!p0 $0x1;
	_ =	shalt  }
.Lfunc_end2:
_tile_overlayer_lowered:
.L_overlay_start_2:
0xae: {  	(tag) =	ssettag $0x2  }
0xaf: {  	s0 =	rddreg [dreg:$0x0];
	s2 =	stileid.u32  }
0xb0: {  	s1 =	rddreg [dreg:$0x1];
	p0 =	sne.s32 s2, $0x0  }
0xb1: {  	s3 =	rddreg [dreg:$0x2];
	[bflag:$0x3] =	sbarrier.arrive $0xFFFF;
	s2 =	simm.s32 @!p0 $0x1C05  }
0xb2: {  	[timem:s3], [sflag:s2] =	dma.local @!p0 [hbm:s0], s1  }
0xb3: {  	s0 =	simm.s32 @!p0 $0x5  }
0xb4: {  	_ =	swait.ge @!p0 [sflag:s0], s1  }
0xb5: {  	s1 =	ssub.s32 @!p0 $0x0, s1;
	[sflag:s0] =	ssyncset.done @!p0 $0x0  }
0xb6: {  	[sflag:s0] =	ssyncadd.s32 @!p0 s1  }
0xb7: {  	[bflag:$0x3] =	sbarrier.arrive $0xFFFF  }
0xb8: {  	_ =	shalt  }

// kernel: kernel.23.cloned.1.call-start
scs
__scs_entry_jumppad:
0x0: {  	(pc) =	sbr.rel $0x88, $3  }
0x1: {  	(tag) =	ssettag $0x0;
	lr =	simm.s32 $0x1  }
0x2: {  	[smem:$0x3F90] =	sst lr;
	_ =	strace $0xD0000000  }
0x3: {  	_ = 	snop  }
0x4: {  	_ = 	snop  }
0x5: {  	_ = 	snop  }
0x6: {  	_ = 	snop  }
0x7: {  	_ = 	snop  }
__scs_overlays_trampoline_lowered:
0x8: {  	[smem:$0x3F9F] =	sst s0  }
0x9: {  	[smem:$0x3FA0] =	sst s1  }
0xa: {  	[smem:$0x3FA1] =	sst s2  }
0xb: {  	[smem:$0x3FA2] =	sst s3  }
0xc: {  	[smem:$0x3FA3] =	sst s4  }
0xd: {  	[smem:$0x3FA4] =	sst s5  }
0xe: {  	[smem:$0x3FA5] =	sst s6  }
0xf: {  	[smem:$0x3FA6] =	sst s7  }
0x10: {  	[smem:$0x3FA7] =	sst s8  }
0x11: {  	[smem:$0x3FA8] =	sst s9;
	s0 =	simm.s32 @!p0 $0x0  }
0x12: {  	s1 =	sld [smem:$0x3F8E];
	s0 =	simm.s32 @p0 $0x1  }
0x13: {  	[smem:$0x3FA9] =	sst s0;
	s0 =	simm.s32 @!p1 $0x0  }
0x14: {  	s2 =	sld [smem:$0x3F8D];
	s0 =	simm.s32 @p1 $0x1  }
0x15: {  	[smem:$0x3FAA] =	sst s0;
	s0 =	simm.s32 @!p2 $0x0  }
0x16: {  	s3 =	sld [smem:$0x3FDB];
	s0 =	simm.s32 @p2 $0x1  }
0x17: {  	s4 =	simm.s32 $0x1BF5;
	[smem:$0x3FAC] =	sst s0  }
0x18: {  	s0 =	sld [smem:$0x3F8F];
	_ =	swait.ge [sflag:s4], $0x0  }
0x19: {  	s7 =	sld [smem:$0x3F90]  }
0x1a: {  	s8 =	sadd.s32 $0xFFFFE003, lr  }
0x1b: {  	s9 =	sadd.s32 $0xFFFFFEF7, lr;
	s5 =	simm.s32 $0xFFFFFFFF;
	p2 =	slt.u32 s8, $0xFFFFF086  }
0x1c: {  	p1 =	slt.u32 s9, $0xF7A;
	s5 =	simm.s32 @!p2 $0x0  }
0x1d: {  	s5 =	simm.s32 @p1 $0x1;
	p0 =	seq.s32 s7, s2  }
0x1e: {  	s7 =	smul.u32 @!p0 $0xF7A, s2;
	p2 =	seq.s32 @!p0 s5, $0x0  }
0x1f: {  	s9 =	smul.u32 $0xF7A, s1;
	s8 =	simm.s32 @!p0 $0x1BF5;
	p2 =	por !p2, p0  }
0x20: {  	[sflag:s8] =	ssyncset.s32 @!p0 $0xFFFFF086;
	s6 =	sadd.s32 @!p0 s3, s7;
	s7 =	simm.s32 @!p0 $0x108  }
0x21: {  	s3 =	sadd.s32 s3, s9;
	s6 =	sadd.s32 @!p0 $0x88, s6;
	s7 =	simm.s32 @p2 $0x1082  }
0x22: {  	[simem:s7], [sflag:s8] =	dma.local @!p0 [hbm:s6], $0xF7A  }
0x23: {  	s9 =	sor.u32 $0xD0000000, s2;
	s6 =	simm.s32 $0x108;
	_ =	swait.ge @!p0 [sflag:s8], $0x0  }
0x24: {  	s3 =	sadd.s32 $0x88, s3;
	s6 =	simm.s32 @!p1 $0x1082;
	[sflag:s4] =	ssyncset.s32 $0xFFFFF086  }
0x25: {  	[simem:s6], [sflag:s4] =	dma.local [hbm:s3], $0xF7A  }
0x26: {  	[smem:$0x3F90] =	sst s1;
	(tag) =	ssettag s2;
	_ =	strace s9  }
0x27: {  	s1 =	sld [smem:$0x3FA0]  }
0x28: {  	s2 =	sld [smem:$0x3FA1]  }
0x29: {  	s4 =	sld [smem:$0x3FA3]  }
0x2a: {  	p0 =	seq.s32 s5, $0x0;
	s5 =	sld [smem:$0x3FA4]  }
0x2b: {  	s6 =	sld [smem:$0x3FA5]  }
0x2c: {  	s7 =	sld [smem:$0x3FA6]  }
0x2d: {  	s3 =	simm.s32 $0x108;
	s8 =	sld [smem:$0x3FA7]  }
0x2e: {  	s3 =	simm.s32 @!p0 $0x1082;
	s9 =	sld [smem:$0x3FA8]  }
0x2f: {  	lr =	sadd.s32 s0, s3;
	s0 =	sld [smem:$0x3F9F]  }
0x30: {  	s3 =	sld [smem:$0x3FA2]  }
0x31: {  	[smem:$0x3FAB] =	sst s10  }
0x32: {  	s10 =	sld [smem:$0x3FA9];
	_ =	sdelay $0x3  }
0x33: {  	p0 =	seq.s32 s10, $0x1;
	s10 =	sld [smem:$0x3FAB];
	_ =	sdelay $0x3  }
0x34: {  	[smem:$0x3FAB] =	sst s10  }
0x35: {  	s10 =	sld [smem:$0x3FAA];
	_ =	sdelay $0x3  }
0x36: {  	p1 =	seq.s32 s10, $0x1;
	s10 =	sld [smem:$0x3FAB];
	_ =	sdelay $0x3  }
0x37: {  	[smem:$0x3FAB] =	sst s10  }
0x38: {  	s10 =	sld [smem:$0x3FAC]  }
0x39: {  	_ = 	snop;
	(pc) =	sbr.ind lr, $3  }
0x3a: {  	_ = 	snop  }
0x3b: {  	_ = 	snop  }
0x3c: {  	p2 =	seq.s32 s10, $0x1;
	s10 =	sld [smem:$0x3FAB]  }
0x3d: {  	_ =	shalt  }
0x3e: {  	_ =	shalt  }
0x3f: {  	_ =	shalt  }
0x40: {  	_ =	shalt  }
0x41: {  	_ =	shalt  }
0x42: {  	_ =	shalt  }
0x43: {  	_ =	shalt  }
0x44: {  	_ =	shalt  }
0x45: {  	_ =	shalt  }
0x46: {  	_ =	shalt  }
0x47: {  	_ =	shalt  }
0x48: {  	_ =	shalt  }
0x49: {  	_ =	shalt  }
0x4a: {  	_ =	shalt  }
0x4b: {  	_ =	shalt  }
0x4c: {  	_ =	shalt  }
0x4d: {  	_ =	shalt  }
0x4e: {  	_ =	shalt  }
0x4f: {  	_ =	shalt  }
0x50: {  	_ =	shalt  }
0x51: {  	_ =	shalt  }
0x52: {  	_ =	shalt  }
0x53: {  	_ =	shalt  }
0x54: {  	_ =	shalt  }
0x55: {  	_ =	shalt  }
0x56: {  	_ =	shalt  }
0x57: {  	_ =	shalt  }
0x58: {  	_ =	shalt  }
0x59: {  	_ =	shalt  }
0x5a: {  	_ =	shalt  }
0x5b: {  	_ =	shalt  }
0x5c: {  	_ =	shalt  }
0x5d: {  	_ =	shalt  }
0x5e: {  	_ =	shalt  }
0x5f: {  	_ =	shalt  }
0x60: {  	_ =	shalt  }
0x61: {  	_ =	shalt  }
0x62: {  	_ =	shalt  }
0x63: {  	_ =	shalt  }
0x64: {  	_ =	shalt  }
0x65: {  	_ =	shalt  }
0x66: {  	_ =	shalt  }
0x67: {  	_ =	shalt  }
0x68: {  	_ =	shalt  }
0x69: {  	_ =	shalt  }
0x6a: {  	_ =	shalt  }
0x6b: {  	_ =	shalt  }
0x6c: {  	_ =	shalt  }
0x6d: {  	_ =	shalt  }
0x6e: {  	_ =	shalt  }
0x6f: {  	_ =	shalt  }
0x70: {  	_ =	shalt  }
0x71: {  	_ =	shalt  }
0x72: {  	_ =	shalt  }
0x73: {  	_ =	shalt  }
0x74: {  	_ =	shalt  }
0x75: {  	_ =	shalt  }
0x76: {  	_ =	shalt  }
0x77: {  	_ =	shalt  }
0x78: {  	_ =	shalt  }
0x79: {  	_ =	shalt  }
0x7a: {  	_ =	shalt  }
0x7b: {  	_ =	shalt  }
0x7c: {  	_ =	shalt  }
0x7d: {  	_ =	shalt  }
0x7e: {  	_ =	shalt  }
0x7f: {  	_ =	shalt  }
0x80: {  	_ =	shalt  }
0x81: {  	_ =	shalt  }
0x82: {  	_ =	shalt  }
0x83: {  	_ =	shalt  }
0x84: {  	_ =	shalt  }
0x85: {  	_ =	shalt  }
0x86: {  	_ =	shalt  }
0x87: {  	_ =	shalt  }
.Lfunc_end0:
.L_simem_size_0:
called_computation.3_lowered:
.L_overlay_start_0:
0x88: {  	s2 =	sld [smem:$0x3FD9]  }
0x89: {  	s3 =	sld [smem:$0x3FFE];
	_ =	sdelay $0x1  }
0x8a: {  	s1 =	srdreg.scid  }
0x8b: {  	s0 =	sand.u32 $0x1, s1  }
0x8c: {  	s14 =	sshll.u32 s0, $0xA;
	s2 =	sadd.s32 s3, s2  }
0x8d: {  	s2 =	sadd.s32 s2, s14  }
0x8e: {  	[smem:$0x3FB7] =	sst s2  }
0x8f: {  	_ = 	snop  }
0x90: {  	s2 =	sld [smem:$0x3FD0];
	_ =	sdelay $0x2  }
0x91: {  	s15 =	simm.s32 $0xA;
	s4 =	simm.s32 $0x10  }
0x92: {  	[smem:s4], [sflag:s15] =	dma.local [hbm:s2], $0x1  }
0x93: {  	_ =	swait.eq [sflag:s15], $0x1  }
0x94: {  	[sflag:s15] =	ssyncset.done $0x0  }
0x95: {  	[sflag:s15] =	ssyncadd.s32 $0xFFFFFFFF  }
0x96: {  	s16 =	sld [smem:$0x10];
	(tm) =	ssettm $0x1  }
0x97: {  	s17 =	sld [smem:$0x3FFB];
	_ =	sdelay $0x3  }
0x98: {  	_ =	strace s17  }
0x99: {  	s3 =	sld [smem:$0x3FFC];
	_ =	sdelay $0x3  }
0x9a: {  	_ =	strace s3  }
0x9b: {  	s3 =	sld [smem:$0x3FFD];
	_ =	sdelay $0x3  }
0x9c: {  	_ =	strace s3  }
0x9d: {  	_ =	strace $0x8FFFFFFF  }
0x9e: {  	s18 =	sld [smem:$0x3FDB];
	_ =	sdelay $0x1  }
0x9f: {  	s19 =	simm.s32 $_scs_section_size  }
0xa0: {  	s5 =	simm.s32 $_size__tile_overlayer_lowered;
	s6 =	simm.s32 $_tile_overlayer_lowered  }
0xa1: {  	s22 =	simm.s32 $0x1BFF;
	s21 =	sshll.u32 s6, $0x1;
	s3 =	sadd.s32 s19, s18  }
0xa2: {  	s7 =	simm.s32 $0x0;
	s20 =	sshll.u32 s5, $0x1;
	s5 =	sadd.s32 s21, s3  }
0xa3: {  	[timem:s7], [sflag:s22] =	dma.local [hbm:s5], s20  }
0xa4: {  	_ =	swait.ge [sflag:s22], s20  }
0xa5: {  	s4 =	ssub.s32 $0x0, s20;
	[sflag:s22] =	ssyncset.done $0x0  }
0xa6: {  	[sflag:s22] =	ssyncadd.s32 s4;
	_ =	sdelay $0x1  }
0xa7: {  	s23 =	simm.s32 $0x1B8B  }
0xa8: {  	_ =	swait.ge [sflag:s23], $0x1  }
0xa9: {  	[sflag:s23] =	ssyncset.done $0x0  }
0xaa: {  	s25 =	simm.s32 $0x1B8E;
	s24 =	sld [smem:$0x3FFE];
	[sflag:s23] =	ssyncadd.s32 $0xFFFFFFFF  }
0xab: {  	s26 =	simm.s32 $execute0_lowered;
	[smem:$0x3FD2] =	sst s25  }
0xac: {  	s5 =	sshll.u32 s26, $0x1;
	_ =	strace $0x8000004F;
	[dreg:$0x1] =	wrdreg $0xFFFFFFFF  }
0xad: {  	s28 =	simm.s32 $_size_execute0_lowered;
	s3 =	sadd.s32 s3, s5;
	[dreg:$0x0] =	wrdreg $0x0  }
0xae: {  	s5 =	sshll.u32 s28, $0x1;
	[dreg:$0x2] =	wrdreg s3  }
0xaf: {  	[dreg:$0x3] =	wrdreg s5  }
0xb0: {  	[dreg:$0x4] =	wrdreg $0xC0  }
0xb1: {  	_ =	task [dreg:s7], $0x5FFFF  }
0xb2: {  	[dreg:$0x1] =	wrdreg $0xFFFFFFFF  }
0xb3: {  	[dreg:$0x0] =	wrdreg $0x60  }
0xb4: {  	[dreg:$0x2] =	wrdreg s16  }
0xb5: {  	[dreg:$0x3] =	wrdreg s24  }
0xb6: {  	[dreg:$0x4] =	wrdreg $0x9  }
0xb7: {  	_ =	task.clear_ibuf [dreg:s7], $0x5FFFF;
	_ =	strace $0x9000004F  }
0xb8: {  	s29 =	simm.s32 $0x9;
	_ =	strace $0x80000051  }
0xb9: {  	_ =	swait.ge [sflag:s29], $0x1  }
0xba: {  	[sflag:s29] =	ssyncadd.s32 $0xFFFFFFFF  }
0xbb: {  	_ =	strace $0x90000051  }
0xbc: {  	_ =	sfence  }
0xbd: {  	s30 =	sld [smem:$0x0];
	_ =	sdelay $0x2  }
0xbe: {  	s31 =	sshll.u32 s1, $0xD;
	s1 =	sshrl.u32 s1, $0x2  }
0xbf: {  	s3 =	sand.u32 $0x4000, s31;
	s1 =	sadd.s32 s1, s30  }
0xc0: {  	s0 =	sor.u32 s3, s0;
	s1 =	sshll.u32 s1, $0x11  }
0xc1: {  	s0 =	sor.u32 s1, s0  }
0xc2: {  	s0 =	sadd.s32 $0x8F2B, s0  }
0xc3: {  	[sflag:s0] =	ssyncadd.remote.s32 $0x1  }
0xc4: {  	_ =	sfence.sel $0xFFFF  }
0xc5: {  	[dreg:$0x0] =	wrdreg $0xFFFFFFFF;
	(pc) =	sbr.abs _section_cstart, $3  }
0xc6: {  	[dreg:$0x1] =	wrdreg $0xFFFFFFFF  }
0xc7: {  	_ =	task.clear_ibuf [dreg:s7], $0x2FFFF;
	_ =	strace $0x9FFFFFFF  }
0xc8: {  	(tm) =	ssettm $0x7FFFFFFF  }
0xc9: {  	_ =	shalt  }
tec
execute0_lowered:
.L_overlay_start_1:
0x0: {  	(tag) =	ssettag $0x1  }
0x1: {  	s1 =	srdreg.scid  }
0x2: {  	s0 =	stileid.u32;
	s26 =	sand.u32 $0x1, s1  }
0x3: {  	s31 =	sshll.u32 s0, $0xB;
	s3 =	sshll.u32 s26, $0xA  }
0x4: {  	s2 =	rddreg [dreg:$0x0];
	s11 =	sor.u32 s3, s31  }
0x5: {  	s10 =	rddreg [dreg:$0x1];
	s3 =	simm.s32 $0x0;
	s4 =	sshrl.u32 s11, $0x3  }
0x6: {  	s5 =	simm.s32 $0x5;
	[smem:$0x7FF] =	sst s3;
	s4 =	sadd.s32 s4, s10  }
0x7: {  	s1 =	rddreg [dreg:$0x2];
	_ =	strace $0x80000050;
	s4 =	sadd.s32 $0x64200, s4  }
0x8: {  	[tilespmem:s3], [sflag:$0x5] =	stream.linear.gather [hbm4b:s4+s3], $0x400, $0x38;
	[tilespmem:$0x8400] =	vst v63  }
0x9: {  	_ =	swait.ge [sflag:s5], $0x400  }
0xa: {  	[sflag:s5] =	ssyncset.done $0x0  }
0xb: {  	s6 =	simm.s32 $0x80;
	s7 =	simm.s32 $0x400;
	[sflag:s5] =	ssyncadd.s32 $0xFFFFFC00  }
0xc: {  	[tilespmem:s7], [sflag:$0x1] =	stream.indirect.gather [hbm4b:s2+s6], $0x80, s3, s6, $0xb8;
	[tilespmem:$0x8400] =	vst v63  }
0xd: {  	s8 =	simm.s32 $0x4400;
	s9 =	simm.s32 $0x1  }
0xe: {  	[tilespmem:s8], [sflag:$0x2] =	stream.indirect.gather [hbm4b:s2+s6], $0x80, s6, s6, $0xb8;
	[tilespmem:$0x8400] =	vst v63  }
0xf: {  	s11 =	sshll.u32 s11, $0x4;
	_ =	swait.ge [sflag:s9], $0x4000  }
0x10: {  	s28 =	sadd.s32 s11, s10;
	[sflag:s9] =	ssyncset.done $0x0  }
0x11: {  	s11 =	simm.s32 $0x3;
	s10 =	sadd.s32 $0x65200, s28;
	[sflag:s9] =	ssyncadd.s32 $0xFFFFC000  }
0x12: {  	[hbm4b:s10+s3] =	stream.linear.scatter [tilespmem:s7], [sflag:$0x3], $0x4000, $0x38;
	[tilespmem:$0x8400] =	vst v63  }
0x13: {  	_ =	swait.ge [sflag:s11], $0x4000  }
0x14: {  	[sflag:s11] =	ssyncset.done $0x0  }
0x15: {  	s12 =	simm.s32 $0x100;
	s13 =	simm.s32 $0x2;
	[sflag:s11] =	ssyncadd.s32 $0xFFFFC000  }
0x16: {  	[tilespmem:s7], [sflag:$0x1] =	stream.indirect.gather [hbm4b:s2+s6], $0x80, s12, s6, $0xb8;
	[tilespmem:$0x8400] =	vst v63  }
0x17: {  	_ =	swait.ge [sflag:s13], $0x4000  }
0x18: {  	[sflag:s13] =	ssyncset.done $0x0  }
0x19: {  	s14 =	simm.s32 $0x4;
	s15 =	sadd.s32 $0x65A00, s28;
	[sflag:s13] =	ssyncadd.s32 $0xFFFFC000  }
0x1a: {  	[hbm4b:s15+s3] =	stream.linear.scatter [tilespmem:s8], [sflag:$0x4], $0x4000, $0x38;
	[tilespmem:$0x8400] =	vst v63  }
0x1b: {  	_ =	swait.ge [sflag:s14], $0x4000  }
0x1c: {  	[sflag:s14] =	ssyncset.done $0x0  }
0x1d: {  	s16 =	simm.s32 $0x180;
	[sflag:s14] =	ssyncadd.s32 $0xFFFFC000  }
0x1e: {  	[tilespmem:s8], [sflag:$0x2] =	stream.indirect.gather [hbm4b:s2+s6], $0x80, s16, s6, $0xb8;
	[tilespmem:$0x8400] =	vst v63  }
0x1f: {  	_ =	swait.ge [sflag:s9], $0x4000  }
0x20: {  	[sflag:s9] =	ssyncset.done $0x0  }
0x21: {  	s17 =	sadd.s32 $0x66200, s28;
	[sflag:s9] =	ssyncadd.s32 $0xFFFFC000  }
0x22: {  	[hbm4b:s17+s3] =	stream.linear.scatter [tilespmem:s7], [sflag:$0x3], $0x4000, $0x38;
	[tilespmem:$0x8400] =	vst v63  }
0x23: {  	_ =	swait.ge [sflag:s11], $0x4000  }
0x24: {  	[sflag:s11] =	ssyncset.done $0x0  }
0x25: {  	s18 =	simm.s32 $0x200;
	[sflag:s11] =	ssyncadd.s32 $0xFFFFC000  }
0x26: {  	[tilespmem:s7], [sflag:$0x1] =	stream.indirect.gather [hbm4b:s2+s6], $0x80, s18, s6, $0xb8;
	[tilespmem:$0x8400] =	vst v63  }
0x27: {  	_ =	swait.ge [sflag:s13], $0x4000  }
0x28: {  	[sflag:s13] =	ssyncset.done $0x0  }
0x29: {  	s19 =	sadd.s32 $0x66A00, s28;
	[sflag:s13] =	ssyncadd.s32 $0xFFFFC000  }
0x2a: {  	[hbm4b:s19+s3] =	stream.linear.scatter [tilespmem:s8], [sflag:$0x4], $0x4000, $0x38;
	[tilespmem:$0x8400] =	vst v63  }
0x2b: {  	_ =	swait.ge [sflag:s14], $0x4000  }
0x2c: {  	[sflag:s14] =	ssyncset.done $0x0  }
0x2d: {  	s20 =	simm.s32 $0x280;
	[sflag:s14] =	ssyncadd.s32 $0xFFFFC000  }
0x2e: {  	[tilespmem:s8], [sflag:$0x2] =	stream.indirect.gather [hbm4b:s2+s6], $0x80, s20, s6, $0xb8;
	[tilespmem:$0x8400] =	vst v63  }
0x2f: {  	_ =	swait.ge [sflag:s9], $0x4000  }
0x30: {  	[sflag:s9] =	ssyncset.done $0x0  }
0x31: {  	s21 =	sadd.s32 $0x67200, s28;
	[sflag:s9] =	ssyncadd.s32 $0xFFFFC000  }
0x32: {  	[hbm4b:s21+s3] =	stream.linear.scatter [tilespmem:s7], [sflag:$0x3], $0x4000, $0x38;
	[tilespmem:$0x8400] =	vst v63  }
0x33: {  	_ =	swait.ge [sflag:s11], $0x4000  }
0x34: {  	[sflag:s11] =	ssyncset.done $0x0  }
0x35: {  	s22 =	simm.s32 $0x300;
	[sflag:s11] =	ssyncadd.s32 $0xFFFFC000  }
0x36: {  	[tilespmem:s7], [sflag:$0x1] =	stream.indirect.gather [hbm4b:s2+s6], $0x80, s22, s6, $0xb8;
	[tilespmem:$0x8400] =	vst v63  }
0x37: {  	_ =	swait.ge [sflag:s13], $0x4000  }
0x38: {  	[sflag:s13] =	ssyncset.done $0x0  }
0x39: {  	s23 =	sadd.s32 $0x67A00, s28;
	[sflag:s13] =	ssyncadd.s32 $0xFFFFC000  }
0x3a: {  	[hbm4b:s23+s3] =	stream.linear.scatter [tilespmem:s8], [sflag:$0x4], $0x4000, $0x38;
	[tilespmem:$0x8400] =	vst v63  }
0x3b: {  	_ =	swait.ge [sflag:s14], $0x4000  }
0x3c: {  	[sflag:s14] =	ssyncset.done $0x0  }
0x3d: {  	s24 =	simm.s32 $0x380;
	[sflag:s14] =	ssyncadd.s32 $0xFFFFC000  }
0x3e: {  	[tilespmem:s8], [sflag:$0x2] =	stream.indirect.gather [hbm4b:s2+s6], $0x80, s24, s6, $0xb8;
	[tilespmem:$0x8400] =	vst v63  }
0x3f: {  	_ =	swait.ge [sflag:s9], $0x4000  }
0x40: {  	s29 =	ssub.s32 $0x2, s26;
	s25 =	sadd.s32 $0x68200, s28;
	[sflag:s9] =	ssyncset.done $0x0  }
0x41: {  	s26 =	sadd.s32 $0x68A00, s28;
	s28 =	sshrl.u32 s29, $0x1;
	[sflag:s9] =	ssyncadd.s32 $0xFFFFC000  }
0x42: {  	[hbm4b:s25+s3] =	stream.linear.scatter [tilespmem:s7], [sflag:$0x3], $0x4000, $0x38;
	[tilespmem:$0x8400] =	vst v63  }
0x43: {  	s28 =	ssub.s32 s29, s28;
	_ =	swait.ge [sflag:s13], $0x4000  }
0x44: {  	s28 =	smax.u32 s28, $0x1;
	[sflag:s13] =	ssyncset.done $0x0  }
0x45: {  	p0 =	sne.s32 s28, $0x1;
	[sflag:s13] =	ssyncadd.s32 $0xFFFFC000  }
0x46: {  	[hbm4b:s26+s3] =	stream.linear.scatter [tilespmem:s8], [sflag:$0x4], $0x4000, $0x38;
	[tilespmem:$0x8400] =	vst v63  }
.Ltmp0:
0x47: {  	_ =	swait.ge [sflag:s11], $0x4000;
	(pc) =	sbr.rel @!p0 .LBB2_2-.Ltmp0, $4  }
0x48: {  	[sflag:s11] =	ssyncset.done $0x0  }
0x49: {  	[sflag:s11] =	ssyncadd.s32 $0xFFFFC000  }
0x4a: {  	_ =	swait.ge [sflag:s14], $0x4000  }
0x4b: {  	s28 =	sadd.s32 $0xFFFFFFFF, s28;
	[sflag:s14] =	ssyncset.done $0x0  }
.LBB2_1:
0x4c: {  	p0 =	sne.s32 s28, $0x1;
	s28 =	sadd.s32 $0xFFFFFFFF, s28;
	[sflag:s14] =	ssyncadd.s32 $0xFFFFC000  }
0x4d: {  	[tilespmem:s3], [sflag:$0x5] =	stream.linear.gather [hbm4b:s4+s3], $0x400, $0x38;
	[tilespmem:$0x8400] =	vst v63  }
0x4e: {  	_ =	swait.ge [sflag:s5], $0x400  }
0x4f: {  	[sflag:s5] =	ssyncset.done $0x0  }
0x50: {  	[sflag:s5] =	ssyncadd.s32 $0xFFFFFC00  }
0x51: {  	[tilespmem:s7], [sflag:$0x1] =	stream.indirect.gather [hbm4b:s2+s6], $0x80, s3, s6, $0xb8;
	[tilespmem:$0x8400] =	vst v63  }
0x52: {  	_ = 	snop  }
0x53: {  	[tilespmem:s8], [sflag:$0x2] =	stream.indirect.gather [hbm4b:s2+s6], $0x80, s6, s6, $0xb8;
	[tilespmem:$0x8400] =	vst v63  }
0x54: {  	_ =	swait.ge [sflag:s9], $0x4000  }
0x55: {  	[sflag:s9] =	ssyncset.done $0x0  }
0x56: {  	[sflag:s9] =	ssyncadd.s32 $0xFFFFC000  }
0x57: {  	[hbm4b:s10+s3] =	stream.linear.scatter [tilespmem:s7], [sflag:$0x3], $0x4000, $0x38;
	[tilespmem:$0x8400] =	vst v63  }
0x58: {  	_ =	swait.ge [sflag:s11], $0x4000  }
0x59: {  	[sflag:s11] =	ssyncset.done $0x0  }
0x5a: {  	[sflag:s11] =	ssyncadd.s32 $0xFFFFC000  }
0x5b: {  	[tilespmem:s7], [sflag:$0x1] =	stream.indirect.gather [hbm4b:s2+s6], $0x80, s12, s6, $0xb8;
	[tilespmem:$0x8400] =	vst v63  }
0x5c: {  	_ =	swait.ge [sflag:s13], $0x4000  }
0x5d: {  	[sflag:s13] =	ssyncset.done $0x0  }
0x5e: {  	[sflag:s13] =	ssyncadd.s32 $0xFFFFC000  }
0x5f: {  	[hbm4b:s15+s3] =	stream.linear.scatter [tilespmem:s8], [sflag:$0x4], $0x4000, $0x38;
	[tilespmem:$0x8400] =	vst v63  }
0x60: {  	_ =	swait.ge [sflag:s14], $0x4000  }
0x61: {  	[sflag:s14] =	ssyncset.done $0x0  }
0x62: {  	[sflag:s14] =	ssyncadd.s32 $0xFFFFC000  }
0x63: {  	[tilespmem:s8], [sflag:$0x2] =	stream.indirect.gather [hbm4b:s2+s6], $0x80, s16, s6, $0xb8;
	[tilespmem:$0x8400] =	vst v63  }
0x64: {  	_ =	swait.ge [sflag:s9], $0x4000  }
0x65: {  	[sflag:s9] =	ssyncset.done $0x0  }
0x66: {  	[sflag:s9] =	ssyncadd.s32 $0xFFFFC000  }
0x67: {  	[hbm4b:s17+s3] =	stream.linear.scatter [tilespmem:s7], [sflag:$0x3], $0x4000, $0x38;
	[tilespmem:$0x8400] =	vst v63  }
0x68: {  	_ =	swait.ge [sflag:s11], $0x4000  }
0x69: {  	[sflag:s11] =	ssyncset.done $0x0  }
0x6a: {  	[sflag:s11] =	ssyncadd.s32 $0xFFFFC000  }
0x6b: {  	[tilespmem:s7], [sflag:$0x1] =	stream.indirect.gather [hbm4b:s2+s6], $0x80, s18, s6, $0xb8;
	[tilespmem:$0x8400] =	vst v63  }
0x6c: {  	_ =	swait.ge [sflag:s13], $0x4000  }
0x6d: {  	[sflag:s13] =	ssyncset.done $0x0  }
0x6e: {  	[sflag:s13] =	ssyncadd.s32 $0xFFFFC000  }
0x6f: {  	[hbm4b:s19+s3] =	stream.linear.scatter [tilespmem:s8], [sflag:$0x4], $0x4000, $0x38;
	[tilespmem:$0x8400] =	vst v63  }
0x70: {  	_ =	swait.ge [sflag:s14], $0x4000  }
0x71: {  	[sflag:s14] =	ssyncset.done $0x0  }
0x72: {  	[sflag:s14] =	ssyncadd.s32 $0xFFFFC000  }
0x73: {  	[tilespmem:s8], [sflag:$0x2] =	stream.indirect.gather [hbm4b:s2+s6], $0x80, s20, s6, $0xb8;
	[tilespmem:$0x8400] =	vst v63  }
0x74: {  	_ =	swait.ge [sflag:s9], $0x4000  }
0x75: {  	[sflag:s9] =	ssyncset.done $0x0  }
0x76: {  	[sflag:s9] =	ssyncadd.s32 $0xFFFFC000  }
0x77: {  	[hbm4b:s21+s3] =	stream.linear.scatter [tilespmem:s7], [sflag:$0x3], $0x4000, $0x38;
	[tilespmem:$0x8400] =	vst v63  }
0x78: {  	_ =	swait.ge [sflag:s11], $0x4000  }
0x79: {  	[sflag:s11] =	ssyncset.done $0x0  }
0x7a: {  	[sflag:s11] =	ssyncadd.s32 $0xFFFFC000  }
0x7b: {  	[tilespmem:s7], [sflag:$0x1] =	stream.indirect.gather [hbm4b:s2+s6], $0x80, s22, s6, $0xb8;
	[tilespmem:$0x8400] =	vst v63  }
0x7c: {  	_ =	swait.ge [sflag:s13], $0x4000  }
0x7d: {  	[sflag:s13] =	ssyncset.done $0x0  }
0x7e: {  	[sflag:s13] =	ssyncadd.s32 $0xFFFFC000  }
0x7f: {  	[hbm4b:s23+s3] =	stream.linear.scatter [tilespmem:s8], [sflag:$0x4], $0x4000, $0x38;
	[tilespmem:$0x8400] =	vst v63  }
0x80: {  	_ =	swait.ge [sflag:s14], $0x4000  }
0x81: {  	[sflag:s14] =	ssyncset.done $0x0  }
0x82: {  	[sflag:s14] =	ssyncadd.s32 $0xFFFFC000  }
0x83: {  	[tilespmem:s8], [sflag:$0x2] =	stream.indirect.gather [hbm4b:s2+s6], $0x80, s24, s6, $0xb8;
	[tilespmem:$0x8400] =	vst v63  }
0x84: {  	_ =	swait.ge [sflag:s9], $0x4000  }
0x85: {  	[sflag:s9] =	ssyncset.done $0x0  }
0x86: {  	[sflag:s9] =	ssyncadd.s32 $0xFFFFC000  }
0x87: {  	[hbm4b:s25+s3] =	stream.linear.scatter [tilespmem:s7], [sflag:$0x3], $0x4000, $0x38;
	[tilespmem:$0x8400] =	vst v63  }
0x88: {  	_ =	swait.ge [sflag:s13], $0x4000  }
0x89: {  	[sflag:s13] =	ssyncset.done $0x0  }
0x8a: {  	[sflag:s13] =	ssyncadd.s32 $0xFFFFC000  }
0x8b: {  	[hbm4b:s26+s3] =	stream.linear.scatter [tilespmem:s8], [sflag:$0x4], $0x4000, $0x38;
	[tilespmem:$0x8400] =	vst v63  }
.Ltmp1:
0x8c: {  	_ =	swait.ge [sflag:s11], $0x4000;
	(pc) =	sbr.rel @p0 .LBB2_1-.Ltmp1, $4  }
0x8d: {  	[sflag:s11] =	ssyncset.done $0x0  }
0x8e: {  	[sflag:s11] =	ssyncadd.s32 $0xFFFFC000  }
0x8f: {  	_ =	swait.ge [sflag:s14], $0x4000  }
0x90: {  	[sflag:s14] =	ssyncset.done $0x0  }
.LBB2_2:
0x91: {  	[sflag:s14] =	ssyncadd.s32 $0xFFFFC000  }
0x92: {  	_ =	sfence.sel $0x180000  }
0x93: {  	[bflag:$0x0] =	sbarrier.arrive $0xFFFF  }
0x94: {  	p0 =	sne.s32 s0, $0x0;
	_ =	strace $0x90000050  }
0x95: {  	s0 =	sadd.s32 @!p0 $0x100000, s1;
	[bflag:$0x2] =	sbarrier.arrive $0xFFFF  }
0x96: {  	[sflag:s0] =	ssyncadd.tile.s32 @!p0 $0x1;
	_ =	shalt  }
.Lfunc_end2:
_tile_overlayer_lowered:
.L_overlay_start_2:
0x97: {  	(tag) =	ssettag $0x2  }
0x98: {  	s0 =	rddreg [dreg:$0x0];
	s2 =	stileid.u32  }
0x99: {  	s1 =	rddreg [dreg:$0x1];
	p0 =	sne.s32 s2, $0x0  }
0x9a: {  	s3 =	rddreg [dreg:$0x2];
	[bflag:$0x3] =	sbarrier.arrive $0xFFFF;
	s2 =	simm.s32 @!p0 $0x1C05  }
0x9b: {  	[timem:s3], [sflag:s2] =	dma.local @!p0 [hbm:s0], s1  }
0x9c: {  	s0 =	simm.s32 @!p0 $0x5  }
0x9d: {  	_ =	swait.ge @!p0 [sflag:s0], s1  }
0x9e: {  	s1 =	ssub.s32 @!p0 $0x0, s1;
	[sflag:s0] =	ssyncset.done @!p0 $0x0  }
0x9f: {  	[sflag:s0] =	ssyncadd.s32 @!p0 s1  }
0xa0: {  	[bflag:$0x3] =	sbarrier.arrive $0xFFFF  }
0xa1: {  	_ =	shalt  }

// kernel: kernel.26.cloned.1.call-start
scs
__scs_entry_jumppad:
0x0: {  	(pc) =	sbr.rel $0x88, $3  }
0x1: {  	(tag) =	ssettag $0x0;
	lr =	simm.s32 $0x1  }
0x2: {  	[smem:$0x3F90] =	sst lr;
	_ =	strace $0xD0000000  }
0x3: {  	_ = 	snop  }
0x4: {  	_ = 	snop  }
0x5: {  	_ = 	snop  }
0x6: {  	_ = 	snop  }
0x7: {  	_ = 	snop  }
__scs_overlays_trampoline_lowered:
0x8: {  	[smem:$0x3F9F] =	sst s0  }
0x9: {  	[smem:$0x3FA0] =	sst s1  }
0xa: {  	[smem:$0x3FA1] =	sst s2  }
0xb: {  	[smem:$0x3FA2] =	sst s3  }
0xc: {  	[smem:$0x3FA3] =	sst s4  }
0xd: {  	[smem:$0x3FA4] =	sst s5  }
0xe: {  	[smem:$0x3FA5] =	sst s6  }
0xf: {  	[smem:$0x3FA6] =	sst s7  }
0x10: {  	[smem:$0x3FA7] =	sst s8  }
0x11: {  	[smem:$0x3FA8] =	sst s9;
	s0 =	simm.s32 @!p0 $0x0  }
0x12: {  	s1 =	sld [smem:$0x3F8E];
	s0 =	simm.s32 @p0 $0x1  }
0x13: {  	[smem:$0x3FA9] =	sst s0;
	s0 =	simm.s32 @!p1 $0x0  }
0x14: {  	s2 =	sld [smem:$0x3F8D];
	s0 =	simm.s32 @p1 $0x1  }
0x15: {  	[smem:$0x3FAA] =	sst s0;
	s0 =	simm.s32 @!p2 $0x0  }
0x16: {  	s3 =	sld [smem:$0x3FDB];
	s0 =	simm.s32 @p2 $0x1  }
0x17: {  	s4 =	simm.s32 $0x1BF5;
	[smem:$0x3FAC] =	sst s0  }
0x18: {  	s0 =	sld [smem:$0x3F8F];
	_ =	swait.ge [sflag:s4], $0x0  }
0x19: {  	s7 =	sld [smem:$0x3F90]  }
0x1a: {  	s8 =	sadd.s32 $0xFFFFE003, lr  }
0x1b: {  	s9 =	sadd.s32 $0xFFFFFEF7, lr;
	s5 =	simm.s32 $0xFFFFFFFF;
	p2 =	slt.u32 s8, $0xFFFFF086  }
0x1c: {  	p1 =	slt.u32 s9, $0xF7A;
	s5 =	simm.s32 @!p2 $0x0  }
0x1d: {  	s5 =	simm.s32 @p1 $0x1;
	p0 =	seq.s32 s7, s2  }
0x1e: {  	s7 =	smul.u32 @!p0 $0xF7A, s2;
	p2 =	seq.s32 @!p0 s5, $0x0  }
0x1f: {  	s9 =	smul.u32 $0xF7A, s1;
	s8 =	simm.s32 @!p0 $0x1BF5;
	p2 =	por !p2, p0  }
0x20: {  	[sflag:s8] =	ssyncset.s32 @!p0 $0xFFFFF086;
	s6 =	sadd.s32 @!p0 s3, s7;
	s7 =	simm.s32 @!p0 $0x108  }
0x21: {  	s3 =	sadd.s32 s3, s9;
	s6 =	sadd.s32 @!p0 $0x88, s6;
	s7 =	simm.s32 @p2 $0x1082  }
0x22: {  	[simem:s7], [sflag:s8] =	dma.local @!p0 [hbm:s6], $0xF7A  }
0x23: {  	s9 =	sor.u32 $0xD0000000, s2;
	s6 =	simm.s32 $0x108;
	_ =	swait.ge @!p0 [sflag:s8], $0x0  }
0x24: {  	s3 =	sadd.s32 $0x88, s3;
	s6 =	simm.s32 @!p1 $0x1082;
	[sflag:s4] =	ssyncset.s32 $0xFFFFF086  }
0x25: {  	[simem:s6], [sflag:s4] =	dma.local [hbm:s3], $0xF7A  }
0x26: {  	[smem:$0x3F90] =	sst s1;
	(tag) =	ssettag s2;
	_ =	strace s9  }
0x27: {  	s1 =	sld [smem:$0x3FA0]  }
0x28: {  	s2 =	sld [smem:$0x3FA1]  }
0x29: {  	s4 =	sld [smem:$0x3FA3]  }
0x2a: {  	p0 =	seq.s32 s5, $0x0;
	s5 =	sld [smem:$0x3FA4]  }
0x2b: {  	s6 =	sld [smem:$0x3FA5]  }
0x2c: {  	s7 =	sld [smem:$0x3FA6]  }
0x2d: {  	s3 =	simm.s32 $0x108;
	s8 =	sld [smem:$0x3FA7]  }
0x2e: {  	s3 =	simm.s32 @!p0 $0x1082;
	s9 =	sld [smem:$0x3FA8]  }
0x2f: {  	lr =	sadd.s32 s0, s3;
	s0 =	sld [smem:$0x3F9F]  }
0x30: {  	s3 =	sld [smem:$0x3FA2]  }
0x31: {  	[smem:$0x3FAB] =	sst s10  }
0x32: {  	s10 =	sld [smem:$0x3FA9];
	_ =	sdelay $0x3  }
0x33: {  	p0 =	seq.s32 s10, $0x1;
	s10 =	sld [smem:$0x3FAB];
	_ =	sdelay $0x3  }
0x34: {  	[smem:$0x3FAB] =	sst s10  }
0x35: {  	s10 =	sld [smem:$0x3FAA];
	_ =	sdelay $0x3  }
0x36: {  	p1 =	seq.s32 s10, $0x1;
	s10 =	sld [smem:$0x3FAB];
	_ =	sdelay $0x3  }
0x37: {  	[smem:$0x3FAB] =	sst s10  }
0x38: {  	s10 =	sld [smem:$0x3FAC]  }
0x39: {  	_ = 	snop;
	(pc) =	sbr.ind lr, $3  }
0x3a: {  	_ = 	snop  }
0x3b: {  	_ = 	snop  }
0x3c: {  	p2 =	seq.s32 s10, $0x1;
	s10 =	sld [smem:$0x3FAB]  }
0x3d: {  	_ =	shalt  }
0x3e: {  	_ =	shalt  }
0x3f: {  	_ =	shalt  }
0x40: {  	_ =	shalt  }
0x41: {  	_ =	shalt  }
0x42: {  	_ =	shalt  }
0x43: {  	_ =	shalt  }
0x44: {  	_ =	shalt  }
0x45: {  	_ =	shalt  }
0x46: {  	_ =	shalt  }
0x47: {  	_ =	shalt  }
0x48: {  	_ =	shalt  }
0x49: {  	_ =	shalt  }
0x4a: {  	_ =	shalt  }
0x4b: {  	_ =	shalt  }
0x4c: {  	_ =	shalt  }
0x4d: {  	_ =	shalt  }
0x4e: {  	_ =	shalt  }
0x4f: {  	_ =	shalt  }
0x50: {  	_ =	shalt  }
0x51: {  	_ =	shalt  }
0x52: {  	_ =	shalt  }
0x53: {  	_ =	shalt  }
0x54: {  	_ =	shalt  }
0x55: {  	_ =	shalt  }
0x56: {  	_ =	shalt  }
0x57: {  	_ =	shalt  }
0x58: {  	_ =	shalt  }
0x59: {  	_ =	shalt  }
0x5a: {  	_ =	shalt  }
0x5b: {  	_ =	shalt  }
0x5c: {  	_ =	shalt  }
0x5d: {  	_ =	shalt  }
0x5e: {  	_ =	shalt  }
0x5f: {  	_ =	shalt  }
0x60: {  	_ =	shalt  }
0x61: {  	_ =	shalt  }
0x62: {  	_ =	shalt  }
0x63: {  	_ =	shalt  }
0x64: {  	_ =	shalt  }
0x65: {  	_ =	shalt  }
0x66: {  	_ =	shalt  }
0x67: {  	_ =	shalt  }
0x68: {  	_ =	shalt  }
0x69: {  	_ =	shalt  }
0x6a: {  	_ =	shalt  }
0x6b: {  	_ =	shalt  }
0x6c: {  	_ =	shalt  }
0x6d: {  	_ =	shalt  }
0x6e: {  	_ =	shalt  }
0x6f: {  	_ =	shalt  }
0x70: {  	_ =	shalt  }
0x71: {  	_ =	shalt  }
0x72: {  	_ =	shalt  }
0x73: {  	_ =	shalt  }
0x74: {  	_ =	shalt  }
0x75: {  	_ =	shalt  }
0x76: {  	_ =	shalt  }
0x77: {  	_ =	shalt  }
0x78: {  	_ =	shalt  }
0x79: {  	_ =	shalt  }
0x7a: {  	_ =	shalt  }
0x7b: {  	_ =	shalt  }
0x7c: {  	_ =	shalt  }
0x7d: {  	_ =	shalt  }
0x7e: {  	_ =	shalt  }
0x7f: {  	_ =	shalt  }
0x80: {  	_ =	shalt  }
0x81: {  	_ =	shalt  }
0x82: {  	_ =	shalt  }
0x83: {  	_ =	shalt  }
0x84: {  	_ =	shalt  }
0x85: {  	_ =	shalt  }
0x86: {  	_ =	shalt  }
0x87: {  	_ =	shalt  }
.Lfunc_end0:
.L_simem_size_0:
called_computation.4_lowered:
.L_overlay_start_0:
0x88: {  	s2 =	sld [smem:$0x3FD9]  }
0x89: {  	s3 =	sld [smem:$0x3FFE];
	_ =	sdelay $0x1  }
0x8a: {  	s1 =	srdreg.scid  }
0x8b: {  	s0 =	sand.u32 $0x1, s1  }
0x8c: {  	s16 =	sshll.u32 s0, $0xA;
	s2 =	sadd.s32 s3, s2  }
0x8d: {  	s2 =	sadd.s32 s2, s16  }
0x8e: {  	[smem:$0x3FB7] =	sst s2  }
0x8f: {  	_ = 	snop  }
0x90: {  	(tm) =	ssettm $0x1  }
0x91: {  	s17 =	sld [smem:$0x3FFB];
	_ =	sdelay $0x3  }
0x92: {  	_ =	strace s17  }
0x93: {  	s2 =	sld [smem:$0x3FFC];
	_ =	sdelay $0x3  }
0x94: {  	_ =	strace s2  }
0x95: {  	s2 =	sld [smem:$0x3FFD];
	_ =	sdelay $0x3  }
0x96: {  	_ =	strace s2  }
0x97: {  	_ =	strace $0x8FFFFFFF  }
0x98: {  	s18 =	sld [smem:$0x3FDB];
	_ =	sdelay $0x1  }
0x99: {  	s19 =	simm.s32 $_scs_section_size  }
0x9a: {  	s4 =	simm.s32 $_size__tile_overlayer_lowered;
	s5 =	simm.s32 $_tile_overlayer_lowered  }
0x9b: {  	s22 =	simm.s32 $0x1BFF;
	s21 =	sshll.u32 s5, $0x1;
	s2 =	sadd.s32 s19, s18  }
0x9c: {  	s6 =	simm.s32 $0x0;
	s20 =	sshll.u32 s4, $0x1;
	s4 =	sadd.s32 s21, s2  }
0x9d: {  	[timem:s6], [sflag:s22] =	dma.local [hbm:s4], s20  }
0x9e: {  	_ =	swait.ge [sflag:s22], s20  }
0x9f: {  	s3 =	ssub.s32 $0x0, s20;
	[sflag:s22] =	ssyncset.done $0x0  }
0xa0: {  	[sflag:s22] =	ssyncadd.s32 s3;
	_ =	sdelay $0x1  }
0xa1: {  	s23 =	simm.s32 $0x1B8B  }
0xa2: {  	_ =	swait.ge [sflag:s23], $0x1  }
0xa3: {  	[sflag:s23] =	ssyncset.done $0x0  }
0xa4: {  	s25 =	simm.s32 $0x1B8E;
	s24 =	sld [smem:$0x3FFE];
	[sflag:s23] =	ssyncadd.s32 $0xFFFFFFFF  }
0xa5: {  	s26 =	simm.s32 $execute0_lowered;
	[smem:$0x3FD2] =	sst s25  }
0xa6: {  	s4 =	sshll.u32 s26, $0x1;
	_ =	strace $0x80000052;
	[dreg:$0x1] =	wrdreg $0xFFFFFFFF  }
0xa7: {  	s28 =	simm.s32 $_size_execute0_lowered;
	s2 =	sadd.s32 s2, s4;
	[dreg:$0x0] =	wrdreg $0x0  }
0xa8: {  	s4 =	sshll.u32 s28, $0x1;
	[dreg:$0x2] =	wrdreg s2  }
0xa9: {  	[dreg:$0x3] =	wrdreg s4  }
0xaa: {  	[dreg:$0x4] =	wrdreg $0xC0  }
0xab: {  	_ =	task [dreg:s6], $0x5FFFF  }
0xac: {  	[dreg:$0x1] =	wrdreg $0xFFFFFFFF  }
0xad: {  	[dreg:$0x0] =	wrdreg $0x60  }
0xae: {  	[dreg:$0x2] =	wrdreg s24  }
0xaf: {  	[dreg:$0x3] =	wrdreg $0x84000  }
0xb0: {  	[dreg:$0x4] =	wrdreg $0x9  }
0xb1: {  	_ =	task.clear_ibuf [dreg:s6], $0x5FFFF;
	_ =	strace $0x90000052  }
0xb2: {  	s29 =	simm.s32 $0x9;
	_ =	strace $0x80000054  }
0xb3: {  	_ =	swait.ge [sflag:s29], $0x1  }
0xb4: {  	[sflag:s29] =	ssyncadd.s32 $0xFFFFFFFF  }
0xb5: {  	_ =	strace $0x90000054  }
0xb6: {  	_ =	sfence  }
0xb7: {  	s30 =	sld [smem:$0x0];
	_ =	sdelay $0x2  }
0xb8: {  	s31 =	sshll.u32 s1, $0xD;
	s1 =	sshrl.u32 s1, $0x2  }
0xb9: {  	s3 =	sand.u32 $0x4000, s31;
	s1 =	sadd.s32 s1, s30  }
0xba: {  	s0 =	sor.u32 s3, s0;
	s1 =	sshll.u32 s1, $0x11  }
0xbb: {  	s0 =	sor.u32 s1, s0  }
0xbc: {  	s0 =	sadd.s32 $0x8F2B, s0  }
0xbd: {  	[sflag:s0] =	ssyncadd.remote.s32 $0x1  }
0xbe: {  	_ =	sfence.sel $0xFFFF  }
0xbf: {  	[dreg:$0x0] =	wrdreg $0xFFFFFFFF;
	(pc) =	sbr.abs _section_cstart, $3  }
0xc0: {  	[dreg:$0x1] =	wrdreg $0xFFFFFFFF  }
0xc1: {  	_ =	task.clear_ibuf [dreg:s6], $0x2FFFF;
	_ =	strace $0x9FFFFFFF  }
0xc2: {  	(tm) =	ssettm $0x7FFFFFFF  }
0xc3: {  	_ =	shalt  }
tec
execute0_lowered:
.L_overlay_start_1:
0x0: {  	(tag) =	ssettag $0x1  }
0x1: {  	s30 =	rddreg [dreg:$0x0]  }
0x2: {  	s1 =	rddreg [dreg:$0x1]  }
0x3: {  	s3 =	simm.s32 $0x0;
	s2 =	srdreg.scid;
	s0 =	stileid.u32  }
0x4: {  	[smem:$0x7FF] =	sst s3;
	s31 =	sand.u32 $0x1, s2;
	s4 =	sadd.s32 $0x166200, s30  }
0x5: {  	s23 =	sshll.u32 s0, $0x3;
	s6 =	sshll.u32 s0, $0x10;
	s25 =	sshll.u32 s0, $0x6  }
0x6: {  	_ =	strace $0x80000053;
	s5 =	sshll.u32 s31, $0x7;
	[dreg:$0x3] =	wrdreg s4  }
0x7: {  	s24 =	sadd.s32 s6, s1;
	s4 =	simm.s32 $0x5;
	s7 =	rddreg [dreg:$0x3]  }
0x8: {  	s8 =	sor.u32 s23, s5;
	s5 =	sor.u32 $0x1C05, s25;
	s6 =	sshrl.u32 s24, $0x3  }
0x9: {  	[spmem:s6], [sflag:s5] =	dma.local [hbm:s7], $0x2000  }
0xa: {  	s26 =	sshll.u32 s8, $0x4;
	_ =	swait.ge [sflag:s4], $0x2000  }
0xb: {  	s7 =	sadd.s32 s26, s30;
	[sflag:s4] =	ssyncset.done $0x0  }
0xc: {  	s7 =	sadd.s32 $0xE5200, s7;
	[sflag:s4] =	ssyncadd.s32 $0xFFFFE000  }
0xd: {  	[tilespmem:s3], [sflag:$0x5] =	stream.linear.gather [hbm4b:s7+s3], $0x400, $0x38;
	[tilespmem:$0x18400] =	vst v63  }
0xe: {  	_ =	swait.ge [sflag:s4], $0x400  }
0xf: {  	s8 =	sshll.u32 s8, $0xB;
	[sflag:s4] =	ssyncset.done $0x0  }
0x10: {  	s26 =	sadd.s32 s8, s30;
	[sflag:s4] =	ssyncadd.s32 $0xFFFFFC00  }
0x11: {  	s9 =	simm.s32 $0x400;
	s8 =	sadd.s32 $0xE6200, s26;
	[bflag:$0x0] =	sbarrier.arrive $0xFFFF  }
0x12: {  	[tilespmem:s9], [sflag:$0x1] =	stream.linear.gather [hbm4b:s8+s3], $0x4000, $0x38;
	[tilespmem:$0x18400] =	vst v63  }
0x13: {  	s11 =	simm.s32 $0x4400;
	s12 =	simm.s32 $0x1;
	s10 =	sadd.s32 $0xE6A00, s26  }
0x14: {  	[tilespmem:s11], [sflag:$0x2] =	stream.linear.gather [hbm4b:s10+s3], $0x4000, $0x38;
	[tilespmem:$0x18400] =	vst v63  }
0x15: {  	_ =	swait.ge [sflag:s12], $0x4000  }
0x16: {  	[sflag:s12] =	ssyncset.done $0x0  }
0x17: {  	s13 =	simm.s32 $0x80;
	s14 =	simm.s32 $0x3;
	[sflag:s12] =	ssyncadd.s32 $0xFFFFC000  }
0x18: {  	[spmem:s1] =	stream.indirect.scatter.add.f32 [tilespmem:s9], [sflag:$0x3], $0x80, s3, s13, $0xb8;
	[tilespmem:$0x18400] =	vst v63  }
0x19: {  	_ =	swait.ge [sflag:s14], $0x4000  }
0x1a: {  	[sflag:s14] =	ssyncset.done $0x0  }
0x1b: {  	s16 =	simm.s32 $0x2;
	s15 =	sadd.s32 $0xE7200, s26;
	[sflag:s14] =	ssyncadd.s32 $0xFFFFC000  }
0x1c: {  	[tilespmem:s9], [sflag:$0x1] =	stream.linear.gather [hbm4b:s15+s3], $0x4000, $0x38;
	[tilespmem:$0x18400] =	vst v63  }
0x1d: {  	_ =	swait.ge [sflag:s16], $0x4000  }
0x1e: {  	[sflag:s16] =	ssyncset.done $0x0  }
0x1f: {  	s17 =	simm.s32 $0x4;
	[sflag:s16] =	ssyncadd.s32 $0xFFFFC000  }
0x20: {  	[spmem:s1] =	stream.indirect.scatter.add.f32 [tilespmem:s11], [sflag:$0x4], $0x80, s13, s13, $0xb8;
	[tilespmem:$0x18400] =	vst v63  }
0x21: {  	_ =	swait.ge [sflag:s17], $0x4000  }
0x22: {  	[sflag:s17] =	ssyncset.done $0x0  }
0x23: {  	s18 =	sadd.s32 $0xE7A00, s26;
	[sflag:s17] =	ssyncadd.s32 $0xFFFFC000  }
0x24: {  	[tilespmem:s11], [sflag:$0x2] =	stream.linear.gather [hbm4b:s18+s3], $0x4000, $0x38;
	[tilespmem:$0x18400] =	vst v63  }
0x25: {  	_ =	swait.ge [sflag:s12], $0x4000  }
0x26: {  	[sflag:s12] =	ssyncset.done $0x0  }
0x27: {  	s19 =	simm.s32 $0x100;
	[sflag:s12] =	ssyncadd.s32 $0xFFFFC000  }
0x28: {  	[spmem:s1] =	stream.indirect.scatter.add.f32 [tilespmem:s9], [sflag:$0x3], $0x80, s19, s13, $0xb8;
	[tilespmem:$0x18400] =	vst v63  }
0x29: {  	_ =	swait.ge [sflag:s14], $0x4000  }
0x2a: {  	[sflag:s14] =	ssyncset.done $0x0  }
0x2b: {  	s20 =	sadd.s32 $0xE8200, s26;
	[sflag:s14] =	ssyncadd.s32 $0xFFFFC000  }
0x2c: {  	[tilespmem:s9], [sflag:$0x1] =	stream.linear.gather [hbm4b:s20+s3], $0x4000, $0x38;
	[tilespmem:$0x18400] =	vst v63  }
0x2d: {  	_ =	swait.ge [sflag:s16], $0x4000  }
0x2e: {  	[sflag:s16] =	ssyncset.done $0x0  }
0x2f: {  	s21 =	simm.s32 $0x180;
	[sflag:s16] =	ssyncadd.s32 $0xFFFFC000  }
0x30: {  	[spmem:s1] =	stream.indirect.scatter.add.f32 [tilespmem:s11], [sflag:$0x4], $0x80, s21, s13, $0xb8;
	[tilespmem:$0x18400] =	vst v63  }
0x31: {  	_ =	swait.ge [sflag:s17], $0x4000  }
0x32: {  	[sflag:s17] =	ssyncset.done $0x0  }
0x33: {  	s22 =	sadd.s32 $0xE8A00, s26;
	[sflag:s17] =	ssyncadd.s32 $0xFFFFC000  }
0x34: {  	[tilespmem:s11], [sflag:$0x2] =	stream.linear.gather [hbm4b:s22+s3], $0x4000, $0x38;
	[tilespmem:$0x18400] =	vst v63  }
0x35: {  	_ =	swait.ge [sflag:s12], $0x4000  }
0x36: {  	[sflag:s12] =	ssyncset.done $0x0  }
0x37: {  	s23 =	simm.s32 $0x200;
	[sflag:s12] =	ssyncadd.s32 $0xFFFFC000  }
0x38: {  	[spmem:s1] =	stream.indirect.scatter.add.f32 [tilespmem:s9], [sflag:$0x3], $0x80, s23, s13, $0xb8;
	[tilespmem:$0x18400] =	vst v63  }
0x39: {  	_ =	swait.ge [sflag:s14], $0x4000  }
0x3a: {  	[sflag:s14] =	ssyncset.done $0x0  }
0x3b: {  	s24 =	sadd.s32 $0xE9200, s26;
	[sflag:s14] =	ssyncadd.s32 $0xFFFFC000  }
0x3c: {  	[tilespmem:s9], [sflag:$0x1] =	stream.linear.gather [hbm4b:s24+s3], $0x4000, $0x38;
	[tilespmem:$0x18400] =	vst v63  }
0x3d: {  	_ =	swait.ge [sflag:s16], $0x4000  }
0x3e: {  	[sflag:s16] =	ssyncset.done $0x0  }
0x3f: {  	s25 =	simm.s32 $0x280;
	[sflag:s16] =	ssyncadd.s32 $0xFFFFC000  }
0x40: {  	[spmem:s1] =	stream.indirect.scatter.add.f32 [tilespmem:s11], [sflag:$0x4], $0x80, s25, s13, $0xb8;
	[tilespmem:$0x18400] =	vst v63  }
0x41: {  	_ =	swait.ge [sflag:s17], $0x4000  }
0x42: {  	[sflag:s17] =	ssyncset.done $0x0  }
0x43: {  	s26 =	sadd.s32 $0xE9A00, s26;
	[sflag:s17] =	ssyncadd.s32 $0xFFFFC000  }
0x44: {  	[tilespmem:s11], [sflag:$0x2] =	stream.linear.gather [hbm4b:s26+s3], $0x4000, $0x38;
	[tilespmem:$0x18400] =	vst v63  }
0x45: {  	_ =	swait.ge [sflag:s12], $0x4000  }
0x46: {  	[sflag:s12] =	ssyncset.done $0x0  }
0x47: {  	s28 =	simm.s32 $0x300;
	[sflag:s12] =	ssyncadd.s32 $0xFFFFC000  }
0x48: {  	[spmem:s1] =	stream.indirect.scatter.add.f32 [tilespmem:s9], [sflag:$0x3], $0x80, s28, s13, $0xb8;
	[tilespmem:$0x18400] =	vst v63  }
0x49: {  	_ =	swait.ge [sflag:s16], $0x4000  }
0x4a: {  	s29 =	simm.s32 $0x380;
	s0 =	sshll.u32 s0, $0xD;
	[sflag:s16] =	ssyncset.done $0x0  }
0x4b: {  	s0 =	sadd.s32 s0, s30;
	s30 =	ssub.s32 $0x2, s31;
	[sflag:s16] =	ssyncadd.s32 $0xFFFFC000  }
0x4c: {  	[spmem:s1] =	stream.indirect.scatter.add.f32 [tilespmem:s11], [sflag:$0x4], $0x80, s29, s13, $0xb8;
	[tilespmem:$0x18400] =	vst v63  }
0x4d: {  	s2 =	sshrl.u32 s30, $0x1;
	_ =	swait.ge [sflag:s14], $0x4000  }
0x4e: {  	s2 =	ssub.s32 s30, s2;
	[sflag:s14] =	ssyncset.done $0x0  }
0x4f: {  	s2 =	smax.u32 s2, $0x1;
	[sflag:s14] =	ssyncadd.s32 $0xFFFFC000  }
0x50: {  	p0 =	sne.s32 s2, $0x1;
	_ =	swait.ge [sflag:s17], $0x4000  }
.Ltmp0:
0x51: {  	s31 =	sshll.u32 s31, $0x11;
	[sflag:s17] =	ssyncset.done $0x0;
	(pc) =	sbr.rel @!p0 .LBB2_2-.Ltmp0, $4  }
0x52: {  	s0 =	sadd.s32 s31, s0;
	[sflag:s17] =	ssyncadd.s32 $0xFFFFC000  }
0x53: {  	s30 =	sadd.s32 $0x168200, s0;
	[bflag:$0x0] =	sbarrier.arrive $0xFFFF  }
0x54: {  	[hbm:s30], [sflag:s5] =	dma.local [spmem:s6], $0x2000  }
0x55: {  	s31 =	sadd.s32 $0xFFFFFFFF, s2;
	_ =	swait.ge [sflag:s4], $0x2000  }
.LBB2_1:
0x56: {  	[sflag:s4] =	ssyncset.done $0x0  }
0x57: {  	s0 =	rddreg [dreg:$0x3];
	[sflag:s4] =	ssyncadd.s32 $0xFFFFE000  }
0x58: {  	[spmem:s6], [sflag:s5] =	dma.local [hbm:s0], $0x2000  }
0x59: {  	_ =	swait.ge [sflag:s4], $0x2000  }
0x5a: {  	[sflag:s4] =	ssyncset.done $0x0  }
0x5b: {  	[sflag:s4] =	ssyncadd.s32 $0xFFFFE000  }
0x5c: {  	[tilespmem:s3], [sflag:$0x5] =	stream.linear.gather [hbm4b:s7+s3], $0x400, $0x38;
	[tilespmem:$0x18400] =	vst v63  }
0x5d: {  	_ =	swait.ge [sflag:s4], $0x400  }
0x5e: {  	[sflag:s4] =	ssyncset.done $0x0  }
0x5f: {  	[sflag:s4] =	ssyncadd.s32 $0xFFFFFC00  }
0x60: {  	[bflag:$0x0] =	sbarrier.arrive $0xFFFF  }
0x61: {  	[tilespmem:s9], [sflag:$0x1] =	stream.linear.gather [hbm4b:s8+s3], $0x4000, $0x38;
	[tilespmem:$0x18400] =	vst v63  }
0x62: {  	_ = 	snop  }
0x63: {  	[tilespmem:s11], [sflag:$0x2] =	stream.linear.gather [hbm4b:s10+s3], $0x4000, $0x38;
	[tilespmem:$0x18400] =	vst v63  }
0x64: {  	_ =	swait.ge [sflag:s12], $0x4000  }
0x65: {  	[sflag:s12] =	ssyncset.done $0x0  }
0x66: {  	[sflag:s12] =	ssyncadd.s32 $0xFFFFC000  }
0x67: {  	[spmem:s1] =	stream.indirect.scatter.add.f32 [tilespmem:s9], [sflag:$0x3], $0x80, s3, s13, $0xb8;
	[tilespmem:$0x18400] =	vst v63  }
0x68: {  	_ =	swait.ge [sflag:s14], $0x4000  }
0x69: {  	[sflag:s14] =	ssyncset.done $0x0  }
0x6a: {  	[sflag:s14] =	ssyncadd.s32 $0xFFFFC000  }
0x6b: {  	[tilespmem:s9], [sflag:$0x1] =	stream.linear.gather [hbm4b:s15+s3], $0x4000, $0x38;
	[tilespmem:$0x18400] =	vst v63  }
0x6c: {  	_ =	swait.ge [sflag:s16], $0x4000  }
0x6d: {  	[sflag:s16] =	ssyncset.done $0x0  }
0x6e: {  	[sflag:s16] =	ssyncadd.s32 $0xFFFFC000  }
0x6f: {  	[spmem:s1] =	stream.indirect.scatter.add.f32 [tilespmem:s11], [sflag:$0x4], $0x80, s13, s13, $0xb8;
	[tilespmem:$0x18400] =	vst v63  }
0x70: {  	_ =	swait.ge [sflag:s17], $0x4000  }
0x71: {  	[sflag:s17] =	ssyncset.done $0x0  }
0x72: {  	[sflag:s17] =	ssyncadd.s32 $0xFFFFC000  }
0x73: {  	[tilespmem:s11], [sflag:$0x2] =	stream.linear.gather [hbm4b:s18+s3], $0x4000, $0x38;
	[tilespmem:$0x18400] =	vst v63  }
0x74: {  	_ =	swait.ge [sflag:s12], $0x4000  }
0x75: {  	[sflag:s12] =	ssyncset.done $0x0  }
0x76: {  	[sflag:s12] =	ssyncadd.s32 $0xFFFFC000  }
0x77: {  	[spmem:s1] =	stream.indirect.scatter.add.f32 [tilespmem:s9], [sflag:$0x3], $0x80, s19, s13, $0xb8;
	[tilespmem:$0x18400] =	vst v63  }
0x78: {  	_ =	swait.ge [sflag:s14], $0x4000  }
0x79: {  	[sflag:s14] =	ssyncset.done $0x0  }
0x7a: {  	[sflag:s14] =	ssyncadd.s32 $0xFFFFC000  }
0x7b: {  	[tilespmem:s9], [sflag:$0x1] =	stream.linear.gather [hbm4b:s20+s3], $0x4000, $0x38;
	[tilespmem:$0x18400] =	vst v63  }
0x7c: {  	_ =	swait.ge [sflag:s16], $0x4000  }
0x7d: {  	[sflag:s16] =	ssyncset.done $0x0  }
0x7e: {  	[sflag:s16] =	ssyncadd.s32 $0xFFFFC000  }
0x7f: {  	[spmem:s1] =	stream.indirect.scatter.add.f32 [tilespmem:s11], [sflag:$0x4], $0x80, s21, s13, $0xb8;
	[tilespmem:$0x18400] =	vst v63  }
0x80: {  	_ =	swait.ge [sflag:s17], $0x4000  }
0x81: {  	[sflag:s17] =	ssyncset.done $0x0  }
0x82: {  	[sflag:s17] =	ssyncadd.s32 $0xFFFFC000  }
0x83: {  	[tilespmem:s11], [sflag:$0x2] =	stream.linear.gather [hbm4b:s22+s3], $0x4000, $0x38;
	[tilespmem:$0x18400] =	vst v63  }
0x84: {  	_ =	swait.ge [sflag:s12], $0x4000  }
0x85: {  	[sflag:s12] =	ssyncset.done $0x0  }
0x86: {  	[sflag:s12] =	ssyncadd.s32 $0xFFFFC000  }
0x87: {  	[spmem:s1] =	stream.indirect.scatter.add.f32 [tilespmem:s9], [sflag:$0x3], $0x80, s23, s13, $0xb8;
	[tilespmem:$0x18400] =	vst v63  }
0x88: {  	_ =	swait.ge [sflag:s14], $0x4000  }
0x89: {  	[sflag:s14] =	ssyncset.done $0x0  }
0x8a: {  	[sflag:s14] =	ssyncadd.s32 $0xFFFFC000  }
0x8b: {  	[tilespmem:s9], [sflag:$0x1] =	stream.linear.gather [hbm4b:s24+s3], $0x4000, $0x38;
	[tilespmem:$0x18400] =	vst v63  }
0x8c: {  	_ =	swait.ge [sflag:s16], $0x4000  }
0x8d: {  	[sflag:s16] =	ssyncset.done $0x0  }
0x8e: {  	[sflag:s16] =	ssyncadd.s32 $0xFFFFC000  }
0x8f: {  	[spmem:s1] =	stream.indirect.scatter.add.f32 [tilespmem:s11], [sflag:$0x4], $0x80, s25, s13, $0xb8;
	[tilespmem:$0x18400] =	vst v63  }
0x90: {  	_ =	swait.ge [sflag:s17], $0x4000  }
0x91: {  	[sflag:s17] =	ssyncset.done $0x0  }
0x92: {  	[sflag:s17] =	ssyncadd.s32 $0xFFFFC000  }
0x93: {  	[tilespmem:s11], [sflag:$0x2] =	stream.linear.gather [hbm4b:s26+s3], $0x4000, $0x38;
	[tilespmem:$0x18400] =	vst v63  }
0x94: {  	_ =	swait.ge [sflag:s12], $0x4000  }
0x95: {  	[sflag:s12] =	ssyncset.done $0x0  }
0x96: {  	[sflag:s12] =	ssyncadd.s32 $0xFFFFC000  }
0x97: {  	[spmem:s1] =	stream.indirect.scatter.add.f32 [tilespmem:s9], [sflag:$0x3], $0x80, s28, s13, $0xb8;
	[tilespmem:$0x18400] =	vst v63  }
0x98: {  	_ =	swait.ge [sflag:s16], $0x4000  }
0x99: {  	[sflag:s16] =	ssyncset.done $0x0  }
0x9a: {  	[sflag:s16] =	ssyncadd.s32 $0xFFFFC000  }
0x9b: {  	[spmem:s1] =	stream.indirect.scatter.add.f32 [tilespmem:s11], [sflag:$0x4], $0x80, s29, s13, $0xb8;
	[tilespmem:$0x18400] =	vst v63  }
0x9c: {  	_ =	swait.ge [sflag:s14], $0x4000  }
0x9d: {  	[sflag:s14] =	ssyncset.done $0x0  }
0x9e: {  	[sflag:s14] =	ssyncadd.s32 $0xFFFFC000  }
0x9f: {  	p0 =	sne.s32 s31, $0x1;
	_ =	swait.ge [sflag:s17], $0x4000  }
.Ltmp1:
0xa0: {  	[sflag:s17] =	ssyncset.done $0x0;
	(pc) =	sbr.rel @p0 .LBB2_1-.Ltmp1, $4  }
0xa1: {  	[sflag:s17] =	ssyncadd.s32 $0xFFFFC000  }
0xa2: {  	[bflag:$0x0] =	sbarrier.arrive $0xFFFF  }
0xa3: {  	[hbm:s30], [sflag:s5] =	dma.local [spmem:s6], $0x2000  }
0xa4: {  	s31 =	sadd.s32 $0xFFFFFFFF, s31;
	_ =	swait.ge [sflag:s4], $0x2000  }
.LBB2_2:
0xa5: {  	[sflag:s4] =	ssyncset.done $0x0  }
0xa6: {  	[sflag:s4] =	ssyncadd.s32 $0xFFFFE000  }
0xa7: {  	_ =	sfence.sel $0x180000  }
0xa8: {  	[bflag:$0x0] =	sbarrier.arrive $0xFFFF  }
0xa9: {  	_ =	strace $0x90000053  }
0xaa: {  	s0 =	stileid.u32;
	[bflag:$0x2] =	sbarrier.arrive $0xFFFF  }
0xab: {  	p0 =	sne.s32 s0, $0x0;
	s0 =	rddreg [dreg:$0x2]  }
0xac: {  	s0 =	sadd.s32 @!p0 $0x100000, s0  }
0xad: {  	[sflag:s0] =	ssyncadd.tile.s32 @!p0 $0x1;
	_ =	shalt  }
.Lfunc_end2:
_tile_overlayer_lowered:
.L_overlay_start_2:
0xae: {  	(tag) =	ssettag $0x2  }
0xaf: {  	s0 =	rddreg [dreg:$0x0];
	s2 =	stileid.u32  }
0xb0: {  	s1 =	rddreg [dreg:$0x1];
	p0 =	sne.s32 s2, $0x0  }
0xb1: {  	s3 =	rddreg [dreg:$0x2];
	[bflag:$0x3] =	sbarrier.arrive $0xFFFF;
	s2 =	simm.s32 @!p0 $0x1C05  }
0xb2: {  	[timem:s3], [sflag:s2] =	dma.local @!p0 [hbm:s0], s1  }
0xb3: {  	s0 =	simm.s32 @!p0 $0x5  }
0xb4: {  	_ =	swait.ge @!p0 [sflag:s0], s1  }
0xb5: {  	s1 =	ssub.s32 @!p0 $0x0, s1;
	[sflag:s0] =	ssyncset.done @!p0 $0x0  }
0xb6: {  	[sflag:s0] =	ssyncadd.s32 @!p0 s1  }
0xb7: {  	[bflag:$0x3] =	sbarrier.arrive $0xFFFF  }
0xb8: {  	_ =	shalt  }

// kernel: kernel.29.cloned.1.call-start
scs
__scs_entry_jumppad:
0x0: {  	(pc) =	sbr.rel $0x88, $3  }
0x1: {  	(tag) =	ssettag $0x0;
	lr =	simm.s32 $0x1  }
0x2: {  	[smem:$0x3F90] =	sst lr;
	_ =	strace $0xD0000000  }
0x3: {  	_ = 	snop  }
0x4: {  	_ = 	snop  }
0x5: {  	_ = 	snop  }
0x6: {  	_ = 	snop  }
0x7: {  	_ = 	snop  }
__scs_overlays_trampoline_lowered:
0x8: {  	[smem:$0x3F9F] =	sst s0  }
0x9: {  	[smem:$0x3FA0] =	sst s1  }
0xa: {  	[smem:$0x3FA1] =	sst s2  }
0xb: {  	[smem:$0x3FA2] =	sst s3  }
0xc: {  	[smem:$0x3FA3] =	sst s4  }
0xd: {  	[smem:$0x3FA4] =	sst s5  }
0xe: {  	[smem:$0x3FA5] =	sst s6  }
0xf: {  	[smem:$0x3FA6] =	sst s7  }
0x10: {  	[smem:$0x3FA7] =	sst s8  }
0x11: {  	[smem:$0x3FA8] =	sst s9;
	s0 =	simm.s32 @!p0 $0x0  }
0x12: {  	s1 =	sld [smem:$0x3F8E];
	s0 =	simm.s32 @p0 $0x1  }
0x13: {  	[smem:$0x3FA9] =	sst s0;
	s0 =	simm.s32 @!p1 $0x0  }
0x14: {  	s2 =	sld [smem:$0x3F8D];
	s0 =	simm.s32 @p1 $0x1  }
0x15: {  	[smem:$0x3FAA] =	sst s0;
	s0 =	simm.s32 @!p2 $0x0  }
0x16: {  	s3 =	sld [smem:$0x3FDB];
	s0 =	simm.s32 @p2 $0x1  }
0x17: {  	s4 =	simm.s32 $0x1BF5;
	[smem:$0x3FAC] =	sst s0  }
0x18: {  	s0 =	sld [smem:$0x3F8F];
	_ =	swait.ge [sflag:s4], $0x0  }
0x19: {  	s7 =	sld [smem:$0x3F90]  }
0x1a: {  	s8 =	sadd.s32 $0xFFFFE003, lr  }
0x1b: {  	s9 =	sadd.s32 $0xFFFFFEF7, lr;
	s5 =	simm.s32 $0xFFFFFFFF;
	p2 =	slt.u32 s8, $0xFFFFF086  }
0x1c: {  	p1 =	slt.u32 s9, $0xF7A;
	s5 =	simm.s32 @!p2 $0x0  }
0x1d: {  	s5 =	simm.s32 @p1 $0x1;
	p0 =	seq.s32 s7, s2  }
0x1e: {  	s7 =	smul.u32 @!p0 $0xF7A, s2;
	p2 =	seq.s32 @!p0 s5, $0x0  }
0x1f: {  	s9 =	smul.u32 $0xF7A, s1;
	s8 =	simm.s32 @!p0 $0x1BF5;
	p2 =	por !p2, p0  }
0x20: {  	[sflag:s8] =	ssyncset.s32 @!p0 $0xFFFFF086;
	s6 =	sadd.s32 @!p0 s3, s7;
	s7 =	simm.s32 @!p0 $0x108  }
0x21: {  	s3 =	sadd.s32 s3, s9;
	s6 =	sadd.s32 @!p0 $0x88, s6;
	s7 =	simm.s32 @p2 $0x1082  }
0x22: {  	[simem:s7], [sflag:s8] =	dma.local @!p0 [hbm:s6], $0xF7A  }
0x23: {  	s9 =	sor.u32 $0xD0000000, s2;
	s6 =	simm.s32 $0x108;
	_ =	swait.ge @!p0 [sflag:s8], $0x0  }
0x24: {  	s3 =	sadd.s32 $0x88, s3;
	s6 =	simm.s32 @!p1 $0x1082;
	[sflag:s4] =	ssyncset.s32 $0xFFFFF086  }
0x25: {  	[simem:s6], [sflag:s4] =	dma.local [hbm:s3], $0xF7A  }
0x26: {  	[smem:$0x3F90] =	sst s1;
	(tag) =	ssettag s2;
	_ =	strace s9  }
0x27: {  	s1 =	sld [smem:$0x3FA0]  }
0x28: {  	s2 =	sld [smem:$0x3FA1]  }
0x29: {  	s4 =	sld [smem:$0x3FA3]  }
0x2a: {  	p0 =	seq.s32 s5, $0x0;
	s5 =	sld [smem:$0x3FA4]  }
0x2b: {  	s6 =	sld [smem:$0x3FA5]  }
0x2c: {  	s7 =	sld [smem:$0x3FA6]  }
0x2d: {  	s3 =	simm.s32 $0x108;
	s8 =	sld [smem:$0x3FA7]  }
0x2e: {  	s3 =	simm.s32 @!p0 $0x1082;
	s9 =	sld [smem:$0x3FA8]  }
0x2f: {  	lr =	sadd.s32 s0, s3;
	s0 =	sld [smem:$0x3F9F]  }
0x30: {  	s3 =	sld [smem:$0x3FA2]  }
0x31: {  	[smem:$0x3FAB] =	sst s10  }
0x32: {  	s10 =	sld [smem:$0x3FA9];
	_ =	sdelay $0x3  }
0x33: {  	p0 =	seq.s32 s10, $0x1;
	s10 =	sld [smem:$0x3FAB];
	_ =	sdelay $0x3  }
0x34: {  	[smem:$0x3FAB] =	sst s10  }
0x35: {  	s10 =	sld [smem:$0x3FAA];
	_ =	sdelay $0x3  }
0x36: {  	p1 =	seq.s32 s10, $0x1;
	s10 =	sld [smem:$0x3FAB];
	_ =	sdelay $0x3  }
0x37: {  	[smem:$0x3FAB] =	sst s10  }
0x38: {  	s10 =	sld [smem:$0x3FAC]  }
0x39: {  	_ = 	snop;
	(pc) =	sbr.ind lr, $3  }
0x3a: {  	_ = 	snop  }
0x3b: {  	_ = 	snop  }
0x3c: {  	p2 =	seq.s32 s10, $0x1;
	s10 =	sld [smem:$0x3FAB]  }
0x3d: {  	_ =	shalt  }
0x3e: {  	_ =	shalt  }
0x3f: {  	_ =	shalt  }
0x40: {  	_ =	shalt  }
0x41: {  	_ =	shalt  }
0x42: {  	_ =	shalt  }
0x43: {  	_ =	shalt  }
0x44: {  	_ =	shalt  }
0x45: {  	_ =	shalt  }
0x46: {  	_ =	shalt  }
0x47: {  	_ =	shalt  }
0x48: {  	_ =	shalt  }
0x49: {  	_ =	shalt  }
0x4a: {  	_ =	shalt  }
0x4b: {  	_ =	shalt  }
0x4c: {  	_ =	shalt  }
0x4d: {  	_ =	shalt  }
0x4e: {  	_ =	shalt  }
0x4f: {  	_ =	shalt  }
0x50: {  	_ =	shalt  }
0x51: {  	_ =	shalt  }
0x52: {  	_ =	shalt  }
0x53: {  	_ =	shalt  }
0x54: {  	_ =	shalt  }
0x55: {  	_ =	shalt  }
0x56: {  	_ =	shalt  }
0x57: {  	_ =	shalt  }
0x58: {  	_ =	shalt  }
0x59: {  	_ =	shalt  }
0x5a: {  	_ =	shalt  }
0x5b: {  	_ =	shalt  }
0x5c: {  	_ =	shalt  }
0x5d: {  	_ =	shalt  }
0x5e: {  	_ =	shalt  }
0x5f: {  	_ =	shalt  }
0x60: {  	_ =	shalt  }
0x61: {  	_ =	shalt  }
0x62: {  	_ =	shalt  }
0x63: {  	_ =	shalt  }
0x64: {  	_ =	shalt  }
0x65: {  	_ =	shalt  }
0x66: {  	_ =	shalt  }
0x67: {  	_ =	shalt  }
0x68: {  	_ =	shalt  }
0x69: {  	_ =	shalt  }
0x6a: {  	_ =	shalt  }
0x6b: {  	_ =	shalt  }
0x6c: {  	_ =	shalt  }
0x6d: {  	_ =	shalt  }
0x6e: {  	_ =	shalt  }
0x6f: {  	_ =	shalt  }
0x70: {  	_ =	shalt  }
0x71: {  	_ =	shalt  }
0x72: {  	_ =	shalt  }
0x73: {  	_ =	shalt  }
0x74: {  	_ =	shalt  }
0x75: {  	_ =	shalt  }
0x76: {  	_ =	shalt  }
0x77: {  	_ =	shalt  }
0x78: {  	_ =	shalt  }
0x79: {  	_ =	shalt  }
0x7a: {  	_ =	shalt  }
0x7b: {  	_ =	shalt  }
0x7c: {  	_ =	shalt  }
0x7d: {  	_ =	shalt  }
0x7e: {  	_ =	shalt  }
0x7f: {  	_ =	shalt  }
0x80: {  	_ =	shalt  }
0x81: {  	_ =	shalt  }
0x82: {  	_ =	shalt  }
0x83: {  	_ =	shalt  }
0x84: {  	_ =	shalt  }
0x85: {  	_ =	shalt  }
0x86: {  	_ =	shalt  }
0x87: {  	_ =	shalt  }
.Lfunc_end0:
.L_simem_size_0:
called_computation.5_lowered:
.L_overlay_start_0:
0x88: {  	s2 =	sld [smem:$0x3FD9]  }
0x89: {  	s3 =	sld [smem:$0x3FFE];
	_ =	sdelay $0x1  }
0x8a: {  	s1 =	srdreg.scid  }
0x8b: {  	s0 =	sand.u32 $0x1, s1  }
0x8c: {  	s14 =	sshll.u32 s0, $0xA;
	s2 =	sadd.s32 s3, s2  }
0x8d: {  	s2 =	sadd.s32 s2, s14  }
0x8e: {  	[smem:$0x3FB7] =	sst s2  }
0x8f: {  	_ = 	snop  }
0x90: {  	s2 =	sld [smem:$0x3FD0];
	_ =	sdelay $0x2  }
0x91: {  	s15 =	simm.s32 $0xA;
	s4 =	simm.s32 $0x10  }
0x92: {  	[smem:s4], [sflag:s15] =	dma.local [hbm:s2], $0x1  }
0x93: {  	_ =	swait.eq [sflag:s15], $0x1  }
0x94: {  	[sflag:s15] =	ssyncset.done $0x0  }
0x95: {  	[sflag:s15] =	ssyncadd.s32 $0xFFFFFFFF  }
0x96: {  	s16 =	sld [smem:$0x10];
	(tm) =	ssettm $0x1  }
0x97: {  	s17 =	sld [smem:$0x3FFB];
	_ =	sdelay $0x3  }
0x98: {  	_ =	strace s17  }
0x99: {  	s3 =	sld [smem:$0x3FFC];
	_ =	sdelay $0x3  }
0x9a: {  	_ =	strace s3  }
0x9b: {  	s3 =	sld [smem:$0x3FFD];
	_ =	sdelay $0x3  }
0x9c: {  	_ =	strace s3  }
0x9d: {  	_ =	strace $0x8FFFFFFF  }
0x9e: {  	s18 =	sld [smem:$0x3FDB];
	_ =	sdelay $0x1  }
0x9f: {  	s19 =	simm.s32 $_scs_section_size  }
0xa0: {  	s5 =	simm.s32 $_size__tile_overlayer_lowered;
	s6 =	simm.s32 $_tile_overlayer_lowered  }
0xa1: {  	s22 =	simm.s32 $0x1BFF;
	s21 =	sshll.u32 s6, $0x1;
	s3 =	sadd.s32 s19, s18  }
0xa2: {  	s7 =	simm.s32 $0x0;
	s20 =	sshll.u32 s5, $0x1;
	s5 =	sadd.s32 s21, s3  }
0xa3: {  	[timem:s7], [sflag:s22] =	dma.local [hbm:s5], s20  }
0xa4: {  	_ =	swait.ge [sflag:s22], s20  }
0xa5: {  	s4 =	ssub.s32 $0x0, s20;
	[sflag:s22] =	ssyncset.done $0x0  }
0xa6: {  	[sflag:s22] =	ssyncadd.s32 s4;
	_ =	sdelay $0x1  }
0xa7: {  	s23 =	simm.s32 $0x1B8B  }
0xa8: {  	_ =	swait.ge [sflag:s23], $0x1  }
0xa9: {  	[sflag:s23] =	ssyncset.done $0x0  }
0xaa: {  	s25 =	simm.s32 $0x1B8E;
	s24 =	sld [smem:$0x3FFE];
	[sflag:s23] =	ssyncadd.s32 $0xFFFFFFFF  }
0xab: {  	s26 =	simm.s32 $execute0_lowered;
	[smem:$0x3FD2] =	sst s25  }
0xac: {  	s5 =	sshll.u32 s26, $0x1;
	_ =	strace $0x80000055;
	[dreg:$0x1] =	wrdreg $0xFFFFFFFF  }
0xad: {  	s28 =	simm.s32 $_size_execute0_lowered;
	s3 =	sadd.s32 s3, s5;
	[dreg:$0x0] =	wrdreg $0x0  }
0xae: {  	s5 =	sshll.u32 s28, $0x1;
	[dreg:$0x2] =	wrdreg s3  }
0xaf: {  	[dreg:$0x3] =	wrdreg s5  }
0xb0: {  	[dreg:$0x4] =	wrdreg $0xC0  }
0xb1: {  	_ =	task [dreg:s7], $0x5FFFF  }
0xb2: {  	[dreg:$0x1] =	wrdreg $0xFFFFFFFF  }
0xb3: {  	[dreg:$0x0] =	wrdreg $0x60  }
0xb4: {  	[dreg:$0x2] =	wrdreg s16  }
0xb5: {  	[dreg:$0x3] =	wrdreg s24  }
0xb6: {  	[dreg:$0x4] =	wrdreg $0x9  }
0xb7: {  	_ =	task.clear_ibuf [dreg:s7], $0x5FFFF;
	_ =	strace $0x90000055  }
0xb8: {  	s29 =	simm.s32 $0x9;
	_ =	strace $0x80000057  }
0xb9: {  	_ =	swait.ge [sflag:s29], $0x1  }
0xba: {  	[sflag:s29] =	ssyncadd.s32 $0xFFFFFFFF  }
0xbb: {  	_ =	strace $0x90000057  }
0xbc: {  	_ =	sfence  }
0xbd: {  	s30 =	sld [smem:$0x0];
	_ =	sdelay $0x2  }
0xbe: {  	s31 =	sshll.u32 s1, $0xD;
	s1 =	sshrl.u32 s1, $0x2  }
0xbf: {  	s3 =	sand.u32 $0x4000, s31;
	s1 =	sadd.s32 s1, s30  }
0xc0: {  	s0 =	sor.u32 s3, s0;
	s1 =	sshll.u32 s1, $0x11  }
0xc1: {  	s0 =	sor.u32 s1, s0  }
0xc2: {  	s0 =	sadd.s32 $0x8F2B, s0  }
0xc3: {  	[sflag:s0] =	ssyncadd.remote.s32 $0x1  }
0xc4: {  	_ =	sfence.sel $0xFFFF  }
0xc5: {  	[dreg:$0x0] =	wrdreg $0xFFFFFFFF;
	(pc) =	sbr.abs _section_cstart, $3  }
0xc6: {  	[dreg:$0x1] =	wrdreg $0xFFFFFFFF  }
0xc7: {  	_ =	task.clear_ibuf [dreg:s7], $0x2FFFF;
	_ =	strace $0x9FFFFFFF  }
0xc8: {  	(tm) =	ssettm $0x7FFFFFFF  }
0xc9: {  	_ =	shalt  }
tec
execute0_lowered:
.L_overlay_start_1:
0x0: {  	(tag) =	ssettag $0x1  }
0x1: {  	s1 =	srdreg.scid  }
0x2: {  	s0 =	stileid.u32;
	s6 =	sand.u32 $0x1, s1  }
0x3: {  	s2 =	rddreg [dreg:$0x0];
	s30 =	sshll.u32 s0, $0x8;
	s3 =	sshll.u32 s6, $0x7  }
0x4: {  	s8 =	rddreg [dreg:$0x1];
	s5 =	simm.s32 $0x3;
	s7 =	sor.u32 s3, s30  }
0x5: {  	s1 =	rddreg [dreg:$0x2];
	s3 =	simm.s32 $0x0;
	s4 =	sshrl.u32 s7, $0x3  }
0x6: {  	s10 =	ssub.s32 $0x2, s6;
	[smem:$0x7FF] =	sst s3;
	s4 =	sadd.s32 s4, s8  }
0x7: {  	s6 =	simm.s32 $0x80;
	_ =	strace $0x80000056;
	s4 =	sadd.s32 $0x64200, s4  }
0x8: {  	[tilespmem:s3], [sflag:$0x3] =	stream.linear.gather [hbm4b:s4+s3], $0x80, $0x38;
	[tilespmem:$0x4080] =	vst v63  }
0x9: {  	s31 =	sshrl.u32 s10, $0x1;
	s9 =	sshll.u32 s7, $0x4;
	_ =	swait.ge [sflag:s5], $0x80  }
0xa: {  	s8 =	sadd.s32 s9, s8;
	s9 =	ssub.s32 s10, s31;
	[sflag:s5] =	ssyncset.done $0x0  }
0xb: {  	s7 =	simm.s32 $0x1;
	s10 =	smax.u32 s9, $0x1;
	[sflag:s5] =	ssyncadd.s32 $0xFFFFFF80  }
0xc: {  	[tilespmem:s6], [sflag:$0x1] =	stream.indirect.gather [hbm4b:s2+s6], $0x80, s3, s6, $0xb8;
	[tilespmem:$0x4080] =	vst v63  }
0xd: {  	p0 =	sne.s32 s10, $0x1;
	_ =	swait.ge [sflag:s7], $0x4000  }
.Ltmp0:
0xe: {  	[sflag:s7] =	ssyncset.done $0x0;
	(pc) =	sbr.rel @!p0 .LBB2_2-.Ltmp0, $4  }
0xf: {  	s8 =	sadd.s32 $0x64400, s8;
	s9 =	simm.s32 $0x2;
	[sflag:s7] =	ssyncadd.s32 $0xFFFFC000  }
0x10: {  	[hbm4b:s8+s3] =	stream.linear.scatter [tilespmem:s6], [sflag:$0x2], $0x4000, $0x38;
	[tilespmem:$0x4080] =	vst v63  }
0x11: {  	_ =	swait.ge [sflag:s9], $0x4000  }
0x12: {  	s10 =	sadd.s32 $0xFFFFFFFF, s10;
	[sflag:s9] =	ssyncset.done $0x0  }
.LBB2_1:
0x13: {  	p0 =	sne.s32 s10, $0x1;
	s10 =	sadd.s32 $0xFFFFFFFF, s10;
	[sflag:s9] =	ssyncadd.s32 $0xFFFFC000  }
0x14: {  	[tilespmem:s3], [sflag:$0x3] =	stream.linear.gather [hbm4b:s4+s3], $0x80, $0x38;
	[tilespmem:$0x4080] =	vst v63  }
0x15: {  	_ =	swait.ge [sflag:s5], $0x80  }
0x16: {  	[sflag:s5] =	ssyncset.done $0x0  }
0x17: {  	[sflag:s5] =	ssyncadd.s32 $0xFFFFFF80  }
0x18: {  	[tilespmem:s6], [sflag:$0x1] =	stream.indirect.gather [hbm4b:s2+s6], $0x80, s3, s6, $0xb8;
	[tilespmem:$0x4080] =	vst v63  }
0x19: {  	_ =	swait.ge [sflag:s7], $0x4000  }
.Ltmp1:
0x1a: {  	[sflag:s7] =	ssyncset.done $0x0;
	(pc) =	sbr.rel @p0 .LBB2_1-.Ltmp1, $4  }
0x1b: {  	[sflag:s7] =	ssyncadd.s32 $0xFFFFC000  }
0x1c: {  	[hbm4b:s8+s3] =	stream.linear.scatter [tilespmem:s6], [sflag:$0x2], $0x4000, $0x38;
	[tilespmem:$0x4080] =	vst v63  }
0x1d: {  	_ =	swait.ge [sflag:s9], $0x4000  }
0x1e: {  	[sflag:s9] =	ssyncset.done $0x0  }
.LBB2_2:
0x1f: {  	[sflag:s9] =	ssyncadd.s32 $0xFFFFC000  }
0x20: {  	_ =	sfence.sel $0x180000  }
0x21: {  	[bflag:$0x0] =	sbarrier.arrive $0xFFFF  }
0x22: {  	p0 =	sne.s32 s0, $0x0;
	_ =	strace $0x90000056  }
0x23: {  	s0 =	sadd.s32 @!p0 $0x100000, s1;
	[bflag:$0x2] =	sbarrier.arrive $0xFFFF  }
0x24: {  	[sflag:s0] =	ssyncadd.tile.s32 @!p0 $0x1;
	_ =	shalt  }
.Lfunc_end2:
_tile_overlayer_lowered:
.L_overlay_start_2:
0x25: {  	(tag) =	ssettag $0x2  }
0x26: {  	s0 =	rddreg [dreg:$0x0];
	s2 =	stileid.u32  }
0x27: {  	s1 =	rddreg [dreg:$0x1];
	p0 =	sne.s32 s2, $0x0  }
0x28: {  	s3 =	rddreg [dreg:$0x2];
	[bflag:$0x3] =	sbarrier.arrive $0xFFFF;
	s2 =	simm.s32 @!p0 $0x1C03  }
0x29: {  	[timem:s3], [sflag:s2] =	dma.local @!p0 [hbm:s0], s1  }
0x2a: {  	s0 =	simm.s32 @!p0 $0x3  }
0x2b: {  	_ =	swait.ge @!p0 [sflag:s0], s1  }
0x2c: {  	s1 =	ssub.s32 @!p0 $0x0, s1;
	[sflag:s0] =	ssyncset.done @!p0 $0x0  }
0x2d: {  	[sflag:s0] =	ssyncadd.s32 @!p0 s1  }
0x2e: {  	[bflag:$0x3] =	sbarrier.arrive $0xFFFF  }
0x2f: {  	_ =	shalt  }

</sc_bundles>
